<compile_context>
chip_gen: v7x
topology: tpu7x:2x2x1
jax: 0.10.2.dev20260603
libtpu: 0.0.44.dev20260713+nightly
codegen_flags: <defaults>
</compile_context>

<pallas_src>
import functools

import jax
import jax.numpy as jnp
from jax import lax
from jax.experimental import pallas as pl
from jax.experimental.pallas import tpu as pltpu
from jax.experimental.pallas import tpu_sc as plsc

N = 32768
F = 256
NBINS = 8
LANES = 16
NC = 2
NS = 16
NW = NC * NS
ROWS_SC = 12288
ROWS_TC = N - ROWS_SC
BR = 512
ROWS_PER_W = ROWS_SC // NW
CHUNK = 128
NCHUNK = ROWS_PER_W // CHUNK
VEC_PER_CHUNK = CHUNK * F // LANES
ACC = 4096
RED = ACC // NS


def _sc_body(x_hbm, out_hbm, inbuf0, inbuf1, acc, shared, redbuf, outbuf,
             sem0, sem1):
    cid = lax.axis_index("c")
    tid = lax.axis_index("s")
    wid = cid * NS + tid

    lane10 = lax.iota(jnp.int32, LANES) * 10
    zero16 = jnp.zeros((LANES,), jnp.float32)
    for v in range(ACC // LANES):
        acc[pl.ds(v * LANES, LANES)] = zero16

    base_row = wid * ROWS_PER_W
    bufs = (inbuf0, inbuf1)
    sems = (sem0, sem1)

    def start(c):
        return pltpu.async_copy(
            x_hbm.at[pl.ds(base_row + c * CHUNK, CHUNK)],
            bufs[c % 2],
            sems[c % 2],
        )

    copies = {0: start(0)}
    for c in range(NCHUNK):
        if c + 1 < NCHUNK:
            copies[c + 1] = start(c + 1)
        copies.pop(c).wait()
        inbuf = bufs[c % 2]

        @plsc.parallel_loop(0, VEC_PER_CHUNK, unroll=8)
        def body(i):
            ri = lax.shift_right_logical(i, 4)
            jmod = lax.bitwise_and(i, (F // LANES) - 1)
            xv = inbuf[ri, pl.ds(jmod * LANES, LANES)]
            base = lane10 + jmod * (LANES * 10)
            e1 = jnp.exp(-xv)
            p = 8.0 / (1.0 + e1)
            ki = (p + 0.5).astype(jnp.int32)
            kf = ki.astype(jnp.float32)
            ew = jnp.exp(125.0 * (kf - p))
            s = 1.0 / (1.0 + ew)
            oms = ew * s
            i0 = base + ki
            i1 = i0 + 1
            plsc.addupdate_scatter(acc, [i1], s)
            plsc.addupdate_scatter(acc, [i0], oms)

    pltpu.sync_copy(acc, shared.at[pl.ds(tid * ACC, ACC)])
    plsc.subcore_barrier()

    col0 = tid * RED
    for i in range(NS):
        pltpu.sync_copy(
            shared.at[pl.ds(i * ACC + col0, RED)],
            redbuf.at[pl.ds(i * RED, RED)],
        )
    for v in range(RED // LANES):
        tot = redbuf[pl.ds(v * LANES, LANES)]
        for i in range(1, NS):
            tot = tot + redbuf[pl.ds(i * RED + v * LANES, LANES)]
        outbuf[pl.ds(v * LANES, LANES)] = tot
    pltpu.sync_copy(outbuf, out_hbm.at[pl.ds(cid * ACC + col0, RED)])


_sc_hist = functools.partial(
    pl.kernel,
    out_type=jax.ShapeDtypeStruct((NC * ACC,), jnp.float32),
    mesh=plsc.VectorSubcoreMesh(core_axis_name="c", subcore_axis_name="s"),
    scratch_types=[
        pltpu.VMEM((CHUNK, F), jnp.float32),
        pltpu.VMEM((CHUNK, F), jnp.float32),
        pltpu.VMEM((ACC,), jnp.float32),
        pltpu.VMEM_SHARED((NS * ACC,), jnp.float32),
        pltpu.VMEM((NS * RED,), jnp.float32),
        pltpu.VMEM((RED,), jnp.float32),
        pltpu.SemaphoreType.DMA,
        pltpu.SemaphoreType.DMA,
    ],
    compiler_params=pltpu.CompilerParams(needs_layout_passes=False),
)(_sc_body)


def _tc_body(x_ref, d_ref):
    x = x_ref[...]
    qh = 250.0 * jnp.tanh(x * 0.5) + 250.0
    prev = jnp.tanh(qh)
    cols = []
    for k in range(1, NBINS + 1):
        cur = jnp.tanh(qh - 62.5 * k)
        cols.append(0.5 * jnp.sum(prev - cur, axis=0))
        prev = cur
    d = jnp.stack(cols, axis=1)

    @pl.when(pl.program_id(0) == 0)
    def _():
        d_ref[...] = jnp.zeros_like(d_ref)

    d_ref[...] += d


_tc_edges = pl.pallas_call(
    _tc_body,
    grid=(ROWS_TC // BR,),
    in_specs=[pl.BlockSpec((BR, F), lambda i: (i + ROWS_SC // BR, 0))],
    out_specs=pl.BlockSpec((F, NBINS), lambda i: (0, 0)),
    out_shape=jax.ShapeDtypeStruct((F, NBINS), jnp.float32),
)


def _combine_body(p_ref, d_ref, o_ref):
    sc10 = p_ref[0] + p_ref[1]
    o_ref[...] = (sc10[:, 1:9] + d_ref[...]) * (1.0 / N)


_combine = pl.pallas_call(
    _combine_body,
    out_shape=jax.ShapeDtypeStruct((F, NBINS), jnp.float32),
)


@jax.jit
def kernel(input):
    partials = _sc_hist(input)
    d = _tc_edges(input)
    a = partials.reshape(NC, ACC)[:, : F * 10].reshape(NC, F, 10)
    return _combine(a, d).reshape(-1)

# --- scband reference (transcript-rebuilt; emitter-appended) ---
"""Pipeline reference for scband-hist-net-histograms-24893630448206 (READ-ONLY COPY).

The authoritative reference and input builder live on the scoring server;
editing this copy changes nothing except your own understanding.
"""

import jax, jax.numpy as jnp
import numpy as np

N_BINS = 8
SIGMA = 1000.0
MIN_V = 0.0
MAX_V = 1.0
DELTA = (MAX_V - MIN_V) / float(N_BINS)
CENTERS = MIN_V + DELTA * (jnp.arange(N_BINS, dtype=jnp.float32) + 0.5)


def setup_inputs(seed: int = 0) -> dict:
    key = jax.random.key(seed)
    x = jax.random.normal(key, (32768, 256), dtype=jnp.float32)
    return {"input": x}


def reference(input):
    # HistNetHistograms.forward: Sequential(Sigmoid, SigmoidHistogram)
    # 1) squashing sigmoid maps features into [min, max] = [0, 1]
    z = jax.nn.sigmoid(input)  # [N, F]
    # 2) SigmoidHistogram: soft bin membership via difference of steep sigmoids
    diff = z[:, :, None] - CENTERS[None, None, :]  # [N, F, B]
    h = jax.nn.sigmoid(SIGMA * (diff + DELTA / 2.0)) - jax.nn.sigmoid(SIGMA * (diff - DELTA / 2.0))
    # accumulate counts over the bag of examples and normalize -> per-feature histogram
    hist = jnp.sum(h, axis=0) / input.shape[0]  # [F, B]
    # flatten to output_size = n_bins * input_size
    return hist.reshape(-1)

if __name__ == "__main__":
    import jax
    _d = setup_inputs()
    print(jax.jit(kernel)(*tuple(_d.values())))

</pallas_src>

<mosaic_0001>
#map = affine_map<(d0, d1) -> (0, 0)>
#map1 = affine_map<(d0, d1) -> (0)>
module attributes {stable_mosaic.version = 14 : i64} {
  func.func @_sc_body(%arg0: i32, %arg1: i32, %arg2: memref<32768x256xf32, #tpu.memory_space<hbm>>, %arg3: memref<8192xf32, #tpu.memory_space<hbm>>, %arg4: memref<128x256xf32, #tpu.memory_space<vmem>>, %arg5: memref<128x256xf32, #tpu.memory_space<vmem>>, %arg6: memref<4096xf32, #tpu.memory_space<vmem>>, %arg7: memref<65536xf32, #tpu.memory_space<vmem_shared>>, %arg8: memref<4096xf32, #tpu.memory_space<vmem>>, %arg9: memref<256xf32, #tpu.memory_space<vmem>>, %arg10: memref<!tpu.dma_semaphore, #tpu.memory_space<semaphore_mem>>, %arg11: memref<!tpu.dma_semaphore, #tpu.memory_space<semaphore_mem>>) attributes {dimension_semantics = [#tpu.dimension_semantics<core_parallel>, #tpu.dimension_semantics<subcore_parallel>], iteration_bounds = array<i64: 2, 16>, scalar_prefetch = 0 : i64, scratch_operands = 8 : i64, tpu.core_type = #tpu.core_type<sc_vector_subcore>, window_params = [{transform_indices = #map}, {transform_indices = #map1}]} {
    %mul3A = arith.constant 16 : i32
    %mul3A_0 = arith.muli %arg0, %mul3A : i32
    %add3A = arith.addi %mul3A_0, %arg1 : i32
    %iota3A = tpu.iota {dimensions = array<i32: 0>} : vector<16xi32>
    %mul3A_1 = arith.constant 10 : i32
    %mul3A_2 = vector.broadcast %mul3A_1 : i32 to vector<16xi32>
    %mul3A_3 = arith.muli %iota3A, %mul3A_2 : vector<16xi32>
    %broadcast_in_dim3A = arith.constant 0.000000e+00 : f32
    %broadcast_in_dim3A_4 = vector.broadcast %broadcast_in_dim3A : f32 to vector<16xf32>
    %swap3A = arith.constant 0 : index
    %swap3A_5 = tpu.vector_load %arg6[%swap3A] {strides = array<i32>} : memref<4096xf32, #tpu.memory_space<vmem>>, vector<16xf32>,
    tpu.vector_store %arg6[%swap3A], %broadcast_in_dim3A_4 {strides = array<i32>} : memref<4096xf32, #tpu.memory_space<vmem>>, vector<16xf32>,
    %swap3A_6 = arith.constant 16 : index
    %swap3A_7 = tpu.vector_load %arg6[%swap3A_6] {strides = array<i32>} : memref<4096xf32, #tpu.memory_space<vmem>>, vector<16xf32>,
    tpu.vector_store %arg6[%swap3A_6], %broadcast_in_dim3A_4 {strides = array<i32>} : memref<4096xf32, #tpu.memory_space<vmem>>, vector<16xf32>,
    %swap3A_8 = arith.constant 32 : index
    %swap3A_9 = tpu.vector_load %arg6[%swap3A_8] {strides = array<i32>} : memref<4096xf32, #tpu.memory_space<vmem>>, vector<16xf32>,
    tpu.vector_store %arg6[%swap3A_8], %broadcast_in_dim3A_4 {strides = array<i32>} : memref<4096xf32, #tpu.memory_space<vmem>>, vector<16xf32>,
    %swap3A_10 = arith.constant 48 : index
    %swap3A_11 = tpu.vector_load %arg6[%swap3A_10] {strides = array<i32>} : memref<4096xf32, #tpu.memory_space<vmem>>, vector<16xf32>,
    tpu.vector_store %arg6[%swap3A_10], %broadcast_in_dim3A_4 {strides = array<i32>} : memref<4096xf32, #tpu.memory_space<vmem>>, vector<16xf32>,
    %swap3A_12 = arith.constant 64 : index
    %swap3A_13 = tpu.vector_load %arg6[%swap3A_12] {strides = array<i32>} : memref<4096xf32, #tpu.memory_space<vmem>>, vector<16xf32>,
    tpu.vector_store %arg6[%swap3A_12], %broadcast_in_dim3A_4 {strides = array<i32>} : memref<4096xf32, #tpu.memory_space<vmem>>, vector<16xf32>,
    %swap3A_14 = arith.constant 80 : index
    %swap3A_15 = tpu.vector_load %arg6[%swap3A_14] {strides = array<i32>} : memref<4096xf32, #tpu.memory_space<vmem>>, vector<16xf32>,
    tpu.vector_store %arg6[%swap3A_14], %broadcast_in_dim3A_4 {strides = array<i32>} : memref<4096xf32, #tpu.memory_space<vmem>>, vector<16xf32>,
    %swap3A_16 = arith.constant 96 : index
    %swap3A_17 = tpu.vector_load %arg6[%swap3A_16] {strides = array<i32>} : memref<4096xf32, #tpu.memory_space<vmem>>, vector<16xf32>,
    tpu.vector_store %arg6[%swap3A_16], %broadcast_in_dim3A_4 {strides = array<i32>} : memref<4096xf32, #tpu.memory_space<vmem>>, vector<16xf32>,
    %swap3A_18 = arith.constant 112 : index
    %swap3A_19 = tpu.vector_load %arg6[%swap3A_18] {strides = array<i32>} : memref<4096xf32, #tpu.memory_space<vmem>>, vector<16xf32>,
    tpu.vector_store %arg6[%swap3A_18], %broadcast_in_dim3A_4 {strides = array<i32>} : memref<4096xf32, #tpu.memory_space<vmem>>, vector<16xf32>,
    %swap3A_20 = arith.constant 128 : index
    %swap3A_21 = tpu.vector_load %arg6[%swap3A_20] {strides = array<i32>} : memref<4096xf32, #tpu.memory_space<vmem>>, vector<16xf32>,
    tpu.vector_store %arg6[%swap3A_20], %broadcast_in_dim3A_4 {strides = array<i32>} : memref<4096xf32, #tpu.memory_space<vmem>>, vector<16xf32>,
    %swap3A_22 = arith.constant 144 : index
    %swap3A_23 = tpu.vector_load %arg6[%swap3A_22] {strides = array<i32>} : memref<4096xf32, #tpu.memory_space<vmem>>, vector<16xf32>,
    tpu.vector_store %arg6[%swap3A_22], %broadcast_in_dim3A_4 {strides = array<i32>} : memref<4096xf32, #tpu.memory_space<vmem>>, vector<16xf32>,
    %swap3A_24 = arith.constant 160 : index
    %swap3A_25 = tpu.vector_load %arg6[%swap3A_24] {strides = array<i32>} : memref<4096xf32, #tpu.memory_space<vmem>>, vector<16xf32>,
    tpu.vector_store %arg6[%swap3A_24], %broadcast_in_dim3A_4 {strides = array<i32>} : memref<4096xf32, #tpu.memory_space<vmem>>, vector<16xf32>,
    %swap3A_26 = arith.constant 176 : index
    %swap3A_27 = tpu.vector_load %arg6[%swap3A_26] {strides = array<i32>} : memref<4096xf32, #tpu.memory_space<vmem>>, vector<16xf32>,
    tpu.vector_store %arg6[%swap3A_26], %broadcast_in_dim3A_4 {strides = array<i32>} : memref<4096xf32, #tpu.memory_space<vmem>>, vector<16xf32>,
    %swap3A_28 = arith.constant 192 : index
    %swap3A_29 = tpu.vector_load %arg6[%swap3A_28] {strides = array<i32>} : memref<4096xf32, #tpu.memory_space<vmem>>, vector<16xf32>,
    tpu.vector_store %arg6[%swap3A_28], %broadcast_in_dim3A_4 {strides = array<i32>} : memref<4096xf32, #tpu.memory_space<vmem>>, vector<16xf32>,
    %swap3A_30 = arith.constant 208 : index
    %swap3A_31 = tpu.vector_load %arg6[%swap3A_30] {strides = array<i32>} : memref<4096xf32, #tpu.memory_space<vmem>>, vector<16xf32>,
    tpu.vector_store %arg6[%swap3A_30], %broadcast_in_dim3A_4 {strides = array<i32>} : memref<4096xf32, #tpu.memory_space<vmem>>, vector<16xf32>,
    %swap3A_32 = arith.constant 224 : index
    %swap3A_33 = tpu.vector_load %arg6[%swap3A_32] {strides = array<i32>} : memref<4096xf32, #tpu.memory_space<vmem>>, vector<16xf32>,
    tpu.vector_store %arg6[%swap3A_32], %broadcast_in_dim3A_4 {strides = array<i32>} : memref<4096xf32, #tpu.memory_space<vmem>>, vector<16xf32>,
    %swap3A_34 = arith.constant 240 : index
    %swap3A_35 = tpu.vector_load %arg6[%swap3A_34] {strides = array<i32>} : memref<4096xf32, #tpu.memory_space<vmem>>, vector<16xf32>,
    tpu.vector_store %arg6[%swap3A_34], %broadcast_in_dim3A_4 {strides = array<i32>} : memref<4096xf32, #tpu.memory_space<vmem>>, vector<16xf32>,
    %swap3A_36 = arith.constant 256 : index
    %swap3A_37 = tpu.vector_load %arg6[%swap3A_36] {strides = array<i32>} : memref<4096xf32, #tpu.memory_space<vmem>>, vector<16xf32>,
    tpu.vector_store %arg6[%swap3A_36], %broadcast_in_dim3A_4 {strides = array<i32>} : memref<4096xf32, #tpu.memory_space<vmem>>, vector<16xf32>,
    %swap3A_38 = arith.constant 272 : index
    %swap3A_39 = tpu.vector_load %arg6[%swap3A_38] {strides = array<i32>} : memref<4096xf32, #tpu.memory_space<vmem>>, vector<16xf32>,
    tpu.vector_store %arg6[%swap3A_38], %broadcast_in_dim3A_4 {strides = array<i32>} : memref<4096xf32, #tpu.memory_space<vmem>>, vector<16xf32>,
    %swap3A_40 = arith.constant 288 : index
    %swap3A_41 = tpu.vector_load %arg6[%swap3A_40] {strides = array<i32>} : memref<4096xf32, #tpu.memory_space<vmem>>, vector<16xf32>,
    tpu.vector_store %arg6[%swap3A_40], %broadcast_in_dim3A_4 {strides = array<i32>} : memref<4096xf32, #tpu.memory_space<vmem>>, vector<16xf32>,
    %swap3A_42 = arith.constant 304 : index
    %swap3A_43 = tpu.vector_load %arg6[%swap3A_42] {strides = array<i32>} : memref<4096xf32, #tpu.memory_space<vmem>>, vector<16xf32>,
    tpu.vector_store %arg6[%swap3A_42], %broadcast_in_dim3A_4 {strides = array<i32>} : memref<4096xf32, #tpu.memory_space<vmem>>, vector<16xf32>,
    %swap3A_44 = arith.constant 320 : index
    %swap3A_45 = tpu.vector_load %arg6[%swap3A_44] {strides = array<i32>} : memref<4096xf32, #tpu.memory_space<vmem>>, vector<16xf32>,
    tpu.vector_store %arg6[%swap3A_44], %broadcast_in_dim3A_4 {strides = array<i32>} : memref<4096xf32, #tpu.memory_space<vmem>>, vector<16xf32>,
    %swap3A_46 = arith.constant 336 : index
    %swap3A_47 = tpu.vector_load %arg6[%swap3A_46] {strides = array<i32>} : memref<4096xf32, #tpu.memory_space<vmem>>, vector<16xf32>,
    tpu.vector_store %arg6[%swap3A_46], %broadcast_in_dim3A_4 {strides = array<i32>} : memref<4096xf32, #tpu.memory_space<vmem>>, vector<16xf32>,
    %swap3A_48 = arith.constant 352 : index
    %swap3A_49 = tpu.vector_load %arg6[%swap3A_48] {strides = array<i32>} : memref<4096xf32, #tpu.memory_space<vmem>>, vector<16xf32>,
    tpu.vector_store %arg6[%swap3A_48], %broadcast_in_dim3A_4 {strides = array<i32>} : memref<4096xf32, #tpu.memory_space<vmem>>, vector<16xf32>,
    %swap3A_50 = arith.constant 368 : index
    %swap3A_51 = tpu.vector_load %arg6[%swap3A_50] {strides = array<i32>} : memref<4096xf32, #tpu.memory_space<vmem>>, vector<16xf32>,
    tpu.vector_store %arg6[%swap3A_50], %broadcast_in_dim3A_4 {strides = array<i32>} : memref<4096xf32, #tpu.memory_space<vmem>>, vector<16xf32>,
    %swap3A_52 = arith.constant 384 : index
    %swap3A_53 = tpu.vector_load %arg6[%swap3A_52] {strides = array<i32>} : memref<4096xf32, #tpu.memory_space<vmem>>, vector<16xf32>,
    tpu.vector_store %arg6[%swap3A_52], %broadcast_in_dim3A_4 {strides = array<i32>} : memref<4096xf32, #tpu.memory_space<vmem>>, vector<16xf32>,
    %swap3A_54 = arith.constant 400 : index
    %swap3A_55 = tpu.vector_load %arg6[%swap3A_54] {strides = array<i32>} : memref<4096xf32, #tpu.memory_space<vmem>>, vector<16xf32>,
    tpu.vector_store %arg6[%swap3A_54], %broadcast_in_dim3A_4 {strides = array<i32>} : memref<4096xf32, #tpu.memory_space<vmem>>, vector<16xf32>,
    %swap3A_56 = arith.constant 416 : index
    %swap3A_57 = tpu.vector_load %arg6[%swap3A_56] {strides = array<i32>} : memref<4096xf32, #tpu.memory_space<vmem>>, vector<16xf32>,
    tpu.vector_store %arg6[%swap3A_56], %broadcast_in_dim3A_4 {strides = array<i32>} : memref<4096xf32, #tpu.memory_space<vmem>>, vector<16xf32>,
    %swap3A_58 = arith.constant 432 : index
    %swap3A_59 = tpu.vector_load %arg6[%swap3A_58] {strides = array<i32>} : memref<4096xf32, #tpu.memory_space<vmem>>, vector<16xf32>,
    tpu.vector_store %arg6[%swap3A_58], %broadcast_in_dim3A_4 {strides = array<i32>} : memref<4096xf32, #tpu.memory_space<vmem>>, vector<16xf32>,
    %swap3A_60 = arith.constant 448 : index
    %swap3A_61 = tpu.vector_load %arg6[%swap3A_60] {strides = array<i32>} : memref<4096xf32, #tpu.memory_space<vmem>>, vector<16xf32>,
    tpu.vector_store %arg6[%swap3A_60], %broadcast_in_dim3A_4 {strides = array<i32>} : memref<4096xf32, #tpu.memory_space<vmem>>, vector<16xf32>,
    %swap3A_62 = arith.constant 464 : index
    %swap3A_63 = tpu.vector_load %arg6[%swap3A_62] {strides = array<i32>} : memref<4096xf32, #tpu.memory_space<vmem>>, vector<16xf32>,
    tpu.vector_store %arg6[%swap3A_62], %broadcast_in_dim3A_4 {strides = array<i32>} : memref<4096xf32, #tpu.memory_space<vmem>>, vector<16xf32>,
    %swap3A_64 = arith.constant 480 : index
    %swap3A_65 = tpu.vector_load %arg6[%swap3A_64] {strides = array<i32>} : memref<4096xf32, #tpu.memory_space<vmem>>, vector<16xf32>,
    tpu.vector_store %arg6[%swap3A_64], %broadcast_in_dim3A_4 {strides = array<i32>} : memref<4096xf32, #tpu.memory_space<vmem>>, vector<16xf32>,
    %swap3A_66 = arith.constant 496 : index
    %swap3A_67 = tpu.vector_load %arg6[%swap3A_66] {strides = array<i32>} : memref<4096xf32, #tpu.memory_space<vmem>>, vector<16xf32>,
    tpu.vector_store %arg6[%swap3A_66], %broadcast_in_dim3A_4 {strides = array<i32>} : memref<4096xf32, #tpu.memory_space<vmem>>, vector<16xf32>,
    %swap3A_68 = arith.constant 512 : index
    %swap3A_69 = tpu.vector_load %arg6[%swap3A_68] {strides = array<i32>} : memref<4096xf32, #tpu.memory_space<vmem>>, vector<16xf32>,
    tpu.vector_store %arg6[%swap3A_68], %broadcast_in_dim3A_4 {strides = array<i32>} : memref<4096xf32, #tpu.memory_space<vmem>>, vector<16xf32>,
    %swap3A_70 = arith.constant 528 : index
    %swap3A_71 = tpu.vector_load %arg6[%swap3A_70] {strides = array<i32>} : memref<4096xf32, #tpu.memory_space<vmem>>, vector<16xf32>,
    tpu.vector_store %arg6[%swap3A_70], %broadcast_in_dim3A_4 {strides = array<i32>} : memref<4096xf32, #tpu.memory_space<vmem>>, vector<16xf32>,
    %swap3A_72 = arith.constant 544 : index
    %swap3A_73 = tpu.vector_load %arg6[%swap3A_72] {strides = array<i32>} : memref<4096xf32, #tpu.memory_space<vmem>>, vector<16xf32>,
    tpu.vector_store %arg6[%swap3A_72], %broadcast_in_dim3A_4 {strides = array<i32>} : memref<4096xf32, #tpu.memory_space<vmem>>, vector<16xf32>,
    %swap3A_74 = arith.constant 560 : index
    %swap3A_75 = tpu.vector_load %arg6[%swap3A_74] {strides = array<i32>} : memref<4096xf32, #tpu.memory_space<vmem>>, vector<16xf32>,
    tpu.vector_store %arg6[%swap3A_74], %broadcast_in_dim3A_4 {strides = array<i32>} : memref<4096xf32, #tpu.memory_space<vmem>>, vector<16xf32>,
    %swap3A_76 = arith.constant 576 : index
    %swap3A_77 = tpu.vector_load %arg6[%swap3A_76] {strides = array<i32>} : memref<4096xf32, #tpu.memory_space<vmem>>, vector<16xf32>,
    tpu.vector_store %arg6[%swap3A_76], %broadcast_in_dim3A_4 {strides = array<i32>} : memref<4096xf32, #tpu.memory_space<vmem>>, vector<16xf32>,
    %swap3A_78 = arith.constant 592 : index
    %swap3A_79 = tpu.vector_load %arg6[%swap3A_78] {strides = array<i32>} : memref<4096xf32, #tpu.memory_space<vmem>>, vector<16xf32>,
    tpu.vector_store %arg6[%swap3A_78], %broadcast_in_dim3A_4 {strides = array<i32>} : memref<4096xf32, #tpu.memory_space<vmem>>, vector<16xf32>,
    %swap3A_80 = arith.constant 608 : index
    %swap3A_81 = tpu.vector_load %arg6[%swap3A_80] {strides = array<i32>} : memref<4096xf32, #tpu.memory_space<vmem>>, vector<16xf32>,
    tpu.vector_store %arg6[%swap3A_80], %broadcast_in_dim3A_4 {strides = array<i32>} : memref<4096xf32, #tpu.memory_space<vmem>>, vector<16xf32>,
    %swap3A_82 = arith.constant 624 : index
    %swap3A_83 = tpu.vector_load %arg6[%swap3A_82] {strides = array<i32>} : memref<4096xf32, #tpu.memory_space<vmem>>, vector<16xf32>,
    tpu.vector_store %arg6[%swap3A_82], %broadcast_in_dim3A_4 {strides = array<i32>} : memref<4096xf32, #tpu.memory_space<vmem>>, vector<16xf32>,
    %swap3A_84 = arith.constant 640 : index
    %swap3A_85 = tpu.vector_load %arg6[%swap3A_84] {strides = array<i32>} : memref<4096xf32, #tpu.memory_space<vmem>>, vector<16xf32>,
    tpu.vector_store %arg6[%swap3A_84], %broadcast_in_dim3A_4 {strides = array<i32>} : memref<4096xf32, #tpu.memory_space<vmem>>, vector<16xf32>,
    %swap3A_86 = arith.constant 656 : index
    %swap3A_87 = tpu.vector_load %arg6[%swap3A_86] {strides = array<i32>} : memref<4096xf32, #tpu.memory_space<vmem>>, vector<16xf32>,
    tpu.vector_store %arg6[%swap3A_86], %broadcast_in_dim3A_4 {strides = array<i32>} : memref<4096xf32, #tpu.memory_space<vmem>>, vector<16xf32>,
    %swap3A_88 = arith.constant 672 : index
    %swap3A_89 = tpu.vector_load %arg6[%swap3A_88] {strides = array<i32>} : memref<4096xf32, #tpu.memory_space<vmem>>, vector<16xf32>,
    tpu.vector_store %arg6[%swap3A_88], %broadcast_in_dim3A_4 {strides = array<i32>} : memref<4096xf32, #tpu.memory_space<vmem>>, vector<16xf32>,
    %swap3A_90 = arith.constant 688 : index
    %swap3A_91 = tpu.vector_load %arg6[%swap3A_90] {strides = array<i32>} : memref<4096xf32, #tpu.memory_space<vmem>>, vector<16xf32>,
    tpu.vector_store %arg6[%swap3A_90], %broadcast_in_dim3A_4 {strides = array<i32>} : memref<4096xf32, #tpu.memory_space<vmem>>, vector<16xf32>,
    %swap3A_92 = arith.constant 704 : index
    %swap3A_93 = tpu.vector_load %arg6[%swap3A_92] {strides = array<i32>} : memref<4096xf32, #tpu.memory_space<vmem>>, vector<16xf32>,
    tpu.vector_store %arg6[%swap3A_92], %broadcast_in_dim3A_4 {strides = array<i32>} : memref<4096xf32, #tpu.memory_space<vmem>>, vector<16xf32>,
    %swap3A_94 = arith.constant 720 : index
    %swap3A_95 = tpu.vector_load %arg6[%swap3A_94] {strides = array<i32>} : memref<4096xf32, #tpu.memory_space<vmem>>, vector<16xf32>,
    tpu.vector_store %arg6[%swap3A_94], %broadcast_in_dim3A_4 {strides = array<i32>} : memref<4096xf32, #tpu.memory_space<vmem>>, vector<16xf32>,
    %swap3A_96 = arith.constant 736 : index
    %swap3A_97 = tpu.vector_load %arg6[%swap3A_96] {strides = array<i32>} : memref<4096xf32, #tpu.memory_space<vmem>>, vector<16xf32>,
    tpu.vector_store %arg6[%swap3A_96], %broadcast_in_dim3A_4 {strides = array<i32>} : memref<4096xf32, #tpu.memory_space<vmem>>, vector<16xf32>,
    %swap3A_98 = arith.constant 752 : index
    %swap3A_99 = tpu.vector_load %arg6[%swap3A_98] {strides = array<i32>} : memref<4096xf32, #tpu.memory_space<vmem>>, vector<16xf32>,
    tpu.vector_store %arg6[%swap3A_98], %broadcast_in_dim3A_4 {strides = array<i32>} : memref<4096xf32, #tpu.memory_space<vmem>>, vector<16xf32>,
    %swap3A_100 = arith.constant 768 : index
    %swap3A_101 = tpu.vector_load %arg6[%swap3A_100] {strides = array<i32>} : memref<4096xf32, #tpu.memory_space<vmem>>, vector<16xf32>,
    tpu.vector_store %arg6[%swap3A_100], %broadcast_in_dim3A_4 {strides = array<i32>} : memref<4096xf32, #tpu.memory_space<vmem>>, vector<16xf32>,
    %swap3A_102 = arith.constant 784 : index
    %swap3A_103 = tpu.vector_load %arg6[%swap3A_102] {strides = array<i32>} : memref<4096xf32, #tpu.memory_space<vmem>>, vector<16xf32>,
    tpu.vector_store %arg6[%swap3A_102], %broadcast_in_dim3A_4 {strides = array<i32>} : memref<4096xf32, #tpu.memory_space<vmem>>, vector<16xf32>,
    %swap3A_104 = arith.constant 800 : index
    %swap3A_105 = tpu.vector_load %arg6[%swap3A_104] {strides = array<i32>} : memref<4096xf32, #tpu.memory_space<vmem>>, vector<16xf32>,
    tpu.vector_store %arg6[%swap3A_104], %broadcast_in_dim3A_4 {strides = array<i32>} : memref<4096xf32, #tpu.memory_space<vmem>>, vector<16xf32>,
    %swap3A_106 = arith.constant 816 : index
    %swap3A_107 = tpu.vector_load %arg6[%swap3A_106] {strides = array<i32>} : memref<4096xf32, #tpu.memory_space<vmem>>, vector<16xf32>,
    tpu.vector_store %arg6[%swap3A_106], %broadcast_in_dim3A_4 {strides = array<i32>} : memref<4096xf32, #tpu.memory_space<vmem>>, vector<16xf32>,
    %swap3A_108 = arith.constant 832 : index
    %swap3A_109 = tpu.vector_load %arg6[%swap3A_108] {strides = array<i32>} : memref<4096xf32, #tpu.memory_space<vmem>>, vector<16xf32>,
    tpu.vector_store %arg6[%swap3A_108], %broadcast_in_dim3A_4 {strides = array<i32>} : memref<4096xf32, #tpu.memory_space<vmem>>, vector<16xf32>,
    %swap3A_110 = arith.constant 848 : index
    %swap3A_111 = tpu.vector_load %arg6[%swap3A_110] {strides = array<i32>} : memref<4096xf32, #tpu.memory_space<vmem>>, vector<16xf32>,
    tpu.vector_store %arg6[%swap3A_110], %broadcast_in_dim3A_4 {strides = array<i32>} : memref<4096xf32, #tpu.memory_space<vmem>>, vector<16xf32>,
    %swap3A_112 = arith.constant 864 : index
    %swap3A_113 = tpu.vector_load %arg6[%swap3A_112] {strides = array<i32>} : memref<4096xf32, #tpu.memory_space<vmem>>, vector<16xf32>,
    tpu.vector_store %arg6[%swap3A_112], %broadcast_in_dim3A_4 {strides = array<i32>} : memref<4096xf32, #tpu.memory_space<vmem>>, vector<16xf32>,
    %swap3A_114 = arith.constant 880 : index
    %swap3A_115 = tpu.vector_load %arg6[%swap3A_114] {strides = array<i32>} : memref<4096xf32, #tpu.memory_space<vmem>>, vector<16xf32>,
    tpu.vector_store %arg6[%swap3A_114], %broadcast_in_dim3A_4 {strides = array<i32>} : memref<4096xf32, #tpu.memory_space<vmem>>, vector<16xf32>,
    %swap3A_116 = arith.constant 896 : index
    %swap3A_117 = tpu.vector_load %arg6[%swap3A_116] {strides = array<i32>} : memref<4096xf32, #tpu.memory_space<vmem>>, vector<16xf32>,
    tpu.vector_store %arg6[%swap3A_116], %broadcast_in_dim3A_4 {strides = array<i32>} : memref<4096xf32, #tpu.memory_space<vmem>>, vector<16xf32>,
    %swap3A_118 = arith.constant 912 : index
    %swap3A_119 = tpu.vector_load %arg6[%swap3A_118] {strides = array<i32>} : memref<4096xf32, #tpu.memory_space<vmem>>, vector<16xf32>,
    tpu.vector_store %arg6[%swap3A_118], %broadcast_in_dim3A_4 {strides = array<i32>} : memref<4096xf32, #tpu.memory_space<vmem>>, vector<16xf32>,
    %swap3A_120 = arith.constant 928 : index
    %swap3A_121 = tpu.vector_load %arg6[%swap3A_120] {strides = array<i32>} : memref<4096xf32, #tpu.memory_space<vmem>>, vector<16xf32>,
    tpu.vector_store %arg6[%swap3A_120], %broadcast_in_dim3A_4 {strides = array<i32>} : memref<4096xf32, #tpu.memory_space<vmem>>, vector<16xf32>,
    %swap3A_122 = arith.constant 944 : index
    %swap3A_123 = tpu.vector_load %arg6[%swap3A_122] {strides = array<i32>} : memref<4096xf32, #tpu.memory_space<vmem>>, vector<16xf32>,
    tpu.vector_store %arg6[%swap3A_122], %broadcast_in_dim3A_4 {strides = array<i32>} : memref<4096xf32, #tpu.memory_space<vmem>>, vector<16xf32>,
    %swap3A_124 = arith.constant 960 : index
    %swap3A_125 = tpu.vector_load %arg6[%swap3A_124] {strides = array<i32>} : memref<4096xf32, #tpu.memory_space<vmem>>, vector<16xf32>,
    tpu.vector_store %arg6[%swap3A_124], %broadcast_in_dim3A_4 {strides = array<i32>} : memref<4096xf32, #tpu.memory_space<vmem>>, vector<16xf32>,
    %swap3A_126 = arith.constant 976 : index
    %swap3A_127 = tpu.vector_load %arg6[%swap3A_126] {strides = array<i32>} : memref<4096xf32, #tpu.memory_space<vmem>>, vector<16xf32>,
    tpu.vector_store %arg6[%swap3A_126], %broadcast_in_dim3A_4 {strides = array<i32>} : memref<4096xf32, #tpu.memory_space<vmem>>, vector<16xf32>,
    %swap3A_128 = arith.constant 992 : index
    %swap3A_129 = tpu.vector_load %arg6[%swap3A_128] {strides = array<i32>} : memref<4096xf32, #tpu.memory_space<vmem>>, vector<16xf32>,
    tpu.vector_store %arg6[%swap3A_128], %broadcast_in_dim3A_4 {strides = array<i32>} : memref<4096xf32, #tpu.memory_space<vmem>>, vector<16xf32>,
    %swap3A_130 = arith.constant 1008 : index
    %swap3A_131 = tpu.vector_load %arg6[%swap3A_130] {strides = array<i32>} : memref<4096xf32, #tpu.memory_space<vmem>>, vector<16xf32>,
    tpu.vector_store %arg6[%swap3A_130], %broadcast_in_dim3A_4 {strides = array<i32>} : memref<4096xf32, #tpu.memory_space<vmem>>, vector<16xf32>,
    %swap3A_132 = arith.constant 1024 : index
    %swap3A_133 = tpu.vector_load %arg6[%swap3A_132] {strides = array<i32>} : memref<4096xf32, #tpu.memory_space<vmem>>, vector<16xf32>,
    tpu.vector_store %arg6[%swap3A_132], %broadcast_in_dim3A_4 {strides = array<i32>} : memref<4096xf32, #tpu.memory_space<vmem>>, vector<16xf32>,
    %swap3A_134 = arith.constant 1040 : index
    %swap3A_135 = tpu.vector_load %arg6[%swap3A_134] {strides = array<i32>} : memref<4096xf32, #tpu.memory_space<vmem>>, vector<16xf32>,
    tpu.vector_store %arg6[%swap3A_134], %broadcast_in_dim3A_4 {strides = array<i32>} : memref<4096xf32, #tpu.memory_space<vmem>>, vector<16xf32>,
    %swap3A_136 = arith.constant 1056 : index
    %swap3A_137 = tpu.vector_load %arg6[%swap3A_136] {strides = array<i32>} : memref<4096xf32, #tpu.memory_space<vmem>>, vector<16xf32>,
    tpu.vector_store %arg6[%swap3A_136], %broadcast_in_dim3A_4 {strides = array<i32>} : memref<4096xf32, #tpu.memory_space<vmem>>, vector<16xf32>,
    %swap3A_138 = arith.constant 1072 : index
    %swap3A_139 = tpu.vector_load %arg6[%swap3A_138] {strides = array<i32>} : memref<4096xf32, #tpu.memory_space<vmem>>, vector<16xf32>,
    tpu.vector_store %arg6[%swap3A_138], %broadcast_in_dim3A_4 {strides = array<i32>} : memref<4096xf32, #tpu.memory_space<vmem>>, vector<16xf32>,
    %swap3A_140 = arith.constant 1088 : index
    %swap3A_141 = tpu.vector_load %arg6[%swap3A_140] {strides = array<i32>} : memref<4096xf32, #tpu.memory_space<vmem>>, vector<16xf32>,
    tpu.vector_store %arg6[%swap3A_140], %broadcast_in_dim3A_4 {strides = array<i32>} : memref<4096xf32, #tpu.memory_space<vmem>>, vector<16xf32>,
    %swap3A_142 = arith.constant 1104 : index
    %swap3A_143 = tpu.vector_load %arg6[%swap3A_142] {strides = array<i32>} : memref<4096xf32, #tpu.memory_space<vmem>>, vector<16xf32>,
    tpu.vector_store %arg6[%swap3A_142], %broadcast_in_dim3A_4 {strides = array<i32>} : memref<4096xf32, #tpu.memory_space<vmem>>, vector<16xf32>,
    %swap3A_144 = arith.constant 1120 : index
    %swap3A_145 = tpu.vector_load %arg6[%swap3A_144] {strides = array<i32>} : memref<4096xf32, #tpu.memory_space<vmem>>, vector<16xf32>,
    tpu.vector_store %arg6[%swap3A_144], %broadcast_in_dim3A_4 {strides = array<i32>} : memref<4096xf32, #tpu.memory_space<vmem>>, vector<16xf32>,
    %swap3A_146 = arith.constant 1136 : index
    %swap3A_147 = tpu.vector_load %arg6[%swap3A_146] {strides = array<i32>} : memref<4096xf32, #tpu.memory_space<vmem>>, vector<16xf32>,
    tpu.vector_store %arg6[%swap3A_146], %broadcast_in_dim3A_4 {strides = array<i32>} : memref<4096xf32, #tpu.memory_space<vmem>>, vector<16xf32>,
    %swap3A_148 = arith.constant 1152 : index
    %swap3A_149 = tpu.vector_load %arg6[%swap3A_148] {strides = array<i32>} : memref<4096xf32, #tpu.memory_space<vmem>>, vector<16xf32>,
    tpu.vector_store %arg6[%swap3A_148], %broadcast_in_dim3A_4 {strides = array<i32>} : memref<4096xf32, #tpu.memory_space<vmem>>, vector<16xf32>,
    %swap3A_150 = arith.constant 1168 : index
    %swap3A_151 = tpu.vector_load %arg6[%swap3A_150] {strides = array<i32>} : memref<4096xf32, #tpu.memory_space<vmem>>, vector<16xf32>,
    tpu.vector_store %arg6[%swap3A_150], %broadcast_in_dim3A_4 {strides = array<i32>} : memref<4096xf32, #tpu.memory_space<vmem>>, vector<16xf32>,
    %swap3A_152 = arith.constant 1184 : index
    %swap3A_153 = tpu.vector_load %arg6[%swap3A_152] {strides = array<i32>} : memref<4096xf32, #tpu.memory_space<vmem>>, vector<16xf32>,
    tpu.vector_store %arg6[%swap3A_152], %broadcast_in_dim3A_4 {strides = array<i32>} : memref<4096xf32, #tpu.memory_space<vmem>>, vector<16xf32>,
    %swap3A_154 = arith.constant 1200 : index
    %swap3A_155 = tpu.vector_load %arg6[%swap3A_154] {strides = array<i32>} : memref<4096xf32, #tpu.memory_space<vmem>>, vector<16xf32>,
    tpu.vector_store %arg6[%swap3A_154], %broadcast_in_dim3A_4 {strides = array<i32>} : memref<4096xf32, #tpu.memory_space<vmem>>, vector<16xf32>,
    %swap3A_156 = arith.constant 1216 : index
    %swap3A_157 = tpu.vector_load %arg6[%swap3A_156] {strides = array<i32>} : memref<4096xf32, #tpu.memory_space<vmem>>, vector<16xf32>,
    tpu.vector_store %arg6[%swap3A_156], %broadcast_in_dim3A_4 {strides = array<i32>} : memref<4096xf32, #tpu.memory_space<vmem>>, vector<16xf32>,
    %swap3A_158 = arith.constant 1232 : index
    %swap3A_159 = tpu.vector_load %arg6[%swap3A_158] {strides = array<i32>} : memref<4096xf32, #tpu.memory_space<vmem>>, vector<16xf32>,
    tpu.vector_store %arg6[%swap3A_158], %broadcast_in_dim3A_4 {strides = array<i32>} : memref<4096xf32, #tpu.memory_space<vmem>>, vector<16xf32>,
    %swap3A_160 = arith.constant 1248 : index
    %swap3A_161 = tpu.vector_load %arg6[%swap3A_160] {strides = array<i32>} : memref<4096xf32, #tpu.memory_space<vmem>>, vector<16xf32>,
    tpu.vector_store %arg6[%swap3A_160], %broadcast_in_dim3A_4 {strides = array<i32>} : memref<4096xf32, #tpu.memory_space<vmem>>, vector<16xf32>,
    %swap3A_162 = arith.constant 1264 : index
    %swap3A_163 = tpu.vector_load %arg6[%swap3A_162] {strides = array<i32>} : memref<4096xf32, #tpu.memory_space<vmem>>, vector<16xf32>,
    tpu.vector_store %arg6[%swap3A_162], %broadcast_in_dim3A_4 {strides = array<i32>} : memref<4096xf32, #tpu.memory_space<vmem>>, vector<16xf32>,
    %swap3A_164 = arith.constant 1280 : index
    %swap3A_165 = tpu.vector_load %arg6[%swap3A_164] {strides = array<i32>} : memref<4096xf32, #tpu.memory_space<vmem>>, vector<16xf32>,
    tpu.vector_store %arg6[%swap3A_164], %broadcast_in_dim3A_4 {strides = array<i32>} : memref<4096xf32, #tpu.memory_space<vmem>>, vector<16xf32>,
    %swap3A_166 = arith.constant 1296 : index
    %swap3A_167 = tpu.vector_load %arg6[%swap3A_166] {strides = array<i32>} : memref<4096xf32, #tpu.memory_space<vmem>>, vector<16xf32>,
    tpu.vector_store %arg6[%swap3A_166], %broadcast_in_dim3A_4 {strides = array<i32>} : memref<4096xf32, #tpu.memory_space<vmem>>, vector<16xf32>,
    %swap3A_168 = arith.constant 1312 : index
    %swap3A_169 = tpu.vector_load %arg6[%swap3A_168] {strides = array<i32>} : memref<4096xf32, #tpu.memory_space<vmem>>, vector<16xf32>,
    tpu.vector_store %arg6[%swap3A_168], %broadcast_in_dim3A_4 {strides = array<i32>} : memref<4096xf32, #tpu.memory_space<vmem>>, vector<16xf32>,
    %swap3A_170 = arith.constant 1328 : index
    %swap3A_171 = tpu.vector_load %arg6[%swap3A_170] {strides = array<i32>} : memref<4096xf32, #tpu.memory_space<vmem>>, vector<16xf32>,
    tpu.vector_store %arg6[%swap3A_170], %broadcast_in_dim3A_4 {strides = array<i32>} : memref<4096xf32, #tpu.memory_space<vmem>>, vector<16xf32>,
    %swap3A_172 = arith.constant 1344 : index
    %swap3A_173 = tpu.vector_load %arg6[%swap3A_172] {strides = array<i32>} : memref<4096xf32, #tpu.memory_space<vmem>>, vector<16xf32>,
    tpu.vector_store %arg6[%swap3A_172], %broadcast_in_dim3A_4 {strides = array<i32>} : memref<4096xf32, #tpu.memory_space<vmem>>, vector<16xf32>,
    %swap3A_174 = arith.constant 1360 : index
    %swap3A_175 = tpu.vector_load %arg6[%swap3A_174] {strides = array<i32>} : memref<4096xf32, #tpu.memory_space<vmem>>, vector<16xf32>,
    tpu.vector_store %arg6[%swap3A_174], %broadcast_in_dim3A_4 {strides = array<i32>} : memref<4096xf32, #tpu.memory_space<vmem>>, vector<16xf32>,
    %swap3A_176 = arith.constant 1376 : index
    %swap3A_177 = tpu.vector_load %arg6[%swap3A_176] {strides = array<i32>} : memref<4096xf32, #tpu.memory_space<vmem>>, vector<16xf32>,
    tpu.vector_store %arg6[%swap3A_176], %broadcast_in_dim3A_4 {strides = array<i32>} : memref<4096xf32, #tpu.memory_space<vmem>>, vector<16xf32>,
    %swap3A_178 = arith.constant 1392 : index
    %swap3A_179 = tpu.vector_load %arg6[%swap3A_178] {strides = array<i32>} : memref<4096xf32, #tpu.memory_space<vmem>>, vector<16xf32>,
    tpu.vector_store %arg6[%swap3A_178], %broadcast_in_dim3A_4 {strides = array<i32>} : memref<4096xf32, #tpu.memory_space<vmem>>, vector<16xf32>,
    %swap3A_180 = arith.constant 1408 : index
    %swap3A_181 = tpu.vector_load %arg6[%swap3A_180] {strides = array<i32>} : memref<4096xf32, #tpu.memory_space<vmem>>, vector<16xf32>,
    tpu.vector_store %arg6[%swap3A_180], %broadcast_in_dim3A_4 {strides = array<i32>} : memref<4096xf32, #tpu.memory_space<vmem>>, vector<16xf32>,
    %swap3A_182 = arith.constant 1424 : index
    %swap3A_183 = tpu.vector_load %arg6[%swap3A_182] {strides = array<i32>} : memref<4096xf32, #tpu.memory_space<vmem>>, vector<16xf32>,
    tpu.vector_store %arg6[%swap3A_182], %broadcast_in_dim3A_4 {strides = array<i32>} : memref<4096xf32, #tpu.memory_space<vmem>>, vector<16xf32>,
    %swap3A_184 = arith.constant 1440 : index
    %swap3A_185 = tpu.vector_load %arg6[%swap3A_184] {strides = array<i32>} : memref<4096xf32, #tpu.memory_space<vmem>>, vector<16xf32>,
    tpu.vector_store %arg6[%swap3A_184], %broadcast_in_dim3A_4 {strides = array<i32>} : memref<4096xf32, #tpu.memory_space<vmem>>, vector<16xf32>,
    %swap3A_186 = arith.constant 1456 : index
    %swap3A_187 = tpu.vector_load %arg6[%swap3A_186] {strides = array<i32>} : memref<4096xf32, #tpu.memory_space<vmem>>, vector<16xf32>,
    tpu.vector_store %arg6[%swap3A_186], %broadcast_in_dim3A_4 {strides = array<i32>} : memref<4096xf32, #tpu.memory_space<vmem>>, vector<16xf32>,
    %swap3A_188 = arith.constant 1472 : index
    %swap3A_189 = tpu.vector_load %arg6[%swap3A_188] {strides = array<i32>} : memref<4096xf32, #tpu.memory_space<vmem>>, vector<16xf32>,
    tpu.vector_store %arg6[%swap3A_188], %broadcast_in_dim3A_4 {strides = array<i32>} : memref<4096xf32, #tpu.memory_space<vmem>>, vector<16xf32>,
    %swap3A_190 = arith.constant 1488 : index
    %swap3A_191 = tpu.vector_load %arg6[%swap3A_190] {strides = array<i32>} : memref<4096xf32, #tpu.memory_space<vmem>>, vector<16xf32>,
    tpu.vector_store %arg6[%swap3A_190], %broadcast_in_dim3A_4 {strides = array<i32>} : memref<4096xf32, #tpu.memory_space<vmem>>, vector<16xf32>,
    %swap3A_192 = arith.constant 1504 : index
    %swap3A_193 = tpu.vector_load %arg6[%swap3A_192] {strides = array<i32>} : memref<4096xf32, #tpu.memory_space<vmem>>, vector<16xf32>,
    tpu.vector_store %arg6[%swap3A_192], %broadcast_in_dim3A_4 {strides = array<i32>} : memref<4096xf32, #tpu.memory_space<vmem>>, vector<16xf32>,
    %swap3A_194 = arith.constant 1520 : index
    %swap3A_195 = tpu.vector_load %arg6[%swap3A_194] {strides = array<i32>} : memref<4096xf32, #tpu.memory_space<vmem>>, vector<16xf32>,
    tpu.vector_store %arg6[%swap3A_194], %broadcast_in_dim3A_4 {strides = array<i32>} : memref<4096xf32, #tpu.memory_space<vmem>>, vector<16xf32>,
    %swap3A_196 = arith.constant 1536 : index
    %swap3A_197 = tpu.vector_load %arg6[%swap3A_196] {strides = array<i32>} : memref<4096xf32, #tpu.memory_space<vmem>>, vector<16xf32>,
    tpu.vector_store %arg6[%swap3A_196], %broadcast_in_dim3A_4 {strides = array<i32>} : memref<4096xf32, #tpu.memory_space<vmem>>, vector<16xf32>,
    %swap3A_198 = arith.constant 1552 : index
    %swap3A_199 = tpu.vector_load %arg6[%swap3A_198] {strides = array<i32>} : memref<4096xf32, #tpu.memory_space<vmem>>, vector<16xf32>,
    tpu.vector_store %arg6[%swap3A_198], %broadcast_in_dim3A_4 {strides = array<i32>} : memref<4096xf32, #tpu.memory_space<vmem>>, vector<16xf32>,
    %swap3A_200 = arith.constant 1568 : index
    %swap3A_201 = tpu.vector_load %arg6[%swap3A_200] {strides = array<i32>} : memref<4096xf32, #tpu.memory_space<vmem>>, vector<16xf32>,
    tpu.vector_store %arg6[%swap3A_200], %broadcast_in_dim3A_4 {strides = array<i32>} : memref<4096xf32, #tpu.memory_space<vmem>>, vector<16xf32>,
    %swap3A_202 = arith.constant 1584 : index
    %swap3A_203 = tpu.vector_load %arg6[%swap3A_202] {strides = array<i32>} : memref<4096xf32, #tpu.memory_space<vmem>>, vector<16xf32>,
    tpu.vector_store %arg6[%swap3A_202], %broadcast_in_dim3A_4 {strides = array<i32>} : memref<4096xf32, #tpu.memory_space<vmem>>, vector<16xf32>,
    %swap3A_204 = arith.constant 1600 : index
    %swap3A_205 = tpu.vector_load %arg6[%swap3A_204] {strides = array<i32>} : memref<4096xf32, #tpu.memory_space<vmem>>, vector<16xf32>,
    tpu.vector_store %arg6[%swap3A_204], %broadcast_in_dim3A_4 {strides = array<i32>} : memref<4096xf32, #tpu.memory_space<vmem>>, vector<16xf32>,
    %swap3A_206 = arith.constant 1616 : index
    %swap3A_207 = tpu.vector_load %arg6[%swap3A_206] {strides = array<i32>} : memref<4096xf32, #tpu.memory_space<vmem>>, vector<16xf32>,
    tpu.vector_store %arg6[%swap3A_206], %broadcast_in_dim3A_4 {strides = array<i32>} : memref<4096xf32, #tpu.memory_space<vmem>>, vector<16xf32>,
    %swap3A_208 = arith.constant 1632 : index
    %swap3A_209 = tpu.vector_load %arg6[%swap3A_208] {strides = array<i32>} : memref<4096xf32, #tpu.memory_space<vmem>>, vector<16xf32>,
    tpu.vector_store %arg6[%swap3A_208], %broadcast_in_dim3A_4 {strides = array<i32>} : memref<4096xf32, #tpu.memory_space<vmem>>, vector<16xf32>,
    %swap3A_210 = arith.constant 1648 : index
    %swap3A_211 = tpu.vector_load %arg6[%swap3A_210] {strides = array<i32>} : memref<4096xf32, #tpu.memory_space<vmem>>, vector<16xf32>,
    tpu.vector_store %arg6[%swap3A_210], %broadcast_in_dim3A_4 {strides = array<i32>} : memref<4096xf32, #tpu.memory_space<vmem>>, vector<16xf32>,
    %swap3A_212 = arith.constant 1664 : index
    %swap3A_213 = tpu.vector_load %arg6[%swap3A_212] {strides = array<i32>} : memref<4096xf32, #tpu.memory_space<vmem>>, vector<16xf32>,
    tpu.vector_store %arg6[%swap3A_212], %broadcast_in_dim3A_4 {strides = array<i32>} : memref<4096xf32, #tpu.memory_space<vmem>>, vector<16xf32>,
    %swap3A_214 = arith.constant 1680 : index
    %swap3A_215 = tpu.vector_load %arg6[%swap3A_214] {strides = array<i32>} : memref<4096xf32, #tpu.memory_space<vmem>>, vector<16xf32>,
    tpu.vector_store %arg6[%swap3A_214], %broadcast_in_dim3A_4 {strides = array<i32>} : memref<4096xf32, #tpu.memory_space<vmem>>, vector<16xf32>,
    %swap3A_216 = arith.constant 1696 : index
    %swap3A_217 = tpu.vector_load %arg6[%swap3A_216] {strides = array<i32>} : memref<4096xf32, #tpu.memory_space<vmem>>, vector<16xf32>,
    tpu.vector_store %arg6[%swap3A_216], %broadcast_in_dim3A_4 {strides = array<i32>} : memref<4096xf32, #tpu.memory_space<vmem>>, vector<16xf32>,
    %swap3A_218 = arith.constant 1712 : index
    %swap3A_219 = tpu.vector_load %arg6[%swap3A_218] {strides = array<i32>} : memref<4096xf32, #tpu.memory_space<vmem>>, vector<16xf32>,
    tpu.vector_store %arg6[%swap3A_218], %broadcast_in_dim3A_4 {strides = array<i32>} : memref<4096xf32, #tpu.memory_space<vmem>>, vector<16xf32>,
    %swap3A_220 = arith.constant 1728 : index
    %swap3A_221 = tpu.vector_load %arg6[%swap3A_220] {strides = array<i32>} : memref<4096xf32, #tpu.memory_space<vmem>>, vector<16xf32>,
    tpu.vector_store %arg6[%swap3A_220], %broadcast_in_dim3A_4 {strides = array<i32>} : memref<4096xf32, #tpu.memory_space<vmem>>, vector<16xf32>,
    %swap3A_222 = arith.constant 1744 : index
    %swap3A_223 = tpu.vector_load %arg6[%swap3A_222] {strides = array<i32>} : memref<4096xf32, #tpu.memory_space<vmem>>, vector<16xf32>,
    tpu.vector_store %arg6[%swap3A_222], %broadcast_in_dim3A_4 {strides = array<i32>} : memref<4096xf32, #tpu.memory_space<vmem>>, vector<16xf32>,
    %swap3A_224 = arith.constant 1760 : index
    %swap3A_225 = tpu.vector_load %arg6[%swap3A_224] {strides = array<i32>} : memref<4096xf32, #tpu.memory_space<vmem>>, vector<16xf32>,
    tpu.vector_store %arg6[%swap3A_224], %broadcast_in_dim3A_4 {strides = array<i32>} : memref<4096xf32, #tpu.memory_space<vmem>>, vector<16xf32>,
    %swap3A_226 = arith.constant 1776 : index
    %swap3A_227 = tpu.vector_load %arg6[%swap3A_226] {strides = array<i32>} : memref<4096xf32, #tpu.memory_space<vmem>>, vector<16xf32>,
    tpu.vector_store %arg6[%swap3A_226], %broadcast_in_dim3A_4 {strides = array<i32>} : memref<4096xf32, #tpu.memory_space<vmem>>, vector<16xf32>,
    %swap3A_228 = arith.constant 1792 : index
    %swap3A_229 = tpu.vector_load %arg6[%swap3A_228] {strides = array<i32>} : memref<4096xf32, #tpu.memory_space<vmem>>, vector<16xf32>,
    tpu.vector_store %arg6[%swap3A_228], %broadcast_in_dim3A_4 {strides = array<i32>} : memref<4096xf32, #tpu.memory_space<vmem>>, vector<16xf32>,
    %swap3A_230 = arith.constant 1808 : index
    %swap3A_231 = tpu.vector_load %arg6[%swap3A_230] {strides = array<i32>} : memref<4096xf32, #tpu.memory_space<vmem>>, vector<16xf32>,
    tpu.vector_store %arg6[%swap3A_230], %broadcast_in_dim3A_4 {strides = array<i32>} : memref<4096xf32, #tpu.memory_space<vmem>>, vector<16xf32>,
    %swap3A_232 = arith.constant 1824 : index
    %swap3A_233 = tpu.vector_load %arg6[%swap3A_232] {strides = array<i32>} : memref<4096xf32, #tpu.memory_space<vmem>>, vector<16xf32>,
    tpu.vector_store %arg6[%swap3A_232], %broadcast_in_dim3A_4 {strides = array<i32>} : memref<4096xf32, #tpu.memory_space<vmem>>, vector<16xf32>,
    %swap3A_234 = arith.constant 1840 : index
    %swap3A_235 = tpu.vector_load %arg6[%swap3A_234] {strides = array<i32>} : memref<4096xf32, #tpu.memory_space<vmem>>, vector<16xf32>,
    tpu.vector_store %arg6[%swap3A_234], %broadcast_in_dim3A_4 {strides = array<i32>} : memref<4096xf32, #tpu.memory_space<vmem>>, vector<16xf32>,
    %swap3A_236 = arith.constant 1856 : index
    %swap3A_237 = tpu.vector_load %arg6[%swap3A_236] {strides = array<i32>} : memref<4096xf32, #tpu.memory_space<vmem>>, vector<16xf32>,
    tpu.vector_store %arg6[%swap3A_236], %broadcast_in_dim3A_4 {strides = array<i32>} : memref<4096xf32, #tpu.memory_space<vmem>>, vector<16xf32>,
    %swap3A_238 = arith.constant 1872 : index
    %swap3A_239 = tpu.vector_load %arg6[%swap3A_238] {strides = array<i32>} : memref<4096xf32, #tpu.memory_space<vmem>>, vector<16xf32>,
    tpu.vector_store %arg6[%swap3A_238], %broadcast_in_dim3A_4 {strides = array<i32>} : memref<4096xf32, #tpu.memory_space<vmem>>, vector<16xf32>,
    %swap3A_240 = arith.constant 1888 : index
    %swap3A_241 = tpu.vector_load %arg6[%swap3A_240] {strides = array<i32>} : memref<4096xf32, #tpu.memory_space<vmem>>, vector<16xf32>,
    tpu.vector_store %arg6[%swap3A_240], %broadcast_in_dim3A_4 {strides = array<i32>} : memref<4096xf32, #tpu.memory_space<vmem>>, vector<16xf32>,
    %swap3A_242 = arith.constant 1904 : index
    %swap3A_243 = tpu.vector_load %arg6[%swap3A_242] {strides = array<i32>} : memref<4096xf32, #tpu.memory_space<vmem>>, vector<16xf32>,
    tpu.vector_store %arg6[%swap3A_242], %broadcast_in_dim3A_4 {strides = array<i32>} : memref<4096xf32, #tpu.memory_space<vmem>>, vector<16xf32>,
    %swap3A_244 = arith.constant 1920 : index
    %swap3A_245 = tpu.vector_load %arg6[%swap3A_244] {strides = array<i32>} : memref<4096xf32, #tpu.memory_space<vmem>>, vector<16xf32>,
    tpu.vector_store %arg6[%swap3A_244], %broadcast_in_dim3A_4 {strides = array<i32>} : memref<4096xf32, #tpu.memory_space<vmem>>, vector<16xf32>,
    %swap3A_246 = arith.constant 1936 : index
    %swap3A_247 = tpu.vector_load %arg6[%swap3A_246] {strides = array<i32>} : memref<4096xf32, #tpu.memory_space<vmem>>, vector<16xf32>,
    tpu.vector_store %arg6[%swap3A_246], %broadcast_in_dim3A_4 {strides = array<i32>} : memref<4096xf32, #tpu.memory_space<vmem>>, vector<16xf32>,
    %swap3A_248 = arith.constant 1952 : index
    %swap3A_249 = tpu.vector_load %arg6[%swap3A_248] {strides = array<i32>} : memref<4096xf32, #tpu.memory_space<vmem>>, vector<16xf32>,
    tpu.vector_store %arg6[%swap3A_248], %broadcast_in_dim3A_4 {strides = array<i32>} : memref<4096xf32, #tpu.memory_space<vmem>>, vector<16xf32>,
    %swap3A_250 = arith.constant 1968 : index
    %swap3A_251 = tpu.vector_load %arg6[%swap3A_250] {strides = array<i32>} : memref<4096xf32, #tpu.memory_space<vmem>>, vector<16xf32>,
    tpu.vector_store %arg6[%swap3A_250], %broadcast_in_dim3A_4 {strides = array<i32>} : memref<4096xf32, #tpu.memory_space<vmem>>, vector<16xf32>,
    %swap3A_252 = arith.constant 1984 : index
    %swap3A_253 = tpu.vector_load %arg6[%swap3A_252] {strides = array<i32>} : memref<4096xf32, #tpu.memory_space<vmem>>, vector<16xf32>,
    tpu.vector_store %arg6[%swap3A_252], %broadcast_in_dim3A_4 {strides = array<i32>} : memref<4096xf32, #tpu.memory_space<vmem>>, vector<16xf32>,
    %swap3A_254 = arith.constant 2000 : index
    %swap3A_255 = tpu.vector_load %arg6[%swap3A_254] {strides = array<i32>} : memref<4096xf32, #tpu.memory_space<vmem>>, vector<16xf32>,
    tpu.vector_store %arg6[%swap3A_254], %broadcast_in_dim3A_4 {strides = array<i32>} : memref<4096xf32, #tpu.memory_space<vmem>>, vector<16xf32>,
    %swap3A_256 = arith.constant 2016 : index
    %swap3A_257 = tpu.vector_load %arg6[%swap3A_256] {strides = array<i32>} : memref<4096xf32, #tpu.memory_space<vmem>>, vector<16xf32>,
    tpu.vector_store %arg6[%swap3A_256], %broadcast_in_dim3A_4 {strides = array<i32>} : memref<4096xf32, #tpu.memory_space<vmem>>, vector<16xf32>,
    %swap3A_258 = arith.constant 2032 : index
    %swap3A_259 = tpu.vector_load %arg6[%swap3A_258] {strides = array<i32>} : memref<4096xf32, #tpu.memory_space<vmem>>, vector<16xf32>,
    tpu.vector_store %arg6[%swap3A_258], %broadcast_in_dim3A_4 {strides = array<i32>} : memref<4096xf32, #tpu.memory_space<vmem>>, vector<16xf32>,
    %swap3A_260 = arith.constant 2048 : index
    %swap3A_261 = tpu.vector_load %arg6[%swap3A_260] {strides = array<i32>} : memref<4096xf32, #tpu.memory_space<vmem>>, vector<16xf32>,
    tpu.vector_store %arg6[%swap3A_260], %broadcast_in_dim3A_4 {strides = array<i32>} : memref<4096xf32, #tpu.memory_space<vmem>>, vector<16xf32>,
    %swap3A_262 = arith.constant 2064 : index
    %swap3A_263 = tpu.vector_load %arg6[%swap3A_262] {strides = array<i32>} : memref<4096xf32, #tpu.memory_space<vmem>>, vector<16xf32>,
    tpu.vector_store %arg6[%swap3A_262], %broadcast_in_dim3A_4 {strides = array<i32>} : memref<4096xf32, #tpu.memory_space<vmem>>, vector<16xf32>,
    %swap3A_264 = arith.constant 2080 : index
    %swap3A_265 = tpu.vector_load %arg6[%swap3A_264] {strides = array<i32>} : memref<4096xf32, #tpu.memory_space<vmem>>, vector<16xf32>,
    tpu.vector_store %arg6[%swap3A_264], %broadcast_in_dim3A_4 {strides = array<i32>} : memref<4096xf32, #tpu.memory_space<vmem>>, vector<16xf32>,
    %swap3A_266 = arith.constant 2096 : index
    %swap3A_267 = tpu.vector_load %arg6[%swap3A_266] {strides = array<i32>} : memref<4096xf32, #tpu.memory_space<vmem>>, vector<16xf32>,
    tpu.vector_store %arg6[%swap3A_266], %broadcast_in_dim3A_4 {strides = array<i32>} : memref<4096xf32, #tpu.memory_space<vmem>>, vector<16xf32>,
    %swap3A_268 = arith.constant 2112 : index
    %swap3A_269 = tpu.vector_load %arg6[%swap3A_268] {strides = array<i32>} : memref<4096xf32, #tpu.memory_space<vmem>>, vector<16xf32>,
    tpu.vector_store %arg6[%swap3A_268], %broadcast_in_dim3A_4 {strides = array<i32>} : memref<4096xf32, #tpu.memory_space<vmem>>, vector<16xf32>,
    %swap3A_270 = arith.constant 2128 : index
    %swap3A_271 = tpu.vector_load %arg6[%swap3A_270] {strides = array<i32>} : memref<4096xf32, #tpu.memory_space<vmem>>, vector<16xf32>,
    tpu.vector_store %arg6[%swap3A_270], %broadcast_in_dim3A_4 {strides = array<i32>} : memref<4096xf32, #tpu.memory_space<vmem>>, vector<16xf32>,
    %swap3A_272 = arith.constant 2144 : index
    %swap3A_273 = tpu.vector_load %arg6[%swap3A_272] {strides = array<i32>} : memref<4096xf32, #tpu.memory_space<vmem>>, vector<16xf32>,
    tpu.vector_store %arg6[%swap3A_272], %broadcast_in_dim3A_4 {strides = array<i32>} : memref<4096xf32, #tpu.memory_space<vmem>>, vector<16xf32>,
    %swap3A_274 = arith.constant 2160 : index
    %swap3A_275 = tpu.vector_load %arg6[%swap3A_274] {strides = array<i32>} : memref<4096xf32, #tpu.memory_space<vmem>>, vector<16xf32>,
    tpu.vector_store %arg6[%swap3A_274], %broadcast_in_dim3A_4 {strides = array<i32>} : memref<4096xf32, #tpu.memory_space<vmem>>, vector<16xf32>,
    %swap3A_276 = arith.constant 2176 : index
    %swap3A_277 = tpu.vector_load %arg6[%swap3A_276] {strides = array<i32>} : memref<4096xf32, #tpu.memory_space<vmem>>, vector<16xf32>,
    tpu.vector_store %arg6[%swap3A_276], %broadcast_in_dim3A_4 {strides = array<i32>} : memref<4096xf32, #tpu.memory_space<vmem>>, vector<16xf32>,
    %swap3A_278 = arith.constant 2192 : index
    %swap3A_279 = tpu.vector_load %arg6[%swap3A_278] {strides = array<i32>} : memref<4096xf32, #tpu.memory_space<vmem>>, vector<16xf32>,
    tpu.vector_store %arg6[%swap3A_278], %broadcast_in_dim3A_4 {strides = array<i32>} : memref<4096xf32, #tpu.memory_space<vmem>>, vector<16xf32>,
    %swap3A_280 = arith.constant 2208 : index
    %swap3A_281 = tpu.vector_load %arg6[%swap3A_280] {strides = array<i32>} : memref<4096xf32, #tpu.memory_space<vmem>>, vector<16xf32>,
    tpu.vector_store %arg6[%swap3A_280], %broadcast_in_dim3A_4 {strides = array<i32>} : memref<4096xf32, #tpu.memory_space<vmem>>, vector<16xf32>,
    %swap3A_282 = arith.constant 2224 : index
    %swap3A_283 = tpu.vector_load %arg6[%swap3A_282] {strides = array<i32>} : memref<4096xf32, #tpu.memory_space<vmem>>, vector<16xf32>,
    tpu.vector_store %arg6[%swap3A_282], %broadcast_in_dim3A_4 {strides = array<i32>} : memref<4096xf32, #tpu.memory_space<vmem>>, vector<16xf32>,
    %swap3A_284 = arith.constant 2240 : index
    %swap3A_285 = tpu.vector_load %arg6[%swap3A_284] {strides = array<i32>} : memref<4096xf32, #tpu.memory_space<vmem>>, vector<16xf32>,
    tpu.vector_store %arg6[%swap3A_284], %broadcast_in_dim3A_4 {strides = array<i32>} : memref<4096xf32, #tpu.memory_space<vmem>>, vector<16xf32>,
    %swap3A_286 = arith.constant 2256 : index
    %swap3A_287 = tpu.vector_load %arg6[%swap3A_286] {strides = array<i32>} : memref<4096xf32, #tpu.memory_space<vmem>>, vector<16xf32>,
    tpu.vector_store %arg6[%swap3A_286], %broadcast_in_dim3A_4 {strides = array<i32>} : memref<4096xf32, #tpu.memory_space<vmem>>, vector<16xf32>,
    %swap3A_288 = arith.constant 2272 : index
    %swap3A_289 = tpu.vector_load %arg6[%swap3A_288] {strides = array<i32>} : memref<4096xf32, #tpu.memory_space<vmem>>, vector<16xf32>,
    tpu.vector_store %arg6[%swap3A_288], %broadcast_in_dim3A_4 {strides = array<i32>} : memref<4096xf32, #tpu.memory_space<vmem>>, vector<16xf32>,
    %swap3A_290 = arith.constant 2288 : index
    %swap3A_291 = tpu.vector_load %arg6[%swap3A_290] {strides = array<i32>} : memref<4096xf32, #tpu.memory_space<vmem>>, vector<16xf32>,
    tpu.vector_store %arg6[%swap3A_290], %broadcast_in_dim3A_4 {strides = array<i32>} : memref<4096xf32, #tpu.memory_space<vmem>>, vector<16xf32>,
    %swap3A_292 = arith.constant 2304 : index
    %swap3A_293 = tpu.vector_load %arg6[%swap3A_292] {strides = array<i32>} : memref<4096xf32, #tpu.memory_space<vmem>>, vector<16xf32>,
    tpu.vector_store %arg6[%swap3A_292], %broadcast_in_dim3A_4 {strides = array<i32>} : memref<4096xf32, #tpu.memory_space<vmem>>, vector<16xf32>,
    %swap3A_294 = arith.constant 2320 : index
    %swap3A_295 = tpu.vector_load %arg6[%swap3A_294] {strides = array<i32>} : memref<4096xf32, #tpu.memory_space<vmem>>, vector<16xf32>,
    tpu.vector_store %arg6[%swap3A_294], %broadcast_in_dim3A_4 {strides = array<i32>} : memref<4096xf32, #tpu.memory_space<vmem>>, vector<16xf32>,
    %swap3A_296 = arith.constant 2336 : index
    %swap3A_297 = tpu.vector_load %arg6[%swap3A_296] {strides = array<i32>} : memref<4096xf32, #tpu.memory_space<vmem>>, vector<16xf32>,
    tpu.vector_store %arg6[%swap3A_296], %broadcast_in_dim3A_4 {strides = array<i32>} : memref<4096xf32, #tpu.memory_space<vmem>>, vector<16xf32>,
    %swap3A_298 = arith.constant 2352 : index
    %swap3A_299 = tpu.vector_load %arg6[%swap3A_298] {strides = array<i32>} : memref<4096xf32, #tpu.memory_space<vmem>>, vector<16xf32>,
    tpu.vector_store %arg6[%swap3A_298], %broadcast_in_dim3A_4 {strides = array<i32>} : memref<4096xf32, #tpu.memory_space<vmem>>, vector<16xf32>,
    %swap3A_300 = arith.constant 2368 : index
    %swap3A_301 = tpu.vector_load %arg6[%swap3A_300] {strides = array<i32>} : memref<4096xf32, #tpu.memory_space<vmem>>, vector<16xf32>,
    tpu.vector_store %arg6[%swap3A_300], %broadcast_in_dim3A_4 {strides = array<i32>} : memref<4096xf32, #tpu.memory_space<vmem>>, vector<16xf32>,
    %swap3A_302 = arith.constant 2384 : index
    %swap3A_303 = tpu.vector_load %arg6[%swap3A_302] {strides = array<i32>} : memref<4096xf32, #tpu.memory_space<vmem>>, vector<16xf32>,
    tpu.vector_store %arg6[%swap3A_302], %broadcast_in_dim3A_4 {strides = array<i32>} : memref<4096xf32, #tpu.memory_space<vmem>>, vector<16xf32>,
    %swap3A_304 = arith.constant 2400 : index
    %swap3A_305 = tpu.vector_load %arg6[%swap3A_304] {strides = array<i32>} : memref<4096xf32, #tpu.memory_space<vmem>>, vector<16xf32>,
    tpu.vector_store %arg6[%swap3A_304], %broadcast_in_dim3A_4 {strides = array<i32>} : memref<4096xf32, #tpu.memory_space<vmem>>, vector<16xf32>,
    %swap3A_306 = arith.constant 2416 : index
    %swap3A_307 = tpu.vector_load %arg6[%swap3A_306] {strides = array<i32>} : memref<4096xf32, #tpu.memory_space<vmem>>, vector<16xf32>,
    tpu.vector_store %arg6[%swap3A_306], %broadcast_in_dim3A_4 {strides = array<i32>} : memref<4096xf32, #tpu.memory_space<vmem>>, vector<16xf32>,
    %swap3A_308 = arith.constant 2432 : index
    %swap3A_309 = tpu.vector_load %arg6[%swap3A_308] {strides = array<i32>} : memref<4096xf32, #tpu.memory_space<vmem>>, vector<16xf32>,
    tpu.vector_store %arg6[%swap3A_308], %broadcast_in_dim3A_4 {strides = array<i32>} : memref<4096xf32, #tpu.memory_space<vmem>>, vector<16xf32>,
    %swap3A_310 = arith.constant 2448 : index
    %swap3A_311 = tpu.vector_load %arg6[%swap3A_310] {strides = array<i32>} : memref<4096xf32, #tpu.memory_space<vmem>>, vector<16xf32>,
    tpu.vector_store %arg6[%swap3A_310], %broadcast_in_dim3A_4 {strides = array<i32>} : memref<4096xf32, #tpu.memory_space<vmem>>, vector<16xf32>,
    %swap3A_312 = arith.constant 2464 : index
    %swap3A_313 = tpu.vector_load %arg6[%swap3A_312] {strides = array<i32>} : memref<4096xf32, #tpu.memory_space<vmem>>, vector<16xf32>,
    tpu.vector_store %arg6[%swap3A_312], %broadcast_in_dim3A_4 {strides = array<i32>} : memref<4096xf32, #tpu.memory_space<vmem>>, vector<16xf32>,
    %swap3A_314 = arith.constant 2480 : index
    %swap3A_315 = tpu.vector_load %arg6[%swap3A_314] {strides = array<i32>} : memref<4096xf32, #tpu.memory_space<vmem>>, vector<16xf32>,
    tpu.vector_store %arg6[%swap3A_314], %broadcast_in_dim3A_4 {strides = array<i32>} : memref<4096xf32, #tpu.memory_space<vmem>>, vector<16xf32>,
    %swap3A_316 = arith.constant 2496 : index
    %swap3A_317 = tpu.vector_load %arg6[%swap3A_316] {strides = array<i32>} : memref<4096xf32, #tpu.memory_space<vmem>>, vector<16xf32>,
    tpu.vector_store %arg6[%swap3A_316], %broadcast_in_dim3A_4 {strides = array<i32>} : memref<4096xf32, #tpu.memory_space<vmem>>, vector<16xf32>,
    %swap3A_318 = arith.constant 2512 : index
    %swap3A_319 = tpu.vector_load %arg6[%swap3A_318] {strides = array<i32>} : memref<4096xf32, #tpu.memory_space<vmem>>, vector<16xf32>,
    tpu.vector_store %arg6[%swap3A_318], %broadcast_in_dim3A_4 {strides = array<i32>} : memref<4096xf32, #tpu.memory_space<vmem>>, vector<16xf32>,
    %swap3A_320 = arith.constant 2528 : index
    %swap3A_321 = tpu.vector_load %arg6[%swap3A_320] {strides = array<i32>} : memref<4096xf32, #tpu.memory_space<vmem>>, vector<16xf32>,
    tpu.vector_store %arg6[%swap3A_320], %broadcast_in_dim3A_4 {strides = array<i32>} : memref<4096xf32, #tpu.memory_space<vmem>>, vector<16xf32>,
    %swap3A_322 = arith.constant 2544 : index
    %swap3A_323 = tpu.vector_load %arg6[%swap3A_322] {strides = array<i32>} : memref<4096xf32, #tpu.memory_space<vmem>>, vector<16xf32>,
    tpu.vector_store %arg6[%swap3A_322], %broadcast_in_dim3A_4 {strides = array<i32>} : memref<4096xf32, #tpu.memory_space<vmem>>, vector<16xf32>,
    %swap3A_324 = arith.constant 2560 : index
    %swap3A_325 = tpu.vector_load %arg6[%swap3A_324] {strides = array<i32>} : memref<4096xf32, #tpu.memory_space<vmem>>, vector<16xf32>,
    tpu.vector_store %arg6[%swap3A_324], %broadcast_in_dim3A_4 {strides = array<i32>} : memref<4096xf32, #tpu.memory_space<vmem>>, vector<16xf32>,
    %swap3A_326 = arith.constant 2576 : index
    %swap3A_327 = tpu.vector_load %arg6[%swap3A_326] {strides = array<i32>} : memref<4096xf32, #tpu.memory_space<vmem>>, vector<16xf32>,
    tpu.vector_store %arg6[%swap3A_326], %broadcast_in_dim3A_4 {strides = array<i32>} : memref<4096xf32, #tpu.memory_space<vmem>>, vector<16xf32>,
    %swap3A_328 = arith.constant 2592 : index
    %swap3A_329 = tpu.vector_load %arg6[%swap3A_328] {strides = array<i32>} : memref<4096xf32, #tpu.memory_space<vmem>>, vector<16xf32>,
    tpu.vector_store %arg6[%swap3A_328], %broadcast_in_dim3A_4 {strides = array<i32>} : memref<4096xf32, #tpu.memory_space<vmem>>, vector<16xf32>,
    %swap3A_330 = arith.constant 2608 : index
    %swap3A_331 = tpu.vector_load %arg6[%swap3A_330] {strides = array<i32>} : memref<4096xf32, #tpu.memory_space<vmem>>, vector<16xf32>,
    tpu.vector_store %arg6[%swap3A_330], %broadcast_in_dim3A_4 {strides = array<i32>} : memref<4096xf32, #tpu.memory_space<vmem>>, vector<16xf32>,
    %swap3A_332 = arith.constant 2624 : index
    %swap3A_333 = tpu.vector_load %arg6[%swap3A_332] {strides = array<i32>} : memref<4096xf32, #tpu.memory_space<vmem>>, vector<16xf32>,
    tpu.vector_store %arg6[%swap3A_332], %broadcast_in_dim3A_4 {strides = array<i32>} : memref<4096xf32, #tpu.memory_space<vmem>>, vector<16xf32>,
    %swap3A_334 = arith.constant 2640 : index
    %swap3A_335 = tpu.vector_load %arg6[%swap3A_334] {strides = array<i32>} : memref<4096xf32, #tpu.memory_space<vmem>>, vector<16xf32>,
    tpu.vector_store %arg6[%swap3A_334], %broadcast_in_dim3A_4 {strides = array<i32>} : memref<4096xf32, #tpu.memory_space<vmem>>, vector<16xf32>,
    %swap3A_336 = arith.constant 2656 : index
    %swap3A_337 = tpu.vector_load %arg6[%swap3A_336] {strides = array<i32>} : memref<4096xf32, #tpu.memory_space<vmem>>, vector<16xf32>,
    tpu.vector_store %arg6[%swap3A_336], %broadcast_in_dim3A_4 {strides = array<i32>} : memref<4096xf32, #tpu.memory_space<vmem>>, vector<16xf32>,
    %swap3A_338 = arith.constant 2672 : index
    %swap3A_339 = tpu.vector_load %arg6[%swap3A_338] {strides = array<i32>} : memref<4096xf32, #tpu.memory_space<vmem>>, vector<16xf32>,
    tpu.vector_store %arg6[%swap3A_338], %broadcast_in_dim3A_4 {strides = array<i32>} : memref<4096xf32, #tpu.memory_space<vmem>>, vector<16xf32>,
    %swap3A_340 = arith.constant 2688 : index
    %swap3A_341 = tpu.vector_load %arg6[%swap3A_340] {strides = array<i32>} : memref<4096xf32, #tpu.memory_space<vmem>>, vector<16xf32>,
    tpu.vector_store %arg6[%swap3A_340], %broadcast_in_dim3A_4 {strides = array<i32>} : memref<4096xf32, #tpu.memory_space<vmem>>, vector<16xf32>,
    %swap3A_342 = arith.constant 2704 : index
    %swap3A_343 = tpu.vector_load %arg6[%swap3A_342] {strides = array<i32>} : memref<4096xf32, #tpu.memory_space<vmem>>, vector<16xf32>,
    tpu.vector_store %arg6[%swap3A_342], %broadcast_in_dim3A_4 {strides = array<i32>} : memref<4096xf32, #tpu.memory_space<vmem>>, vector<16xf32>,
    %swap3A_344 = arith.constant 2720 : index
    %swap3A_345 = tpu.vector_load %arg6[%swap3A_344] {strides = array<i32>} : memref<4096xf32, #tpu.memory_space<vmem>>, vector<16xf32>,
    tpu.vector_store %arg6[%swap3A_344], %broadcast_in_dim3A_4 {strides = array<i32>} : memref<4096xf32, #tpu.memory_space<vmem>>, vector<16xf32>,
    %swap3A_346 = arith.constant 2736 : index
    %swap3A_347 = tpu.vector_load %arg6[%swap3A_346] {strides = array<i32>} : memref<4096xf32, #tpu.memory_space<vmem>>, vector<16xf32>,
    tpu.vector_store %arg6[%swap3A_346], %broadcast_in_dim3A_4 {strides = array<i32>} : memref<4096xf32, #tpu.memory_space<vmem>>, vector<16xf32>,
    %swap3A_348 = arith.constant 2752 : index
    %swap3A_349 = tpu.vector_load %arg6[%swap3A_348] {strides = array<i32>} : memref<4096xf32, #tpu.memory_space<vmem>>, vector<16xf32>,
    tpu.vector_store %arg6[%swap3A_348], %broadcast_in_dim3A_4 {strides = array<i32>} : memref<4096xf32, #tpu.memory_space<vmem>>, vector<16xf32>,
    %swap3A_350 = arith.constant 2768 : index
    %swap3A_351 = tpu.vector_load %arg6[%swap3A_350] {strides = array<i32>} : memref<4096xf32, #tpu.memory_space<vmem>>, vector<16xf32>,
    tpu.vector_store %arg6[%swap3A_350], %broadcast_in_dim3A_4 {strides = array<i32>} : memref<4096xf32, #tpu.memory_space<vmem>>, vector<16xf32>,
    %swap3A_352 = arith.constant 2784 : index
    %swap3A_353 = tpu.vector_load %arg6[%swap3A_352] {strides = array<i32>} : memref<4096xf32, #tpu.memory_space<vmem>>, vector<16xf32>,
    tpu.vector_store %arg6[%swap3A_352], %broadcast_in_dim3A_4 {strides = array<i32>} : memref<4096xf32, #tpu.memory_space<vmem>>, vector<16xf32>,
    %swap3A_354 = arith.constant 2800 : index
    %swap3A_355 = tpu.vector_load %arg6[%swap3A_354] {strides = array<i32>} : memref<4096xf32, #tpu.memory_space<vmem>>, vector<16xf32>,
    tpu.vector_store %arg6[%swap3A_354], %broadcast_in_dim3A_4 {strides = array<i32>} : memref<4096xf32, #tpu.memory_space<vmem>>, vector<16xf32>,
    %swap3A_356 = arith.constant 2816 : index
    %swap3A_357 = tpu.vector_load %arg6[%swap3A_356] {strides = array<i32>} : memref<4096xf32, #tpu.memory_space<vmem>>, vector<16xf32>,
    tpu.vector_store %arg6[%swap3A_356], %broadcast_in_dim3A_4 {strides = array<i32>} : memref<4096xf32, #tpu.memory_space<vmem>>, vector<16xf32>,
    %swap3A_358 = arith.constant 2832 : index
    %swap3A_359 = tpu.vector_load %arg6[%swap3A_358] {strides = array<i32>} : memref<4096xf32, #tpu.memory_space<vmem>>, vector<16xf32>,
    tpu.vector_store %arg6[%swap3A_358], %broadcast_in_dim3A_4 {strides = array<i32>} : memref<4096xf32, #tpu.memory_space<vmem>>, vector<16xf32>,
    %swap3A_360 = arith.constant 2848 : index
    %swap3A_361 = tpu.vector_load %arg6[%swap3A_360] {strides = array<i32>} : memref<4096xf32, #tpu.memory_space<vmem>>, vector<16xf32>,
    tpu.vector_store %arg6[%swap3A_360], %broadcast_in_dim3A_4 {strides = array<i32>} : memref<4096xf32, #tpu.memory_space<vmem>>, vector<16xf32>,
    %swap3A_362 = arith.constant 2864 : index
    %swap3A_363 = tpu.vector_load %arg6[%swap3A_362] {strides = array<i32>} : memref<4096xf32, #tpu.memory_space<vmem>>, vector<16xf32>,
    tpu.vector_store %arg6[%swap3A_362], %broadcast_in_dim3A_4 {strides = array<i32>} : memref<4096xf32, #tpu.memory_space<vmem>>, vector<16xf32>,
    %swap3A_364 = arith.constant 2880 : index
    %swap3A_365 = tpu.vector_load %arg6[%swap3A_364] {strides = array<i32>} : memref<4096xf32, #tpu.memory_space<vmem>>, vector<16xf32>,
    tpu.vector_store %arg6[%swap3A_364], %broadcast_in_dim3A_4 {strides = array<i32>} : memref<4096xf32, #tpu.memory_space<vmem>>, vector<16xf32>,
    %swap3A_366 = arith.constant 2896 : index
    %swap3A_367 = tpu.vector_load %arg6[%swap3A_366] {strides = array<i32>} : memref<4096xf32, #tpu.memory_space<vmem>>, vector<16xf32>,
    tpu.vector_store %arg6[%swap3A_366], %broadcast_in_dim3A_4 {strides = array<i32>} : memref<4096xf32, #tpu.memory_space<vmem>>, vector<16xf32>,
    %swap3A_368 = arith.constant 2912 : index
    %swap3A_369 = tpu.vector_load %arg6[%swap3A_368] {strides = array<i32>} : memref<4096xf32, #tpu.memory_space<vmem>>, vector<16xf32>,
    tpu.vector_store %arg6[%swap3A_368], %broadcast_in_dim3A_4 {strides = array<i32>} : memref<4096xf32, #tpu.memory_space<vmem>>, vector<16xf32>,
    %swap3A_370 = arith.constant 2928 : index
    %swap3A_371 = tpu.vector_load %arg6[%swap3A_370] {strides = array<i32>} : memref<4096xf32, #tpu.memory_space<vmem>>, vector<16xf32>,
    tpu.vector_store %arg6[%swap3A_370], %broadcast_in_dim3A_4 {strides = array<i32>} : memref<4096xf32, #tpu.memory_space<vmem>>, vector<16xf32>,
    %swap3A_372 = arith.constant 2944 : index
    %swap3A_373 = tpu.vector_load %arg6[%swap3A_372] {strides = array<i32>} : memref<4096xf32, #tpu.memory_space<vmem>>, vector<16xf32>,
    tpu.vector_store %arg6[%swap3A_372], %broadcast_in_dim3A_4 {strides = array<i32>} : memref<4096xf32, #tpu.memory_space<vmem>>, vector<16xf32>,
    %swap3A_374 = arith.constant 2960 : index
    %swap3A_375 = tpu.vector_load %arg6[%swap3A_374] {strides = array<i32>} : memref<4096xf32, #tpu.memory_space<vmem>>, vector<16xf32>,
    tpu.vector_store %arg6[%swap3A_374], %broadcast_in_dim3A_4 {strides = array<i32>} : memref<4096xf32, #tpu.memory_space<vmem>>, vector<16xf32>,
    %swap3A_376 = arith.constant 2976 : index
    %swap3A_377 = tpu.vector_load %arg6[%swap3A_376] {strides = array<i32>} : memref<4096xf32, #tpu.memory_space<vmem>>, vector<16xf32>,
    tpu.vector_store %arg6[%swap3A_376], %broadcast_in_dim3A_4 {strides = array<i32>} : memref<4096xf32, #tpu.memory_space<vmem>>, vector<16xf32>,
    %swap3A_378 = arith.constant 2992 : index
    %swap3A_379 = tpu.vector_load %arg6[%swap3A_378] {strides = array<i32>} : memref<4096xf32, #tpu.memory_space<vmem>>, vector<16xf32>,
    tpu.vector_store %arg6[%swap3A_378], %broadcast_in_dim3A_4 {strides = array<i32>} : memref<4096xf32, #tpu.memory_space<vmem>>, vector<16xf32>,
    %swap3A_380 = arith.constant 3008 : index
    %swap3A_381 = tpu.vector_load %arg6[%swap3A_380] {strides = array<i32>} : memref<4096xf32, #tpu.memory_space<vmem>>, vector<16xf32>,
    tpu.vector_store %arg6[%swap3A_380], %broadcast_in_dim3A_4 {strides = array<i32>} : memref<4096xf32, #tpu.memory_space<vmem>>, vector<16xf32>,
    %swap3A_382 = arith.constant 3024 : index
    %swap3A_383 = tpu.vector_load %arg6[%swap3A_382] {strides = array<i32>} : memref<4096xf32, #tpu.memory_space<vmem>>, vector<16xf32>,
    tpu.vector_store %arg6[%swap3A_382], %broadcast_in_dim3A_4 {strides = array<i32>} : memref<4096xf32, #tpu.memory_space<vmem>>, vector<16xf32>,
    %swap3A_384 = arith.constant 3040 : index
    %swap3A_385 = tpu.vector_load %arg6[%swap3A_384] {strides = array<i32>} : memref<4096xf32, #tpu.memory_space<vmem>>, vector<16xf32>,
    tpu.vector_store %arg6[%swap3A_384], %broadcast_in_dim3A_4 {strides = array<i32>} : memref<4096xf32, #tpu.memory_space<vmem>>, vector<16xf32>,
    %swap3A_386 = arith.constant 3056 : index
    %swap3A_387 = tpu.vector_load %arg6[%swap3A_386] {strides = array<i32>} : memref<4096xf32, #tpu.memory_space<vmem>>, vector<16xf32>,
    tpu.vector_store %arg6[%swap3A_386], %broadcast_in_dim3A_4 {strides = array<i32>} : memref<4096xf32, #tpu.memory_space<vmem>>, vector<16xf32>,
    %swap3A_388 = arith.constant 3072 : index
    %swap3A_389 = tpu.vector_load %arg6[%swap3A_388] {strides = array<i32>} : memref<4096xf32, #tpu.memory_space<vmem>>, vector<16xf32>,
    tpu.vector_store %arg6[%swap3A_388], %broadcast_in_dim3A_4 {strides = array<i32>} : memref<4096xf32, #tpu.memory_space<vmem>>, vector<16xf32>,
    %swap3A_390 = arith.constant 3088 : index
    %swap3A_391 = tpu.vector_load %arg6[%swap3A_390] {strides = array<i32>} : memref<4096xf32, #tpu.memory_space<vmem>>, vector<16xf32>,
    tpu.vector_store %arg6[%swap3A_390], %broadcast_in_dim3A_4 {strides = array<i32>} : memref<4096xf32, #tpu.memory_space<vmem>>, vector<16xf32>,
    %swap3A_392 = arith.constant 3104 : index
    %swap3A_393 = tpu.vector_load %arg6[%swap3A_392] {strides = array<i32>} : memref<4096xf32, #tpu.memory_space<vmem>>, vector<16xf32>,
    tpu.vector_store %arg6[%swap3A_392], %broadcast_in_dim3A_4 {strides = array<i32>} : memref<4096xf32, #tpu.memory_space<vmem>>, vector<16xf32>,
    %swap3A_394 = arith.constant 3120 : index
    %swap3A_395 = tpu.vector_load %arg6[%swap3A_394] {strides = array<i32>} : memref<4096xf32, #tpu.memory_space<vmem>>, vector<16xf32>,
    tpu.vector_store %arg6[%swap3A_394], %broadcast_in_dim3A_4 {strides = array<i32>} : memref<4096xf32, #tpu.memory_space<vmem>>, vector<16xf32>,
    %swap3A_396 = arith.constant 3136 : index
    %swap3A_397 = tpu.vector_load %arg6[%swap3A_396] {strides = array<i32>} : memref<4096xf32, #tpu.memory_space<vmem>>, vector<16xf32>,
    tpu.vector_store %arg6[%swap3A_396], %broadcast_in_dim3A_4 {strides = array<i32>} : memref<4096xf32, #tpu.memory_space<vmem>>, vector<16xf32>,
    %swap3A_398 = arith.constant 3152 : index
    %swap3A_399 = tpu.vector_load %arg6[%swap3A_398] {strides = array<i32>} : memref<4096xf32, #tpu.memory_space<vmem>>, vector<16xf32>,
    tpu.vector_store %arg6[%swap3A_398], %broadcast_in_dim3A_4 {strides = array<i32>} : memref<4096xf32, #tpu.memory_space<vmem>>, vector<16xf32>,
    %swap3A_400 = arith.constant 3168 : index
    %swap3A_401 = tpu.vector_load %arg6[%swap3A_400] {strides = array<i32>} : memref<4096xf32, #tpu.memory_space<vmem>>, vector<16xf32>,
    tpu.vector_store %arg6[%swap3A_400], %broadcast_in_dim3A_4 {strides = array<i32>} : memref<4096xf32, #tpu.memory_space<vmem>>, vector<16xf32>,
    %swap3A_402 = arith.constant 3184 : index
    %swap3A_403 = tpu.vector_load %arg6[%swap3A_402] {strides = array<i32>} : memref<4096xf32, #tpu.memory_space<vmem>>, vector<16xf32>,
    tpu.vector_store %arg6[%swap3A_402], %broadcast_in_dim3A_4 {strides = array<i32>} : memref<4096xf32, #tpu.memory_space<vmem>>, vector<16xf32>,
    %swap3A_404 = arith.constant 3200 : index
    %swap3A_405 = tpu.vector_load %arg6[%swap3A_404] {strides = array<i32>} : memref<4096xf32, #tpu.memory_space<vmem>>, vector<16xf32>,
    tpu.vector_store %arg6[%swap3A_404], %broadcast_in_dim3A_4 {strides = array<i32>} : memref<4096xf32, #tpu.memory_space<vmem>>, vector<16xf32>,
    %swap3A_406 = arith.constant 3216 : index
    %swap3A_407 = tpu.vector_load %arg6[%swap3A_406] {strides = array<i32>} : memref<4096xf32, #tpu.memory_space<vmem>>, vector<16xf32>,
    tpu.vector_store %arg6[%swap3A_406], %broadcast_in_dim3A_4 {strides = array<i32>} : memref<4096xf32, #tpu.memory_space<vmem>>, vector<16xf32>,
    %swap3A_408 = arith.constant 3232 : index
    %swap3A_409 = tpu.vector_load %arg6[%swap3A_408] {strides = array<i32>} : memref<4096xf32, #tpu.memory_space<vmem>>, vector<16xf32>,
    tpu.vector_store %arg6[%swap3A_408], %broadcast_in_dim3A_4 {strides = array<i32>} : memref<4096xf32, #tpu.memory_space<vmem>>, vector<16xf32>,
    %swap3A_410 = arith.constant 3248 : index
    %swap3A_411 = tpu.vector_load %arg6[%swap3A_410] {strides = array<i32>} : memref<4096xf32, #tpu.memory_space<vmem>>, vector<16xf32>,
    tpu.vector_store %arg6[%swap3A_410], %broadcast_in_dim3A_4 {strides = array<i32>} : memref<4096xf32, #tpu.memory_space<vmem>>, vector<16xf32>,
    %swap3A_412 = arith.constant 3264 : index
    %swap3A_413 = tpu.vector_load %arg6[%swap3A_412] {strides = array<i32>} : memref<4096xf32, #tpu.memory_space<vmem>>, vector<16xf32>,
    tpu.vector_store %arg6[%swap3A_412], %broadcast_in_dim3A_4 {strides = array<i32>} : memref<4096xf32, #tpu.memory_space<vmem>>, vector<16xf32>,
    %swap3A_414 = arith.constant 3280 : index
    %swap3A_415 = tpu.vector_load %arg6[%swap3A_414] {strides = array<i32>} : memref<4096xf32, #tpu.memory_space<vmem>>, vector<16xf32>,
    tpu.vector_store %arg6[%swap3A_414], %broadcast_in_dim3A_4 {strides = array<i32>} : memref<4096xf32, #tpu.memory_space<vmem>>, vector<16xf32>,
    %swap3A_416 = arith.constant 3296 : index
    %swap3A_417 = tpu.vector_load %arg6[%swap3A_416] {strides = array<i32>} : memref<4096xf32, #tpu.memory_space<vmem>>, vector<16xf32>,
    tpu.vector_store %arg6[%swap3A_416], %broadcast_in_dim3A_4 {strides = array<i32>} : memref<4096xf32, #tpu.memory_space<vmem>>, vector<16xf32>,
    %swap3A_418 = arith.constant 3312 : index
    %swap3A_419 = tpu.vector_load %arg6[%swap3A_418] {strides = array<i32>} : memref<4096xf32, #tpu.memory_space<vmem>>, vector<16xf32>,
    tpu.vector_store %arg6[%swap3A_418], %broadcast_in_dim3A_4 {strides = array<i32>} : memref<4096xf32, #tpu.memory_space<vmem>>, vector<16xf32>,
    %swap3A_420 = arith.constant 3328 : index
    %swap3A_421 = tpu.vector_load %arg6[%swap3A_420] {strides = array<i32>} : memref<4096xf32, #tpu.memory_space<vmem>>, vector<16xf32>,
    tpu.vector_store %arg6[%swap3A_420], %broadcast_in_dim3A_4 {strides = array<i32>} : memref<4096xf32, #tpu.memory_space<vmem>>, vector<16xf32>,
    %swap3A_422 = arith.constant 3344 : index
    %swap3A_423 = tpu.vector_load %arg6[%swap3A_422] {strides = array<i32>} : memref<4096xf32, #tpu.memory_space<vmem>>, vector<16xf32>,
    tpu.vector_store %arg6[%swap3A_422], %broadcast_in_dim3A_4 {strides = array<i32>} : memref<4096xf32, #tpu.memory_space<vmem>>, vector<16xf32>,
    %swap3A_424 = arith.constant 3360 : index
    %swap3A_425 = tpu.vector_load %arg6[%swap3A_424] {strides = array<i32>} : memref<4096xf32, #tpu.memory_space<vmem>>, vector<16xf32>,
    tpu.vector_store %arg6[%swap3A_424], %broadcast_in_dim3A_4 {strides = array<i32>} : memref<4096xf32, #tpu.memory_space<vmem>>, vector<16xf32>,
    %swap3A_426 = arith.constant 3376 : index
    %swap3A_427 = tpu.vector_load %arg6[%swap3A_426] {strides = array<i32>} : memref<4096xf32, #tpu.memory_space<vmem>>, vector<16xf32>,
    tpu.vector_store %arg6[%swap3A_426], %broadcast_in_dim3A_4 {strides = array<i32>} : memref<4096xf32, #tpu.memory_space<vmem>>, vector<16xf32>,
    %swap3A_428 = arith.constant 3392 : index
    %swap3A_429 = tpu.vector_load %arg6[%swap3A_428] {strides = array<i32>} : memref<4096xf32, #tpu.memory_space<vmem>>, vector<16xf32>,
    tpu.vector_store %arg6[%swap3A_428], %broadcast_in_dim3A_4 {strides = array<i32>} : memref<4096xf32, #tpu.memory_space<vmem>>, vector<16xf32>,
    %swap3A_430 = arith.constant 3408 : index
    %swap3A_431 = tpu.vector_load %arg6[%swap3A_430] {strides = array<i32>} : memref<4096xf32, #tpu.memory_space<vmem>>, vector<16xf32>,
    tpu.vector_store %arg6[%swap3A_430], %broadcast_in_dim3A_4 {strides = array<i32>} : memref<4096xf32, #tpu.memory_space<vmem>>, vector<16xf32>,
    %swap3A_432 = arith.constant 3424 : index
    %swap3A_433 = tpu.vector_load %arg6[%swap3A_432] {strides = array<i32>} : memref<4096xf32, #tpu.memory_space<vmem>>, vector<16xf32>,
    tpu.vector_store %arg6[%swap3A_432], %broadcast_in_dim3A_4 {strides = array<i32>} : memref<4096xf32, #tpu.memory_space<vmem>>, vector<16xf32>,
    %swap3A_434 = arith.constant 3440 : index
    %swap3A_435 = tpu.vector_load %arg6[%swap3A_434] {strides = array<i32>} : memref<4096xf32, #tpu.memory_space<vmem>>, vector<16xf32>,
    tpu.vector_store %arg6[%swap3A_434], %broadcast_in_dim3A_4 {strides = array<i32>} : memref<4096xf32, #tpu.memory_space<vmem>>, vector<16xf32>,
    %swap3A_436 = arith.constant 3456 : index
    %swap3A_437 = tpu.vector_load %arg6[%swap3A_436] {strides = array<i32>} : memref<4096xf32, #tpu.memory_space<vmem>>, vector<16xf32>,
    tpu.vector_store %arg6[%swap3A_436], %broadcast_in_dim3A_4 {strides = array<i32>} : memref<4096xf32, #tpu.memory_space<vmem>>, vector<16xf32>,
    %swap3A_438 = arith.constant 3472 : index
    %swap3A_439 = tpu.vector_load %arg6[%swap3A_438] {strides = array<i32>} : memref<4096xf32, #tpu.memory_space<vmem>>, vector<16xf32>,
    tpu.vector_store %arg6[%swap3A_438], %broadcast_in_dim3A_4 {strides = array<i32>} : memref<4096xf32, #tpu.memory_space<vmem>>, vector<16xf32>,
    %swap3A_440 = arith.constant 3488 : index
    %swap3A_441 = tpu.vector_load %arg6[%swap3A_440] {strides = array<i32>} : memref<4096xf32, #tpu.memory_space<vmem>>, vector<16xf32>,
    tpu.vector_store %arg6[%swap3A_440], %broadcast_in_dim3A_4 {strides = array<i32>} : memref<4096xf32, #tpu.memory_space<vmem>>, vector<16xf32>,
    %swap3A_442 = arith.constant 3504 : index
    %swap3A_443 = tpu.vector_load %arg6[%swap3A_442] {strides = array<i32>} : memref<4096xf32, #tpu.memory_space<vmem>>, vector<16xf32>,
    tpu.vector_store %arg6[%swap3A_442], %broadcast_in_dim3A_4 {strides = array<i32>} : memref<4096xf32, #tpu.memory_space<vmem>>, vector<16xf32>,
    %swap3A_444 = arith.constant 3520 : index
    %swap3A_445 = tpu.vector_load %arg6[%swap3A_444] {strides = array<i32>} : memref<4096xf32, #tpu.memory_space<vmem>>, vector<16xf32>,
    tpu.vector_store %arg6[%swap3A_444], %broadcast_in_dim3A_4 {strides = array<i32>} : memref<4096xf32, #tpu.memory_space<vmem>>, vector<16xf32>,
    %swap3A_446 = arith.constant 3536 : index
    %swap3A_447 = tpu.vector_load %arg6[%swap3A_446] {strides = array<i32>} : memref<4096xf32, #tpu.memory_space<vmem>>, vector<16xf32>,
    tpu.vector_store %arg6[%swap3A_446], %broadcast_in_dim3A_4 {strides = array<i32>} : memref<4096xf32, #tpu.memory_space<vmem>>, vector<16xf32>,
    %swap3A_448 = arith.constant 3552 : index
    %swap3A_449 = tpu.vector_load %arg6[%swap3A_448] {strides = array<i32>} : memref<4096xf32, #tpu.memory_space<vmem>>, vector<16xf32>,
    tpu.vector_store %arg6[%swap3A_448], %broadcast_in_dim3A_4 {strides = array<i32>} : memref<4096xf32, #tpu.memory_space<vmem>>, vector<16xf32>,
    %swap3A_450 = arith.constant 3568 : index
    %swap3A_451 = tpu.vector_load %arg6[%swap3A_450] {strides = array<i32>} : memref<4096xf32, #tpu.memory_space<vmem>>, vector<16xf32>,
    tpu.vector_store %arg6[%swap3A_450], %broadcast_in_dim3A_4 {strides = array<i32>} : memref<4096xf32, #tpu.memory_space<vmem>>, vector<16xf32>,
    %swap3A_452 = arith.constant 3584 : index
    %swap3A_453 = tpu.vector_load %arg6[%swap3A_452] {strides = array<i32>} : memref<4096xf32, #tpu.memory_space<vmem>>, vector<16xf32>,
    tpu.vector_store %arg6[%swap3A_452], %broadcast_in_dim3A_4 {strides = array<i32>} : memref<4096xf32, #tpu.memory_space<vmem>>, vector<16xf32>,
    %swap3A_454 = arith.constant 3600 : index
    %swap3A_455 = tpu.vector_load %arg6[%swap3A_454] {strides = array<i32>} : memref<4096xf32, #tpu.memory_space<vmem>>, vector<16xf32>,
    tpu.vector_store %arg6[%swap3A_454], %broadcast_in_dim3A_4 {strides = array<i32>} : memref<4096xf32, #tpu.memory_space<vmem>>, vector<16xf32>,
    %swap3A_456 = arith.constant 3616 : index
    %swap3A_457 = tpu.vector_load %arg6[%swap3A_456] {strides = array<i32>} : memref<4096xf32, #tpu.memory_space<vmem>>, vector<16xf32>,
    tpu.vector_store %arg6[%swap3A_456], %broadcast_in_dim3A_4 {strides = array<i32>} : memref<4096xf32, #tpu.memory_space<vmem>>, vector<16xf32>,
    %swap3A_458 = arith.constant 3632 : index
    %swap3A_459 = tpu.vector_load %arg6[%swap3A_458] {strides = array<i32>} : memref<4096xf32, #tpu.memory_space<vmem>>, vector<16xf32>,
    tpu.vector_store %arg6[%swap3A_458], %broadcast_in_dim3A_4 {strides = array<i32>} : memref<4096xf32, #tpu.memory_space<vmem>>, vector<16xf32>,
    %swap3A_460 = arith.constant 3648 : index
    %swap3A_461 = tpu.vector_load %arg6[%swap3A_460] {strides = array<i32>} : memref<4096xf32, #tpu.memory_space<vmem>>, vector<16xf32>,
    tpu.vector_store %arg6[%swap3A_460], %broadcast_in_dim3A_4 {strides = array<i32>} : memref<4096xf32, #tpu.memory_space<vmem>>, vector<16xf32>,
    %swap3A_462 = arith.constant 3664 : index
    %swap3A_463 = tpu.vector_load %arg6[%swap3A_462] {strides = array<i32>} : memref<4096xf32, #tpu.memory_space<vmem>>, vector<16xf32>,
    tpu.vector_store %arg6[%swap3A_462], %broadcast_in_dim3A_4 {strides = array<i32>} : memref<4096xf32, #tpu.memory_space<vmem>>, vector<16xf32>,
    %swap3A_464 = arith.constant 3680 : index
    %swap3A_465 = tpu.vector_load %arg6[%swap3A_464] {strides = array<i32>} : memref<4096xf32, #tpu.memory_space<vmem>>, vector<16xf32>,
    tpu.vector_store %arg6[%swap3A_464], %broadcast_in_dim3A_4 {strides = array<i32>} : memref<4096xf32, #tpu.memory_space<vmem>>, vector<16xf32>,
    %swap3A_466 = arith.constant 3696 : index
    %swap3A_467 = tpu.vector_load %arg6[%swap3A_466] {strides = array<i32>} : memref<4096xf32, #tpu.memory_space<vmem>>, vector<16xf32>,
    tpu.vector_store %arg6[%swap3A_466], %broadcast_in_dim3A_4 {strides = array<i32>} : memref<4096xf32, #tpu.memory_space<vmem>>, vector<16xf32>,
    %swap3A_468 = arith.constant 3712 : index
    %swap3A_469 = tpu.vector_load %arg6[%swap3A_468] {strides = array<i32>} : memref<4096xf32, #tpu.memory_space<vmem>>, vector<16xf32>,
    tpu.vector_store %arg6[%swap3A_468], %broadcast_in_dim3A_4 {strides = array<i32>} : memref<4096xf32, #tpu.memory_space<vmem>>, vector<16xf32>,
    %swap3A_470 = arith.constant 3728 : index
    %swap3A_471 = tpu.vector_load %arg6[%swap3A_470] {strides = array<i32>} : memref<4096xf32, #tpu.memory_space<vmem>>, vector<16xf32>,
    tpu.vector_store %arg6[%swap3A_470], %broadcast_in_dim3A_4 {strides = array<i32>} : memref<4096xf32, #tpu.memory_space<vmem>>, vector<16xf32>,
    %swap3A_472 = arith.constant 3744 : index
    %swap3A_473 = tpu.vector_load %arg6[%swap3A_472] {strides = array<i32>} : memref<4096xf32, #tpu.memory_space<vmem>>, vector<16xf32>,
    tpu.vector_store %arg6[%swap3A_472], %broadcast_in_dim3A_4 {strides = array<i32>} : memref<4096xf32, #tpu.memory_space<vmem>>, vector<16xf32>,
    %swap3A_474 = arith.constant 3760 : index
    %swap3A_475 = tpu.vector_load %arg6[%swap3A_474] {strides = array<i32>} : memref<4096xf32, #tpu.memory_space<vmem>>, vector<16xf32>,
    tpu.vector_store %arg6[%swap3A_474], %broadcast_in_dim3A_4 {strides = array<i32>} : memref<4096xf32, #tpu.memory_space<vmem>>, vector<16xf32>,
    %swap3A_476 = arith.constant 3776 : index
    %swap3A_477 = tpu.vector_load %arg6[%swap3A_476] {strides = array<i32>} : memref<4096xf32, #tpu.memory_space<vmem>>, vector<16xf32>,
    tpu.vector_store %arg6[%swap3A_476], %broadcast_in_dim3A_4 {strides = array<i32>} : memref<4096xf32, #tpu.memory_space<vmem>>, vector<16xf32>,
    %swap3A_478 = arith.constant 3792 : index
    %swap3A_479 = tpu.vector_load %arg6[%swap3A_478] {strides = array<i32>} : memref<4096xf32, #tpu.memory_space<vmem>>, vector<16xf32>,
    tpu.vector_store %arg6[%swap3A_478], %broadcast_in_dim3A_4 {strides = array<i32>} : memref<4096xf32, #tpu.memory_space<vmem>>, vector<16xf32>,
    %swap3A_480 = arith.constant 3808 : index
    %swap3A_481 = tpu.vector_load %arg6[%swap3A_480] {strides = array<i32>} : memref<4096xf32, #tpu.memory_space<vmem>>, vector<16xf32>,
    tpu.vector_store %arg6[%swap3A_480], %broadcast_in_dim3A_4 {strides = array<i32>} : memref<4096xf32, #tpu.memory_space<vmem>>, vector<16xf32>,
    %swap3A_482 = arith.constant 3824 : index
    %swap3A_483 = tpu.vector_load %arg6[%swap3A_482] {strides = array<i32>} : memref<4096xf32, #tpu.memory_space<vmem>>, vector<16xf32>,
    tpu.vector_store %arg6[%swap3A_482], %broadcast_in_dim3A_4 {strides = array<i32>} : memref<4096xf32, #tpu.memory_space<vmem>>, vector<16xf32>,
    %swap3A_484 = arith.constant 3840 : index
    %swap3A_485 = tpu.vector_load %arg6[%swap3A_484] {strides = array<i32>} : memref<4096xf32, #tpu.memory_space<vmem>>, vector<16xf32>,
    tpu.vector_store %arg6[%swap3A_484], %broadcast_in_dim3A_4 {strides = array<i32>} : memref<4096xf32, #tpu.memory_space<vmem>>, vector<16xf32>,
    %swap3A_486 = arith.constant 3856 : index
    %swap3A_487 = tpu.vector_load %arg6[%swap3A_486] {strides = array<i32>} : memref<4096xf32, #tpu.memory_space<vmem>>, vector<16xf32>,
    tpu.vector_store %arg6[%swap3A_486], %broadcast_in_dim3A_4 {strides = array<i32>} : memref<4096xf32, #tpu.memory_space<vmem>>, vector<16xf32>,
    %swap3A_488 = arith.constant 3872 : index
    %swap3A_489 = tpu.vector_load %arg6[%swap3A_488] {strides = array<i32>} : memref<4096xf32, #tpu.memory_space<vmem>>, vector<16xf32>,
    tpu.vector_store %arg6[%swap3A_488], %broadcast_in_dim3A_4 {strides = array<i32>} : memref<4096xf32, #tpu.memory_space<vmem>>, vector<16xf32>,
    %swap3A_490 = arith.constant 3888 : index
    %swap3A_491 = tpu.vector_load %arg6[%swap3A_490] {strides = array<i32>} : memref<4096xf32, #tpu.memory_space<vmem>>, vector<16xf32>,
    tpu.vector_store %arg6[%swap3A_490], %broadcast_in_dim3A_4 {strides = array<i32>} : memref<4096xf32, #tpu.memory_space<vmem>>, vector<16xf32>,
    %swap3A_492 = arith.constant 3904 : index
    %swap3A_493 = tpu.vector_load %arg6[%swap3A_492] {strides = array<i32>} : memref<4096xf32, #tpu.memory_space<vmem>>, vector<16xf32>,
    tpu.vector_store %arg6[%swap3A_492], %broadcast_in_dim3A_4 {strides = array<i32>} : memref<4096xf32, #tpu.memory_space<vmem>>, vector<16xf32>,
    %swap3A_494 = arith.constant 3920 : index
    %swap3A_495 = tpu.vector_load %arg6[%swap3A_494] {strides = array<i32>} : memref<4096xf32, #tpu.memory_space<vmem>>, vector<16xf32>,
    tpu.vector_store %arg6[%swap3A_494], %broadcast_in_dim3A_4 {strides = array<i32>} : memref<4096xf32, #tpu.memory_space<vmem>>, vector<16xf32>,
    %swap3A_496 = arith.constant 3936 : index
    %swap3A_497 = tpu.vector_load %arg6[%swap3A_496] {strides = array<i32>} : memref<4096xf32, #tpu.memory_space<vmem>>, vector<16xf32>,
    tpu.vector_store %arg6[%swap3A_496], %broadcast_in_dim3A_4 {strides = array<i32>} : memref<4096xf32, #tpu.memory_space<vmem>>, vector<16xf32>,
    %swap3A_498 = arith.constant 3952 : index
    %swap3A_499 = tpu.vector_load %arg6[%swap3A_498] {strides = array<i32>} : memref<4096xf32, #tpu.memory_space<vmem>>, vector<16xf32>,
    tpu.vector_store %arg6[%swap3A_498], %broadcast_in_dim3A_4 {strides = array<i32>} : memref<4096xf32, #tpu.memory_space<vmem>>, vector<16xf32>,
    %swap3A_500 = arith.constant 3968 : index
    %swap3A_501 = tpu.vector_load %arg6[%swap3A_500] {strides = array<i32>} : memref<4096xf32, #tpu.memory_space<vmem>>, vector<16xf32>,
    tpu.vector_store %arg6[%swap3A_500], %broadcast_in_dim3A_4 {strides = array<i32>} : memref<4096xf32, #tpu.memory_space<vmem>>, vector<16xf32>,
    %swap3A_502 = arith.constant 3984 : index
    %swap3A_503 = tpu.vector_load %arg6[%swap3A_502] {strides = array<i32>} : memref<4096xf32, #tpu.memory_space<vmem>>, vector<16xf32>,
    tpu.vector_store %arg6[%swap3A_502], %broadcast_in_dim3A_4 {strides = array<i32>} : memref<4096xf32, #tpu.memory_space<vmem>>, vector<16xf32>,
    %swap3A_504 = arith.constant 4000 : index
    %swap3A_505 = tpu.vector_load %arg6[%swap3A_504] {strides = array<i32>} : memref<4096xf32, #tpu.memory_space<vmem>>, vector<16xf32>,
    tpu.vector_store %arg6[%swap3A_504], %broadcast_in_dim3A_4 {strides = array<i32>} : memref<4096xf32, #tpu.memory_space<vmem>>, vector<16xf32>,
    %swap3A_506 = arith.constant 4016 : index
    %swap3A_507 = tpu.vector_load %arg6[%swap3A_506] {strides = array<i32>} : memref<4096xf32, #tpu.memory_space<vmem>>, vector<16xf32>,
    tpu.vector_store %arg6[%swap3A_506], %broadcast_in_dim3A_4 {strides = array<i32>} : memref<4096xf32, #tpu.memory_space<vmem>>, vector<16xf32>,
    %swap3A_508 = arith.constant 4032 : index
    %swap3A_509 = tpu.vector_load %arg6[%swap3A_508] {strides = array<i32>} : memref<4096xf32, #tpu.memory_space<vmem>>, vector<16xf32>,
    tpu.vector_store %arg6[%swap3A_508], %broadcast_in_dim3A_4 {strides = array<i32>} : memref<4096xf32, #tpu.memory_space<vmem>>, vector<16xf32>,
    %swap3A_510 = arith.constant 4048 : index
    %swap3A_511 = tpu.vector_load %arg6[%swap3A_510] {strides = array<i32>} : memref<4096xf32, #tpu.memory_space<vmem>>, vector<16xf32>,
    tpu.vector_store %arg6[%swap3A_510], %broadcast_in_dim3A_4 {strides = array<i32>} : memref<4096xf32, #tpu.memory_space<vmem>>, vector<16xf32>,
    %swap3A_512 = arith.constant 4064 : index
    %swap3A_513 = tpu.vector_load %arg6[%swap3A_512] {strides = array<i32>} : memref<4096xf32, #tpu.memory_space<vmem>>, vector<16xf32>,
    tpu.vector_store %arg6[%swap3A_512], %broadcast_in_dim3A_4 {strides = array<i32>} : memref<4096xf32, #tpu.memory_space<vmem>>, vector<16xf32>,
    %swap3A_514 = arith.constant 4080 : index
    %swap3A_515 = tpu.vector_load %arg6[%swap3A_514] {strides = array<i32>} : memref<4096xf32, #tpu.memory_space<vmem>>, vector<16xf32>,
    tpu.vector_store %arg6[%swap3A_514], %broadcast_in_dim3A_4 {strides = array<i32>} : memref<4096xf32, #tpu.memory_space<vmem>>, vector<16xf32>,
    %mul3A_516 = arith.constant 384 : i32
    %mul3A_517 = arith.muli %add3A, %mul3A_516 : i32
    %add3A_518 = arith.constant 0 : i32
    %add3A_519 = arith.addi %mul3A_517, %add3A_518 : i32
    %dma_start3A = arith.constant 0 : i32
    %dma_start3A_520 = tpu.memref_slice %arg2[%add3A_519, %dma_start3A] : memref<32768x256xf32, #tpu.memory_space<hbm>> -> memref<128x256xf32, #tpu.memory_space<hbm>>
    %dma_start3A_521 = arith.constant 0 : i32
    %dma_start3A_522 = tpu.memref_slice %arg2[%add3A_519, %dma_start3A_521] : memref<32768x256xf32, #tpu.memory_space<hbm>> -> memref<128x256xf32, #tpu.memory_space<hbm>>
    tpu.enqueue_dma source(%dma_start3A_522 : memref<128x256xf32, #tpu.memory_space<hbm>>) target(%arg4 : memref<128x256xf32, #tpu.memory_space<vmem>>) target_semaphore(%arg10 : memref<!tpu.dma_semaphore, #tpu.memory_space<semaphore_mem>>)
    %add3A_523 = arith.constant 128 : i32
    %add3A_524 = arith.addi %mul3A_517, %add3A_523 : i32
    %dma_start3A_525 = arith.constant 0 : i32
    %dma_start3A_526 = tpu.memref_slice %arg2[%add3A_524, %dma_start3A_525] : memref<32768x256xf32, #tpu.memory_space<hbm>> -> memref<128x256xf32, #tpu.memory_space<hbm>>
    %dma_start3A_527 = arith.constant 0 : i32
    %dma_start3A_528 = tpu.memref_slice %arg2[%add3A_524, %dma_start3A_527] : memref<32768x256xf32, #tpu.memory_space<hbm>> -> memref<128x256xf32, #tpu.memory_space<hbm>>
    tpu.enqueue_dma source(%dma_start3A_528 : memref<128x256xf32, #tpu.memory_space<hbm>>) target(%arg5 : memref<128x256xf32, #tpu.memory_space<vmem>>) target_semaphore(%arg11 : memref<!tpu.dma_semaphore, #tpu.memory_space<semaphore_mem>>)
    %dma_wait3A = arith.constant 0 : i32
    %dma_wait3A_529 = tpu.memref_slice %arg2[%add3A_519, %dma_wait3A] : memref<32768x256xf32, #tpu.memory_space<hbm>> -> memref<128x256xf32, #tpu.memory_space<hbm>>
    %dma_wait3A_530 = arith.constant 0 : i32
    %dma_wait3A_531 = tpu.memref_slice %arg2[%add3A_519, %dma_wait3A_530] : memref<32768x256xf32, #tpu.memory_space<hbm>> -> memref<128x256xf32, #tpu.memory_space<hbm>>
    tpu.wait_dma2 semaphore(%arg10 : memref<!tpu.dma_semaphore, #tpu.memory_space<semaphore_mem>>) src(%dma_wait3A_531 : memref<128x256xf32, #tpu.memory_space<hbm>>) dst(%arg4 : memref<128x256xf32, #tpu.memory_space<vmem>>)
    %parallel_loop3A = arith.constant 0 : i32
    %parallel_loop3A_532 = arith.constant 2048 : i32
    %parallel_loop3A_533 = arith.constant 1 : i32
    scf.for %parallel_loop3A_1376 = %parallel_loop3A to %parallel_loop3A_532 step %parallel_loop3A_533  : i32 {
      %parallel_loop3A_1377 = arith.constant 4 : i32
      %parallel_loop3A_1378 = arith.shrui %parallel_loop3A_1376, %parallel_loop3A_1377 : i32
      %parallel_loop3A_1379 = arith.constant 15 : i32
      %parallel_loop3A_1380 = arith.andi %parallel_loop3A_1376, %parallel_loop3A_1379 : i32
      %parallel_loop3A_1381 = arith.constant 16 : i32
      %parallel_loop3A_1382 = arith.muli %parallel_loop3A_1380, %parallel_loop3A_1381 : i32
      %parallel_loop3A_1383 = arith.index_cast %parallel_loop3A_1378 : i32 to index
      %parallel_loop3A_1384 = arith.index_cast %parallel_loop3A_1382 : i32 to index
      %parallel_loop3A_1385 = tpu.vector_load %arg4[%parallel_loop3A_1383, %parallel_loop3A_1384] {strides = array<i32>} : memref<128x256xf32, #tpu.memory_space<vmem>>, vector<16xf32>,
      %parallel_loop3A_1386 = arith.constant 160 : i32
      %parallel_loop3A_1387 = arith.muli %parallel_loop3A_1380, %parallel_loop3A_1386 : i32
      %parallel_loop3A_1388 = vector.broadcast %parallel_loop3A_1387 : i32 to vector<16xi32>
      %parallel_loop3A_1389 = arith.addi %mul3A_3, %parallel_loop3A_1388 : vector<16xi32>
      %parallel_loop3A_1390 = arith.constant 0.000000e+00 : f32
      %parallel_loop3A_1391 = vector.broadcast %parallel_loop3A_1390 : f32 to vector<16xf32>
      %parallel_loop3A_1392 = arith.subf %parallel_loop3A_1391, %parallel_loop3A_1385 : vector<16xf32>
      %parallel_loop3A_1393 = math.exp %parallel_loop3A_1392 : vector<16xf32>
      %parallel_loop3A_1394 = arith.constant 1.000000e+00 : f32
      %parallel_loop3A_1395 = vector.broadcast %parallel_loop3A_1394 : f32 to vector<16xf32>
      %parallel_loop3A_1396 = arith.addf %parallel_loop3A_1395, %parallel_loop3A_1393 : vector<16xf32>
      %parallel_loop3A_1397 = arith.constant 8.000000e+00 : f32
      %parallel_loop3A_1398 = vector.broadcast %parallel_loop3A_1397 : f32 to vector<16xf32>
      %parallel_loop3A_1399 = arith.divf %parallel_loop3A_1398, %parallel_loop3A_1396 : vector<16xf32>
      %parallel_loop3A_1400 = arith.constant 5.000000e-01 : f32
      %parallel_loop3A_1401 = vector.broadcast %parallel_loop3A_1400 : f32 to vector<16xf32>
      %parallel_loop3A_1402 = arith.addf %parallel_loop3A_1399, %parallel_loop3A_1401 : vector<16xf32>
      %parallel_loop3A_1403 = arith.fptosi %parallel_loop3A_1402 : vector<16xf32> to vector<16xi32>
      %parallel_loop3A_1404 = arith.sitofp %parallel_loop3A_1403 : vector<16xi32> to vector<16xf32>
      %parallel_loop3A_1405 = arith.subf %parallel_loop3A_1404, %parallel_loop3A_1399 : vector<16xf32>
      %parallel_loop3A_1406 = arith.constant 1.250000e+02 : f32
      %parallel_loop3A_1407 = vector.broadcast %parallel_loop3A_1406 : f32 to vector<16xf32>
      %parallel_loop3A_1408 = arith.mulf %parallel_loop3A_1407, %parallel_loop3A_1405 : vector<16xf32>
      %parallel_loop3A_1409 = math.exp %parallel_loop3A_1408 : vector<16xf32>
      %parallel_loop3A_1410 = arith.constant 1.000000e+00 : f32
      %parallel_loop3A_1411 = vector.broadcast %parallel_loop3A_1410 : f32 to vector<16xf32>
      %parallel_loop3A_1412 = arith.addf %parallel_loop3A_1411, %parallel_loop3A_1409 : vector<16xf32>
      %parallel_loop3A_1413 = arith.constant 1.000000e+00 : f32
      %parallel_loop3A_1414 = vector.broadcast %parallel_loop3A_1413 : f32 to vector<16xf32>
      %parallel_loop3A_1415 = arith.divf %parallel_loop3A_1414, %parallel_loop3A_1412 : vector<16xf32>
      %parallel_loop3A_1416 = arith.mulf %parallel_loop3A_1409, %parallel_loop3A_1415 : vector<16xf32>
      %parallel_loop3A_1417 = arith.addi %parallel_loop3A_1389, %parallel_loop3A_1403 : vector<16xi32>
      %parallel_loop3A_1418 = arith.constant 1 : i32
      %parallel_loop3A_1419 = vector.broadcast %parallel_loop3A_1418 : i32 to vector<16xi32>
      %parallel_loop3A_1420 = arith.addi %parallel_loop3A_1417, %parallel_loop3A_1419 : vector<16xi32>
      tpu.vector_store_idx %arg6[%parallel_loop3A_1420], %parallel_loop3A_1415 {add = true} : memref<4096xf32, #tpu.memory_space<vmem>>[vector<16xi32>], vector<16xf32>,
      tpu.vector_store_idx %arg6[%parallel_loop3A_1417], %parallel_loop3A_1416 {add = true} : memref<4096xf32, #tpu.memory_space<vmem>>[vector<16xi32>], vector<16xf32>,
    } {sc.loop_unroll_factor = 8 : i64, sc.parallel_access}
    %add3A_534 = arith.constant 256 : i32
    %add3A_535 = arith.addi %mul3A_517, %add3A_534 : i32
    %dma_start3A_536 = arith.constant 0 : i32
    %dma_start3A_537 = tpu.memref_slice %arg2[%add3A_535, %dma_start3A_536] : memref<32768x256xf32, #tpu.memory_space<hbm>> -> memref<128x256xf32, #tpu.memory_space<hbm>>
    %dma_start3A_538 = arith.constant 0 : i32
    %dma_start3A_539 = tpu.memref_slice %arg2[%add3A_535, %dma_start3A_538] : memref<32768x256xf32, #tpu.memory_space<hbm>> -> memref<128x256xf32, #tpu.memory_space<hbm>>
    tpu.enqueue_dma source(%dma_start3A_539 : memref<128x256xf32, #tpu.memory_space<hbm>>) target(%arg4 : memref<128x256xf32, #tpu.memory_space<vmem>>) target_semaphore(%arg10 : memref<!tpu.dma_semaphore, #tpu.memory_space<semaphore_mem>>)
    %dma_wait3A_540 = arith.constant 0 : i32
    %dma_wait3A_541 = tpu.memref_slice %arg2[%add3A_524, %dma_wait3A_540] : memref<32768x256xf32, #tpu.memory_space<hbm>> -> memref<128x256xf32, #tpu.memory_space<hbm>>
    %dma_wait3A_542 = arith.constant 0 : i32
    %dma_wait3A_543 = tpu.memref_slice %arg2[%add3A_524, %dma_wait3A_542] : memref<32768x256xf32, #tpu.memory_space<hbm>> -> memref<128x256xf32, #tpu.memory_space<hbm>>
    tpu.wait_dma2 semaphore(%arg11 : memref<!tpu.dma_semaphore, #tpu.memory_space<semaphore_mem>>) src(%dma_wait3A_543 : memref<128x256xf32, #tpu.memory_space<hbm>>) dst(%arg5 : memref<128x256xf32, #tpu.memory_space<vmem>>)
    %parallel_loop3A_544 = arith.constant 0 : i32
    %parallel_loop3A_545 = arith.constant 2048 : i32
    %parallel_loop3A_546 = arith.constant 1 : i32
    scf.for %parallel_loop3A_1376 = %parallel_loop3A_544 to %parallel_loop3A_545 step %parallel_loop3A_546  : i32 {
      %parallel_loop3A_1377 = arith.constant 4 : i32
      %parallel_loop3A_1378 = arith.shrui %parallel_loop3A_1376, %parallel_loop3A_1377 : i32
      %parallel_loop3A_1379 = arith.constant 15 : i32
      %parallel_loop3A_1380 = arith.andi %parallel_loop3A_1376, %parallel_loop3A_1379 : i32
      %parallel_loop3A_1381 = arith.constant 16 : i32
      %parallel_loop3A_1382 = arith.muli %parallel_loop3A_1380, %parallel_loop3A_1381 : i32
      %parallel_loop3A_1383 = arith.index_cast %parallel_loop3A_1378 : i32 to index
      %parallel_loop3A_1384 = arith.index_cast %parallel_loop3A_1382 : i32 to index
      %parallel_loop3A_1385 = tpu.vector_load %arg5[%parallel_loop3A_1383, %parallel_loop3A_1384] {strides = array<i32>} : memref<128x256xf32, #tpu.memory_space<vmem>>, vector<16xf32>,
      %parallel_loop3A_1386 = arith.constant 160 : i32
      %parallel_loop3A_1387 = arith.muli %parallel_loop3A_1380, %parallel_loop3A_1386 : i32
      %parallel_loop3A_1388 = vector.broadcast %parallel_loop3A_1387 : i32 to vector<16xi32>
      %parallel_loop3A_1389 = arith.addi %mul3A_3, %parallel_loop3A_1388 : vector<16xi32>
      %parallel_loop3A_1390 = arith.constant 0.000000e+00 : f32
      %parallel_loop3A_1391 = vector.broadcast %parallel_loop3A_1390 : f32 to vector<16xf32>
      %parallel_loop3A_1392 = arith.subf %parallel_loop3A_1391, %parallel_loop3A_1385 : vector<16xf32>
      %parallel_loop3A_1393 = math.exp %parallel_loop3A_1392 : vector<16xf32>
      %parallel_loop3A_1394 = arith.constant 1.000000e+00 : f32
      %parallel_loop3A_1395 = vector.broadcast %parallel_loop3A_1394 : f32 to vector<16xf32>
      %parallel_loop3A_1396 = arith.addf %parallel_loop3A_1395, %parallel_loop3A_1393 : vector<16xf32>
      %parallel_loop3A_1397 = arith.constant 8.000000e+00 : f32
      %parallel_loop3A_1398 = vector.broadcast %parallel_loop3A_1397 : f32 to vector<16xf32>
      %parallel_loop3A_1399 = arith.divf %parallel_loop3A_1398, %parallel_loop3A_1396 : vector<16xf32>
      %parallel_loop3A_1400 = arith.constant 5.000000e-01 : f32
      %parallel_loop3A_1401 = vector.broadcast %parallel_loop3A_1400 : f32 to vector<16xf32>
      %parallel_loop3A_1402 = arith.addf %parallel_loop3A_1399, %parallel_loop3A_1401 : vector<16xf32>
      %parallel_loop3A_1403 = arith.fptosi %parallel_loop3A_1402 : vector<16xf32> to vector<16xi32>
      %parallel_loop3A_1404 = arith.sitofp %parallel_loop3A_1403 : vector<16xi32> to vector<16xf32>
      %parallel_loop3A_1405 = arith.subf %parallel_loop3A_1404, %parallel_loop3A_1399 : vector<16xf32>
      %parallel_loop3A_1406 = arith.constant 1.250000e+02 : f32
      %parallel_loop3A_1407 = vector.broadcast %parallel_loop3A_1406 : f32 to vector<16xf32>
      %parallel_loop3A_1408 = arith.mulf %parallel_loop3A_1407, %parallel_loop3A_1405 : vector<16xf32>
      %parallel_loop3A_1409 = math.exp %parallel_loop3A_1408 : vector<16xf32>
      %parallel_loop3A_1410 = arith.constant 1.000000e+00 : f32
      %parallel_loop3A_1411 = vector.broadcast %parallel_loop3A_1410 : f32 to vector<16xf32>
      %parallel_loop3A_1412 = arith.addf %parallel_loop3A_1411, %parallel_loop3A_1409 : vector<16xf32>
      %parallel_loop3A_1413 = arith.constant 1.000000e+00 : f32
      %parallel_loop3A_1414 = vector.broadcast %parallel_loop3A_1413 : f32 to vector<16xf32>
      %parallel_loop3A_1415 = arith.divf %parallel_loop3A_1414, %parallel_loop3A_1412 : vector<16xf32>
      %parallel_loop3A_1416 = arith.mulf %parallel_loop3A_1409, %parallel_loop3A_1415 : vector<16xf32>
      %parallel_loop3A_1417 = arith.addi %parallel_loop3A_1389, %parallel_loop3A_1403 : vector<16xi32>
      %parallel_loop3A_1418 = arith.constant 1 : i32
      %parallel_loop3A_1419 = vector.broadcast %parallel_loop3A_1418 : i32 to vector<16xi32>
      %parallel_loop3A_1420 = arith.addi %parallel_loop3A_1417, %parallel_loop3A_1419 : vector<16xi32>
      tpu.vector_store_idx %arg6[%parallel_loop3A_1420], %parallel_loop3A_1415 {add = true} : memref<4096xf32, #tpu.memory_space<vmem>>[vector<16xi32>], vector<16xf32>,
      tpu.vector_store_idx %arg6[%parallel_loop3A_1417], %parallel_loop3A_1416 {add = true} : memref<4096xf32, #tpu.memory_space<vmem>>[vector<16xi32>], vector<16xf32>,
    } {sc.loop_unroll_factor = 8 : i64, sc.parallel_access}
    %dma_wait3A_547 = arith.constant 0 : i32
    %dma_wait3A_548 = tpu.memref_slice %arg2[%add3A_535, %dma_wait3A_547] : memref<32768x256xf32, #tpu.memory_space<hbm>> -> memref<128x256xf32, #tpu.memory_space<hbm>>
    %dma_wait3A_549 = arith.constant 0 : i32
    %dma_wait3A_550 = tpu.memref_slice %arg2[%add3A_535, %dma_wait3A_549] : memref<32768x256xf32, #tpu.memory_space<hbm>> -> memref<128x256xf32, #tpu.memory_space<hbm>>
    tpu.wait_dma2 semaphore(%arg10 : memref<!tpu.dma_semaphore, #tpu.memory_space<semaphore_mem>>) src(%dma_wait3A_550 : memref<128x256xf32, #tpu.memory_space<hbm>>) dst(%arg4 : memref<128x256xf32, #tpu.memory_space<vmem>>)
    %parallel_loop3A_551 = arith.constant 0 : i32
    %parallel_loop3A_552 = arith.constant 2048 : i32
    %parallel_loop3A_553 = arith.constant 1 : i32
    scf.for %parallel_loop3A_1376 = %parallel_loop3A_551 to %parallel_loop3A_552 step %parallel_loop3A_553  : i32 {
      %parallel_loop3A_1377 = arith.constant 4 : i32
      %parallel_loop3A_1378 = arith.shrui %parallel_loop3A_1376, %parallel_loop3A_1377 : i32
      %parallel_loop3A_1379 = arith.constant 15 : i32
      %parallel_loop3A_1380 = arith.andi %parallel_loop3A_1376, %parallel_loop3A_1379 : i32
      %parallel_loop3A_1381 = arith.constant 16 : i32
      %parallel_loop3A_1382 = arith.muli %parallel_loop3A_1380, %parallel_loop3A_1381 : i32
      %parallel_loop3A_1383 = arith.index_cast %parallel_loop3A_1378 : i32 to index
      %parallel_loop3A_1384 = arith.index_cast %parallel_loop3A_1382 : i32 to index
      %parallel_loop3A_1385 = tpu.vector_load %arg4[%parallel_loop3A_1383, %parallel_loop3A_1384] {strides = array<i32>} : memref<128x256xf32, #tpu.memory_space<vmem>>, vector<16xf32>,
      %parallel_loop3A_1386 = arith.constant 160 : i32
      %parallel_loop3A_1387 = arith.muli %parallel_loop3A_1380, %parallel_loop3A_1386 : i32
      %parallel_loop3A_1388 = vector.broadcast %parallel_loop3A_1387 : i32 to vector<16xi32>
      %parallel_loop3A_1389 = arith.addi %mul3A_3, %parallel_loop3A_1388 : vector<16xi32>
      %parallel_loop3A_1390 = arith.constant 0.000000e+00 : f32
      %parallel_loop3A_1391 = vector.broadcast %parallel_loop3A_1390 : f32 to vector<16xf32>
      %parallel_loop3A_1392 = arith.subf %parallel_loop3A_1391, %parallel_loop3A_1385 : vector<16xf32>
      %parallel_loop3A_1393 = math.exp %parallel_loop3A_1392 : vector<16xf32>
      %parallel_loop3A_1394 = arith.constant 1.000000e+00 : f32
      %parallel_loop3A_1395 = vector.broadcast %parallel_loop3A_1394 : f32 to vector<16xf32>
      %parallel_loop3A_1396 = arith.addf %parallel_loop3A_1395, %parallel_loop3A_1393 : vector<16xf32>
      %parallel_loop3A_1397 = arith.constant 8.000000e+00 : f32
      %parallel_loop3A_1398 = vector.broadcast %parallel_loop3A_1397 : f32 to vector<16xf32>
      %parallel_loop3A_1399 = arith.divf %parallel_loop3A_1398, %parallel_loop3A_1396 : vector<16xf32>
      %parallel_loop3A_1400 = arith.constant 5.000000e-01 : f32
      %parallel_loop3A_1401 = vector.broadcast %parallel_loop3A_1400 : f32 to vector<16xf32>
      %parallel_loop3A_1402 = arith.addf %parallel_loop3A_1399, %parallel_loop3A_1401 : vector<16xf32>
      %parallel_loop3A_1403 = arith.fptosi %parallel_loop3A_1402 : vector<16xf32> to vector<16xi32>
      %parallel_loop3A_1404 = arith.sitofp %parallel_loop3A_1403 : vector<16xi32> to vector<16xf32>
      %parallel_loop3A_1405 = arith.subf %parallel_loop3A_1404, %parallel_loop3A_1399 : vector<16xf32>
      %parallel_loop3A_1406 = arith.constant 1.250000e+02 : f32
      %parallel_loop3A_1407 = vector.broadcast %parallel_loop3A_1406 : f32 to vector<16xf32>
      %parallel_loop3A_1408 = arith.mulf %parallel_loop3A_1407, %parallel_loop3A_1405 : vector<16xf32>
      %parallel_loop3A_1409 = math.exp %parallel_loop3A_1408 : vector<16xf32>
      %parallel_loop3A_1410 = arith.constant 1.000000e+00 : f32
      %parallel_loop3A_1411 = vector.broadcast %parallel_loop3A_1410 : f32 to vector<16xf32>
      %parallel_loop3A_1412 = arith.addf %parallel_loop3A_1411, %parallel_loop3A_1409 : vector<16xf32>
      %parallel_loop3A_1413 = arith.constant 1.000000e+00 : f32
      %parallel_loop3A_1414 = vector.broadcast %parallel_loop3A_1413 : f32 to vector<16xf32>
      %parallel_loop3A_1415 = arith.divf %parallel_loop3A_1414, %parallel_loop3A_1412 : vector<16xf32>
      %parallel_loop3A_1416 = arith.mulf %parallel_loop3A_1409, %parallel_loop3A_1415 : vector<16xf32>
      %parallel_loop3A_1417 = arith.addi %parallel_loop3A_1389, %parallel_loop3A_1403 : vector<16xi32>
      %parallel_loop3A_1418 = arith.constant 1 : i32
      %parallel_loop3A_1419 = vector.broadcast %parallel_loop3A_1418 : i32 to vector<16xi32>
      %parallel_loop3A_1420 = arith.addi %parallel_loop3A_1417, %parallel_loop3A_1419 : vector<16xi32>
      tpu.vector_store_idx %arg6[%parallel_loop3A_1420], %parallel_loop3A_1415 {add = true} : memref<4096xf32, #tpu.memory_space<vmem>>[vector<16xi32>], vector<16xf32>,
      tpu.vector_store_idx %arg6[%parallel_loop3A_1417], %parallel_loop3A_1416 {add = true} : memref<4096xf32, #tpu.memory_space<vmem>>[vector<16xi32>], vector<16xf32>,
    } {sc.loop_unroll_factor = 8 : i64, sc.parallel_access}
    %mul3A_554 = arith.constant 4096 : i32
    %mul3A_555 = arith.muli %arg1, %mul3A_554 : i32
    "tpu.region"() ({
      %run_scoped3A = tpu.sem_alloc : memref<!tpu.dma_semaphore, #tpu.memory_space<semaphore_mem>>
      %dma_start3A_1376 = tpu.memref_slice %arg7[%mul3A_555] : memref<65536xf32, #tpu.memory_space<vmem_shared>> -> memref<4096xf32, #tpu.memory_space<vmem_shared>>
      %dma_start3A_1377 = tpu.memref_slice %arg7[%mul3A_555] : memref<65536xf32, #tpu.memory_space<vmem_shared>> -> memref<4096xf32, #tpu.memory_space<vmem_shared>>
      tpu.enqueue_dma source(%arg6 : memref<4096xf32, #tpu.memory_space<vmem>>) target(%dma_start3A_1377 : memref<4096xf32, #tpu.memory_space<vmem_shared>>) target_semaphore(%run_scoped3A : memref<!tpu.dma_semaphore, #tpu.memory_space<semaphore_mem>>)
      %dma_wait3A_1378 = tpu.memref_slice %arg7[%mul3A_555] : memref<65536xf32, #tpu.memory_space<vmem_shared>> -> memref<4096xf32, #tpu.memory_space<vmem_shared>>
      %dma_wait3A_1379 = tpu.memref_slice %arg7[%mul3A_555] : memref<65536xf32, #tpu.memory_space<vmem_shared>> -> memref<4096xf32, #tpu.memory_space<vmem_shared>>
      tpu.wait_dma2 semaphore(%run_scoped3A : memref<!tpu.dma_semaphore, #tpu.memory_space<semaphore_mem>>) src(%arg6 : memref<4096xf32, #tpu.memory_space<vmem>>) dst(%dma_wait3A_1379 : memref<4096xf32, #tpu.memory_space<vmem_shared>>)
      tpu.yield
    }) : () -> ()
    %barrier3A = arith.constant 0 : index
    tpu.barrier barrier_id(%barrier3A)
    %mul3A_556 = arith.constant 256 : i32
    %mul3A_557 = arith.muli %arg1, %mul3A_556 : i32
    %add3A_558 = arith.constant 0 : i32
    %add3A_559 = arith.addi %add3A_558, %mul3A_557 : i32
    "tpu.region"() ({
      %run_scoped3A = tpu.sem_alloc : memref<!tpu.dma_semaphore, #tpu.memory_space<semaphore_mem>>
      %dma_start3A_1376 = arith.constant 0 : i32
      %dma_start3A_1377 = tpu.memref_slice %arg8[%dma_start3A_1376] : memref<4096xf32, #tpu.memory_space<vmem>> -> memref<256xf32, #tpu.memory_space<vmem>>
      %dma_start3A_1378 = tpu.memref_slice %arg7[%add3A_559] : memref<65536xf32, #tpu.memory_space<vmem_shared>> -> memref<256xf32, #tpu.memory_space<vmem_shared>>
      %dma_start3A_1379 = arith.constant 0 : i32
      %dma_start3A_1380 = tpu.memref_slice %arg8[%dma_start3A_1379] : memref<4096xf32, #tpu.memory_space<vmem>> -> memref<256xf32, #tpu.memory_space<vmem>>
      %dma_start3A_1381 = tpu.memref_slice %arg7[%add3A_559] : memref<65536xf32, #tpu.memory_space<vmem_shared>> -> memref<256xf32, #tpu.memory_space<vmem_shared>>
      tpu.enqueue_dma source(%dma_start3A_1381 : memref<256xf32, #tpu.memory_space<vmem_shared>>) target(%dma_start3A_1380 : memref<256xf32, #tpu.memory_space<vmem>>) target_semaphore(%run_scoped3A : memref<!tpu.dma_semaphore, #tpu.memory_space<semaphore_mem>>)
      %dma_wait3A_1382 = arith.constant 0 : i32
      %dma_wait3A_1383 = tpu.memref_slice %arg8[%dma_wait3A_1382] : memref<4096xf32, #tpu.memory_space<vmem>> -> memref<256xf32, #tpu.memory_space<vmem>>
      %dma_wait3A_1384 = tpu.memref_slice %arg7[%add3A_559] : memref<65536xf32, #tpu.memory_space<vmem_shared>> -> memref<256xf32, #tpu.memory_space<vmem_shared>>
      %dma_wait3A_1385 = arith.constant 0 : i32
      %dma_wait3A_1386 = tpu.memref_slice %arg8[%dma_wait3A_1385] : memref<4096xf32, #tpu.memory_space<vmem>> -> memref<256xf32, #tpu.memory_space<vmem>>
      %dma_wait3A_1387 = tpu.memref_slice %arg7[%add3A_559] : memref<65536xf32, #tpu.memory_space<vmem_shared>> -> memref<256xf32, #tpu.memory_space<vmem_shared>>
      tpu.wait_dma2 semaphore(%run_scoped3A : memref<!tpu.dma_semaphore, #tpu.memory_space<semaphore_mem>>) src(%dma_wait3A_1387 : memref<256xf32, #tpu.memory_space<vmem_shared>>) dst(%dma_wait3A_1386 : memref<256xf32, #tpu.memory_space<vmem>>)
      tpu.yield
    }) : () -> ()
    %add3A_560 = arith.constant 4096 : i32
    %add3A_561 = arith.addi %add3A_560, %mul3A_557 : i32
    "tpu.region"() ({
      %run_scoped3A = tpu.sem_alloc : memref<!tpu.dma_semaphore, #tpu.memory_space<semaphore_mem>>
      %dma_start3A_1376 = arith.constant 256 : i32
      %dma_start3A_1377 = tpu.memref_slice %arg8[%dma_start3A_1376] : memref<4096xf32, #tpu.memory_space<vmem>> -> memref<256xf32, #tpu.memory_space<vmem>>
      %dma_start3A_1378 = tpu.memref_slice %arg7[%add3A_561] : memref<65536xf32, #tpu.memory_space<vmem_shared>> -> memref<256xf32, #tpu.memory_space<vmem_shared>>
      %dma_start3A_1379 = arith.constant 256 : i32
      %dma_start3A_1380 = tpu.memref_slice %arg8[%dma_start3A_1379] : memref<4096xf32, #tpu.memory_space<vmem>> -> memref<256xf32, #tpu.memory_space<vmem>>
      %dma_start3A_1381 = tpu.memref_slice %arg7[%add3A_561] : memref<65536xf32, #tpu.memory_space<vmem_shared>> -> memref<256xf32, #tpu.memory_space<vmem_shared>>
      tpu.enqueue_dma source(%dma_start3A_1381 : memref<256xf32, #tpu.memory_space<vmem_shared>>) target(%dma_start3A_1380 : memref<256xf32, #tpu.memory_space<vmem>>) target_semaphore(%run_scoped3A : memref<!tpu.dma_semaphore, #tpu.memory_space<semaphore_mem>>)
      %dma_wait3A_1382 = arith.constant 256 : i32
      %dma_wait3A_1383 = tpu.memref_slice %arg8[%dma_wait3A_1382] : memref<4096xf32, #tpu.memory_space<vmem>> -> memref<256xf32, #tpu.memory_space<vmem>>
      %dma_wait3A_1384 = tpu.memref_slice %arg7[%add3A_561] : memref<65536xf32, #tpu.memory_space<vmem_shared>> -> memref<256xf32, #tpu.memory_space<vmem_shared>>
      %dma_wait3A_1385 = arith.constant 256 : i32
      %dma_wait3A_1386 = tpu.memref_slice %arg8[%dma_wait3A_1385] : memref<4096xf32, #tpu.memory_space<vmem>> -> memref<256xf32, #tpu.memory_space<vmem>>
      %dma_wait3A_1387 = tpu.memref_slice %arg7[%add3A_561] : memref<65536xf32, #tpu.memory_space<vmem_shared>> -> memref<256xf32, #tpu.memory_space<vmem_shared>>
      tpu.wait_dma2 semaphore(%run_scoped3A : memref<!tpu.dma_semaphore, #tpu.memory_space<semaphore_mem>>) src(%dma_wait3A_1387 : memref<256xf32, #tpu.memory_space<vmem_shared>>) dst(%dma_wait3A_1386 : memref<256xf32, #tpu.memory_space<vmem>>)
      tpu.yield
    }) : () -> ()
    %add3A_562 = arith.constant 8192 : i32
    %add3A_563 = arith.addi %add3A_562, %mul3A_557 : i32
    "tpu.region"() ({
      %run_scoped3A = tpu.sem_alloc : memref<!tpu.dma_semaphore, #tpu.memory_space<semaphore_mem>>
      %dma_start3A_1376 = arith.constant 512 : i32
      %dma_start3A_1377 = tpu.memref_slice %arg8[%dma_start3A_1376] : memref<4096xf32, #tpu.memory_space<vmem>> -> memref<256xf32, #tpu.memory_space<vmem>>
      %dma_start3A_1378 = tpu.memref_slice %arg7[%add3A_563] : memref<65536xf32, #tpu.memory_space<vmem_shared>> -> memref<256xf32, #tpu.memory_space<vmem_shared>>
      %dma_start3A_1379 = arith.constant 512 : i32
      %dma_start3A_1380 = tpu.memref_slice %arg8[%dma_start3A_1379] : memref<4096xf32, #tpu.memory_space<vmem>> -> memref<256xf32, #tpu.memory_space<vmem>>
      %dma_start3A_1381 = tpu.memref_slice %arg7[%add3A_563] : memref<65536xf32, #tpu.memory_space<vmem_shared>> -> memref<256xf32, #tpu.memory_space<vmem_shared>>
      tpu.enqueue_dma source(%dma_start3A_1381 : memref<256xf32, #tpu.memory_space<vmem_shared>>) target(%dma_start3A_1380 : memref<256xf32, #tpu.memory_space<vmem>>) target_semaphore(%run_scoped3A : memref<!tpu.dma_semaphore, #tpu.memory_space<semaphore_mem>>)
      %dma_wait3A_1382 = arith.constant 512 : i32
      %dma_wait3A_1383 = tpu.memref_slice %arg8[%dma_wait3A_1382] : memref<4096xf32, #tpu.memory_space<vmem>> -> memref<256xf32, #tpu.memory_space<vmem>>
      %dma_wait3A_1384 = tpu.memref_slice %arg7[%add3A_563] : memref<65536xf32, #tpu.memory_space<vmem_shared>> -> memref<256xf32, #tpu.memory_space<vmem_shared>>
      %dma_wait3A_1385 = arith.constant 512 : i32
      %dma_wait3A_1386 = tpu.memref_slice %arg8[%dma_wait3A_1385] : memref<4096xf32, #tpu.memory_space<vmem>> -> memref<256xf32, #tpu.memory_space<vmem>>
      %dma_wait3A_1387 = tpu.memref_slice %arg7[%add3A_563] : memref<65536xf32, #tpu.memory_space<vmem_shared>> -> memref<256xf32, #tpu.memory_space<vmem_shared>>
      tpu.wait_dma2 semaphore(%run_scoped3A : memref<!tpu.dma_semaphore, #tpu.memory_space<semaphore_mem>>) src(%dma_wait3A_1387 : memref<256xf32, #tpu.memory_space<vmem_shared>>) dst(%dma_wait3A_1386 : memref<256xf32, #tpu.memory_space<vmem>>)
      tpu.yield
    }) : () -> ()
    %add3A_564 = arith.constant 12288 : i32
    %add3A_565 = arith.addi %add3A_564, %mul3A_557 : i32
    "tpu.region"() ({
      %run_scoped3A = tpu.sem_alloc : memref<!tpu.dma_semaphore, #tpu.memory_space<semaphore_mem>>
      %dma_start3A_1376 = arith.constant 768 : i32
      %dma_start3A_1377 = tpu.memref_slice %arg8[%dma_start3A_1376] : memref<4096xf32, #tpu.memory_space<vmem>> -> memref<256xf32, #tpu.memory_space<vmem>>
      %dma_start3A_1378 = tpu.memref_slice %arg7[%add3A_565] : memref<65536xf32, #tpu.memory_space<vmem_shared>> -> memref<256xf32, #tpu.memory_space<vmem_shared>>
      %dma_start3A_1379 = arith.constant 768 : i32
      %dma_start3A_1380 = tpu.memref_slice %arg8[%dma_start3A_1379] : memref<4096xf32, #tpu.memory_space<vmem>> -> memref<256xf32, #tpu.memory_space<vmem>>
      %dma_start3A_1381 = tpu.memref_slice %arg7[%add3A_565] : memref<65536xf32, #tpu.memory_space<vmem_shared>> -> memref<256xf32, #tpu.memory_space<vmem_shared>>
      tpu.enqueue_dma source(%dma_start3A_1381 : memref<256xf32, #tpu.memory_space<vmem_shared>>) target(%dma_start3A_1380 : memref<256xf32, #tpu.memory_space<vmem>>) target_semaphore(%run_scoped3A : memref<!tpu.dma_semaphore, #tpu.memory_space<semaphore_mem>>)
      %dma_wait3A_1382 = arith.constant 768 : i32
      %dma_wait3A_1383 = tpu.memref_slice %arg8[%dma_wait3A_1382] : memref<4096xf32, #tpu.memory_space<vmem>> -> memref<256xf32, #tpu.memory_space<vmem>>
      %dma_wait3A_1384 = tpu.memref_slice %arg7[%add3A_565] : memref<65536xf32, #tpu.memory_space<vmem_shared>> -> memref<256xf32, #tpu.memory_space<vmem_shared>>
      %dma_wait3A_1385 = arith.constant 768 : i32
      %dma_wait3A_1386 = tpu.memref_slice %arg8[%dma_wait3A_1385] : memref<4096xf32, #tpu.memory_space<vmem>> -> memref<256xf32, #tpu.memory_space<vmem>>
      %dma_wait3A_1387 = tpu.memref_slice %arg7[%add3A_565] : memref<65536xf32, #tpu.memory_space<vmem_shared>> -> memref<256xf32, #tpu.memory_space<vmem_shared>>
      tpu.wait_dma2 semaphore(%run_scoped3A : memref<!tpu.dma_semaphore, #tpu.memory_space<semaphore_mem>>) src(%dma_wait3A_1387 : memref<256xf32, #tpu.memory_space<vmem_shared>>) dst(%dma_wait3A_1386 : memref<256xf32, #tpu.memory_space<vmem>>)
      tpu.yield
    }) : () -> ()
    %add3A_566 = arith.constant 16384 : i32
    %add3A_567 = arith.addi %add3A_566, %mul3A_557 : i32
    "tpu.region"() ({
      %run_scoped3A = tpu.sem_alloc : memref<!tpu.dma_semaphore, #tpu.memory_space<semaphore_mem>>
      %dma_start3A_1376 = arith.constant 1024 : i32
      %dma_start3A_1377 = tpu.memref_slice %arg8[%dma_start3A_1376] : memref<4096xf32, #tpu.memory_space<vmem>> -> memref<256xf32, #tpu.memory_space<vmem>>
      %dma_start3A_1378 = tpu.memref_slice %arg7[%add3A_567] : memref<65536xf32, #tpu.memory_space<vmem_shared>> -> memref<256xf32, #tpu.memory_space<vmem_shared>>
      %dma_start3A_1379 = arith.constant 1024 : i32
      %dma_start3A_1380 = tpu.memref_slice %arg8[%dma_start3A_1379] : memref<4096xf32, #tpu.memory_space<vmem>> -> memref<256xf32, #tpu.memory_space<vmem>>
      %dma_start3A_1381 = tpu.memref_slice %arg7[%add3A_567] : memref<65536xf32, #tpu.memory_space<vmem_shared>> -> memref<256xf32, #tpu.memory_space<vmem_shared>>
      tpu.enqueue_dma source(%dma_start3A_1381 : memref<256xf32, #tpu.memory_space<vmem_shared>>) target(%dma_start3A_1380 : memref<256xf32, #tpu.memory_space<vmem>>) target_semaphore(%run_scoped3A : memref<!tpu.dma_semaphore, #tpu.memory_space<semaphore_mem>>)
      %dma_wait3A_1382 = arith.constant 1024 : i32
      %dma_wait3A_1383 = tpu.memref_slice %arg8[%dma_wait3A_1382] : memref<4096xf32, #tpu.memory_space<vmem>> -> memref<256xf32, #tpu.memory_space<vmem>>
      %dma_wait3A_1384 = tpu.memref_slice %arg7[%add3A_567] : memref<65536xf32, #tpu.memory_space<vmem_shared>> -> memref<256xf32, #tpu.memory_space<vmem_shared>>
      %dma_wait3A_1385 = arith.constant 1024 : i32
      %dma_wait3A_1386 = tpu.memref_slice %arg8[%dma_wait3A_1385] : memref<4096xf32, #tpu.memory_space<vmem>> -> memref<256xf32, #tpu.memory_space<vmem>>
      %dma_wait3A_1387 = tpu.memref_slice %arg7[%add3A_567] : memref<65536xf32, #tpu.memory_space<vmem_shared>> -> memref<256xf32, #tpu.memory_space<vmem_shared>>
      tpu.wait_dma2 semaphore(%run_scoped3A : memref<!tpu.dma_semaphore, #tpu.memory_space<semaphore_mem>>) src(%dma_wait3A_1387 : memref<256xf32, #tpu.memory_space<vmem_shared>>) dst(%dma_wait3A_1386 : memref<256xf32, #tpu.memory_space<vmem>>)
      tpu.yield
    }) : () -> ()
    %add3A_568 = arith.constant 20480 : i32
    %add3A_569 = arith.addi %add3A_568, %mul3A_557 : i32
    "tpu.region"() ({
      %run_scoped3A = tpu.sem_alloc : memref<!tpu.dma_semaphore, #tpu.memory_space<semaphore_mem>>
      %dma_start3A_1376 = arith.constant 1280 : i32
      %dma_start3A_1377 = tpu.memref_slice %arg8[%dma_start3A_1376] : memref<4096xf32, #tpu.memory_space<vmem>> -> memref<256xf32, #tpu.memory_space<vmem>>
      %dma_start3A_1378 = tpu.memref_slice %arg7[%add3A_569] : memref<65536xf32, #tpu.memory_space<vmem_shared>> -> memref<256xf32, #tpu.memory_space<vmem_shared>>
      %dma_start3A_1379 = arith.constant 1280 : i32
      %dma_start3A_1380 = tpu.memref_slice %arg8[%dma_start3A_1379] : memref<4096xf32, #tpu.memory_space<vmem>> -> memref<256xf32, #tpu.memory_space<vmem>>
      %dma_start3A_1381 = tpu.memref_slice %arg7[%add3A_569] : memref<65536xf32, #tpu.memory_space<vmem_shared>> -> memref<256xf32, #tpu.memory_space<vmem_shared>>
      tpu.enqueue_dma source(%dma_start3A_1381 : memref<256xf32, #tpu.memory_space<vmem_shared>>) target(%dma_start3A_1380 : memref<256xf32, #tpu.memory_space<vmem>>) target_semaphore(%run_scoped3A : memref<!tpu.dma_semaphore, #tpu.memory_space<semaphore_mem>>)
      %dma_wait3A_1382 = arith.constant 1280 : i32
      %dma_wait3A_1383 = tpu.memref_slice %arg8[%dma_wait3A_1382] : memref<4096xf32, #tpu.memory_space<vmem>> -> memref<256xf32, #tpu.memory_space<vmem>>
      %dma_wait3A_1384 = tpu.memref_slice %arg7[%add3A_569] : memref<65536xf32, #tpu.memory_space<vmem_shared>> -> memref<256xf32, #tpu.memory_space<vmem_shared>>
      %dma_wait3A_1385 = arith.constant 1280 : i32
      %dma_wait3A_1386 = tpu.memref_slice %arg8[%dma_wait3A_1385] : memref<4096xf32, #tpu.memory_space<vmem>> -> memref<256xf32, #tpu.memory_space<vmem>>
      %dma_wait3A_1387 = tpu.memref_slice %arg7[%add3A_569] : memref<65536xf32, #tpu.memory_space<vmem_shared>> -> memref<256xf32, #tpu.memory_space<vmem_shared>>
      tpu.wait_dma2 semaphore(%run_scoped3A : memref<!tpu.dma_semaphore, #tpu.memory_space<semaphore_mem>>) src(%dma_wait3A_1387 : memref<256xf32, #tpu.memory_space<vmem_shared>>) dst(%dma_wait3A_1386 : memref<256xf32, #tpu.memory_space<vmem>>)
      tpu.yield
    }) : () -> ()
    %add3A_570 = arith.constant 24576 : i32
    %add3A_571 = arith.addi %add3A_570, %mul3A_557 : i32
    "tpu.region"() ({
      %run_scoped3A = tpu.sem_alloc : memref<!tpu.dma_semaphore, #tpu.memory_space<semaphore_mem>>
      %dma_start3A_1376 = arith.constant 1536 : i32
      %dma_start3A_1377 = tpu.memref_slice %arg8[%dma_start3A_1376] : memref<4096xf32, #tpu.memory_space<vmem>> -> memref<256xf32, #tpu.memory_space<vmem>>
      %dma_start3A_1378 = tpu.memref_slice %arg7[%add3A_571] : memref<65536xf32, #tpu.memory_space<vmem_shared>> -> memref<256xf32, #tpu.memory_space<vmem_shared>>
      %dma_start3A_1379 = arith.constant 1536 : i32
      %dma_start3A_1380 = tpu.memref_slice %arg8[%dma_start3A_1379] : memref<4096xf32, #tpu.memory_space<vmem>> -> memref<256xf32, #tpu.memory_space<vmem>>
      %dma_start3A_1381 = tpu.memref_slice %arg7[%add3A_571] : memref<65536xf32, #tpu.memory_space<vmem_shared>> -> memref<256xf32, #tpu.memory_space<vmem_shared>>
      tpu.enqueue_dma source(%dma_start3A_1381 : memref<256xf32, #tpu.memory_space<vmem_shared>>) target(%dma_start3A_1380 : memref<256xf32, #tpu.memory_space<vmem>>) target_semaphore(%run_scoped3A : memref<!tpu.dma_semaphore, #tpu.memory_space<semaphore_mem>>)
      %dma_wait3A_1382 = arith.constant 1536 : i32
      %dma_wait3A_1383 = tpu.memref_slice %arg8[%dma_wait3A_1382] : memref<4096xf32, #tpu.memory_space<vmem>> -> memref<256xf32, #tpu.memory_space<vmem>>
      %dma_wait3A_1384 = tpu.memref_slice %arg7[%add3A_571] : memref<65536xf32, #tpu.memory_space<vmem_shared>> -> memref<256xf32, #tpu.memory_space<vmem_shared>>
      %dma_wait3A_1385 = arith.constant 1536 : i32
      %dma_wait3A_1386 = tpu.memref_slice %arg8[%dma_wait3A_1385] : memref<4096xf32, #tpu.memory_space<vmem>> -> memref<256xf32, #tpu.memory_space<vmem>>
      %dma_wait3A_1387 = tpu.memref_slice %arg7[%add3A_571] : memref<65536xf32, #tpu.memory_space<vmem_shared>> -> memref<256xf32, #tpu.memory_space<vmem_shared>>
      tpu.wait_dma2 semaphore(%run_scoped3A : memref<!tpu.dma_semaphore, #tpu.memory_space<semaphore_mem>>) src(%dma_wait3A_1387 : memref<256xf32, #tpu.memory_space<vmem_shared>>) dst(%dma_wait3A_1386 : memref<256xf32, #tpu.memory_space<vmem>>)
      tpu.yield
    }) : () -> ()
    %add3A_572 = arith.constant 28672 : i32
    %add3A_573 = arith.addi %add3A_572, %mul3A_557 : i32
    "tpu.region"() ({
      %run_scoped3A = tpu.sem_alloc : memref<!tpu.dma_semaphore, #tpu.memory_space<semaphore_mem>>
      %dma_start3A_1376 = arith.constant 1792 : i32
      %dma_start3A_1377 = tpu.memref_slice %arg8[%dma_start3A_1376] : memref<4096xf32, #tpu.memory_space<vmem>> -> memref<256xf32, #tpu.memory_space<vmem>>
      %dma_start3A_1378 = tpu.memref_slice %arg7[%add3A_573] : memref<65536xf32, #tpu.memory_space<vmem_shared>> -> memref<256xf32, #tpu.memory_space<vmem_shared>>
      %dma_start3A_1379 = arith.constant 1792 : i32
      %dma_start3A_1380 = tpu.memref_slice %arg8[%dma_start3A_1379] : memref<4096xf32, #tpu.memory_space<vmem>> -> memref<256xf32, #tpu.memory_space<vmem>>
      %dma_start3A_1381 = tpu.memref_slice %arg7[%add3A_573] : memref<65536xf32, #tpu.memory_space<vmem_shared>> -> memref<256xf32, #tpu.memory_space<vmem_shared>>
      tpu.enqueue_dma source(%dma_start3A_1381 : memref<256xf32, #tpu.memory_space<vmem_shared>>) target(%dma_start3A_1380 : memref<256xf32, #tpu.memory_space<vmem>>) target_semaphore(%run_scoped3A : memref<!tpu.dma_semaphore, #tpu.memory_space<semaphore_mem>>)
      %dma_wait3A_1382 = arith.constant 1792 : i32
      %dma_wait3A_1383 = tpu.memref_slice %arg8[%dma_wait3A_1382] : memref<4096xf32, #tpu.memory_space<vmem>> -> memref<256xf32, #tpu.memory_space<vmem>>
      %dma_wait3A_1384 = tpu.memref_slice %arg7[%add3A_573] : memref<65536xf32, #tpu.memory_space<vmem_shared>> -> memref<256xf32, #tpu.memory_space<vmem_shared>>
      %dma_wait3A_1385 = arith.constant 1792 : i32
      %dma_wait3A_1386 = tpu.memref_slice %arg8[%dma_wait3A_1385] : memref<4096xf32, #tpu.memory_space<vmem>> -> memref<256xf32, #tpu.memory_space<vmem>>
      %dma_wait3A_1387 = tpu.memref_slice %arg7[%add3A_573] : memref<65536xf32, #tpu.memory_space<vmem_shared>> -> memref<256xf32, #tpu.memory_space<vmem_shared>>
      tpu.wait_dma2 semaphore(%run_scoped3A : memref<!tpu.dma_semaphore, #tpu.memory_space<semaphore_mem>>) src(%dma_wait3A_1387 : memref<256xf32, #tpu.memory_space<vmem_shared>>) dst(%dma_wait3A_1386 : memref<256xf32, #tpu.memory_space<vmem>>)
      tpu.yield
    }) : () -> ()
    %add3A_574 = arith.constant 32768 : i32
    %add3A_575 = arith.addi %add3A_574, %mul3A_557 : i32
    "tpu.region"() ({
      %run_scoped3A = tpu.sem_alloc : memref<!tpu.dma_semaphore, #tpu.memory_space<semaphore_mem>>
      %dma_start3A_1376 = arith.constant 2048 : i32
      %dma_start3A_1377 = tpu.memref_slice %arg8[%dma_start3A_1376] : memref<4096xf32, #tpu.memory_space<vmem>> -> memref<256xf32, #tpu.memory_space<vmem>>
      %dma_start3A_1378 = tpu.memref_slice %arg7[%add3A_575] : memref<65536xf32, #tpu.memory_space<vmem_shared>> -> memref<256xf32, #tpu.memory_space<vmem_shared>>
      %dma_start3A_1379 = arith.constant 2048 : i32
      %dma_start3A_1380 = tpu.memref_slice %arg8[%dma_start3A_1379] : memref<4096xf32, #tpu.memory_space<vmem>> -> memref<256xf32, #tpu.memory_space<vmem>>
      %dma_start3A_1381 = tpu.memref_slice %arg7[%add3A_575] : memref<65536xf32, #tpu.memory_space<vmem_shared>> -> memref<256xf32, #tpu.memory_space<vmem_shared>>
      tpu.enqueue_dma source(%dma_start3A_1381 : memref<256xf32, #tpu.memory_space<vmem_shared>>) target(%dma_start3A_1380 : memref<256xf32, #tpu.memory_space<vmem>>) target_semaphore(%run_scoped3A : memref<!tpu.dma_semaphore, #tpu.memory_space<semaphore_mem>>)
      %dma_wait3A_1382 = arith.constant 2048 : i32
      %dma_wait3A_1383 = tpu.memref_slice %arg8[%dma_wait3A_1382] : memref<4096xf32, #tpu.memory_space<vmem>> -> memref<256xf32, #tpu.memory_space<vmem>>
      %dma_wait3A_1384 = tpu.memref_slice %arg7[%add3A_575] : memref<65536xf32, #tpu.memory_space<vmem_shared>> -> memref<256xf32, #tpu.memory_space<vmem_shared>>
      %dma_wait3A_1385 = arith.constant 2048 : i32
      %dma_wait3A_1386 = tpu.memref_slice %arg8[%dma_wait3A_1385] : memref<4096xf32, #tpu.memory_space<vmem>> -> memref<256xf32, #tpu.memory_space<vmem>>
      %dma_wait3A_1387 = tpu.memref_slice %arg7[%add3A_575] : memref<65536xf32, #tpu.memory_space<vmem_shared>> -> memref<256xf32, #tpu.memory_space<vmem_shared>>
      tpu.wait_dma2 semaphore(%run_scoped3A : memref<!tpu.dma_semaphore, #tpu.memory_space<semaphore_mem>>) src(%dma_wait3A_1387 : memref<256xf32, #tpu.memory_space<vmem_shared>>) dst(%dma_wait3A_1386 : memref<256xf32, #tpu.memory_space<vmem>>)
      tpu.yield
    }) : () -> ()
    %add3A_576 = arith.constant 36864 : i32
    %add3A_577 = arith.addi %add3A_576, %mul3A_557 : i32
    "tpu.region"() ({
      %run_scoped3A = tpu.sem_alloc : memref<!tpu.dma_semaphore, #tpu.memory_space<semaphore_mem>>
      %dma_start3A_1376 = arith.constant 2304 : i32
      %dma_start3A_1377 = tpu.memref_slice %arg8[%dma_start3A_1376] : memref<4096xf32, #tpu.memory_space<vmem>> -> memref<256xf32, #tpu.memory_space<vmem>>
      %dma_start3A_1378 = tpu.memref_slice %arg7[%add3A_577] : memref<65536xf32, #tpu.memory_space<vmem_shared>> -> memref<256xf32, #tpu.memory_space<vmem_shared>>
      %dma_start3A_1379 = arith.constant 2304 : i32
      %dma_start3A_1380 = tpu.memref_slice %arg8[%dma_start3A_1379] : memref<4096xf32, #tpu.memory_space<vmem>> -> memref<256xf32, #tpu.memory_space<vmem>>
      %dma_start3A_1381 = tpu.memref_slice %arg7[%add3A_577] : memref<65536xf32, #tpu.memory_space<vmem_shared>> -> memref<256xf32, #tpu.memory_space<vmem_shared>>
      tpu.enqueue_dma source(%dma_start3A_1381 : memref<256xf32, #tpu.memory_space<vmem_shared>>) target(%dma_start3A_1380 : memref<256xf32, #tpu.memory_space<vmem>>) target_semaphore(%run_scoped3A : memref<!tpu.dma_semaphore, #tpu.memory_space<semaphore_mem>>)
      %dma_wait3A_1382 = arith.constant 2304 : i32
      %dma_wait3A_1383 = tpu.memref_slice %arg8[%dma_wait3A_1382] : memref<4096xf32, #tpu.memory_space<vmem>> -> memref<256xf32, #tpu.memory_space<vmem>>
      %dma_wait3A_1384 = tpu.memref_slice %arg7[%add3A_577] : memref<65536xf32, #tpu.memory_space<vmem_shared>> -> memref<256xf32, #tpu.memory_space<vmem_shared>>
      %dma_wait3A_1385 = arith.constant 2304 : i32
      %dma_wait3A_1386 = tpu.memref_slice %arg8[%dma_wait3A_1385] : memref<4096xf32, #tpu.memory_space<vmem>> -> memref<256xf32, #tpu.memory_space<vmem>>
      %dma_wait3A_1387 = tpu.memref_slice %arg7[%add3A_577] : memref<65536xf32, #tpu.memory_space<vmem_shared>> -> memref<256xf32, #tpu.memory_space<vmem_shared>>
      tpu.wait_dma2 semaphore(%run_scoped3A : memref<!tpu.dma_semaphore, #tpu.memory_space<semaphore_mem>>) src(%dma_wait3A_1387 : memref<256xf32, #tpu.memory_space<vmem_shared>>) dst(%dma_wait3A_1386 : memref<256xf32, #tpu.memory_space<vmem>>)
      tpu.yield
    }) : () -> ()
    %add3A_578 = arith.constant 40960 : i32
    %add3A_579 = arith.addi %add3A_578, %mul3A_557 : i32
    "tpu.region"() ({
      %run_scoped3A = tpu.sem_alloc : memref<!tpu.dma_semaphore, #tpu.memory_space<semaphore_mem>>
      %dma_start3A_1376 = arith.constant 2560 : i32
      %dma_start3A_1377 = tpu.memref_slice %arg8[%dma_start3A_1376] : memref<4096xf32, #tpu.memory_space<vmem>> -> memref<256xf32, #tpu.memory_space<vmem>>
      %dma_start3A_1378 = tpu.memref_slice %arg7[%add3A_579] : memref<65536xf32, #tpu.memory_space<vmem_shared>> -> memref<256xf32, #tpu.memory_space<vmem_shared>>
      %dma_start3A_1379 = arith.constant 2560 : i32
      %dma_start3A_1380 = tpu.memref_slice %arg8[%dma_start3A_1379] : memref<4096xf32, #tpu.memory_space<vmem>> -> memref<256xf32, #tpu.memory_space<vmem>>
      %dma_start3A_1381 = tpu.memref_slice %arg7[%add3A_579] : memref<65536xf32, #tpu.memory_space<vmem_shared>> -> memref<256xf32, #tpu.memory_space<vmem_shared>>
      tpu.enqueue_dma source(%dma_start3A_1381 : memref<256xf32, #tpu.memory_space<vmem_shared>>) target(%dma_start3A_1380 : memref<256xf32, #tpu.memory_space<vmem>>) target_semaphore(%run_scoped3A : memref<!tpu.dma_semaphore, #tpu.memory_space<semaphore_mem>>)
      %dma_wait3A_1382 = arith.constant 2560 : i32
      %dma_wait3A_1383 = tpu.memref_slice %arg8[%dma_wait3A_1382] : memref<4096xf32, #tpu.memory_space<vmem>> -> memref<256xf32, #tpu.memory_space<vmem>>
      %dma_wait3A_1384 = tpu.memref_slice %arg7[%add3A_579] : memref<65536xf32, #tpu.memory_space<vmem_shared>> -> memref<256xf32, #tpu.memory_space<vmem_shared>>
      %dma_wait3A_1385 = arith.constant 2560 : i32
      %dma_wait3A_1386 = tpu.memref_slice %arg8[%dma_wait3A_1385] : memref<4096xf32, #tpu.memory_space<vmem>> -> memref<256xf32, #tpu.memory_space<vmem>>
      %dma_wait3A_1387 = tpu.memref_slice %arg7[%add3A_579] : memref<65536xf32, #tpu.memory_space<vmem_shared>> -> memref<256xf32, #tpu.memory_space<vmem_shared>>
      tpu.wait_dma2 semaphore(%run_scoped3A : memref<!tpu.dma_semaphore, #tpu.memory_space<semaphore_mem>>) src(%dma_wait3A_1387 : memref<256xf32, #tpu.memory_space<vmem_shared>>) dst(%dma_wait3A_1386 : memref<256xf32, #tpu.memory_space<vmem>>)
      tpu.yield
    }) : () -> ()
    %add3A_580 = arith.constant 45056 : i32
    %add3A_581 = arith.addi %add3A_580, %mul3A_557 : i32
    "tpu.region"() ({
      %run_scoped3A = tpu.sem_alloc : memref<!tpu.dma_semaphore, #tpu.memory_space<semaphore_mem>>
      %dma_start3A_1376 = arith.constant 2816 : i32
      %dma_start3A_1377 = tpu.memref_slice %arg8[%dma_start3A_1376] : memref<4096xf32, #tpu.memory_space<vmem>> -> memref<256xf32, #tpu.memory_space<vmem>>
      %dma_start3A_1378 = tpu.memref_slice %arg7[%add3A_581] : memref<65536xf32, #tpu.memory_space<vmem_shared>> -> memref<256xf32, #tpu.memory_space<vmem_shared>>
      %dma_start3A_1379 = arith.constant 2816 : i32
      %dma_start3A_1380 = tpu.memref_slice %arg8[%dma_start3A_1379] : memref<4096xf32, #tpu.memory_space<vmem>> -> memref<256xf32, #tpu.memory_space<vmem>>
      %dma_start3A_1381 = tpu.memref_slice %arg7[%add3A_581] : memref<65536xf32, #tpu.memory_space<vmem_shared>> -> memref<256xf32, #tpu.memory_space<vmem_shared>>
      tpu.enqueue_dma source(%dma_start3A_1381 : memref<256xf32, #tpu.memory_space<vmem_shared>>) target(%dma_start3A_1380 : memref<256xf32, #tpu.memory_space<vmem>>) target_semaphore(%run_scoped3A : memref<!tpu.dma_semaphore, #tpu.memory_space<semaphore_mem>>)
      %dma_wait3A_1382 = arith.constant 2816 : i32
      %dma_wait3A_1383 = tpu.memref_slice %arg8[%dma_wait3A_1382] : memref<4096xf32, #tpu.memory_space<vmem>> -> memref<256xf32, #tpu.memory_space<vmem>>
      %dma_wait3A_1384 = tpu.memref_slice %arg7[%add3A_581] : memref<65536xf32, #tpu.memory_space<vmem_shared>> -> memref<256xf32, #tpu.memory_space<vmem_shared>>
      %dma_wait3A_1385 = arith.constant 2816 : i32
      %dma_wait3A_1386 = tpu.memref_slice %arg8[%dma_wait3A_1385] : memref<4096xf32, #tpu.memory_space<vmem>> -> memref<256xf32, #tpu.memory_space<vmem>>
      %dma_wait3A_1387 = tpu.memref_slice %arg7[%add3A_581] : memref<65536xf32, #tpu.memory_space<vmem_shared>> -> memref<256xf32, #tpu.memory_space<vmem_shared>>
      tpu.wait_dma2 semaphore(%run_scoped3A : memref<!tpu.dma_semaphore, #tpu.memory_space<semaphore_mem>>) src(%dma_wait3A_1387 : memref<256xf32, #tpu.memory_space<vmem_shared>>) dst(%dma_wait3A_1386 : memref<256xf32, #tpu.memory_space<vmem>>)
      tpu.yield
    }) : () -> ()
    %add3A_582 = arith.constant 49152 : i32
    %add3A_583 = arith.addi %add3A_582, %mul3A_557 : i32
    "tpu.region"() ({
      %run_scoped3A = tpu.sem_alloc : memref<!tpu.dma_semaphore, #tpu.memory_space<semaphore_mem>>
      %dma_start3A_1376 = arith.constant 3072 : i32
      %dma_start3A_1377 = tpu.memref_slice %arg8[%dma_start3A_1376] : memref<4096xf32, #tpu.memory_space<vmem>> -> memref<256xf32, #tpu.memory_space<vmem>>
      %dma_start3A_1378 = tpu.memref_slice %arg7[%add3A_583] : memref<65536xf32, #tpu.memory_space<vmem_shared>> -> memref<256xf32, #tpu.memory_space<vmem_shared>>
      %dma_start3A_1379 = arith.constant 3072 : i32
      %dma_start3A_1380 = tpu.memref_slice %arg8[%dma_start3A_1379] : memref<4096xf32, #tpu.memory_space<vmem>> -> memref<256xf32, #tpu.memory_space<vmem>>
      %dma_start3A_1381 = tpu.memref_slice %arg7[%add3A_583] : memref<65536xf32, #tpu.memory_space<vmem_shared>> -> memref<256xf32, #tpu.memory_space<vmem_shared>>
      tpu.enqueue_dma source(%dma_start3A_1381 : memref<256xf32, #tpu.memory_space<vmem_shared>>) target(%dma_start3A_1380 : memref<256xf32, #tpu.memory_space<vmem>>) target_semaphore(%run_scoped3A : memref<!tpu.dma_semaphore, #tpu.memory_space<semaphore_mem>>)
      %dma_wait3A_1382 = arith.constant 3072 : i32
      %dma_wait3A_1383 = tpu.memref_slice %arg8[%dma_wait3A_1382] : memref<4096xf32, #tpu.memory_space<vmem>> -> memref<256xf32, #tpu.memory_space<vmem>>
      %dma_wait3A_1384 = tpu.memref_slice %arg7[%add3A_583] : memref<65536xf32, #tpu.memory_space<vmem_shared>> -> memref<256xf32, #tpu.memory_space<vmem_shared>>
      %dma_wait3A_1385 = arith.constant 3072 : i32
      %dma_wait3A_1386 = tpu.memref_slice %arg8[%dma_wait3A_1385] : memref<4096xf32, #tpu.memory_space<vmem>> -> memref<256xf32, #tpu.memory_space<vmem>>
      %dma_wait3A_1387 = tpu.memref_slice %arg7[%add3A_583] : memref<65536xf32, #tpu.memory_space<vmem_shared>> -> memref<256xf32, #tpu.memory_space<vmem_shared>>
      tpu.wait_dma2 semaphore(%run_scoped3A : memref<!tpu.dma_semaphore, #tpu.memory_space<semaphore_mem>>) src(%dma_wait3A_1387 : memref<256xf32, #tpu.memory_space<vmem_shared>>) dst(%dma_wait3A_1386 : memref<256xf32, #tpu.memory_space<vmem>>)
      tpu.yield
    }) : () -> ()
    %add3A_584 = arith.constant 53248 : i32
    %add3A_585 = arith.addi %add3A_584, %mul3A_557 : i32
    "tpu.region"() ({
      %run_scoped3A = tpu.sem_alloc : memref<!tpu.dma_semaphore, #tpu.memory_space<semaphore_mem>>
      %dma_start3A_1376 = arith.constant 3328 : i32
      %dma_start3A_1377 = tpu.memref_slice %arg8[%dma_start3A_1376] : memref<4096xf32, #tpu.memory_space<vmem>> -> memref<256xf32, #tpu.memory_space<vmem>>
      %dma_start3A_1378 = tpu.memref_slice %arg7[%add3A_585] : memref<65536xf32, #tpu.memory_space<vmem_shared>> -> memref<256xf32, #tpu.memory_space<vmem_shared>>
      %dma_start3A_1379 = arith.constant 3328 : i32
      %dma_start3A_1380 = tpu.memref_slice %arg8[%dma_start3A_1379] : memref<4096xf32, #tpu.memory_space<vmem>> -> memref<256xf32, #tpu.memory_space<vmem>>
      %dma_start3A_1381 = tpu.memref_slice %arg7[%add3A_585] : memref<65536xf32, #tpu.memory_space<vmem_shared>> -> memref<256xf32, #tpu.memory_space<vmem_shared>>
      tpu.enqueue_dma source(%dma_start3A_1381 : memref<256xf32, #tpu.memory_space<vmem_shared>>) target(%dma_start3A_1380 : memref<256xf32, #tpu.memory_space<vmem>>) target_semaphore(%run_scoped3A : memref<!tpu.dma_semaphore, #tpu.memory_space<semaphore_mem>>)
      %dma_wait3A_1382 = arith.constant 3328 : i32
      %dma_wait3A_1383 = tpu.memref_slice %arg8[%dma_wait3A_1382] : memref<4096xf32, #tpu.memory_space<vmem>> -> memref<256xf32, #tpu.memory_space<vmem>>
      %dma_wait3A_1384 = tpu.memref_slice %arg7[%add3A_585] : memref<65536xf32, #tpu.memory_space<vmem_shared>> -> memref<256xf32, #tpu.memory_space<vmem_shared>>
      %dma_wait3A_1385 = arith.constant 3328 : i32
      %dma_wait3A_1386 = tpu.memref_slice %arg8[%dma_wait3A_1385] : memref<4096xf32, #tpu.memory_space<vmem>> -> memref<256xf32, #tpu.memory_space<vmem>>
      %dma_wait3A_1387 = tpu.memref_slice %arg7[%add3A_585] : memref<65536xf32, #tpu.memory_space<vmem_shared>> -> memref<256xf32, #tpu.memory_space<vmem_shared>>
      tpu.wait_dma2 semaphore(%run_scoped3A : memref<!tpu.dma_semaphore, #tpu.memory_space<semaphore_mem>>) src(%dma_wait3A_1387 : memref<256xf32, #tpu.memory_space<vmem_shared>>) dst(%dma_wait3A_1386 : memref<256xf32, #tpu.memory_space<vmem>>)
      tpu.yield
    }) : () -> ()
    %add3A_586 = arith.constant 57344 : i32
    %add3A_587 = arith.addi %add3A_586, %mul3A_557 : i32
    "tpu.region"() ({
      %run_scoped3A = tpu.sem_alloc : memref<!tpu.dma_semaphore, #tpu.memory_space<semaphore_mem>>
      %dma_start3A_1376 = arith.constant 3584 : i32
      %dma_start3A_1377 = tpu.memref_slice %arg8[%dma_start3A_1376] : memref<4096xf32, #tpu.memory_space<vmem>> -> memref<256xf32, #tpu.memory_space<vmem>>
      %dma_start3A_1378 = tpu.memref_slice %arg7[%add3A_587] : memref<65536xf32, #tpu.memory_space<vmem_shared>> -> memref<256xf32, #tpu.memory_space<vmem_shared>>
      %dma_start3A_1379 = arith.constant 3584 : i32
      %dma_start3A_1380 = tpu.memref_slice %arg8[%dma_start3A_1379] : memref<4096xf32, #tpu.memory_space<vmem>> -> memref<256xf32, #tpu.memory_space<vmem>>
      %dma_start3A_1381 = tpu.memref_slice %arg7[%add3A_587] : memref<65536xf32, #tpu.memory_space<vmem_shared>> -> memref<256xf32, #tpu.memory_space<vmem_shared>>
      tpu.enqueue_dma source(%dma_start3A_1381 : memref<256xf32, #tpu.memory_space<vmem_shared>>) target(%dma_start3A_1380 : memref<256xf32, #tpu.memory_space<vmem>>) target_semaphore(%run_scoped3A : memref<!tpu.dma_semaphore, #tpu.memory_space<semaphore_mem>>)
      %dma_wait3A_1382 = arith.constant 3584 : i32
      %dma_wait3A_1383 = tpu.memref_slice %arg8[%dma_wait3A_1382] : memref<4096xf32, #tpu.memory_space<vmem>> -> memref<256xf32, #tpu.memory_space<vmem>>
      %dma_wait3A_1384 = tpu.memref_slice %arg7[%add3A_587] : memref<65536xf32, #tpu.memory_space<vmem_shared>> -> memref<256xf32, #tpu.memory_space<vmem_shared>>
      %dma_wait3A_1385 = arith.constant 3584 : i32
      %dma_wait3A_1386 = tpu.memref_slice %arg8[%dma_wait3A_1385] : memref<4096xf32, #tpu.memory_space<vmem>> -> memref<256xf32, #tpu.memory_space<vmem>>
      %dma_wait3A_1387 = tpu.memref_slice %arg7[%add3A_587] : memref<65536xf32, #tpu.memory_space<vmem_shared>> -> memref<256xf32, #tpu.memory_space<vmem_shared>>
      tpu.wait_dma2 semaphore(%run_scoped3A : memref<!tpu.dma_semaphore, #tpu.memory_space<semaphore_mem>>) src(%dma_wait3A_1387 : memref<256xf32, #tpu.memory_space<vmem_shared>>) dst(%dma_wait3A_1386 : memref<256xf32, #tpu.memory_space<vmem>>)
      tpu.yield
    }) : () -> ()
    %add3A_588 = arith.constant 61440 : i32
    %add3A_589 = arith.addi %add3A_588, %mul3A_557 : i32
    "tpu.region"() ({
      %run_scoped3A = tpu.sem_alloc : memref<!tpu.dma_semaphore, #tpu.memory_space<semaphore_mem>>
      %dma_start3A_1376 = arith.constant 3840 : i32
      %dma_start3A_1377 = tpu.memref_slice %arg8[%dma_start3A_1376] : memref<4096xf32, #tpu.memory_space<vmem>> -> memref<256xf32, #tpu.memory_space<vmem>>
      %dma_start3A_1378 = tpu.memref_slice %arg7[%add3A_589] : memref<65536xf32, #tpu.memory_space<vmem_shared>> -> memref<256xf32, #tpu.memory_space<vmem_shared>>
      %dma_start3A_1379 = arith.constant 3840 : i32
      %dma_start3A_1380 = tpu.memref_slice %arg8[%dma_start3A_1379] : memref<4096xf32, #tpu.memory_space<vmem>> -> memref<256xf32, #tpu.memory_space<vmem>>
      %dma_start3A_1381 = tpu.memref_slice %arg7[%add3A_589] : memref<65536xf32, #tpu.memory_space<vmem_shared>> -> memref<256xf32, #tpu.memory_space<vmem_shared>>
      tpu.enqueue_dma source(%dma_start3A_1381 : memref<256xf32, #tpu.memory_space<vmem_shared>>) target(%dma_start3A_1380 : memref<256xf32, #tpu.memory_space<vmem>>) target_semaphore(%run_scoped3A : memref<!tpu.dma_semaphore, #tpu.memory_space<semaphore_mem>>)
      %dma_wait3A_1382 = arith.constant 3840 : i32
      %dma_wait3A_1383 = tpu.memref_slice %arg8[%dma_wait3A_1382] : memref<4096xf32, #tpu.memory_space<vmem>> -> memref<256xf32, #tpu.memory_space<vmem>>
      %dma_wait3A_1384 = tpu.memref_slice %arg7[%add3A_589] : memref<65536xf32, #tpu.memory_space<vmem_shared>> -> memref<256xf32, #tpu.memory_space<vmem_shared>>
      %dma_wait3A_1385 = arith.constant 3840 : i32
      %dma_wait3A_1386 = tpu.memref_slice %arg8[%dma_wait3A_1385] : memref<4096xf32, #tpu.memory_space<vmem>> -> memref<256xf32, #tpu.memory_space<vmem>>
      %dma_wait3A_1387 = tpu.memref_slice %arg7[%add3A_589] : memref<65536xf32, #tpu.memory_space<vmem_shared>> -> memref<256xf32, #tpu.memory_space<vmem_shared>>
      tpu.wait_dma2 semaphore(%run_scoped3A : memref<!tpu.dma_semaphore, #tpu.memory_space<semaphore_mem>>) src(%dma_wait3A_1387 : memref<256xf32, #tpu.memory_space<vmem_shared>>) dst(%dma_wait3A_1386 : memref<256xf32, #tpu.memory_space<vmem>>)
      tpu.yield
    }) : () -> ()
    %get3A = arith.constant 0 : index
    %get3A_590 = tpu.vector_load %arg8[%get3A] {strides = array<i32>} : memref<4096xf32, #tpu.memory_space<vmem>>, vector<16xf32>,
    %get3A_591 = arith.constant 256 : index
    %get3A_592 = tpu.vector_load %arg8[%get3A_591] {strides = array<i32>} : memref<4096xf32, #tpu.memory_space<vmem>>, vector<16xf32>,
    %add3A_593 = arith.addf %get3A_590, %get3A_592 : vector<16xf32>
    %get3A_594 = arith.constant 512 : index
    %get3A_595 = tpu.vector_load %arg8[%get3A_594] {strides = array<i32>} : memref<4096xf32, #tpu.memory_space<vmem>>, vector<16xf32>,
    %add3A_596 = arith.addf %add3A_593, %get3A_595 : vector<16xf32>
    %get3A_597 = arith.constant 768 : index
    %get3A_598 = tpu.vector_load %arg8[%get3A_597] {strides = array<i32>} : memref<4096xf32, #tpu.memory_space<vmem>>, vector<16xf32>,
    %add3A_599 = arith.addf %add3A_596, %get3A_598 : vector<16xf32>
    %get3A_600 = arith.constant 1024 : index
    %get3A_601 = tpu.vector_load %arg8[%get3A_600] {strides = array<i32>} : memref<4096xf32, #tpu.memory_space<vmem>>, vector<16xf32>,
    %add3A_602 = arith.addf %add3A_599, %get3A_601 : vector<16xf32>
    %get3A_603 = arith.constant 1280 : index
    %get3A_604 = tpu.vector_load %arg8[%get3A_603] {strides = array<i32>} : memref<4096xf32, #tpu.memory_space<vmem>>, vector<16xf32>,
    %add3A_605 = arith.addf %add3A_602, %get3A_604 : vector<16xf32>
    %get3A_606 = arith.constant 1536 : index
    %get3A_607 = tpu.vector_load %arg8[%get3A_606] {strides = array<i32>} : memref<4096xf32, #tpu.memory_space<vmem>>, vector<16xf32>,
    %add3A_608 = arith.addf %add3A_605, %get3A_607 : vector<16xf32>
    %get3A_609 = arith.constant 1792 : index
    %get3A_610 = tpu.vector_load %arg8[%get3A_609] {strides = array<i32>} : memref<4096xf32, #tpu.memory_space<vmem>>, vector<16xf32>,
    %add3A_611 = arith.addf %add3A_608, %get3A_610 : vector<16xf32>
    %get3A_612 = arith.constant 2048 : index
    %get3A_613 = tpu.vector_load %arg8[%get3A_612] {strides = array<i32>} : memref<4096xf32, #tpu.memory_space<vmem>>, vector<16xf32>,
    %add3A_614 = arith.addf %add3A_611, %get3A_613 : vector<16xf32>
    %get3A_615 = arith.constant 2304 : index
    %get3A_616 = tpu.vector_load %arg8[%get3A_615] {strides = array<i32>} : memref<4096xf32, #tpu.memory_space<vmem>>, vector<16xf32>,
    %add3A_617 = arith.addf %add3A_614, %get3A_616 : vector<16xf32>
    %get3A_618 = arith.constant 2560 : index
    %get3A_619 = tpu.vector_load %arg8[%get3A_618] {strides = array<i32>} : memref<4096xf32, #tpu.memory_space<vmem>>, vector<16xf32>,
    %add3A_620 = arith.addf %add3A_617, %get3A_619 : vector<16xf32>
    %get3A_621 = arith.constant 2816 : index
    %get3A_622 = tpu.vector_load %arg8[%get3A_621] {strides = array<i32>} : memref<4096xf32, #tpu.memory_space<vmem>>, vector<16xf32>,
    %add3A_623 = arith.addf %add3A_620, %get3A_622 : vector<16xf32>
    %get3A_624 = arith.constant 3072 : index
    %get3A_625 = tpu.vector_load %arg8[%get3A_624] {strides = array<i32>} : memref<4096xf32, #tpu.memory_space<vmem>>, vector<16xf32>,
    %add3A_626 = arith.addf %add3A_623, %get3A_625 : vector<16xf32>
    %get3A_627 = arith.constant 3328 : index
    %get3A_628 = tpu.vector_load %arg8[%get3A_627] {strides = array<i32>} : memref<4096xf32, #tpu.memory_space<vmem>>, vector<16xf32>,
    %add3A_629 = arith.addf %add3A_626, %get3A_628 : vector<16xf32>
    %get3A_630 = arith.constant 3584 : index
    %get3A_631 = tpu.vector_load %arg8[%get3A_630] {strides = array<i32>} : memref<4096xf32, #tpu.memory_space<vmem>>, vector<16xf32>,
    %add3A_632 = arith.addf %add3A_629, %get3A_631 : vector<16xf32>
    %get3A_633 = arith.constant 3840 : index
    %get3A_634 = tpu.vector_load %arg8[%get3A_633] {strides = array<i32>} : memref<4096xf32, #tpu.memory_space<vmem>>, vector<16xf32>,
    %add3A_635 = arith.addf %add3A_632, %get3A_634 : vector<16xf32>
    %swap3A_636 = arith.constant 0 : index
    %swap3A_637 = tpu.vector_load %arg9[%swap3A_636] {strides = array<i32>} : memref<256xf32, #tpu.memory_space<vmem>>, vector<16xf32>,
    tpu.vector_store %arg9[%swap3A_636], %add3A_635 {strides = array<i32>} : memref<256xf32, #tpu.memory_space<vmem>>, vector<16xf32>,
    %get3A_638 = arith.constant 16 : index
    %get3A_639 = tpu.vector_load %arg8[%get3A_638] {strides = array<i32>} : memref<4096xf32, #tpu.memory_space<vmem>>, vector<16xf32>,
    %get3A_640 = arith.constant 272 : index
    %get3A_641 = tpu.vector_load %arg8[%get3A_640] {strides = array<i32>} : memref<4096xf32, #tpu.memory_space<vmem>>, vector<16xf32>,
    %add3A_642 = arith.addf %get3A_639, %get3A_641 : vector<16xf32>
    %get3A_643 = arith.constant 528 : index
    %get3A_644 = tpu.vector_load %arg8[%get3A_643] {strides = array<i32>} : memref<4096xf32, #tpu.memory_space<vmem>>, vector<16xf32>,
    %add3A_645 = arith.addf %add3A_642, %get3A_644 : vector<16xf32>
    %get3A_646 = arith.constant 784 : index
    %get3A_647 = tpu.vector_load %arg8[%get3A_646] {strides = array<i32>} : memref<4096xf32, #tpu.memory_space<vmem>>, vector<16xf32>,
    %add3A_648 = arith.addf %add3A_645, %get3A_647 : vector<16xf32>
    %get3A_649 = arith.constant 1040 : index
    %get3A_650 = tpu.vector_load %arg8[%get3A_649] {strides = array<i32>} : memref<4096xf32, #tpu.memory_space<vmem>>, vector<16xf32>,
    %add3A_651 = arith.addf %add3A_648, %get3A_650 : vector<16xf32>
    %get3A_652 = arith.constant 1296 : index
    %get3A_653 = tpu.vector_load %arg8[%get3A_652] {strides = array<i32>} : memref<4096xf32, #tpu.memory_space<vmem>>, vector<16xf32>,
    %add3A_654 = arith.addf %add3A_651, %get3A_653 : vector<16xf32>
    %get3A_655 = arith.constant 1552 : index
    %get3A_656 = tpu.vector_load %arg8[%get3A_655] {strides = array<i32>} : memref<4096xf32, #tpu.memory_space<vmem>>, vector<16xf32>,
    %add3A_657 = arith.addf %add3A_654, %get3A_656 : vector<16xf32>
    %get3A_658 = arith.constant 1808 : index
    %get3A_659 = tpu.vector_load %arg8[%get3A_658] {strides = array<i32>} : memref<4096xf32, #tpu.memory_space<vmem>>, vector<16xf32>,
    %add3A_660 = arith.addf %add3A_657, %get3A_659 : vector<16xf32>
    %get3A_661 = arith.constant 2064 : index
    %get3A_662 = tpu.vector_load %arg8[%get3A_661] {strides = array<i32>} : memref<4096xf32, #tpu.memory_space<vmem>>, vector<16xf32>,
    %add3A_663 = arith.addf %add3A_660, %get3A_662 : vector<16xf32>
    %get3A_664 = arith.constant 2320 : index
    %get3A_665 = tpu.vector_load %arg8[%get3A_664] {strides = array<i32>} : memref<4096xf32, #tpu.memory_space<vmem>>, vector<16xf32>,
    %add3A_666 = arith.addf %add3A_663, %get3A_665 : vector<16xf32>
    %get3A_667 = arith.constant 2576 : index
    %get3A_668 = tpu.vector_load %arg8[%get3A_667] {strides = array<i32>} : memref<4096xf32, #tpu.memory_space<vmem>>, vector<16xf32>,
    %add3A_669 = arith.addf %add3A_666, %get3A_668 : vector<16xf32>
    %get3A_670 = arith.constant 2832 : index
    %get3A_671 = tpu.vector_load %arg8[%get3A_670] {strides = array<i32>} : memref<4096xf32, #tpu.memory_space<vmem>>, vector<16xf32>,
    %add3A_672 = arith.addf %add3A_669, %get3A_671 : vector<16xf32>
    %get3A_673 = arith.constant 3088 : index
    %get3A_674 = tpu.vector_load %arg8[%get3A_673] {strides = array<i32>} : memref<4096xf32, #tpu.memory_space<vmem>>, vector<16xf32>,
    %add3A_675 = arith.addf %add3A_672, %get3A_674 : vector<16xf32>
    %get3A_676 = arith.constant 3344 : index
    %get3A_677 = tpu.vector_load %arg8[%get3A_676] {strides = array<i32>} : memref<4096xf32, #tpu.memory_space<vmem>>, vector<16xf32>,
    %add3A_678 = arith.addf %add3A_675, %get3A_677 : vector<16xf32>
    %get3A_679 = arith.constant 3600 : index
    %get3A_680 = tpu.vector_load %arg8[%get3A_679] {strides = array<i32>} : memref<4096xf32, #tpu.memory_space<vmem>>, vector<16xf32>,
    %add3A_681 = arith.addf %add3A_678, %get3A_680 : vector<16xf32>
    %get3A_682 = arith.constant 3856 : index
    %get3A_683 = tpu.vector_load %arg8[%get3A_682] {strides = array<i32>} : memref<4096xf32, #tpu.memory_space<vmem>>, vector<16xf32>,
    %add3A_684 = arith.addf %add3A_681, %get3A_683 : vector<16xf32>
    %swap3A_685 = arith.constant 16 : index
    %swap3A_686 = tpu.vector_load %arg9[%swap3A_685] {strides = array<i32>} : memref<256xf32, #tpu.memory_space<vmem>>, vector<16xf32>,
    tpu.vector_store %arg9[%swap3A_685], %add3A_684 {strides = array<i32>} : memref<256xf32, #tpu.memory_space<vmem>>, vector<16xf32>,
    %get3A_687 = arith.constant 32 : index
    %get3A_688 = tpu.vector_load %arg8[%get3A_687] {strides = array<i32>} : memref<4096xf32, #tpu.memory_space<vmem>>, vector<16xf32>,
    %get3A_689 = arith.constant 288 : index
    %get3A_690 = tpu.vector_load %arg8[%get3A_689] {strides = array<i32>} : memref<4096xf32, #tpu.memory_space<vmem>>, vector<16xf32>,
    %add3A_691 = arith.addf %get3A_688, %get3A_690 : vector<16xf32>
    %get3A_692 = arith.constant 544 : index
    %get3A_693 = tpu.vector_load %arg8[%get3A_692] {strides = array<i32>} : memref<4096xf32, #tpu.memory_space<vmem>>, vector<16xf32>,
    %add3A_694 = arith.addf %add3A_691, %get3A_693 : vector<16xf32>
    %get3A_695 = arith.constant 800 : index
    %get3A_696 = tpu.vector_load %arg8[%get3A_695] {strides = array<i32>} : memref<4096xf32, #tpu.memory_space<vmem>>, vector<16xf32>,
    %add3A_697 = arith.addf %add3A_694, %get3A_696 : vector<16xf32>
    %get3A_698 = arith.constant 1056 : index
    %get3A_699 = tpu.vector_load %arg8[%get3A_698] {strides = array<i32>} : memref<4096xf32, #tpu.memory_space<vmem>>, vector<16xf32>,
    %add3A_700 = arith.addf %add3A_697, %get3A_699 : vector<16xf32>
    %get3A_701 = arith.constant 1312 : index
    %get3A_702 = tpu.vector_load %arg8[%get3A_701] {strides = array<i32>} : memref<4096xf32, #tpu.memory_space<vmem>>, vector<16xf32>,
    %add3A_703 = arith.addf %add3A_700, %get3A_702 : vector<16xf32>
    %get3A_704 = arith.constant 1568 : index
    %get3A_705 = tpu.vector_load %arg8[%get3A_704] {strides = array<i32>} : memref<4096xf32, #tpu.memory_space<vmem>>, vector<16xf32>,
    %add3A_706 = arith.addf %add3A_703, %get3A_705 : vector<16xf32>
    %get3A_707 = arith.constant 1824 : index
    %get3A_708 = tpu.vector_load %arg8[%get3A_707] {strides = array<i32>} : memref<4096xf32, #tpu.memory_space<vmem>>, vector<16xf32>,
    %add3A_709 = arith.addf %add3A_706, %get3A_708 : vector<16xf32>
    %get3A_710 = arith.constant 2080 : index
    %get3A_711 = tpu.vector_load %arg8[%get3A_710] {strides = array<i32>} : memref<4096xf32, #tpu.memory_space<vmem>>, vector<16xf32>,
    %add3A_712 = arith.addf %add3A_709, %get3A_711 : vector<16xf32>
    %get3A_713 = arith.constant 2336 : index
    %get3A_714 = tpu.vector_load %arg8[%get3A_713] {strides = array<i32>} : memref<4096xf32, #tpu.memory_space<vmem>>, vector<16xf32>,
    %add3A_715 = arith.addf %add3A_712, %get3A_714 : vector<16xf32>
    %get3A_716 = arith.constant 2592 : index
    %get3A_717 = tpu.vector_load %arg8[%get3A_716] {strides = array<i32>} : memref<4096xf32, #tpu.memory_space<vmem>>, vector<16xf32>,
    %add3A_718 = arith.addf %add3A_715, %get3A_717 : vector<16xf32>
    %get3A_719 = arith.constant 2848 : index
    %get3A_720 = tpu.vector_load %arg8[%get3A_719] {strides = array<i32>} : memref<4096xf32, #tpu.memory_space<vmem>>, vector<16xf32>,
    %add3A_721 = arith.addf %add3A_718, %get3A_720 : vector<16xf32>
    %get3A_722 = arith.constant 3104 : index
    %get3A_723 = tpu.vector_load %arg8[%get3A_722] {strides = array<i32>} : memref<4096xf32, #tpu.memory_space<vmem>>, vector<16xf32>,
    %add3A_724 = arith.addf %add3A_721, %get3A_723 : vector<16xf32>
    %get3A_725 = arith.constant 3360 : index
    %get3A_726 = tpu.vector_load %arg8[%get3A_725] {strides = array<i32>} : memref<4096xf32, #tpu.memory_space<vmem>>, vector<16xf32>,
    %add3A_727 = arith.addf %add3A_724, %get3A_726 : vector<16xf32>
    %get3A_728 = arith.constant 3616 : index
    %get3A_729 = tpu.vector_load %arg8[%get3A_728] {strides = array<i32>} : memref<4096xf32, #tpu.memory_space<vmem>>, vector<16xf32>,
    %add3A_730 = arith.addf %add3A_727, %get3A_729 : vector<16xf32>
    %get3A_731 = arith.constant 3872 : index
    %get3A_732 = tpu.vector_load %arg8[%get3A_731] {strides = array<i32>} : memref<4096xf32, #tpu.memory_space<vmem>>, vector<16xf32>,
    %add3A_733 = arith.addf %add3A_730, %get3A_732 : vector<16xf32>
    %swap3A_734 = arith.constant 32 : index
    %swap3A_735 = tpu.vector_load %arg9[%swap3A_734] {strides = array<i32>} : memref<256xf32, #tpu.memory_space<vmem>>, vector<16xf32>,
    tpu.vector_store %arg9[%swap3A_734], %add3A_733 {strides = array<i32>} : memref<256xf32, #tpu.memory_space<vmem>>, vector<16xf32>,
    %get3A_736 = arith.constant 48 : index
    %get3A_737 = tpu.vector_load %arg8[%get3A_736] {strides = array<i32>} : memref<4096xf32, #tpu.memory_space<vmem>>, vector<16xf32>,
    %get3A_738 = arith.constant 304 : index
    %get3A_739 = tpu.vector_load %arg8[%get3A_738] {strides = array<i32>} : memref<4096xf32, #tpu.memory_space<vmem>>, vector<16xf32>,
    %add3A_740 = arith.addf %get3A_737, %get3A_739 : vector<16xf32>
    %get3A_741 = arith.constant 560 : index
    %get3A_742 = tpu.vector_load %arg8[%get3A_741] {strides = array<i32>} : memref<4096xf32, #tpu.memory_space<vmem>>, vector<16xf32>,
    %add3A_743 = arith.addf %add3A_740, %get3A_742 : vector<16xf32>
    %get3A_744 = arith.constant 816 : index
    %get3A_745 = tpu.vector_load %arg8[%get3A_744] {strides = array<i32>} : memref<4096xf32, #tpu.memory_space<vmem>>, vector<16xf32>,
    %add3A_746 = arith.addf %add3A_743, %get3A_745 : vector<16xf32>
    %get3A_747 = arith.constant 1072 : index
    %get3A_748 = tpu.vector_load %arg8[%get3A_747] {strides = array<i32>} : memref<4096xf32, #tpu.memory_space<vmem>>, vector<16xf32>,
    %add3A_749 = arith.addf %add3A_746, %get3A_748 : vector<16xf32>
    %get3A_750 = arith.constant 1328 : index
    %get3A_751 = tpu.vector_load %arg8[%get3A_750] {strides = array<i32>} : memref<4096xf32, #tpu.memory_space<vmem>>, vector<16xf32>,
    %add3A_752 = arith.addf %add3A_749, %get3A_751 : vector<16xf32>
    %get3A_753 = arith.constant 1584 : index
    %get3A_754 = tpu.vector_load %arg8[%get3A_753] {strides = array<i32>} : memref<4096xf32, #tpu.memory_space<vmem>>, vector<16xf32>,
    %add3A_755 = arith.addf %add3A_752, %get3A_754 : vector<16xf32>
    %get3A_756 = arith.constant 1840 : index
    %get3A_757 = tpu.vector_load %arg8[%get3A_756] {strides = array<i32>} : memref<4096xf32, #tpu.memory_space<vmem>>, vector<16xf32>,
    %add3A_758 = arith.addf %add3A_755, %get3A_757 : vector<16xf32>
    %get3A_759 = arith.constant 2096 : index
    %get3A_760 = tpu.vector_load %arg8[%get3A_759] {strides = array<i32>} : memref<4096xf32, #tpu.memory_space<vmem>>, vector<16xf32>,
    %add3A_761 = arith.addf %add3A_758, %get3A_760 : vector<16xf32>
    %get3A_762 = arith.constant 2352 : index
    %get3A_763 = tpu.vector_load %arg8[%get3A_762] {strides = array<i32>} : memref<4096xf32, #tpu.memory_space<vmem>>, vector<16xf32>,
    %add3A_764 = arith.addf %add3A_761, %get3A_763 : vector<16xf32>
    %get3A_765 = arith.constant 2608 : index
    %get3A_766 = tpu.vector_load %arg8[%get3A_765] {strides = array<i32>} : memref<4096xf32, #tpu.memory_space<vmem>>, vector<16xf32>,
    %add3A_767 = arith.addf %add3A_764, %get3A_766 : vector<16xf32>
    %get3A_768 = arith.constant 2864 : index
    %get3A_769 = tpu.vector_load %arg8[%get3A_768] {strides = array<i32>} : memref<4096xf32, #tpu.memory_space<vmem>>, vector<16xf32>,
    %add3A_770 = arith.addf %add3A_767, %get3A_769 : vector<16xf32>
    %get3A_771 = arith.constant 3120 : index
    %get3A_772 = tpu.vector_load %arg8[%get3A_771] {strides = array<i32>} : memref<4096xf32, #tpu.memory_space<vmem>>, vector<16xf32>,
    %add3A_773 = arith.addf %add3A_770, %get3A_772 : vector<16xf32>
    %get3A_774 = arith.constant 3376 : index
    %get3A_775 = tpu.vector_load %arg8[%get3A_774] {strides = array<i32>} : memref<4096xf32, #tpu.memory_space<vmem>>, vector<16xf32>,
    %add3A_776 = arith.addf %add3A_773, %get3A_775 : vector<16xf32>
    %get3A_777 = arith.constant 3632 : index
    %get3A_778 = tpu.vector_load %arg8[%get3A_777] {strides = array<i32>} : memref<4096xf32, #tpu.memory_space<vmem>>, vector<16xf32>,
    %add3A_779 = arith.addf %add3A_776, %get3A_778 : vector<16xf32>
    %get3A_780 = arith.constant 3888 : index
    %get3A_781 = tpu.vector_load %arg8[%get3A_780] {strides = array<i32>} : memref<4096xf32, #tpu.memory_space<vmem>>, vector<16xf32>,
    %add3A_782 = arith.addf %add3A_779, %get3A_781 : vector<16xf32>
    %swap3A_783 = arith.constant 48 : index
    %swap3A_784 = tpu.vector_load %arg9[%swap3A_783] {strides = array<i32>} : memref<256xf32, #tpu.memory_space<vmem>>, vector<16xf32>,
    tpu.vector_store %arg9[%swap3A_783], %add3A_782 {strides = array<i32>} : memref<256xf32, #tpu.memory_space<vmem>>, vector<16xf32>,
    %get3A_785 = arith.constant 64 : index
    %get3A_786 = tpu.vector_load %arg8[%get3A_785] {strides = array<i32>} : memref<4096xf32, #tpu.memory_space<vmem>>, vector<16xf32>,
    %get3A_787 = arith.constant 320 : index
    %get3A_788 = tpu.vector_load %arg8[%get3A_787] {strides = array<i32>} : memref<4096xf32, #tpu.memory_space<vmem>>, vector<16xf32>,
    %add3A_789 = arith.addf %get3A_786, %get3A_788 : vector<16xf32>
    %get3A_790 = arith.constant 576 : index
    %get3A_791 = tpu.vector_load %arg8[%get3A_790] {strides = array<i32>} : memref<4096xf32, #tpu.memory_space<vmem>>, vector<16xf32>,
    %add3A_792 = arith.addf %add3A_789, %get3A_791 : vector<16xf32>
    %get3A_793 = arith.constant 832 : index
    %get3A_794 = tpu.vector_load %arg8[%get3A_793] {strides = array<i32>} : memref<4096xf32, #tpu.memory_space<vmem>>, vector<16xf32>,
    %add3A_795 = arith.addf %add3A_792, %get3A_794 : vector<16xf32>
    %get3A_796 = arith.constant 1088 : index
    %get3A_797 = tpu.vector_load %arg8[%get3A_796] {strides = array<i32>} : memref<4096xf32, #tpu.memory_space<vmem>>, vector<16xf32>,
    %add3A_798 = arith.addf %add3A_795, %get3A_797 : vector<16xf32>
    %get3A_799 = arith.constant 1344 : index
    %get3A_800 = tpu.vector_load %arg8[%get3A_799] {strides = array<i32>} : memref<4096xf32, #tpu.memory_space<vmem>>, vector<16xf32>,
    %add3A_801 = arith.addf %add3A_798, %get3A_800 : vector<16xf32>
    %get3A_802 = arith.constant 1600 : index
    %get3A_803 = tpu.vector_load %arg8[%get3A_802] {strides = array<i32>} : memref<4096xf32, #tpu.memory_space<vmem>>, vector<16xf32>,
    %add3A_804 = arith.addf %add3A_801, %get3A_803 : vector<16xf32>
    %get3A_805 = arith.constant 1856 : index
    %get3A_806 = tpu.vector_load %arg8[%get3A_805] {strides = array<i32>} : memref<4096xf32, #tpu.memory_space<vmem>>, vector<16xf32>,
    %add3A_807 = arith.addf %add3A_804, %get3A_806 : vector<16xf32>
    %get3A_808 = arith.constant 2112 : index
    %get3A_809 = tpu.vector_load %arg8[%get3A_808] {strides = array<i32>} : memref<4096xf32, #tpu.memory_space<vmem>>, vector<16xf32>,
    %add3A_810 = arith.addf %add3A_807, %get3A_809 : vector<16xf32>
    %get3A_811 = arith.constant 2368 : index
    %get3A_812 = tpu.vector_load %arg8[%get3A_811] {strides = array<i32>} : memref<4096xf32, #tpu.memory_space<vmem>>, vector<16xf32>,
    %add3A_813 = arith.addf %add3A_810, %get3A_812 : vector<16xf32>
    %get3A_814 = arith.constant 2624 : index
    %get3A_815 = tpu.vector_load %arg8[%get3A_814] {strides = array<i32>} : memref<4096xf32, #tpu.memory_space<vmem>>, vector<16xf32>,
    %add3A_816 = arith.addf %add3A_813, %get3A_815 : vector<16xf32>
    %get3A_817 = arith.constant 2880 : index
    %get3A_818 = tpu.vector_load %arg8[%get3A_817] {strides = array<i32>} : memref<4096xf32, #tpu.memory_space<vmem>>, vector<16xf32>,
    %add3A_819 = arith.addf %add3A_816, %get3A_818 : vector<16xf32>
    %get3A_820 = arith.constant 3136 : index
    %get3A_821 = tpu.vector_load %arg8[%get3A_820] {strides = array<i32>} : memref<4096xf32, #tpu.memory_space<vmem>>, vector<16xf32>,
    %add3A_822 = arith.addf %add3A_819, %get3A_821 : vector<16xf32>
    %get3A_823 = arith.constant 3392 : index
    %get3A_824 = tpu.vector_load %arg8[%get3A_823] {strides = array<i32>} : memref<4096xf32, #tpu.memory_space<vmem>>, vector<16xf32>,
    %add3A_825 = arith.addf %add3A_822, %get3A_824 : vector<16xf32>
    %get3A_826 = arith.constant 3648 : index
    %get3A_827 = tpu.vector_load %arg8[%get3A_826] {strides = array<i32>} : memref<4096xf32, #tpu.memory_space<vmem>>, vector<16xf32>,
    %add3A_828 = arith.addf %add3A_825, %get3A_827 : vector<16xf32>
    %get3A_829 = arith.constant 3904 : index
    %get3A_830 = tpu.vector_load %arg8[%get3A_829] {strides = array<i32>} : memref<4096xf32, #tpu.memory_space<vmem>>, vector<16xf32>,
    %add3A_831 = arith.addf %add3A_828, %get3A_830 : vector<16xf32>
    %swap3A_832 = arith.constant 64 : index
    %swap3A_833 = tpu.vector_load %arg9[%swap3A_832] {strides = array<i32>} : memref<256xf32, #tpu.memory_space<vmem>>, vector<16xf32>,
    tpu.vector_store %arg9[%swap3A_832], %add3A_831 {strides = array<i32>} : memref<256xf32, #tpu.memory_space<vmem>>, vector<16xf32>,
    %get3A_834 = arith.constant 80 : index
    %get3A_835 = tpu.vector_load %arg8[%get3A_834] {strides = array<i32>} : memref<4096xf32, #tpu.memory_space<vmem>>, vector<16xf32>,
    %get3A_836 = arith.constant 336 : index
    %get3A_837 = tpu.vector_load %arg8[%get3A_836] {strides = array<i32>} : memref<4096xf32, #tpu.memory_space<vmem>>, vector<16xf32>,
    %add3A_838 = arith.addf %get3A_835, %get3A_837 : vector<16xf32>
    %get3A_839 = arith.constant 592 : index
    %get3A_840 = tpu.vector_load %arg8[%get3A_839] {strides = array<i32>} : memref<4096xf32, #tpu.memory_space<vmem>>, vector<16xf32>,
    %add3A_841 = arith.addf %add3A_838, %get3A_840 : vector<16xf32>
    %get3A_842 = arith.constant 848 : index
    %get3A_843 = tpu.vector_load %arg8[%get3A_842] {strides = array<i32>} : memref<4096xf32, #tpu.memory_space<vmem>>, vector<16xf32>,
    %add3A_844 = arith.addf %add3A_841, %get3A_843 : vector<16xf32>
    %get3A_845 = arith.constant 1104 : index
    %get3A_846 = tpu.vector_load %arg8[%get3A_845] {strides = array<i32>} : memref<4096xf32, #tpu.memory_space<vmem>>, vector<16xf32>,
    %add3A_847 = arith.addf %add3A_844, %get3A_846 : vector<16xf32>
    %get3A_848 = arith.constant 1360 : index
    %get3A_849 = tpu.vector_load %arg8[%get3A_848] {strides = array<i32>} : memref<4096xf32, #tpu.memory_space<vmem>>, vector<16xf32>,
    %add3A_850 = arith.addf %add3A_847, %get3A_849 : vector<16xf32>
    %get3A_851 = arith.constant 1616 : index
    %get3A_852 = tpu.vector_load %arg8[%get3A_851] {strides = array<i32>} : memref<4096xf32, #tpu.memory_space<vmem>>, vector<16xf32>,
    %add3A_853 = arith.addf %add3A_850, %get3A_852 : vector<16xf32>
    %get3A_854 = arith.constant 1872 : index
    %get3A_855 = tpu.vector_load %arg8[%get3A_854] {strides = array<i32>} : memref<4096xf32, #tpu.memory_space<vmem>>, vector<16xf32>,
    %add3A_856 = arith.addf %add3A_853, %get3A_855 : vector<16xf32>
    %get3A_857 = arith.constant 2128 : index
    %get3A_858 = tpu.vector_load %arg8[%get3A_857] {strides = array<i32>} : memref<4096xf32, #tpu.memory_space<vmem>>, vector<16xf32>,
    %add3A_859 = arith.addf %add3A_856, %get3A_858 : vector<16xf32>
    %get3A_860 = arith.constant 2384 : index
    %get3A_861 = tpu.vector_load %arg8[%get3A_860] {strides = array<i32>} : memref<4096xf32, #tpu.memory_space<vmem>>, vector<16xf32>,
    %add3A_862 = arith.addf %add3A_859, %get3A_861 : vector<16xf32>
    %get3A_863 = arith.constant 2640 : index
    %get3A_864 = tpu.vector_load %arg8[%get3A_863] {strides = array<i32>} : memref<4096xf32, #tpu.memory_space<vmem>>, vector<16xf32>,
    %add3A_865 = arith.addf %add3A_862, %get3A_864 : vector<16xf32>
    %get3A_866 = arith.constant 2896 : index
    %get3A_867 = tpu.vector_load %arg8[%get3A_866] {strides = array<i32>} : memref<4096xf32, #tpu.memory_space<vmem>>, vector<16xf32>,
    %add3A_868 = arith.addf %add3A_865, %get3A_867 : vector<16xf32>
    %get3A_869 = arith.constant 3152 : index
    %get3A_870 = tpu.vector_load %arg8[%get3A_869] {strides = array<i32>} : memref<4096xf32, #tpu.memory_space<vmem>>, vector<16xf32>,
    %add3A_871 = arith.addf %add3A_868, %get3A_870 : vector<16xf32>
    %get3A_872 = arith.constant 3408 : index
    %get3A_873 = tpu.vector_load %arg8[%get3A_872] {strides = array<i32>} : memref<4096xf32, #tpu.memory_space<vmem>>, vector<16xf32>,
    %add3A_874 = arith.addf %add3A_871, %get3A_873 : vector<16xf32>
    %get3A_875 = arith.constant 3664 : index
    %get3A_876 = tpu.vector_load %arg8[%get3A_875] {strides = array<i32>} : memref<4096xf32, #tpu.memory_space<vmem>>, vector<16xf32>,
    %add3A_877 = arith.addf %add3A_874, %get3A_876 : vector<16xf32>
    %get3A_878 = arith.constant 3920 : index
    %get3A_879 = tpu.vector_load %arg8[%get3A_878] {strides = array<i32>} : memref<4096xf32, #tpu.memory_space<vmem>>, vector<16xf32>,
    %add3A_880 = arith.addf %add3A_877, %get3A_879 : vector<16xf32>
    %swap3A_881 = arith.constant 80 : index
    %swap3A_882 = tpu.vector_load %arg9[%swap3A_881] {strides = array<i32>} : memref<256xf32, #tpu.memory_space<vmem>>, vector<16xf32>,
    tpu.vector_store %arg9[%swap3A_881], %add3A_880 {strides = array<i32>} : memref<256xf32, #tpu.memory_space<vmem>>, vector<16xf32>,
    %get3A_883 = arith.constant 96 : index
    %get3A_884 = tpu.vector_load %arg8[%get3A_883] {strides = array<i32>} : memref<4096xf32, #tpu.memory_space<vmem>>, vector<16xf32>,
    %get3A_885 = arith.constant 352 : index
    %get3A_886 = tpu.vector_load %arg8[%get3A_885] {strides = array<i32>} : memref<4096xf32, #tpu.memory_space<vmem>>, vector<16xf32>,
    %add3A_887 = arith.addf %get3A_884, %get3A_886 : vector<16xf32>
    %get3A_888 = arith.constant 608 : index
    %get3A_889 = tpu.vector_load %arg8[%get3A_888] {strides = array<i32>} : memref<4096xf32, #tpu.memory_space<vmem>>, vector<16xf32>,
    %add3A_890 = arith.addf %add3A_887, %get3A_889 : vector<16xf32>
    %get3A_891 = arith.constant 864 : index
    %get3A_892 = tpu.vector_load %arg8[%get3A_891] {strides = array<i32>} : memref<4096xf32, #tpu.memory_space<vmem>>, vector<16xf32>,
    %add3A_893 = arith.addf %add3A_890, %get3A_892 : vector<16xf32>
    %get3A_894 = arith.constant 1120 : index
    %get3A_895 = tpu.vector_load %arg8[%get3A_894] {strides = array<i32>} : memref<4096xf32, #tpu.memory_space<vmem>>, vector<16xf32>,
    %add3A_896 = arith.addf %add3A_893, %get3A_895 : vector<16xf32>
    %get3A_897 = arith.constant 1376 : index
    %get3A_898 = tpu.vector_load %arg8[%get3A_897] {strides = array<i32>} : memref<4096xf32, #tpu.memory_space<vmem>>, vector<16xf32>,
    %add3A_899 = arith.addf %add3A_896, %get3A_898 : vector<16xf32>
    %get3A_900 = arith.constant 1632 : index
    %get3A_901 = tpu.vector_load %arg8[%get3A_900] {strides = array<i32>} : memref<4096xf32, #tpu.memory_space<vmem>>, vector<16xf32>,
    %add3A_902 = arith.addf %add3A_899, %get3A_901 : vector<16xf32>
    %get3A_903 = arith.constant 1888 : index
    %get3A_904 = tpu.vector_load %arg8[%get3A_903] {strides = array<i32>} : memref<4096xf32, #tpu.memory_space<vmem>>, vector<16xf32>,
    %add3A_905 = arith.addf %add3A_902, %get3A_904 : vector<16xf32>
    %get3A_906 = arith.constant 2144 : index
    %get3A_907 = tpu.vector_load %arg8[%get3A_906] {strides = array<i32>} : memref<4096xf32, #tpu.memory_space<vmem>>, vector<16xf32>,
    %add3A_908 = arith.addf %add3A_905, %get3A_907 : vector<16xf32>
    %get3A_909 = arith.constant 2400 : index
    %get3A_910 = tpu.vector_load %arg8[%get3A_909] {strides = array<i32>} : memref<4096xf32, #tpu.memory_space<vmem>>, vector<16xf32>,
    %add3A_911 = arith.addf %add3A_908, %get3A_910 : vector<16xf32>
    %get3A_912 = arith.constant 2656 : index
    %get3A_913 = tpu.vector_load %arg8[%get3A_912] {strides = array<i32>} : memref<4096xf32, #tpu.memory_space<vmem>>, vector<16xf32>,
    %add3A_914 = arith.addf %add3A_911, %get3A_913 : vector<16xf32>
    %get3A_915 = arith.constant 2912 : index
    %get3A_916 = tpu.vector_load %arg8[%get3A_915] {strides = array<i32>} : memref<4096xf32, #tpu.memory_space<vmem>>, vector<16xf32>,
    %add3A_917 = arith.addf %add3A_914, %get3A_916 : vector<16xf32>
    %get3A_918 = arith.constant 3168 : index
    %get3A_919 = tpu.vector_load %arg8[%get3A_918] {strides = array<i32>} : memref<4096xf32, #tpu.memory_space<vmem>>, vector<16xf32>,
    %add3A_920 = arith.addf %add3A_917, %get3A_919 : vector<16xf32>
    %get3A_921 = arith.constant 3424 : index
    %get3A_922 = tpu.vector_load %arg8[%get3A_921] {strides = array<i32>} : memref<4096xf32, #tpu.memory_space<vmem>>, vector<16xf32>,
    %add3A_923 = arith.addf %add3A_920, %get3A_922 : vector<16xf32>
    %get3A_924 = arith.constant 3680 : index
    %get3A_925 = tpu.vector_load %arg8[%get3A_924] {strides = array<i32>} : memref<4096xf32, #tpu.memory_space<vmem>>, vector<16xf32>,
    %add3A_926 = arith.addf %add3A_923, %get3A_925 : vector<16xf32>
    %get3A_927 = arith.constant 3936 : index
    %get3A_928 = tpu.vector_load %arg8[%get3A_927] {strides = array<i32>} : memref<4096xf32, #tpu.memory_space<vmem>>, vector<16xf32>,
    %add3A_929 = arith.addf %add3A_926, %get3A_928 : vector<16xf32>
    %swap3A_930 = arith.constant 96 : index
    %swap3A_931 = tpu.vector_load %arg9[%swap3A_930] {strides = array<i32>} : memref<256xf32, #tpu.memory_space<vmem>>, vector<16xf32>,
    tpu.vector_store %arg9[%swap3A_930], %add3A_929 {strides = array<i32>} : memref<256xf32, #tpu.memory_space<vmem>>, vector<16xf32>,
    %get3A_932 = arith.constant 112 : index
    %get3A_933 = tpu.vector_load %arg8[%get3A_932] {strides = array<i32>} : memref<4096xf32, #tpu.memory_space<vmem>>, vector<16xf32>,
    %get3A_934 = arith.constant 368 : index
    %get3A_935 = tpu.vector_load %arg8[%get3A_934] {strides = array<i32>} : memref<4096xf32, #tpu.memory_space<vmem>>, vector<16xf32>,
    %add3A_936 = arith.addf %get3A_933, %get3A_935 : vector<16xf32>
    %get3A_937 = arith.constant 624 : index
    %get3A_938 = tpu.vector_load %arg8[%get3A_937] {strides = array<i32>} : memref<4096xf32, #tpu.memory_space<vmem>>, vector<16xf32>,
    %add3A_939 = arith.addf %add3A_936, %get3A_938 : vector<16xf32>
    %get3A_940 = arith.constant 880 : index
    %get3A_941 = tpu.vector_load %arg8[%get3A_940] {strides = array<i32>} : memref<4096xf32, #tpu.memory_space<vmem>>, vector<16xf32>,
    %add3A_942 = arith.addf %add3A_939, %get3A_941 : vector<16xf32>
    %get3A_943 = arith.constant 1136 : index
    %get3A_944 = tpu.vector_load %arg8[%get3A_943] {strides = array<i32>} : memref<4096xf32, #tpu.memory_space<vmem>>, vector<16xf32>,
    %add3A_945 = arith.addf %add3A_942, %get3A_944 : vector<16xf32>
    %get3A_946 = arith.constant 1392 : index
    %get3A_947 = tpu.vector_load %arg8[%get3A_946] {strides = array<i32>} : memref<4096xf32, #tpu.memory_space<vmem>>, vector<16xf32>,
    %add3A_948 = arith.addf %add3A_945, %get3A_947 : vector<16xf32>
    %get3A_949 = arith.constant 1648 : index
    %get3A_950 = tpu.vector_load %arg8[%get3A_949] {strides = array<i32>} : memref<4096xf32, #tpu.memory_space<vmem>>, vector<16xf32>,
    %add3A_951 = arith.addf %add3A_948, %get3A_950 : vector<16xf32>
    %get3A_952 = arith.constant 1904 : index
    %get3A_953 = tpu.vector_load %arg8[%get3A_952] {strides = array<i32>} : memref<4096xf32, #tpu.memory_space<vmem>>, vector<16xf32>,
    %add3A_954 = arith.addf %add3A_951, %get3A_953 : vector<16xf32>
    %get3A_955 = arith.constant 2160 : index
    %get3A_956 = tpu.vector_load %arg8[%get3A_955] {strides = array<i32>} : memref<4096xf32, #tpu.memory_space<vmem>>, vector<16xf32>,
    %add3A_957 = arith.addf %add3A_954, %get3A_956 : vector<16xf32>
    %get3A_958 = arith.constant 2416 : index
    %get3A_959 = tpu.vector_load %arg8[%get3A_958] {strides = array<i32>} : memref<4096xf32, #tpu.memory_space<vmem>>, vector<16xf32>,
    %add3A_960 = arith.addf %add3A_957, %get3A_959 : vector<16xf32>
    %get3A_961 = arith.constant 2672 : index
    %get3A_962 = tpu.vector_load %arg8[%get3A_961] {strides = array<i32>} : memref<4096xf32, #tpu.memory_space<vmem>>, vector<16xf32>,
    %add3A_963 = arith.addf %add3A_960, %get3A_962 : vector<16xf32>
    %get3A_964 = arith.constant 2928 : index
    %get3A_965 = tpu.vector_load %arg8[%get3A_964] {strides = array<i32>} : memref<4096xf32, #tpu.memory_space<vmem>>, vector<16xf32>,
    %add3A_966 = arith.addf %add3A_963, %get3A_965 : vector<16xf32>
    %get3A_967 = arith.constant 3184 : index
    %get3A_968 = tpu.vector_load %arg8[%get3A_967] {strides = array<i32>} : memref<4096xf32, #tpu.memory_space<vmem>>, vector<16xf32>,
    %add3A_969 = arith.addf %add3A_966, %get3A_968 : vector<16xf32>
    %get3A_970 = arith.constant 3440 : index
    %get3A_971 = tpu.vector_load %arg8[%get3A_970] {strides = array<i32>} : memref<4096xf32, #tpu.memory_space<vmem>>, vector<16xf32>,
    %add3A_972 = arith.addf %add3A_969, %get3A_971 : vector<16xf32>
    %get3A_973 = arith.constant 3696 : index
    %get3A_974 = tpu.vector_load %arg8[%get3A_973] {strides = array<i32>} : memref<4096xf32, #tpu.memory_space<vmem>>, vector<16xf32>,
    %add3A_975 = arith.addf %add3A_972, %get3A_974 : vector<16xf32>
    %get3A_976 = arith.constant 3952 : index
    %get3A_977 = tpu.vector_load %arg8[%get3A_976] {strides = array<i32>} : memref<4096xf32, #tpu.memory_space<vmem>>, vector<16xf32>,
    %add3A_978 = arith.addf %add3A_975, %get3A_977 : vector<16xf32>
    %swap3A_979 = arith.constant 112 : index
    %swap3A_980 = tpu.vector_load %arg9[%swap3A_979] {strides = array<i32>} : memref<256xf32, #tpu.memory_space<vmem>>, vector<16xf32>,
    tpu.vector_store %arg9[%swap3A_979], %add3A_978 {strides = array<i32>} : memref<256xf32, #tpu.memory_space<vmem>>, vector<16xf32>,
    %get3A_981 = arith.constant 128 : index
    %get3A_982 = tpu.vector_load %arg8[%get3A_981] {strides = array<i32>} : memref<4096xf32, #tpu.memory_space<vmem>>, vector<16xf32>,
    %get3A_983 = arith.constant 384 : index
    %get3A_984 = tpu.vector_load %arg8[%get3A_983] {strides = array<i32>} : memref<4096xf32, #tpu.memory_space<vmem>>, vector<16xf32>,
    %add3A_985 = arith.addf %get3A_982, %get3A_984 : vector<16xf32>
    %get3A_986 = arith.constant 640 : index
    %get3A_987 = tpu.vector_load %arg8[%get3A_986] {strides = array<i32>} : memref<4096xf32, #tpu.memory_space<vmem>>, vector<16xf32>,
    %add3A_988 = arith.addf %add3A_985, %get3A_987 : vector<16xf32>
    %get3A_989 = arith.constant 896 : index
    %get3A_990 = tpu.vector_load %arg8[%get3A_989] {strides = array<i32>} : memref<4096xf32, #tpu.memory_space<vmem>>, vector<16xf32>,
    %add3A_991 = arith.addf %add3A_988, %get3A_990 : vector<16xf32>
    %get3A_992 = arith.constant 1152 : index
    %get3A_993 = tpu.vector_load %arg8[%get3A_992] {strides = array<i32>} : memref<4096xf32, #tpu.memory_space<vmem>>, vector<16xf32>,
    %add3A_994 = arith.addf %add3A_991, %get3A_993 : vector<16xf32>
    %get3A_995 = arith.constant 1408 : index
    %get3A_996 = tpu.vector_load %arg8[%get3A_995] {strides = array<i32>} : memref<4096xf32, #tpu.memory_space<vmem>>, vector<16xf32>,
    %add3A_997 = arith.addf %add3A_994, %get3A_996 : vector<16xf32>
    %get3A_998 = arith.constant 1664 : index
    %get3A_999 = tpu.vector_load %arg8[%get3A_998] {strides = array<i32>} : memref<4096xf32, #tpu.memory_space<vmem>>, vector<16xf32>,
    %add3A_1000 = arith.addf %add3A_997, %get3A_999 : vector<16xf32>
    %get3A_1001 = arith.constant 1920 : index
    %get3A_1002 = tpu.vector_load %arg8[%get3A_1001] {strides = array<i32>} : memref<4096xf32, #tpu.memory_space<vmem>>, vector<16xf32>,
    %add3A_1003 = arith.addf %add3A_1000, %get3A_1002 : vector<16xf32>
    %get3A_1004 = arith.constant 2176 : index
    %get3A_1005 = tpu.vector_load %arg8[%get3A_1004] {strides = array<i32>} : memref<4096xf32, #tpu.memory_space<vmem>>, vector<16xf32>,
    %add3A_1006 = arith.addf %add3A_1003, %get3A_1005 : vector<16xf32>
    %get3A_1007 = arith.constant 2432 : index
    %get3A_1008 = tpu.vector_load %arg8[%get3A_1007] {strides = array<i32>} : memref<4096xf32, #tpu.memory_space<vmem>>, vector<16xf32>,
    %add3A_1009 = arith.addf %add3A_1006, %get3A_1008 : vector<16xf32>
    %get3A_1010 = arith.constant 2688 : index
    %get3A_1011 = tpu.vector_load %arg8[%get3A_1010] {strides = array<i32>} : memref<4096xf32, #tpu.memory_space<vmem>>, vector<16xf32>,
    %add3A_1012 = arith.addf %add3A_1009, %get3A_1011 : vector<16xf32>
    %get3A_1013 = arith.constant 2944 : index
    %get3A_1014 = tpu.vector_load %arg8[%get3A_1013] {strides = array<i32>} : memref<4096xf32, #tpu.memory_space<vmem>>, vector<16xf32>,
    %add3A_1015 = arith.addf %add3A_1012, %get3A_1014 : vector<16xf32>
    %get3A_1016 = arith.constant 3200 : index
    %get3A_1017 = tpu.vector_load %arg8[%get3A_1016] {strides = array<i32>} : memref<4096xf32, #tpu.memory_space<vmem>>, vector<16xf32>,
    %add3A_1018 = arith.addf %add3A_1015, %get3A_1017 : vector<16xf32>
    %get3A_1019 = arith.constant 3456 : index
    %get3A_1020 = tpu.vector_load %arg8[%get3A_1019] {strides = array<i32>} : memref<4096xf32, #tpu.memory_space<vmem>>, vector<16xf32>,
    %add3A_1021 = arith.addf %add3A_1018, %get3A_1020 : vector<16xf32>
    %get3A_1022 = arith.constant 3712 : index
    %get3A_1023 = tpu.vector_load %arg8[%get3A_1022] {strides = array<i32>} : memref<4096xf32, #tpu.memory_space<vmem>>, vector<16xf32>,
    %add3A_1024 = arith.addf %add3A_1021, %get3A_1023 : vector<16xf32>
    %get3A_1025 = arith.constant 3968 : index
    %get3A_1026 = tpu.vector_load %arg8[%get3A_1025] {strides = array<i32>} : memref<4096xf32, #tpu.memory_space<vmem>>, vector<16xf32>,
    %add3A_1027 = arith.addf %add3A_1024, %get3A_1026 : vector<16xf32>
    %swap3A_1028 = arith.constant 128 : index
    %swap3A_1029 = tpu.vector_load %arg9[%swap3A_1028] {strides = array<i32>} : memref<256xf32, #tpu.memory_space<vmem>>, vector<16xf32>,
    tpu.vector_store %arg9[%swap3A_1028], %add3A_1027 {strides = array<i32>} : memref<256xf32, #tpu.memory_space<vmem>>, vector<16xf32>,
    %get3A_1030 = arith.constant 144 : index
    %get3A_1031 = tpu.vector_load %arg8[%get3A_1030] {strides = array<i32>} : memref<4096xf32, #tpu.memory_space<vmem>>, vector<16xf32>,
    %get3A_1032 = arith.constant 400 : index
    %get3A_1033 = tpu.vector_load %arg8[%get3A_1032] {strides = array<i32>} : memref<4096xf32, #tpu.memory_space<vmem>>, vector<16xf32>,
    %add3A_1034 = arith.addf %get3A_1031, %get3A_1033 : vector<16xf32>
    %get3A_1035 = arith.constant 656 : index
    %get3A_1036 = tpu.vector_load %arg8[%get3A_1035] {strides = array<i32>} : memref<4096xf32, #tpu.memory_space<vmem>>, vector<16xf32>,
    %add3A_1037 = arith.addf %add3A_1034, %get3A_1036 : vector<16xf32>
    %get3A_1038 = arith.constant 912 : index
    %get3A_1039 = tpu.vector_load %arg8[%get3A_1038] {strides = array<i32>} : memref<4096xf32, #tpu.memory_space<vmem>>, vector<16xf32>,
    %add3A_1040 = arith.addf %add3A_1037, %get3A_1039 : vector<16xf32>
    %get3A_1041 = arith.constant 1168 : index
    %get3A_1042 = tpu.vector_load %arg8[%get3A_1041] {strides = array<i32>} : memref<4096xf32, #tpu.memory_space<vmem>>, vector<16xf32>,
    %add3A_1043 = arith.addf %add3A_1040, %get3A_1042 : vector<16xf32>
    %get3A_1044 = arith.constant 1424 : index
    %get3A_1045 = tpu.vector_load %arg8[%get3A_1044] {strides = array<i32>} : memref<4096xf32, #tpu.memory_space<vmem>>, vector<16xf32>,
    %add3A_1046 = arith.addf %add3A_1043, %get3A_1045 : vector<16xf32>
    %get3A_1047 = arith.constant 1680 : index
    %get3A_1048 = tpu.vector_load %arg8[%get3A_1047] {strides = array<i32>} : memref<4096xf32, #tpu.memory_space<vmem>>, vector<16xf32>,
    %add3A_1049 = arith.addf %add3A_1046, %get3A_1048 : vector<16xf32>
    %get3A_1050 = arith.constant 1936 : index
    %get3A_1051 = tpu.vector_load %arg8[%get3A_1050] {strides = array<i32>} : memref<4096xf32, #tpu.memory_space<vmem>>, vector<16xf32>,
    %add3A_1052 = arith.addf %add3A_1049, %get3A_1051 : vector<16xf32>
    %get3A_1053 = arith.constant 2192 : index
    %get3A_1054 = tpu.vector_load %arg8[%get3A_1053] {strides = array<i32>} : memref<4096xf32, #tpu.memory_space<vmem>>, vector<16xf32>,
    %add3A_1055 = arith.addf %add3A_1052, %get3A_1054 : vector<16xf32>
    %get3A_1056 = arith.constant 2448 : index
    %get3A_1057 = tpu.vector_load %arg8[%get3A_1056] {strides = array<i32>} : memref<4096xf32, #tpu.memory_space<vmem>>, vector<16xf32>,
    %add3A_1058 = arith.addf %add3A_1055, %get3A_1057 : vector<16xf32>
    %get3A_1059 = arith.constant 2704 : index
    %get3A_1060 = tpu.vector_load %arg8[%get3A_1059] {strides = array<i32>} : memref<4096xf32, #tpu.memory_space<vmem>>, vector<16xf32>,
    %add3A_1061 = arith.addf %add3A_1058, %get3A_1060 : vector<16xf32>
    %get3A_1062 = arith.constant 2960 : index
    %get3A_1063 = tpu.vector_load %arg8[%get3A_1062] {strides = array<i32>} : memref<4096xf32, #tpu.memory_space<vmem>>, vector<16xf32>,
    %add3A_1064 = arith.addf %add3A_1061, %get3A_1063 : vector<16xf32>
    %get3A_1065 = arith.constant 3216 : index
    %get3A_1066 = tpu.vector_load %arg8[%get3A_1065] {strides = array<i32>} : memref<4096xf32, #tpu.memory_space<vmem>>, vector<16xf32>,
    %add3A_1067 = arith.addf %add3A_1064, %get3A_1066 : vector<16xf32>
    %get3A_1068 = arith.constant 3472 : index
    %get3A_1069 = tpu.vector_load %arg8[%get3A_1068] {strides = array<i32>} : memref<4096xf32, #tpu.memory_space<vmem>>, vector<16xf32>,
    %add3A_1070 = arith.addf %add3A_1067, %get3A_1069 : vector<16xf32>
    %get3A_1071 = arith.constant 3728 : index
    %get3A_1072 = tpu.vector_load %arg8[%get3A_1071] {strides = array<i32>} : memref<4096xf32, #tpu.memory_space<vmem>>, vector<16xf32>,
    %add3A_1073 = arith.addf %add3A_1070, %get3A_1072 : vector<16xf32>
    %get3A_1074 = arith.constant 3984 : index
    %get3A_1075 = tpu.vector_load %arg8[%get3A_1074] {strides = array<i32>} : memref<4096xf32, #tpu.memory_space<vmem>>, vector<16xf32>,
    %add3A_1076 = arith.addf %add3A_1073, %get3A_1075 : vector<16xf32>
    %swap3A_1077 = arith.constant 144 : index
    %swap3A_1078 = tpu.vector_load %arg9[%swap3A_1077] {strides = array<i32>} : memref<256xf32, #tpu.memory_space<vmem>>, vector<16xf32>,
    tpu.vector_store %arg9[%swap3A_1077], %add3A_1076 {strides = array<i32>} : memref<256xf32, #tpu.memory_space<vmem>>, vector<16xf32>,
    %get3A_1079 = arith.constant 160 : index
    %get3A_1080 = tpu.vector_load %arg8[%get3A_1079] {strides = array<i32>} : memref<4096xf32, #tpu.memory_space<vmem>>, vector<16xf32>,
    %get3A_1081 = arith.constant 416 : index
    %get3A_1082 = tpu.vector_load %arg8[%get3A_1081] {strides = array<i32>} : memref<4096xf32, #tpu.memory_space<vmem>>, vector<16xf32>,
    %add3A_1083 = arith.addf %get3A_1080, %get3A_1082 : vector<16xf32>
    %get3A_1084 = arith.constant 672 : index
    %get3A_1085 = tpu.vector_load %arg8[%get3A_1084] {strides = array<i32>} : memref<4096xf32, #tpu.memory_space<vmem>>, vector<16xf32>,
    %add3A_1086 = arith.addf %add3A_1083, %get3A_1085 : vector<16xf32>
    %get3A_1087 = arith.constant 928 : index
    %get3A_1088 = tpu.vector_load %arg8[%get3A_1087] {strides = array<i32>} : memref<4096xf32, #tpu.memory_space<vmem>>, vector<16xf32>,
    %add3A_1089 = arith.addf %add3A_1086, %get3A_1088 : vector<16xf32>
    %get3A_1090 = arith.constant 1184 : index
    %get3A_1091 = tpu.vector_load %arg8[%get3A_1090] {strides = array<i32>} : memref<4096xf32, #tpu.memory_space<vmem>>, vector<16xf32>,
    %add3A_1092 = arith.addf %add3A_1089, %get3A_1091 : vector<16xf32>
    %get3A_1093 = arith.constant 1440 : index
    %get3A_1094 = tpu.vector_load %arg8[%get3A_1093] {strides = array<i32>} : memref<4096xf32, #tpu.memory_space<vmem>>, vector<16xf32>,
    %add3A_1095 = arith.addf %add3A_1092, %get3A_1094 : vector<16xf32>
    %get3A_1096 = arith.constant 1696 : index
    %get3A_1097 = tpu.vector_load %arg8[%get3A_1096] {strides = array<i32>} : memref<4096xf32, #tpu.memory_space<vmem>>, vector<16xf32>,
    %add3A_1098 = arith.addf %add3A_1095, %get3A_1097 : vector<16xf32>
    %get3A_1099 = arith.constant 1952 : index
    %get3A_1100 = tpu.vector_load %arg8[%get3A_1099] {strides = array<i32>} : memref<4096xf32, #tpu.memory_space<vmem>>, vector<16xf32>,
    %add3A_1101 = arith.addf %add3A_1098, %get3A_1100 : vector<16xf32>
    %get3A_1102 = arith.constant 2208 : index
    %get3A_1103 = tpu.vector_load %arg8[%get3A_1102] {strides = array<i32>} : memref<4096xf32, #tpu.memory_space<vmem>>, vector<16xf32>,
    %add3A_1104 = arith.addf %add3A_1101, %get3A_1103 : vector<16xf32>
    %get3A_1105 = arith.constant 2464 : index
    %get3A_1106 = tpu.vector_load %arg8[%get3A_1105] {strides = array<i32>} : memref<4096xf32, #tpu.memory_space<vmem>>, vector<16xf32>,
    %add3A_1107 = arith.addf %add3A_1104, %get3A_1106 : vector<16xf32>
    %get3A_1108 = arith.constant 2720 : index
    %get3A_1109 = tpu.vector_load %arg8[%get3A_1108] {strides = array<i32>} : memref<4096xf32, #tpu.memory_space<vmem>>, vector<16xf32>,
    %add3A_1110 = arith.addf %add3A_1107, %get3A_1109 : vector<16xf32>
    %get3A_1111 = arith.constant 2976 : index
    %get3A_1112 = tpu.vector_load %arg8[%get3A_1111] {strides = array<i32>} : memref<4096xf32, #tpu.memory_space<vmem>>, vector<16xf32>,
    %add3A_1113 = arith.addf %add3A_1110, %get3A_1112 : vector<16xf32>
    %get3A_1114 = arith.constant 3232 : index
    %get3A_1115 = tpu.vector_load %arg8[%get3A_1114] {strides = array<i32>} : memref<4096xf32, #tpu.memory_space<vmem>>, vector<16xf32>,
    %add3A_1116 = arith.addf %add3A_1113, %get3A_1115 : vector<16xf32>
    %get3A_1117 = arith.constant 3488 : index
    %get3A_1118 = tpu.vector_load %arg8[%get3A_1117] {strides = array<i32>} : memref<4096xf32, #tpu.memory_space<vmem>>, vector<16xf32>,
    %add3A_1119 = arith.addf %add3A_1116, %get3A_1118 : vector<16xf32>
    %get3A_1120 = arith.constant 3744 : index
    %get3A_1121 = tpu.vector_load %arg8[%get3A_1120] {strides = array<i32>} : memref<4096xf32, #tpu.memory_space<vmem>>, vector<16xf32>,
    %add3A_1122 = arith.addf %add3A_1119, %get3A_1121 : vector<16xf32>
    %get3A_1123 = arith.constant 4000 : index
    %get3A_1124 = tpu.vector_load %arg8[%get3A_1123] {strides = array<i32>} : memref<4096xf32, #tpu.memory_space<vmem>>, vector<16xf32>,
    %add3A_1125 = arith.addf %add3A_1122, %get3A_1124 : vector<16xf32>
    %swap3A_1126 = arith.constant 160 : index
    %swap3A_1127 = tpu.vector_load %arg9[%swap3A_1126] {strides = array<i32>} : memref<256xf32, #tpu.memory_space<vmem>>, vector<16xf32>,
    tpu.vector_store %arg9[%swap3A_1126], %add3A_1125 {strides = array<i32>} : memref<256xf32, #tpu.memory_space<vmem>>, vector<16xf32>,
    %get3A_1128 = arith.constant 176 : index
    %get3A_1129 = tpu.vector_load %arg8[%get3A_1128] {strides = array<i32>} : memref<4096xf32, #tpu.memory_space<vmem>>, vector<16xf32>,
    %get3A_1130 = arith.constant 432 : index
    %get3A_1131 = tpu.vector_load %arg8[%get3A_1130] {strides = array<i32>} : memref<4096xf32, #tpu.memory_space<vmem>>, vector<16xf32>,
    %add3A_1132 = arith.addf %get3A_1129, %get3A_1131 : vector<16xf32>
    %get3A_1133 = arith.constant 688 : index
    %get3A_1134 = tpu.vector_load %arg8[%get3A_1133] {strides = array<i32>} : memref<4096xf32, #tpu.memory_space<vmem>>, vector<16xf32>,
    %add3A_1135 = arith.addf %add3A_1132, %get3A_1134 : vector<16xf32>
    %get3A_1136 = arith.constant 944 : index
    %get3A_1137 = tpu.vector_load %arg8[%get3A_1136] {strides = array<i32>} : memref<4096xf32, #tpu.memory_space<vmem>>, vector<16xf32>,
    %add3A_1138 = arith.addf %add3A_1135, %get3A_1137 : vector<16xf32>
    %get3A_1139 = arith.constant 1200 : index
    %get3A_1140 = tpu.vector_load %arg8[%get3A_1139] {strides = array<i32>} : memref<4096xf32, #tpu.memory_space<vmem>>, vector<16xf32>,
    %add3A_1141 = arith.addf %add3A_1138, %get3A_1140 : vector<16xf32>
    %get3A_1142 = arith.constant 1456 : index
    %get3A_1143 = tpu.vector_load %arg8[%get3A_1142] {strides = array<i32>} : memref<4096xf32, #tpu.memory_space<vmem>>, vector<16xf32>,
    %add3A_1144 = arith.addf %add3A_1141, %get3A_1143 : vector<16xf32>
    %get3A_1145 = arith.constant 1712 : index
    %get3A_1146 = tpu.vector_load %arg8[%get3A_1145] {strides = array<i32>} : memref<4096xf32, #tpu.memory_space<vmem>>, vector<16xf32>,
    %add3A_1147 = arith.addf %add3A_1144, %get3A_1146 : vector<16xf32>
    %get3A_1148 = arith.constant 1968 : index
    %get3A_1149 = tpu.vector_load %arg8[%get3A_1148] {strides = array<i32>} : memref<4096xf32, #tpu.memory_space<vmem>>, vector<16xf32>,
    %add3A_1150 = arith.addf %add3A_1147, %get3A_1149 : vector<16xf32>
    %get3A_1151 = arith.constant 2224 : index
    %get3A_1152 = tpu.vector_load %arg8[%get3A_1151] {strides = array<i32>} : memref<4096xf32, #tpu.memory_space<vmem>>, vector<16xf32>,
    %add3A_1153 = arith.addf %add3A_1150, %get3A_1152 : vector<16xf32>
    %get3A_1154 = arith.constant 2480 : index
    %get3A_1155 = tpu.vector_load %arg8[%get3A_1154] {strides = array<i32>} : memref<4096xf32, #tpu.memory_space<vmem>>, vector<16xf32>,
    %add3A_1156 = arith.addf %add3A_1153, %get3A_1155 : vector<16xf32>
    %get3A_1157 = arith.constant 2736 : index
    %get3A_1158 = tpu.vector_load %arg8[%get3A_1157] {strides = array<i32>} : memref<4096xf32, #tpu.memory_space<vmem>>, vector<16xf32>,
    %add3A_1159 = arith.addf %add3A_1156, %get3A_1158 : vector<16xf32>
    %get3A_1160 = arith.constant 2992 : index
    %get3A_1161 = tpu.vector_load %arg8[%get3A_1160] {strides = array<i32>} : memref<4096xf32, #tpu.memory_space<vmem>>, vector<16xf32>,
    %add3A_1162 = arith.addf %add3A_1159, %get3A_1161 : vector<16xf32>
    %get3A_1163 = arith.constant 3248 : index
    %get3A_1164 = tpu.vector_load %arg8[%get3A_1163] {strides = array<i32>} : memref<4096xf32, #tpu.memory_space<vmem>>, vector<16xf32>,
    %add3A_1165 = arith.addf %add3A_1162, %get3A_1164 : vector<16xf32>
    %get3A_1166 = arith.constant 3504 : index
    %get3A_1167 = tpu.vector_load %arg8[%get3A_1166] {strides = array<i32>} : memref<4096xf32, #tpu.memory_space<vmem>>, vector<16xf32>,
    %add3A_1168 = arith.addf %add3A_1165, %get3A_1167 : vector<16xf32>
    %get3A_1169 = arith.constant 3760 : index
    %get3A_1170 = tpu.vector_load %arg8[%get3A_1169] {strides = array<i32>} : memref<4096xf32, #tpu.memory_space<vmem>>, vector<16xf32>,
    %add3A_1171 = arith.addf %add3A_1168, %get3A_1170 : vector<16xf32>
    %get3A_1172 = arith.constant 4016 : index
    %get3A_1173 = tpu.vector_load %arg8[%get3A_1172] {strides = array<i32>} : memref<4096xf32, #tpu.memory_space<vmem>>, vector<16xf32>,
    %add3A_1174 = arith.addf %add3A_1171, %get3A_1173 : vector<16xf32>
    %swap3A_1175 = arith.constant 176 : index
    %swap3A_1176 = tpu.vector_load %arg9[%swap3A_1175] {strides = array<i32>} : memref<256xf32, #tpu.memory_space<vmem>>, vector<16xf32>,
    tpu.vector_store %arg9[%swap3A_1175], %add3A_1174 {strides = array<i32>} : memref<256xf32, #tpu.memory_space<vmem>>, vector<16xf32>,
    %get3A_1177 = arith.constant 192 : index
    %get3A_1178 = tpu.vector_load %arg8[%get3A_1177] {strides = array<i32>} : memref<4096xf32, #tpu.memory_space<vmem>>, vector<16xf32>,
    %get3A_1179 = arith.constant 448 : index
    %get3A_1180 = tpu.vector_load %arg8[%get3A_1179] {strides = array<i32>} : memref<4096xf32, #tpu.memory_space<vmem>>, vector<16xf32>,
    %add3A_1181 = arith.addf %get3A_1178, %get3A_1180 : vector<16xf32>
    %get3A_1182 = arith.constant 704 : index
    %get3A_1183 = tpu.vector_load %arg8[%get3A_1182] {strides = array<i32>} : memref<4096xf32, #tpu.memory_space<vmem>>, vector<16xf32>,
    %add3A_1184 = arith.addf %add3A_1181, %get3A_1183 : vector<16xf32>
    %get3A_1185 = arith.constant 960 : index
    %get3A_1186 = tpu.vector_load %arg8[%get3A_1185] {strides = array<i32>} : memref<4096xf32, #tpu.memory_space<vmem>>, vector<16xf32>,
    %add3A_1187 = arith.addf %add3A_1184, %get3A_1186 : vector<16xf32>
    %get3A_1188 = arith.constant 1216 : index
    %get3A_1189 = tpu.vector_load %arg8[%get3A_1188] {strides = array<i32>} : memref<4096xf32, #tpu.memory_space<vmem>>, vector<16xf32>,
    %add3A_1190 = arith.addf %add3A_1187, %get3A_1189 : vector<16xf32>
    %get3A_1191 = arith.constant 1472 : index
    %get3A_1192 = tpu.vector_load %arg8[%get3A_1191] {strides = array<i32>} : memref<4096xf32, #tpu.memory_space<vmem>>, vector<16xf32>,
    %add3A_1193 = arith.addf %add3A_1190, %get3A_1192 : vector<16xf32>
    %get3A_1194 = arith.constant 1728 : index
    %get3A_1195 = tpu.vector_load %arg8[%get3A_1194] {strides = array<i32>} : memref<4096xf32, #tpu.memory_space<vmem>>, vector<16xf32>,
    %add3A_1196 = arith.addf %add3A_1193, %get3A_1195 : vector<16xf32>
    %get3A_1197 = arith.constant 1984 : index
    %get3A_1198 = tpu.vector_load %arg8[%get3A_1197] {strides = array<i32>} : memref<4096xf32, #tpu.memory_space<vmem>>, vector<16xf32>,
    %add3A_1199 = arith.addf %add3A_1196, %get3A_1198 : vector<16xf32>
    %get3A_1200 = arith.constant 2240 : index
    %get3A_1201 = tpu.vector_load %arg8[%get3A_1200] {strides = array<i32>} : memref<4096xf32, #tpu.memory_space<vmem>>, vector<16xf32>,
    %add3A_1202 = arith.addf %add3A_1199, %get3A_1201 : vector<16xf32>
    %get3A_1203 = arith.constant 2496 : index
    %get3A_1204 = tpu.vector_load %arg8[%get3A_1203] {strides = array<i32>} : memref<4096xf32, #tpu.memory_space<vmem>>, vector<16xf32>,
    %add3A_1205 = arith.addf %add3A_1202, %get3A_1204 : vector<16xf32>
    %get3A_1206 = arith.constant 2752 : index
    %get3A_1207 = tpu.vector_load %arg8[%get3A_1206] {strides = array<i32>} : memref<4096xf32, #tpu.memory_space<vmem>>, vector<16xf32>,
    %add3A_1208 = arith.addf %add3A_1205, %get3A_1207 : vector<16xf32>
    %get3A_1209 = arith.constant 3008 : index
    %get3A_1210 = tpu.vector_load %arg8[%get3A_1209] {strides = array<i32>} : memref<4096xf32, #tpu.memory_space<vmem>>, vector<16xf32>,
    %add3A_1211 = arith.addf %add3A_1208, %get3A_1210 : vector<16xf32>
    %get3A_1212 = arith.constant 3264 : index
    %get3A_1213 = tpu.vector_load %arg8[%get3A_1212] {strides = array<i32>} : memref<4096xf32, #tpu.memory_space<vmem>>, vector<16xf32>,
    %add3A_1214 = arith.addf %add3A_1211, %get3A_1213 : vector<16xf32>
    %get3A_1215 = arith.constant 3520 : index
    %get3A_1216 = tpu.vector_load %arg8[%get3A_1215] {strides = array<i32>} : memref<4096xf32, #tpu.memory_space<vmem>>, vector<16xf32>,
    %add3A_1217 = arith.addf %add3A_1214, %get3A_1216 : vector<16xf32>
    %get3A_1218 = arith.constant 3776 : index
    %get3A_1219 = tpu.vector_load %arg8[%get3A_1218] {strides = array<i32>} : memref<4096xf32, #tpu.memory_space<vmem>>, vector<16xf32>,
    %add3A_1220 = arith.addf %add3A_1217, %get3A_1219 : vector<16xf32>
    %get3A_1221 = arith.constant 4032 : index
    %get3A_1222 = tpu.vector_load %arg8[%get3A_1221] {strides = array<i32>} : memref<4096xf32, #tpu.memory_space<vmem>>, vector<16xf32>,
    %add3A_1223 = arith.addf %add3A_1220, %get3A_1222 : vector<16xf32>
    %swap3A_1224 = arith.constant 192 : index
    %swap3A_1225 = tpu.vector_load %arg9[%swap3A_1224] {strides = array<i32>} : memref<256xf32, #tpu.memory_space<vmem>>, vector<16xf32>,
    tpu.vector_store %arg9[%swap3A_1224], %add3A_1223 {strides = array<i32>} : memref<256xf32, #tpu.memory_space<vmem>>, vector<16xf32>,
    %get3A_1226 = arith.constant 208 : index
    %get3A_1227 = tpu.vector_load %arg8[%get3A_1226] {strides = array<i32>} : memref<4096xf32, #tpu.memory_space<vmem>>, vector<16xf32>,
    %get3A_1228 = arith.constant 464 : index
    %get3A_1229 = tpu.vector_load %arg8[%get3A_1228] {strides = array<i32>} : memref<4096xf32, #tpu.memory_space<vmem>>, vector<16xf32>,
    %add3A_1230 = arith.addf %get3A_1227, %get3A_1229 : vector<16xf32>
    %get3A_1231 = arith.constant 720 : index
    %get3A_1232 = tpu.vector_load %arg8[%get3A_1231] {strides = array<i32>} : memref<4096xf32, #tpu.memory_space<vmem>>, vector<16xf32>,
    %add3A_1233 = arith.addf %add3A_1230, %get3A_1232 : vector<16xf32>
    %get3A_1234 = arith.constant 976 : index
    %get3A_1235 = tpu.vector_load %arg8[%get3A_1234] {strides = array<i32>} : memref<4096xf32, #tpu.memory_space<vmem>>, vector<16xf32>,
    %add3A_1236 = arith.addf %add3A_1233, %get3A_1235 : vector<16xf32>
    %get3A_1237 = arith.constant 1232 : index
    %get3A_1238 = tpu.vector_load %arg8[%get3A_1237] {strides = array<i32>} : memref<4096xf32, #tpu.memory_space<vmem>>, vector<16xf32>,
    %add3A_1239 = arith.addf %add3A_1236, %get3A_1238 : vector<16xf32>
    %get3A_1240 = arith.constant 1488 : index
    %get3A_1241 = tpu.vector_load %arg8[%get3A_1240] {strides = array<i32>} : memref<4096xf32, #tpu.memory_space<vmem>>, vector<16xf32>,
    %add3A_1242 = arith.addf %add3A_1239, %get3A_1241 : vector<16xf32>
    %get3A_1243 = arith.constant 1744 : index
    %get3A_1244 = tpu.vector_load %arg8[%get3A_1243] {strides = array<i32>} : memref<4096xf32, #tpu.memory_space<vmem>>, vector<16xf32>,
    %add3A_1245 = arith.addf %add3A_1242, %get3A_1244 : vector<16xf32>
    %get3A_1246 = arith.constant 2000 : index
    %get3A_1247 = tpu.vector_load %arg8[%get3A_1246] {strides = array<i32>} : memref<4096xf32, #tpu.memory_space<vmem>>, vector<16xf32>,
    %add3A_1248 = arith.addf %add3A_1245, %get3A_1247 : vector<16xf32>
    %get3A_1249 = arith.constant 2256 : index
    %get3A_1250 = tpu.vector_load %arg8[%get3A_1249] {strides = array<i32>} : memref<4096xf32, #tpu.memory_space<vmem>>, vector<16xf32>,
    %add3A_1251 = arith.addf %add3A_1248, %get3A_1250 : vector<16xf32>
    %get3A_1252 = arith.constant 2512 : index
    %get3A_1253 = tpu.vector_load %arg8[%get3A_1252] {strides = array<i32>} : memref<4096xf32, #tpu.memory_space<vmem>>, vector<16xf32>,
    %add3A_1254 = arith.addf %add3A_1251, %get3A_1253 : vector<16xf32>
    %get3A_1255 = arith.constant 2768 : index
    %get3A_1256 = tpu.vector_load %arg8[%get3A_1255] {strides = array<i32>} : memref<4096xf32, #tpu.memory_space<vmem>>, vector<16xf32>,
    %add3A_1257 = arith.addf %add3A_1254, %get3A_1256 : vector<16xf32>
    %get3A_1258 = arith.constant 3024 : index
    %get3A_1259 = tpu.vector_load %arg8[%get3A_1258] {strides = array<i32>} : memref<4096xf32, #tpu.memory_space<vmem>>, vector<16xf32>,
    %add3A_1260 = arith.addf %add3A_1257, %get3A_1259 : vector<16xf32>
    %get3A_1261 = arith.constant 3280 : index
    %get3A_1262 = tpu.vector_load %arg8[%get3A_1261] {strides = array<i32>} : memref<4096xf32, #tpu.memory_space<vmem>>, vector<16xf32>,
    %add3A_1263 = arith.addf %add3A_1260, %get3A_1262 : vector<16xf32>
    %get3A_1264 = arith.constant 3536 : index
    %get3A_1265 = tpu.vector_load %arg8[%get3A_1264] {strides = array<i32>} : memref<4096xf32, #tpu.memory_space<vmem>>, vector<16xf32>,
    %add3A_1266 = arith.addf %add3A_1263, %get3A_1265 : vector<16xf32>
    %get3A_1267 = arith.constant 3792 : index
    %get3A_1268 = tpu.vector_load %arg8[%get3A_1267] {strides = array<i32>} : memref<4096xf32, #tpu.memory_space<vmem>>, vector<16xf32>,
    %add3A_1269 = arith.addf %add3A_1266, %get3A_1268 : vector<16xf32>
    %get3A_1270 = arith.constant 4048 : index
    %get3A_1271 = tpu.vector_load %arg8[%get3A_1270] {strides = array<i32>} : memref<4096xf32, #tpu.memory_space<vmem>>, vector<16xf32>,
    %add3A_1272 = arith.addf %add3A_1269, %get3A_1271 : vector<16xf32>
    %swap3A_1273 = arith.constant 208 : index
    %swap3A_1274 = tpu.vector_load %arg9[%swap3A_1273] {strides = array<i32>} : memref<256xf32, #tpu.memory_space<vmem>>, vector<16xf32>,
    tpu.vector_store %arg9[%swap3A_1273], %add3A_1272 {strides = array<i32>} : memref<256xf32, #tpu.memory_space<vmem>>, vector<16xf32>,
    %get3A_1275 = arith.constant 224 : index
    %get3A_1276 = tpu.vector_load %arg8[%get3A_1275] {strides = array<i32>} : memref<4096xf32, #tpu.memory_space<vmem>>, vector<16xf32>,
    %get3A_1277 = arith.constant 480 : index
    %get3A_1278 = tpu.vector_load %arg8[%get3A_1277] {strides = array<i32>} : memref<4096xf32, #tpu.memory_space<vmem>>, vector<16xf32>,
    %add3A_1279 = arith.addf %get3A_1276, %get3A_1278 : vector<16xf32>
    %get3A_1280 = arith.constant 736 : index
    %get3A_1281 = tpu.vector_load %arg8[%get3A_1280] {strides = array<i32>} : memref<4096xf32, #tpu.memory_space<vmem>>, vector<16xf32>,
    %add3A_1282 = arith.addf %add3A_1279, %get3A_1281 : vector<16xf32>
    %get3A_1283 = arith.constant 992 : index
    %get3A_1284 = tpu.vector_load %arg8[%get3A_1283] {strides = array<i32>} : memref<4096xf32, #tpu.memory_space<vmem>>, vector<16xf32>,
    %add3A_1285 = arith.addf %add3A_1282, %get3A_1284 : vector<16xf32>
    %get3A_1286 = arith.constant 1248 : index
    %get3A_1287 = tpu.vector_load %arg8[%get3A_1286] {strides = array<i32>} : memref<4096xf32, #tpu.memory_space<vmem>>, vector<16xf32>,
    %add3A_1288 = arith.addf %add3A_1285, %get3A_1287 : vector<16xf32>
    %get3A_1289 = arith.constant 1504 : index
    %get3A_1290 = tpu.vector_load %arg8[%get3A_1289] {strides = array<i32>} : memref<4096xf32, #tpu.memory_space<vmem>>, vector<16xf32>,
    %add3A_1291 = arith.addf %add3A_1288, %get3A_1290 : vector<16xf32>
    %get3A_1292 = arith.constant 1760 : index
    %get3A_1293 = tpu.vector_load %arg8[%get3A_1292] {strides = array<i32>} : memref<4096xf32, #tpu.memory_space<vmem>>, vector<16xf32>,
    %add3A_1294 = arith.addf %add3A_1291, %get3A_1293 : vector<16xf32>
    %get3A_1295 = arith.constant 2016 : index
    %get3A_1296 = tpu.vector_load %arg8[%get3A_1295] {strides = array<i32>} : memref<4096xf32, #tpu.memory_space<vmem>>, vector<16xf32>,
    %add3A_1297 = arith.addf %add3A_1294, %get3A_1296 : vector<16xf32>
    %get3A_1298 = arith.constant 2272 : index
    %get3A_1299 = tpu.vector_load %arg8[%get3A_1298] {strides = array<i32>} : memref<4096xf32, #tpu.memory_space<vmem>>, vector<16xf32>,
    %add3A_1300 = arith.addf %add3A_1297, %get3A_1299 : vector<16xf32>
    %get3A_1301 = arith.constant 2528 : index
    %get3A_1302 = tpu.vector_load %arg8[%get3A_1301] {strides = array<i32>} : memref<4096xf32, #tpu.memory_space<vmem>>, vector<16xf32>,
    %add3A_1303 = arith.addf %add3A_1300, %get3A_1302 : vector<16xf32>
    %get3A_1304 = arith.constant 2784 : index
    %get3A_1305 = tpu.vector_load %arg8[%get3A_1304] {strides = array<i32>} : memref<4096xf32, #tpu.memory_space<vmem>>, vector<16xf32>,
    %add3A_1306 = arith.addf %add3A_1303, %get3A_1305 : vector<16xf32>
    %get3A_1307 = arith.constant 3040 : index
    %get3A_1308 = tpu.vector_load %arg8[%get3A_1307] {strides = array<i32>} : memref<4096xf32, #tpu.memory_space<vmem>>, vector<16xf32>,
    %add3A_1309 = arith.addf %add3A_1306, %get3A_1308 : vector<16xf32>
    %get3A_1310 = arith.constant 3296 : index
    %get3A_1311 = tpu.vector_load %arg8[%get3A_1310] {strides = array<i32>} : memref<4096xf32, #tpu.memory_space<vmem>>, vector<16xf32>,
    %add3A_1312 = arith.addf %add3A_1309, %get3A_1311 : vector<16xf32>
    %get3A_1313 = arith.constant 3552 : index
    %get3A_1314 = tpu.vector_load %arg8[%get3A_1313] {strides = array<i32>} : memref<4096xf32, #tpu.memory_space<vmem>>, vector<16xf32>,
    %add3A_1315 = arith.addf %add3A_1312, %get3A_1314 : vector<16xf32>
    %get3A_1316 = arith.constant 3808 : index
    %get3A_1317 = tpu.vector_load %arg8[%get3A_1316] {strides = array<i32>} : memref<4096xf32, #tpu.memory_space<vmem>>, vector<16xf32>,
    %add3A_1318 = arith.addf %add3A_1315, %get3A_1317 : vector<16xf32>
    %get3A_1319 = arith.constant 4064 : index
    %get3A_1320 = tpu.vector_load %arg8[%get3A_1319] {strides = array<i32>} : memref<4096xf32, #tpu.memory_space<vmem>>, vector<16xf32>,
    %add3A_1321 = arith.addf %add3A_1318, %get3A_1320 : vector<16xf32>
    %swap3A_1322 = arith.constant 224 : index
    %swap3A_1323 = tpu.vector_load %arg9[%swap3A_1322] {strides = array<i32>} : memref<256xf32, #tpu.memory_space<vmem>>, vector<16xf32>,
    tpu.vector_store %arg9[%swap3A_1322], %add3A_1321 {strides = array<i32>} : memref<256xf32, #tpu.memory_space<vmem>>, vector<16xf32>,
    %get3A_1324 = arith.constant 240 : index
    %get3A_1325 = tpu.vector_load %arg8[%get3A_1324] {strides = array<i32>} : memref<4096xf32, #tpu.memory_space<vmem>>, vector<16xf32>,
    %get3A_1326 = arith.constant 496 : index
    %get3A_1327 = tpu.vector_load %arg8[%get3A_1326] {strides = array<i32>} : memref<4096xf32, #tpu.memory_space<vmem>>, vector<16xf32>,
    %add3A_1328 = arith.addf %get3A_1325, %get3A_1327 : vector<16xf32>
    %get3A_1329 = arith.constant 752 : index
    %get3A_1330 = tpu.vector_load %arg8[%get3A_1329] {strides = array<i32>} : memref<4096xf32, #tpu.memory_space<vmem>>, vector<16xf32>,
    %add3A_1331 = arith.addf %add3A_1328, %get3A_1330 : vector<16xf32>
    %get3A_1332 = arith.constant 1008 : index
    %get3A_1333 = tpu.vector_load %arg8[%get3A_1332] {strides = array<i32>} : memref<4096xf32, #tpu.memory_space<vmem>>, vector<16xf32>,
    %add3A_1334 = arith.addf %add3A_1331, %get3A_1333 : vector<16xf32>
    %get3A_1335 = arith.constant 1264 : index
    %get3A_1336 = tpu.vector_load %arg8[%get3A_1335] {strides = array<i32>} : memref<4096xf32, #tpu.memory_space<vmem>>, vector<16xf32>,
    %add3A_1337 = arith.addf %add3A_1334, %get3A_1336 : vector<16xf32>
    %get3A_1338 = arith.constant 1520 : index
    %get3A_1339 = tpu.vector_load %arg8[%get3A_1338] {strides = array<i32>} : memref<4096xf32, #tpu.memory_space<vmem>>, vector<16xf32>,
    %add3A_1340 = arith.addf %add3A_1337, %get3A_1339 : vector<16xf32>
    %get3A_1341 = arith.constant 1776 : index
    %get3A_1342 = tpu.vector_load %arg8[%get3A_1341] {strides = array<i32>} : memref<4096xf32, #tpu.memory_space<vmem>>, vector<16xf32>,
    %add3A_1343 = arith.addf %add3A_1340, %get3A_1342 : vector<16xf32>
    %get3A_1344 = arith.constant 2032 : index
    %get3A_1345 = tpu.vector_load %arg8[%get3A_1344] {strides = array<i32>} : memref<4096xf32, #tpu.memory_space<vmem>>, vector<16xf32>,
    %add3A_1346 = arith.addf %add3A_1343, %get3A_1345 : vector<16xf32>
    %get3A_1347 = arith.constant 2288 : index
    %get3A_1348 = tpu.vector_load %arg8[%get3A_1347] {strides = array<i32>} : memref<4096xf32, #tpu.memory_space<vmem>>, vector<16xf32>,
    %add3A_1349 = arith.addf %add3A_1346, %get3A_1348 : vector<16xf32>
    %get3A_1350 = arith.constant 2544 : index
    %get3A_1351 = tpu.vector_load %arg8[%get3A_1350] {strides = array<i32>} : memref<4096xf32, #tpu.memory_space<vmem>>, vector<16xf32>,
    %add3A_1352 = arith.addf %add3A_1349, %get3A_1351 : vector<16xf32>
    %get3A_1353 = arith.constant 2800 : index
    %get3A_1354 = tpu.vector_load %arg8[%get3A_1353] {strides = array<i32>} : memref<4096xf32, #tpu.memory_space<vmem>>, vector<16xf32>,
    %add3A_1355 = arith.addf %add3A_1352, %get3A_1354 : vector<16xf32>
    %get3A_1356 = arith.constant 3056 : index
    %get3A_1357 = tpu.vector_load %arg8[%get3A_1356] {strides = array<i32>} : memref<4096xf32, #tpu.memory_space<vmem>>, vector<16xf32>,
    %add3A_1358 = arith.addf %add3A_1355, %get3A_1357 : vector<16xf32>
    %get3A_1359 = arith.constant 3312 : index
    %get3A_1360 = tpu.vector_load %arg8[%get3A_1359] {strides = array<i32>} : memref<4096xf32, #tpu.memory_space<vmem>>, vector<16xf32>,
    %add3A_1361 = arith.addf %add3A_1358, %get3A_1360 : vector<16xf32>
    %get3A_1362 = arith.constant 3568 : index
    %get3A_1363 = tpu.vector_load %arg8[%get3A_1362] {strides = array<i32>} : memref<4096xf32, #tpu.memory_space<vmem>>, vector<16xf32>,
    %add3A_1364 = arith.addf %add3A_1361, %get3A_1363 : vector<16xf32>
    %get3A_1365 = arith.constant 3824 : index
    %get3A_1366 = tpu.vector_load %arg8[%get3A_1365] {strides = array<i32>} : memref<4096xf32, #tpu.memory_space<vmem>>, vector<16xf32>,
    %add3A_1367 = arith.addf %add3A_1364, %get3A_1366 : vector<16xf32>
    %get3A_1368 = arith.constant 4080 : index
    %get3A_1369 = tpu.vector_load %arg8[%get3A_1368] {strides = array<i32>} : memref<4096xf32, #tpu.memory_space<vmem>>, vector<16xf32>,
    %add3A_1370 = arith.addf %add3A_1367, %get3A_1369 : vector<16xf32>
    %swap3A_1371 = arith.constant 240 : index
    %swap3A_1372 = tpu.vector_load %arg9[%swap3A_1371] {strides = array<i32>} : memref<256xf32, #tpu.memory_space<vmem>>, vector<16xf32>,
    tpu.vector_store %arg9[%swap3A_1371], %add3A_1370 {strides = array<i32>} : memref<256xf32, #tpu.memory_space<vmem>>, vector<16xf32>,
    %mul3A_1373 = arith.constant 4096 : i32
    %mul3A_1374 = arith.muli %arg0, %mul3A_1373 : i32
    %add3A_1375 = arith.addi %mul3A_1374, %mul3A_557 : i32
    "tpu.region"() ({
      %run_scoped3A = tpu.sem_alloc : memref<!tpu.dma_semaphore, #tpu.memory_space<semaphore_mem>>
      %dma_start3A_1376 = tpu.memref_slice %arg3[%add3A_1375] : memref<8192xf32, #tpu.memory_space<hbm>> -> memref<256xf32, #tpu.memory_space<hbm>>
      %dma_start3A_1377 = tpu.memref_slice %arg3[%add3A_1375] : memref<8192xf32, #tpu.memory_space<hbm>> -> memref<256xf32, #tpu.memory_space<hbm>>
      tpu.enqueue_dma source(%arg9 : memref<256xf32, #tpu.memory_space<vmem>>) target(%dma_start3A_1377 : memref<256xf32, #tpu.memory_space<hbm>>) target_semaphore(%run_scoped3A : memref<!tpu.dma_semaphore, #tpu.memory_space<semaphore_mem>>)
      %dma_wait3A_1378 = tpu.memref_slice %arg3[%add3A_1375] : memref<8192xf32, #tpu.memory_space<hbm>> -> memref<256xf32, #tpu.memory_space<hbm>>
      %dma_wait3A_1379 = tpu.memref_slice %arg3[%add3A_1375] : memref<8192xf32, #tpu.memory_space<hbm>> -> memref<256xf32, #tpu.memory_space<hbm>>
      tpu.wait_dma2 semaphore(%run_scoped3A : memref<!tpu.dma_semaphore, #tpu.memory_space<semaphore_mem>>) src(%arg9 : memref<256xf32, #tpu.memory_space<vmem>>) dst(%dma_wait3A_1379 : memref<256xf32, #tpu.memory_space<hbm>>)
      tpu.yield
    }) : () -> ()
    return
  }
}

module attributes {stable_mosaic.version = 14 : i64} {
  func.func @_tc_body(%arg0: i32, %arg1: memref<512x256xf32, #tpu.memory_space<vmem>>, %arg2: memref<256x8xf32, #tpu.memory_space<vmem>>) attributes {dimension_semantics = [#tpu.dimension_semantics<arbitrary>], iteration_bounds = array<i64: 40>, scalar_prefetch = 0 : i64, scratch_operands = 0 : i64, tpu.core_type = #tpu.core_type<tc>, window_params = [{transform_indices = @transform_0, window_bounds = array<i64: 512, 256>}, {pipeline_mode = #tpu.pipeline_mode<synchronous>, transform_indices = @transform_1, window_bounds = array<i64: 256, 8>}]} {
    %get3A = arith.constant 0 : index
    %get3A_0 = arith.constant 0 : index
    %get3A_1 = vector.load %arg1[%get3A, %get3A_0] : memref<512x256xf32, #tpu.memory_space<vmem>>, vector<512x256xf32>
    %mul3A = arith.constant 5.000000e-01 : f32
    %mul3A_2 = vector.broadcast %mul3A : f32 to vector<512x256xf32>
    %mul3A_3 = arith.mulf %get3A_1, %mul3A_2 : vector<512x256xf32>
    %tanh3A = math.tanh %mul3A_3 : vector<512x256xf32>
    %mul3A_4 = arith.constant 2.500000e+02 : f32
    %mul3A_5 = vector.broadcast %mul3A_4 : f32 to vector<512x256xf32>
    %mul3A_6 = arith.mulf %mul3A_5, %tanh3A : vector<512x256xf32>
    %add3A = arith.constant 2.500000e+02 : f32
    %add3A_7 = vector.broadcast %add3A : f32 to vector<512x256xf32>
    %add3A_8 = arith.addf %mul3A_6, %add3A_7 : vector<512x256xf32>
    %tanh3A_9 = math.tanh %add3A_8 : vector<512x256xf32>
    %sub3A = arith.constant 6.250000e+01 : f32
    %sub3A_10 = vector.broadcast %sub3A : f32 to vector<512x256xf32>
    %sub3A_11 = arith.subf %add3A_8, %sub3A_10 : vector<512x256xf32>
    %tanh3A_12 = math.tanh %sub3A_11 : vector<512x256xf32>
    %sub3A_13 = arith.subf %tanh3A_9, %tanh3A_12 : vector<512x256xf32>
    %reduce_sum3A = arith.constant dense<0.000000e+00> : vector<256xf32>
    %reduce_sum3A_14 = vector.multi_reduction <add>, %sub3A_13, %reduce_sum3A [0] : vector<512x256xf32> to vector<256xf32>
    %mul3A_15 = arith.constant 5.000000e-01 : f32
    %mul3A_16 = vector.broadcast %mul3A_15 : f32 to vector<256xf32>
    %mul3A_17 = arith.mulf %mul3A_16, %reduce_sum3A_14 : vector<256xf32>
    %sub3A_18 = arith.constant 1.250000e+02 : f32
    %sub3A_19 = vector.broadcast %sub3A_18 : f32 to vector<512x256xf32>
    %sub3A_20 = arith.subf %add3A_8, %sub3A_19 : vector<512x256xf32>
    %tanh3A_21 = math.tanh %sub3A_20 : vector<512x256xf32>
    %sub3A_22 = arith.subf %tanh3A_12, %tanh3A_21 : vector<512x256xf32>
    %reduce_sum3A_23 = arith.constant dense<0.000000e+00> : vector<256xf32>
    %reduce_sum3A_24 = vector.multi_reduction <add>, %sub3A_22, %reduce_sum3A_23 [0] : vector<512x256xf32> to vector<256xf32>
    %mul3A_25 = arith.constant 5.000000e-01 : f32
    %mul3A_26 = vector.broadcast %mul3A_25 : f32 to vector<256xf32>
    %mul3A_27 = arith.mulf %mul3A_26, %reduce_sum3A_24 : vector<256xf32>
    %sub3A_28 = arith.constant 1.875000e+02 : f32
    %sub3A_29 = vector.broadcast %sub3A_28 : f32 to vector<512x256xf32>
    %sub3A_30 = arith.subf %add3A_8, %sub3A_29 : vector<512x256xf32>
    %tanh3A_31 = math.tanh %sub3A_30 : vector<512x256xf32>
    %sub3A_32 = arith.subf %tanh3A_21, %tanh3A_31 : vector<512x256xf32>
    %reduce_sum3A_33 = arith.constant dense<0.000000e+00> : vector<256xf32>
    %reduce_sum3A_34 = vector.multi_reduction <add>, %sub3A_32, %reduce_sum3A_33 [0] : vector<512x256xf32> to vector<256xf32>
    %mul3A_35 = arith.constant 5.000000e-01 : f32
    %mul3A_36 = vector.broadcast %mul3A_35 : f32 to vector<256xf32>
    %mul3A_37 = arith.mulf %mul3A_36, %reduce_sum3A_34 : vector<256xf32>
    %sub3A_38 = arith.constant 2.500000e+02 : f32
    %sub3A_39 = vector.broadcast %sub3A_38 : f32 to vector<512x256xf32>
    %sub3A_40 = arith.subf %add3A_8, %sub3A_39 : vector<512x256xf32>
    %tanh3A_41 = math.tanh %sub3A_40 : vector<512x256xf32>
    %sub3A_42 = arith.subf %tanh3A_31, %tanh3A_41 : vector<512x256xf32>
    %reduce_sum3A_43 = arith.constant dense<0.000000e+00> : vector<256xf32>
    %reduce_sum3A_44 = vector.multi_reduction <add>, %sub3A_42, %reduce_sum3A_43 [0] : vector<512x256xf32> to vector<256xf32>
    %mul3A_45 = arith.constant 5.000000e-01 : f32
    %mul3A_46 = vector.broadcast %mul3A_45 : f32 to vector<256xf32>
    %mul3A_47 = arith.mulf %mul3A_46, %reduce_sum3A_44 : vector<256xf32>
    %sub3A_48 = arith.constant 3.125000e+02 : f32
    %sub3A_49 = vector.broadcast %sub3A_48 : f32 to vector<512x256xf32>
    %sub3A_50 = arith.subf %add3A_8, %sub3A_49 : vector<512x256xf32>
    %tanh3A_51 = math.tanh %sub3A_50 : vector<512x256xf32>
    %sub3A_52 = arith.subf %tanh3A_41, %tanh3A_51 : vector<512x256xf32>
    %reduce_sum3A_53 = arith.constant dense<0.000000e+00> : vector<256xf32>
    %reduce_sum3A_54 = vector.multi_reduction <add>, %sub3A_52, %reduce_sum3A_53 [0] : vector<512x256xf32> to vector<256xf32>
    %mul3A_55 = arith.constant 5.000000e-01 : f32
    %mul3A_56 = vector.broadcast %mul3A_55 : f32 to vector<256xf32>
    %mul3A_57 = arith.mulf %mul3A_56, %reduce_sum3A_54 : vector<256xf32>
    %sub3A_58 = arith.constant 3.750000e+02 : f32
    %sub3A_59 = vector.broadcast %sub3A_58 : f32 to vector<512x256xf32>
    %sub3A_60 = arith.subf %add3A_8, %sub3A_59 : vector<512x256xf32>
    %tanh3A_61 = math.tanh %sub3A_60 : vector<512x256xf32>
    %sub3A_62 = arith.subf %tanh3A_51, %tanh3A_61 : vector<512x256xf32>
    %reduce_sum3A_63 = arith.constant dense<0.000000e+00> : vector<256xf32>
    %reduce_sum3A_64 = vector.multi_reduction <add>, %sub3A_62, %reduce_sum3A_63 [0] : vector<512x256xf32> to vector<256xf32>
    %mul3A_65 = arith.constant 5.000000e-01 : f32
    %mul3A_66 = vector.broadcast %mul3A_65 : f32 to vector<256xf32>
    %mul3A_67 = arith.mulf %mul3A_66, %reduce_sum3A_64 : vector<256xf32>
    %sub3A_68 = arith.constant 4.375000e+02 : f32
    %sub3A_69 = vector.broadcast %sub3A_68 : f32 to vector<512x256xf32>
    %sub3A_70 = arith.subf %add3A_8, %sub3A_69 : vector<512x256xf32>
    %tanh3A_71 = math.tanh %sub3A_70 : vector<512x256xf32>
    %sub3A_72 = arith.subf %tanh3A_61, %tanh3A_71 : vector<512x256xf32>
    %reduce_sum3A_73 = arith.constant dense<0.000000e+00> : vector<256xf32>
    %reduce_sum3A_74 = vector.multi_reduction <add>, %sub3A_72, %reduce_sum3A_73 [0] : vector<512x256xf32> to vector<256xf32>
    %mul3A_75 = arith.constant 5.000000e-01 : f32
    %mul3A_76 = vector.broadcast %mul3A_75 : f32 to vector<256xf32>
    %mul3A_77 = arith.mulf %mul3A_76, %reduce_sum3A_74 : vector<256xf32>
    %sub3A_78 = arith.constant 5.000000e+02 : f32
    %sub3A_79 = vector.broadcast %sub3A_78 : f32 to vector<512x256xf32>
    %sub3A_80 = arith.subf %add3A_8, %sub3A_79 : vector<512x256xf32>
    %tanh3A_81 = math.tanh %sub3A_80 : vector<512x256xf32>
    %sub3A_82 = arith.subf %tanh3A_71, %tanh3A_81 : vector<512x256xf32>
    %reduce_sum3A_83 = arith.constant dense<0.000000e+00> : vector<256xf32>
    %reduce_sum3A_84 = vector.multi_reduction <add>, %sub3A_82, %reduce_sum3A_83 [0] : vector<512x256xf32> to vector<256xf32>
    %mul3A_85 = arith.constant 5.000000e-01 : f32
    %mul3A_86 = vector.broadcast %mul3A_85 : f32 to vector<256xf32>
    %mul3A_87 = arith.mulf %mul3A_86, %reduce_sum3A_84 : vector<256xf32>
    %stack3A = vector.shape_cast %mul3A_17 : vector<256xf32> to vector<256x1xf32>
    %stack3A_88 = vector.shape_cast %mul3A_27 : vector<256xf32> to vector<256x1xf32>
    %stack3A_89 = vector.shape_cast %mul3A_37 : vector<256xf32> to vector<256x1xf32>
    %stack3A_90 = vector.shape_cast %mul3A_47 : vector<256xf32> to vector<256x1xf32>
    %stack3A_91 = vector.shape_cast %mul3A_57 : vector<256xf32> to vector<256x1xf32>
    %stack3A_92 = vector.shape_cast %mul3A_67 : vector<256xf32> to vector<256x1xf32>
    %stack3A_93 = vector.shape_cast %mul3A_77 : vector<256xf32> to vector<256x1xf32>
    %stack3A_94 = vector.shape_cast %mul3A_87 : vector<256xf32> to vector<256x1xf32>
    %stack3A_95 = tpu.concatenate %stack3A, %stack3A_88, %stack3A_89, %stack3A_90, %stack3A_91, %stack3A_92, %stack3A_93, %stack3A_94 in 1 : vector<256x1xf32>, vector<256x1xf32>, vector<256x1xf32>, vector<256x1xf32>, vector<256x1xf32>, vector<256x1xf32>, vector<256x1xf32>, vector<256x1xf32> -> vector<256x8xf32>
    %eq3A = arith.constant 0 : i32
    %eq3A_96 = arith.cmpi eq, %arg0, %eq3A : i32
    %convert_element_type3A = arith.extui %eq3A_96 : i1 to i32
    %cond3A = arith.constant 0 : i32
    %cond3A_97 = arith.cmpi ne, %convert_element_type3A, %cond3A : i32
    scf.if %cond3A_97 {
      %broadcast_in_dim3A = arith.constant 0.000000e+00 : f32
      %broadcast_in_dim3A_104 = vector.broadcast %broadcast_in_dim3A : f32 to vector<256x8xf32>
      %swap3A_105 = arith.constant 0 : index
      %swap3A_106 = arith.constant 0 : index
      %swap3A_107 = vector.load %arg2[%swap3A_105, %swap3A_106] : memref<256x8xf32, #tpu.memory_space<vmem>>, vector<256x8xf32>
      tpu.vector_store %arg2[%swap3A_105, %swap3A_106], %broadcast_in_dim3A_104 {strides = array<i32>} : memref<256x8xf32, #tpu.memory_space<vmem>>, vector<256x8xf32>,
    } else {
    }
    %get3A_98 = arith.constant 0 : index
    %get3A_99 = arith.constant 0 : index
    %get3A_100 = vector.load %arg2[%get3A_98, %get3A_99] : memref<256x8xf32, #tpu.memory_space<vmem>>, vector<256x8xf32>
    %add3A_101 = arith.addf %get3A_100, %stack3A_95 : vector<256x8xf32>
    %swap3A = arith.constant 0 : index
    %swap3A_102 = arith.constant 0 : index
    %swap3A_103 = vector.load %arg2[%swap3A, %swap3A_102] : memref<256x8xf32, #tpu.memory_space<vmem>>, vector<256x8xf32>
    tpu.vector_store %arg2[%swap3A, %swap3A_102], %add3A_101 {strides = array<i32>} : memref<256x8xf32, #tpu.memory_space<vmem>>, vector<256x8xf32>,
    return
  }
  func.func @transform_0(%arg0: i32) -> (i32, i32) {
    %add3A = arith.constant 24 : i32
    %add3A_0 = arith.addi %arg0, %add3A : i32
    %c0_i32 = arith.constant 0 : i32
    %c0_i32_1 = arith.constant 0 : i32
    return %add3A_0, %c0_i32 : i32, i32
  }
  func.func @transform_1(%arg0: i32) -> (i32, i32) {
    %c0_i32 = arith.constant 0 : i32
    %c0_i32_0 = arith.constant 0 : i32
    %c0_i32_1 = arith.constant 0 : i32
    return %c0_i32, %c0_i32_0 : i32, i32
  }
}

module attributes {stable_mosaic.version = 14 : i64} {
  func.func @_combine_body(%arg0: memref<2x256x10xf32, #tpu.memory_space<vmem>>, %arg1: memref<256x8xf32, #tpu.memory_space<vmem>>, %arg2: memref<256x8xf32, #tpu.memory_space<vmem>>) attributes {dimension_semantics = [], scalar_prefetch = 0 : i64, scratch_operands = 0 : i64, tpu.core_type = #tpu.core_type<tc>} {
    %get3A = arith.constant 0 : index
    %get3A_0 = arith.constant 0 : index
    %get3A_1 = arith.constant 0 : index
    %get3A_2 = vector.load %arg0[%get3A, %get3A_0, %get3A_1] : memref<2x256x10xf32, #tpu.memory_space<vmem>>, vector<1x256x10xf32>
    %get3A_3 = vector.shape_cast %get3A_2 : vector<1x256x10xf32> to vector<256x10xf32>
    %get3A_4 = arith.constant 1 : index
    %get3A_5 = arith.constant 0 : index
    %get3A_6 = arith.constant 0 : index
    %get3A_7 = vector.load %arg0[%get3A_4, %get3A_5, %get3A_6] : memref<2x256x10xf32, #tpu.memory_space<vmem>>, vector<1x256x10xf32>
    %get3A_8 = vector.shape_cast %get3A_7 : vector<1x256x10xf32> to vector<256x10xf32>
    %add3A = arith.addf %get3A_3, %get3A_8 : vector<256x10xf32>
    %slice3A = vector.extract_strided_slice %add3A {offsets = [0, 1], sizes = [256, 8], strides = [1, 1]} : vector<256x10xf32> to vector<256x8xf32>
    %get3A_9 = arith.constant 0 : index
    %get3A_10 = arith.constant 0 : index
    %get3A_11 = vector.load %arg1[%get3A_9, %get3A_10] : memref<256x8xf32, #tpu.memory_space<vmem>>, vector<256x8xf32>
    %add3A_12 = arith.addf %slice3A, %get3A_11 : vector<256x8xf32>
    %mul3A = arith.constant 3.05175781E-5 : f32
    %mul3A_13 = vector.broadcast %mul3A : f32 to vector<256x8xf32>
    %mul3A_14 = arith.mulf %add3A_12, %mul3A_13 : vector<256x8xf32>
    %swap3A = arith.constant 0 : index
    %swap3A_15 = arith.constant 0 : index
    %swap3A_16 = vector.load %arg2[%swap3A, %swap3A_15] : memref<256x8xf32, #tpu.memory_space<vmem>>, vector<256x8xf32>
    tpu.vector_store %arg2[%swap3A, %swap3A_15], %mul3A_14 {strides = array<i32>} : memref<256x8xf32, #tpu.memory_space<vmem>>, vector<256x8xf32>,
    return
  }
}

</mosaic_0001>

<sc_bundles>
// kernel: kernel.5.cloned.1.call-start
scs
__scs_entry_jumppad:
0x0: {  	(pc) =	sbr.rel $0x88, $3  }
0x1: {  	(tag) =	ssettag $0x0;
	lr =	simm.s32 $0x1  }
0x2: {  	[smem:$0x3FA0] =	sst lr;
	_ =	strace $0xD0000000  }
0x3: {  	_ = 	snop  }
0x4: {  	_ = 	snop  }
0x5: {  	_ = 	snop  }
0x6: {  	_ = 	snop  }
0x7: {  	_ = 	snop  }
__scs_overlays_trampoline_lowered:
0x8: {  	[smem:$0x3FAF] =	sst s0  }
0x9: {  	[smem:$0x3FB0] =	sst s1  }
0xa: {  	[smem:$0x3FB1] =	sst s2  }
0xb: {  	[smem:$0x3FB2] =	sst s3  }
0xc: {  	[smem:$0x3FB3] =	sst s4  }
0xd: {  	[smem:$0x3FB4] =	sst s5  }
0xe: {  	[smem:$0x3FB5] =	sst s6  }
0xf: {  	[smem:$0x3FB6] =	sst s7  }
0x10: {  	[smem:$0x3FB7] =	sst s8  }
0x11: {  	[smem:$0x3FB8] =	sst s9;
	s0 =	simm.s32 @!p0 $0x0  }
0x12: {  	s1 =	sld [smem:$0x3F9E];
	s0 =	simm.s32 @p0 $0x1  }
0x13: {  	[smem:$0x3FB9] =	sst s0;
	s0 =	simm.s32 @!p1 $0x0  }
0x14: {  	s2 =	sld [smem:$0x3F9D];
	s0 =	simm.s32 @p1 $0x1  }
0x15: {  	[smem:$0x3FBA] =	sst s0;
	s0 =	simm.s32 @!p2 $0x0  }
0x16: {  	s3 =	sld [smem:$0x3FDB];
	s0 =	simm.s32 @p2 $0x1  }
0x17: {  	s4 =	simm.s32 $0x1BF5;
	[smem:$0x3FBC] =	sst s0  }
0x18: {  	s0 =	sld [smem:$0x3F9F];
	_ =	swait.ge [sflag:s4], $0x0  }
0x19: {  	s7 =	sld [smem:$0x3FA0]  }
0x1a: {  	s8 =	sadd.s32 $0xFFFFE003, lr  }
0x1b: {  	s9 =	sadd.s32 $0xFFFFFEF7, lr;
	s5 =	simm.s32 $0xFFFFFFFF;
	p2 =	slt.u32 s8, $0xFFFFF086  }
0x1c: {  	p1 =	slt.u32 s9, $0xF7A;
	s5 =	simm.s32 @!p2 $0x0  }
0x1d: {  	s5 =	simm.s32 @p1 $0x1;
	p0 =	seq.s32 s7, s2  }
0x1e: {  	s7 =	smul.u32 @!p0 $0xF7A, s2;
	p2 =	seq.s32 @!p0 s5, $0x0  }
0x1f: {  	s9 =	smul.u32 $0xF7A, s1;
	s8 =	simm.s32 @!p0 $0x1BF5;
	p2 =	por !p2, p0  }
0x20: {  	[sflag:s8] =	ssyncset.s32 @!p0 $0xFFFFF086;
	s6 =	sadd.s32 @!p0 s3, s7;
	s7 =	simm.s32 @!p0 $0x108  }
0x21: {  	s3 =	sadd.s32 s3, s9;
	s6 =	sadd.s32 @!p0 $0x88, s6;
	s7 =	simm.s32 @p2 $0x1082  }
0x22: {  	[simem:s7], [sflag:s8] =	dma.local @!p0 [hbm:s6], $0xF7A  }
0x23: {  	s9 =	sor.u32 $0xD0000000, s2;
	s6 =	simm.s32 $0x108;
	_ =	swait.ge @!p0 [sflag:s8], $0x0  }
0x24: {  	s3 =	sadd.s32 $0x88, s3;
	s6 =	simm.s32 @!p1 $0x1082;
	[sflag:s4] =	ssyncset.s32 $0xFFFFF086  }
0x25: {  	[simem:s6], [sflag:s4] =	dma.local [hbm:s3], $0xF7A  }
0x26: {  	[smem:$0x3FA0] =	sst s1;
	(tag) =	ssettag s2;
	_ =	strace s9  }
0x27: {  	s1 =	sld [smem:$0x3FB0]  }
0x28: {  	s2 =	sld [smem:$0x3FB1]  }
0x29: {  	s4 =	sld [smem:$0x3FB3]  }
0x2a: {  	p0 =	seq.s32 s5, $0x0;
	s5 =	sld [smem:$0x3FB4]  }
0x2b: {  	s6 =	sld [smem:$0x3FB5]  }
0x2c: {  	s7 =	sld [smem:$0x3FB6]  }
0x2d: {  	s3 =	simm.s32 $0x108;
	s8 =	sld [smem:$0x3FB7]  }
0x2e: {  	s3 =	simm.s32 @!p0 $0x1082;
	s9 =	sld [smem:$0x3FB8]  }
0x2f: {  	lr =	sadd.s32 s0, s3;
	s0 =	sld [smem:$0x3FAF]  }
0x30: {  	s3 =	sld [smem:$0x3FB2]  }
0x31: {  	[smem:$0x3FBB] =	sst s10  }
0x32: {  	s10 =	sld [smem:$0x3FB9];
	_ =	sdelay $0x3  }
0x33: {  	p0 =	seq.s32 s10, $0x1;
	s10 =	sld [smem:$0x3FBB];
	_ =	sdelay $0x3  }
0x34: {  	[smem:$0x3FBB] =	sst s10  }
0x35: {  	s10 =	sld [smem:$0x3FBA];
	_ =	sdelay $0x3  }
0x36: {  	p1 =	seq.s32 s10, $0x1;
	s10 =	sld [smem:$0x3FBB];
	_ =	sdelay $0x3  }
0x37: {  	[smem:$0x3FBB] =	sst s10  }
0x38: {  	s10 =	sld [smem:$0x3FBC]  }
0x39: {  	_ = 	snop;
	(pc) =	sbr.ind lr, $3  }
0x3a: {  	_ = 	snop  }
0x3b: {  	_ = 	snop  }
0x3c: {  	p2 =	seq.s32 s10, $0x1;
	s10 =	sld [smem:$0x3FBB]  }
0x3d: {  	_ =	shalt  }
0x3e: {  	_ =	shalt  }
0x3f: {  	_ =	shalt  }
0x40: {  	_ =	shalt  }
0x41: {  	_ =	shalt  }
0x42: {  	_ =	shalt  }
0x43: {  	_ =	shalt  }
0x44: {  	_ =	shalt  }
0x45: {  	_ =	shalt  }
0x46: {  	_ =	shalt  }
0x47: {  	_ =	shalt  }
0x48: {  	_ =	shalt  }
0x49: {  	_ =	shalt  }
0x4a: {  	_ =	shalt  }
0x4b: {  	_ =	shalt  }
0x4c: {  	_ =	shalt  }
0x4d: {  	_ =	shalt  }
0x4e: {  	_ =	shalt  }
0x4f: {  	_ =	shalt  }
0x50: {  	_ =	shalt  }
0x51: {  	_ =	shalt  }
0x52: {  	_ =	shalt  }
0x53: {  	_ =	shalt  }
0x54: {  	_ =	shalt  }
0x55: {  	_ =	shalt  }
0x56: {  	_ =	shalt  }
0x57: {  	_ =	shalt  }
0x58: {  	_ =	shalt  }
0x59: {  	_ =	shalt  }
0x5a: {  	_ =	shalt  }
0x5b: {  	_ =	shalt  }
0x5c: {  	_ =	shalt  }
0x5d: {  	_ =	shalt  }
0x5e: {  	_ =	shalt  }
0x5f: {  	_ =	shalt  }
0x60: {  	_ =	shalt  }
0x61: {  	_ =	shalt  }
0x62: {  	_ =	shalt  }
0x63: {  	_ =	shalt  }
0x64: {  	_ =	shalt  }
0x65: {  	_ =	shalt  }
0x66: {  	_ =	shalt  }
0x67: {  	_ =	shalt  }
0x68: {  	_ =	shalt  }
0x69: {  	_ =	shalt  }
0x6a: {  	_ =	shalt  }
0x6b: {  	_ =	shalt  }
0x6c: {  	_ =	shalt  }
0x6d: {  	_ =	shalt  }
0x6e: {  	_ =	shalt  }
0x6f: {  	_ =	shalt  }
0x70: {  	_ =	shalt  }
0x71: {  	_ =	shalt  }
0x72: {  	_ =	shalt  }
0x73: {  	_ =	shalt  }
0x74: {  	_ =	shalt  }
0x75: {  	_ =	shalt  }
0x76: {  	_ =	shalt  }
0x77: {  	_ =	shalt  }
0x78: {  	_ =	shalt  }
0x79: {  	_ =	shalt  }
0x7a: {  	_ =	shalt  }
0x7b: {  	_ =	shalt  }
0x7c: {  	_ =	shalt  }
0x7d: {  	_ =	shalt  }
0x7e: {  	_ =	shalt  }
0x7f: {  	_ =	shalt  }
0x80: {  	_ =	shalt  }
0x81: {  	_ =	shalt  }
0x82: {  	_ =	shalt  }
0x83: {  	_ =	shalt  }
0x84: {  	_ =	shalt  }
0x85: {  	_ =	shalt  }
0x86: {  	_ =	shalt  }
0x87: {  	_ =	shalt  }
.Lfunc_end0:
.L_simem_size_0:
called_computation_lowered:
.L_overlay_start_0:
0x88: {  	s2 =	sld [smem:$0x3FD9]  }
0x89: {  	s3 =	sld [smem:$0x3FFE];
	_ =	sdelay $0x1  }
0x8a: {  	s1 =	srdreg.scid  }
0x8b: {  	s0 =	sand.u32 $0x1, s1  }
0x8c: {  	s17 =	sshll.u32 s0, $0xA;
	s2 =	sadd.s32 s3, s2  }
0x8d: {  	s2 =	sadd.s32 s2, s17  }
0x8e: {  	[smem:$0x3FC7] =	sst s2  }
0x8f: {  	_ = 	snop  }
0x90: {  	s2 =	sld [smem:$0x3FC9];
	(tm) =	ssettm $0x1  }
0x91: {  	s18 =	sld [smem:$0x3FFB];
	_ =	sdelay $0x3  }
0x92: {  	_ =	strace s18  }
0x93: {  	s3 =	sld [smem:$0x3FFC];
	_ =	sdelay $0x3  }
0x94: {  	_ =	strace s3  }
0x95: {  	s3 =	sld [smem:$0x3FFD];
	_ =	sdelay $0x3  }
0x96: {  	_ =	strace s3  }
0x97: {  	_ =	strace $0x8FFFFFFF  }
0x98: {  	s19 =	sld [smem:$0x3FDB];
	_ =	sdelay $0x1  }
0x99: {  	s4 =	simm.s32 $_scs_section_size  }
0x9a: {  	s5 =	simm.s32 $_size__tile_overlayer_lowered;
	s6 =	simm.s32 $_tile_overlayer_lowered  }
0x9b: {  	s22 =	simm.s32 $0x1BFF;
	s21 =	sshll.u32 s6, $0x1;
	s3 =	sadd.s32 s4, s19  }
0x9c: {  	s7 =	simm.s32 $0x0;
	s20 =	sshll.u32 s5, $0x1;
	s5 =	sadd.s32 s21, s3  }
0x9d: {  	[timem:s7], [sflag:s22] =	dma.local [hbm:s5], s20  }
0x9e: {  	_ =	swait.ge [sflag:s22], s20  }
0x9f: {  	s4 =	ssub.s32 $0x0, s20;
	[sflag:s22] =	ssyncset.done $0x0  }
0xa0: {  	[sflag:s22] =	ssyncadd.s32 s4;
	_ =	sdelay $0x1  }
0xa1: {  	s23 =	simm.s32 $0x1B8B  }
0xa2: {  	_ =	swait.ge [sflag:s23], $0x1  }
0xa3: {  	[sflag:s23] =	ssyncset.done $0x0  }
0xa4: {  	s25 =	simm.s32 $0x1B8E;
	s24 =	sld [smem:$0x3FFE];
	[sflag:s23] =	ssyncadd.s32 $0xFFFFFFFF  }
0xa5: {  	s26 =	simm.s32 $execute0_lowered;
	[smem:$0x3FD2] =	sst s25  }
0xa6: {  	s5 =	sshll.u32 s26, $0x1;
	_ =	strace $0x80000046;
	[dreg:$0x1] =	wrdreg $0xFFFFFFFF  }
0xa7: {  	s28 =	simm.s32 $_size_execute0_lowered;
	s3 =	sadd.s32 s3, s5;
	[dreg:$0x0] =	wrdreg $0x0  }
0xa8: {  	s5 =	sshll.u32 s28, $0x1;
	[dreg:$0x2] =	wrdreg s3  }
0xa9: {  	[dreg:$0x3] =	wrdreg s5  }
0xaa: {  	[dreg:$0x4] =	wrdreg $0xC0  }
0xab: {  	_ =	task [dreg:s7], $0x5FFFF  }
0xac: {  	[dreg:$0x1] =	wrdreg $0xFFFFFFFF  }
0xad: {  	[dreg:$0x0] =	wrdreg $0x60  }
0xae: {  	[dreg:$0x2] =	wrdreg s2  }
0xaf: {  	[dreg:$0x3] =	wrdreg s24  }
0xb0: {  	[dreg:$0x4] =	wrdreg $0x110000  }
0xb1: {  	[dreg:$0x5] =	wrdreg $0x9  }
0xb2: {  	_ =	task.clear_ibuf [dreg:s7], $0x6FFFF;
	_ =	strace $0x90000046  }
0xb3: {  	s29 =	simm.s32 $0x9;
	_ =	strace $0x80000048  }
0xb4: {  	_ =	swait.ge [sflag:s29], $0x1  }
0xb5: {  	[sflag:s29] =	ssyncadd.s32 $0xFFFFFFFF  }
0xb6: {  	_ =	strace $0x90000048  }
0xb7: {  	_ =	sfence  }
0xb8: {  	s30 =	sld [smem:$0x0];
	_ =	sdelay $0x2  }
0xb9: {  	s31 =	sshll.u32 s1, $0xD;
	s1 =	sshrl.u32 s1, $0x2  }
0xba: {  	s3 =	sand.u32 $0x4000, s31;
	s1 =	sadd.s32 s1, s30  }
0xbb: {  	s0 =	sor.u32 s3, s0;
	s1 =	sshll.u32 s1, $0x11  }
0xbc: {  	s0 =	sor.u32 s1, s0  }
0xbd: {  	s0 =	sadd.s32 $0x8F2B, s0  }
0xbe: {  	[sflag:s0] =	ssyncadd.remote.s32 $0x1  }
0xbf: {  	_ =	sfence.sel $0xFFFF  }
0xc0: {  	[dreg:$0x0] =	wrdreg $0xFFFFFFFF;
	(pc) =	sbr.abs _section_cstart, $3  }
0xc1: {  	[dreg:$0x1] =	wrdreg $0xFFFFFFFF  }
0xc2: {  	_ =	task.clear_ibuf [dreg:s7], $0x2FFFF;
	_ =	strace $0x9FFFFFFF  }
0xc3: {  	(tm) =	ssettm $0x7FFFFFFF  }
tec
execute0_lowered:
.L_overlay_start_1:
0x0: {  	(tag) =	ssettag $0x1  }
0x1: {  	s0 =	rddreg [dreg:$0x0]  }
0x2: {  	s1 =	rddreg [dreg:$0x1]  }
0x3: {  	s3 =	rddreg [dreg:$0x2];
	s4 =	srdreg.scid;
	s2 =	simm.s32 $0x0  }
0x4: {  	s9 =	stileid.u32;
	s28 =	simm.s32 $0x10000;
	s29 =	simm.s32 $0x2  }
0x5: {  	s30 =	simm.s32 $0x3;
	s4 =	sand.u32 $0x1, s4;
	[smem:$0x7FF] =	sst s2  }
0x6: {  	s6 =	sshll.u32 s9, $0x8;
	s25 =	sshll.u32 s9, $0xC;
	s5 =	sshll.u32 s4, $0x4  }
0x7: {  	s7 =	sshll.u32 s4, $0xC;
	_ =	strace $0x80000047;
	s4 =	ssub.s32 $0x2, s4  }
0x8: {  	s26 =	sadd.s32 s25, s3;
	s5 =	sor.u32 s9, s5;
	s7 =	sor.u32 s6, s7  }
0x9: {  	s23 =	sshrl.u32 s4, $0x1;
	[dreg:$0x7] =	wrdreg s26;
	s8 =	smul.u32 $0x18000, s5  }
0xa: {  	s26 =	simm.s32 $0x1;
	s7 =	sshrl.u32 s7, $0x3;
	s5 =	smul.u32 $0x3000, s5  }
0xb: {  	s4 =	ssub.s32 s4, s23;
	s1 =	sadd.s32 s7, s1;
	s8 =	sshrl.u32 s8, $0x3  }
0xc: {  	s5 =	sadd.s32 s0, s5;
	s23 =	sadd.s32 $0x400, s1;
	s0 =	sadd.s32 s0, s8  }
0xd: {  	[dreg:$0x4] =	wrdreg s5;
	s5 =	sadd.s32 s6, s3;
	s24 =	sadd.s32 $0x1000, s0  }
0xe: {  	s0 =	sadd.s32 $0x2000, s0;
	s31 =	sadd.s32 $0x1000, s5;
	s9 =	sadd.s32 $0x2000, s5  }
0xf: {  	s10 =	sadd.s32 $0x3000, s5;
	s11 =	sadd.s32 $0x4000, s5;
	s12 =	sadd.s32 $0x5000, s5  }
0x10: {  	s13 =	sadd.s32 $0x6000, s5;
	s14 =	sadd.s32 $0x7000, s5;
	s15 =	sadd.s32 $0x8000, s5  }
0x11: {  	v0 =	vlaneseq.u32;
	s16 =	sadd.s32 $0x9000, s5;
	s17 =	sadd.s32 $0xA000, s5;
	s18 =	sadd.s32 $0xB000, s5  }
0x12: {  	v0 =	vmul.u32 $0xA, v0;
	s19 =	sadd.s32 $0xC000, s5;
	s20 =	sadd.s32 $0xD000, s5;
	[dreg:$0x5] =	wrdreg s24  }
0x13: {  	s21 =	sadd.s32 $0xE000, s5;
	s22 =	sadd.s32 $0xF000, s5;
	[dreg:$0x6] =	wrdreg s0  }
0x14: {  	v1 =	vimm.f32 $0.0e+00;
	v2 =	vor.u32 $0x1, v0;
	[dreg:$0x8] =	wrdreg s31;
	s24 =	smax.u32 s4, $0x1;
	s0 =	simm.s32 $0x0  }
.LBB2_1:
0x15: {  	[tilespmem:$0x10000] =	vst v1  }
0x16: {  	[tilespmem:$0x10010] =	vst v1  }
0x17: {  	[tilespmem:$0x10020] =	vst v1  }
0x18: {  	[tilespmem:$0x10030] =	vst v1  }
0x19: {  	[tilespmem:$0x10040] =	vst v1  }
0x1a: {  	[tilespmem:$0x10050] =	vst v1  }
0x1b: {  	[tilespmem:$0x10060] =	vst v1  }
0x1c: {  	[tilespmem:$0x10070] =	vst v1  }
0x1d: {  	[tilespmem:$0x10080] =	vst v1  }
0x1e: {  	[tilespmem:$0x10090] =	vst v1  }
0x1f: {  	[tilespmem:$0x100A0] =	vst v1  }
0x20: {  	[tilespmem:$0x100B0] =	vst v1  }
0x21: {  	[tilespmem:$0x100C0] =	vst v1  }
0x22: {  	[tilespmem:$0x100D0] =	vst v1  }
0x23: {  	[tilespmem:$0x100E0] =	vst v1  }
0x24: {  	[tilespmem:$0x100F0] =	vst v1  }
0x25: {  	[tilespmem:$0x10100] =	vst v1  }
0x26: {  	[tilespmem:$0x10110] =	vst v1  }
0x27: {  	[tilespmem:$0x10120] =	vst v1  }
0x28: {  	[tilespmem:$0x10130] =	vst v1  }
0x29: {  	[tilespmem:$0x10140] =	vst v1  }
0x2a: {  	[tilespmem:$0x10150] =	vst v1  }
0x2b: {  	[tilespmem:$0x10160] =	vst v1  }
0x2c: {  	[tilespmem:$0x10170] =	vst v1  }
0x2d: {  	[tilespmem:$0x10180] =	vst v1  }
0x2e: {  	[tilespmem:$0x10190] =	vst v1  }
0x2f: {  	[tilespmem:$0x101A0] =	vst v1  }
0x30: {  	[tilespmem:$0x101B0] =	vst v1  }
0x31: {  	[tilespmem:$0x101C0] =	vst v1  }
0x32: {  	[tilespmem:$0x101D0] =	vst v1  }
0x33: {  	[tilespmem:$0x101E0] =	vst v1  }
0x34: {  	[tilespmem:$0x101F0] =	vst v1  }
0x35: {  	[tilespmem:$0x10200] =	vst v1  }
0x36: {  	[tilespmem:$0x10210] =	vst v1  }
0x37: {  	[tilespmem:$0x10220] =	vst v1  }
0x38: {  	[tilespmem:$0x10230] =	vst v1  }
0x39: {  	[tilespmem:$0x10240] =	vst v1  }
0x3a: {  	[tilespmem:$0x10250] =	vst v1  }
0x3b: {  	[tilespmem:$0x10260] =	vst v1  }
0x3c: {  	[tilespmem:$0x10270] =	vst v1  }
0x3d: {  	[tilespmem:$0x10280] =	vst v1  }
0x3e: {  	[tilespmem:$0x10290] =	vst v1  }
0x3f: {  	[tilespmem:$0x102A0] =	vst v1  }
0x40: {  	[tilespmem:$0x102B0] =	vst v1  }
0x41: {  	[tilespmem:$0x102C0] =	vst v1  }
0x42: {  	[tilespmem:$0x102D0] =	vst v1  }
0x43: {  	[tilespmem:$0x102E0] =	vst v1  }
0x44: {  	[tilespmem:$0x102F0] =	vst v1  }
0x45: {  	[tilespmem:$0x10300] =	vst v1  }
0x46: {  	[tilespmem:$0x10310] =	vst v1  }
0x47: {  	[tilespmem:$0x10320] =	vst v1  }
0x48: {  	[tilespmem:$0x10330] =	vst v1  }
0x49: {  	[tilespmem:$0x10340] =	vst v1  }
0x4a: {  	[tilespmem:$0x10350] =	vst v1  }
0x4b: {  	[tilespmem:$0x10360] =	vst v1  }
0x4c: {  	[tilespmem:$0x10370] =	vst v1  }
0x4d: {  	[tilespmem:$0x10380] =	vst v1  }
0x4e: {  	[tilespmem:$0x10390] =	vst v1  }
0x4f: {  	[tilespmem:$0x103A0] =	vst v1  }
0x50: {  	[tilespmem:$0x103B0] =	vst v1  }
0x51: {  	[tilespmem:$0x103C0] =	vst v1  }
0x52: {  	[tilespmem:$0x103D0] =	vst v1  }
0x53: {  	[tilespmem:$0x103E0] =	vst v1  }
0x54: {  	[tilespmem:$0x103F0] =	vst v1  }
0x55: {  	[tilespmem:$0x10400] =	vst v1  }
0x56: {  	[tilespmem:$0x10410] =	vst v1  }
0x57: {  	[tilespmem:$0x10420] =	vst v1  }
0x58: {  	[tilespmem:$0x10430] =	vst v1  }
0x59: {  	[tilespmem:$0x10440] =	vst v1  }
0x5a: {  	[tilespmem:$0x10450] =	vst v1  }
0x5b: {  	[tilespmem:$0x10460] =	vst v1  }
0x5c: {  	[tilespmem:$0x10470] =	vst v1  }
0x5d: {  	[tilespmem:$0x10480] =	vst v1  }
0x5e: {  	[tilespmem:$0x10490] =	vst v1  }
0x5f: {  	[tilespmem:$0x104A0] =	vst v1  }
0x60: {  	[tilespmem:$0x104B0] =	vst v1  }
0x61: {  	[tilespmem:$0x104C0] =	vst v1  }
0x62: {  	[tilespmem:$0x104D0] =	vst v1  }
0x63: {  	[tilespmem:$0x104E0] =	vst v1  }
0x64: {  	[tilespmem:$0x104F0] =	vst v1  }
0x65: {  	[tilespmem:$0x10500] =	vst v1  }
0x66: {  	[tilespmem:$0x10510] =	vst v1  }
0x67: {  	[tilespmem:$0x10520] =	vst v1  }
0x68: {  	[tilespmem:$0x10530] =	vst v1  }
0x69: {  	[tilespmem:$0x10540] =	vst v1  }
0x6a: {  	[tilespmem:$0x10550] =	vst v1  }
0x6b: {  	[tilespmem:$0x10560] =	vst v1  }
0x6c: {  	[tilespmem:$0x10570] =	vst v1  }
0x6d: {  	[tilespmem:$0x10580] =	vst v1  }
0x6e: {  	[tilespmem:$0x10590] =	vst v1  }
0x6f: {  	[tilespmem:$0x105A0] =	vst v1  }
0x70: {  	[tilespmem:$0x105B0] =	vst v1  }
0x71: {  	[tilespmem:$0x105C0] =	vst v1  }
0x72: {  	[tilespmem:$0x105D0] =	vst v1  }
0x73: {  	[tilespmem:$0x105E0] =	vst v1  }
0x74: {  	[tilespmem:$0x105F0] =	vst v1  }
0x75: {  	[tilespmem:$0x10600] =	vst v1  }
0x76: {  	[tilespmem:$0x10610] =	vst v1  }
0x77: {  	[tilespmem:$0x10620] =	vst v1  }
0x78: {  	[tilespmem:$0x10630] =	vst v1  }
0x79: {  	[tilespmem:$0x10640] =	vst v1  }
0x7a: {  	[tilespmem:$0x10650] =	vst v1  }
0x7b: {  	[tilespmem:$0x10660] =	vst v1  }
0x7c: {  	[tilespmem:$0x10670] =	vst v1  }
0x7d: {  	[tilespmem:$0x10680] =	vst v1  }
0x7e: {  	[tilespmem:$0x10690] =	vst v1  }
0x7f: {  	[tilespmem:$0x106A0] =	vst v1  }
0x80: {  	[tilespmem:$0x106B0] =	vst v1  }
0x81: {  	[tilespmem:$0x106C0] =	vst v1  }
0x82: {  	[tilespmem:$0x106D0] =	vst v1  }
0x83: {  	[tilespmem:$0x106E0] =	vst v1  }
0x84: {  	[tilespmem:$0x106F0] =	vst v1  }
0x85: {  	[tilespmem:$0x10700] =	vst v1  }
0x86: {  	[tilespmem:$0x10710] =	vst v1  }
0x87: {  	[tilespmem:$0x10720] =	vst v1  }
0x88: {  	[tilespmem:$0x10730] =	vst v1  }
0x89: {  	[tilespmem:$0x10740] =	vst v1  }
0x8a: {  	[tilespmem:$0x10750] =	vst v1  }
0x8b: {  	[tilespmem:$0x10760] =	vst v1  }
0x8c: {  	[tilespmem:$0x10770] =	vst v1  }
0x8d: {  	[tilespmem:$0x10780] =	vst v1  }
0x8e: {  	[tilespmem:$0x10790] =	vst v1  }
0x8f: {  	[tilespmem:$0x107A0] =	vst v1  }
0x90: {  	[tilespmem:$0x107B0] =	vst v1  }
0x91: {  	[tilespmem:$0x107C0] =	vst v1  }
0x92: {  	[tilespmem:$0x107D0] =	vst v1  }
0x93: {  	[tilespmem:$0x107E0] =	vst v1  }
0x94: {  	[tilespmem:$0x107F0] =	vst v1  }
0x95: {  	[tilespmem:$0x10800] =	vst v1  }
0x96: {  	[tilespmem:$0x10810] =	vst v1  }
0x97: {  	[tilespmem:$0x10820] =	vst v1  }
0x98: {  	[tilespmem:$0x10830] =	vst v1  }
0x99: {  	[tilespmem:$0x10840] =	vst v1  }
0x9a: {  	[tilespmem:$0x10850] =	vst v1  }
0x9b: {  	[tilespmem:$0x10860] =	vst v1  }
0x9c: {  	[tilespmem:$0x10870] =	vst v1  }
0x9d: {  	[tilespmem:$0x10880] =	vst v1  }
0x9e: {  	[tilespmem:$0x10890] =	vst v1  }
0x9f: {  	[tilespmem:$0x108A0] =	vst v1  }
0xa0: {  	[tilespmem:$0x108B0] =	vst v1  }
0xa1: {  	[tilespmem:$0x108C0] =	vst v1  }
0xa2: {  	[tilespmem:$0x108D0] =	vst v1  }
0xa3: {  	[tilespmem:$0x108E0] =	vst v1  }
0xa4: {  	[tilespmem:$0x108F0] =	vst v1  }
0xa5: {  	[tilespmem:$0x10900] =	vst v1  }
0xa6: {  	[tilespmem:$0x10910] =	vst v1  }
0xa7: {  	[tilespmem:$0x10920] =	vst v1  }
0xa8: {  	[tilespmem:$0x10930] =	vst v1  }
0xa9: {  	[tilespmem:$0x10940] =	vst v1  }
0xaa: {  	[tilespmem:$0x10950] =	vst v1  }
0xab: {  	[tilespmem:$0x10960] =	vst v1  }
0xac: {  	[tilespmem:$0x10970] =	vst v1  }
0xad: {  	[tilespmem:$0x10980] =	vst v1  }
0xae: {  	[tilespmem:$0x10990] =	vst v1  }
0xaf: {  	[tilespmem:$0x109A0] =	vst v1  }
0xb0: {  	[tilespmem:$0x109B0] =	vst v1  }
0xb1: {  	[tilespmem:$0x109C0] =	vst v1  }
0xb2: {  	[tilespmem:$0x109D0] =	vst v1  }
0xb3: {  	[tilespmem:$0x109E0] =	vst v1  }
0xb4: {  	[tilespmem:$0x109F0] =	vst v1  }
0xb5: {  	[tilespmem:$0x10A00] =	vst v1  }
0xb6: {  	[tilespmem:$0x10A10] =	vst v1  }
0xb7: {  	[tilespmem:$0x10A20] =	vst v1  }
0xb8: {  	[tilespmem:$0x10A30] =	vst v1  }
0xb9: {  	[tilespmem:$0x10A40] =	vst v1  }
0xba: {  	[tilespmem:$0x10A50] =	vst v1  }
0xbb: {  	[tilespmem:$0x10A60] =	vst v1  }
0xbc: {  	[tilespmem:$0x10A70] =	vst v1  }
0xbd: {  	[tilespmem:$0x10A80] =	vst v1  }
0xbe: {  	[tilespmem:$0x10A90] =	vst v1  }
0xbf: {  	[tilespmem:$0x10AA0] =	vst v1  }
0xc0: {  	[tilespmem:$0x10AB0] =	vst v1  }
0xc1: {  	[tilespmem:$0x10AC0] =	vst v1  }
0xc2: {  	[tilespmem:$0x10AD0] =	vst v1  }
0xc3: {  	[tilespmem:$0x10AE0] =	vst v1  }
0xc4: {  	[tilespmem:$0x10AF0] =	vst v1  }
0xc5: {  	[tilespmem:$0x10B00] =	vst v1  }
0xc6: {  	[tilespmem:$0x10B10] =	vst v1  }
0xc7: {  	[tilespmem:$0x10B20] =	vst v1  }
0xc8: {  	[tilespmem:$0x10B30] =	vst v1  }
0xc9: {  	[tilespmem:$0x10B40] =	vst v1  }
0xca: {  	[tilespmem:$0x10B50] =	vst v1  }
0xcb: {  	[tilespmem:$0x10B60] =	vst v1  }
0xcc: {  	[tilespmem:$0x10B70] =	vst v1  }
0xcd: {  	[tilespmem:$0x10B80] =	vst v1  }
0xce: {  	[tilespmem:$0x10B90] =	vst v1  }
0xcf: {  	[tilespmem:$0x10BA0] =	vst v1  }
0xd0: {  	[tilespmem:$0x10BB0] =	vst v1  }
0xd1: {  	[tilespmem:$0x10BC0] =	vst v1  }
0xd2: {  	[tilespmem:$0x10BD0] =	vst v1  }
0xd3: {  	[tilespmem:$0x10BE0] =	vst v1  }
0xd4: {  	[tilespmem:$0x10BF0] =	vst v1  }
0xd5: {  	[tilespmem:$0x10C00] =	vst v1  }
0xd6: {  	[tilespmem:$0x10C10] =	vst v1  }
0xd7: {  	[tilespmem:$0x10C20] =	vst v1  }
0xd8: {  	[tilespmem:$0x10C30] =	vst v1  }
0xd9: {  	[tilespmem:$0x10C40] =	vst v1  }
0xda: {  	[tilespmem:$0x10C50] =	vst v1  }
0xdb: {  	[tilespmem:$0x10C60] =	vst v1  }
0xdc: {  	[tilespmem:$0x10C70] =	vst v1  }
0xdd: {  	[tilespmem:$0x10C80] =	vst v1  }
0xde: {  	[tilespmem:$0x10C90] =	vst v1  }
0xdf: {  	[tilespmem:$0x10CA0] =	vst v1  }
0xe0: {  	[tilespmem:$0x10CB0] =	vst v1  }
0xe1: {  	[tilespmem:$0x10CC0] =	vst v1  }
0xe2: {  	[tilespmem:$0x10CD0] =	vst v1  }
0xe3: {  	[tilespmem:$0x10CE0] =	vst v1  }
0xe4: {  	[tilespmem:$0x10CF0] =	vst v1  }
0xe5: {  	[tilespmem:$0x10D00] =	vst v1  }
0xe6: {  	[tilespmem:$0x10D10] =	vst v1  }
0xe7: {  	[tilespmem:$0x10D20] =	vst v1  }
0xe8: {  	[tilespmem:$0x10D30] =	vst v1  }
0xe9: {  	[tilespmem:$0x10D40] =	vst v1  }
0xea: {  	[tilespmem:$0x10D50] =	vst v1  }
0xeb: {  	[tilespmem:$0x10D60] =	vst v1  }
0xec: {  	[tilespmem:$0x10D70] =	vst v1  }
0xed: {  	[tilespmem:$0x10D80] =	vst v1  }
0xee: {  	[tilespmem:$0x10D90] =	vst v1  }
0xef: {  	[tilespmem:$0x10DA0] =	vst v1  }
0xf0: {  	[tilespmem:$0x10DB0] =	vst v1  }
0xf1: {  	[tilespmem:$0x10DC0] =	vst v1  }
0xf2: {  	[tilespmem:$0x10DD0] =	vst v1  }
0xf3: {  	[tilespmem:$0x10DE0] =	vst v1  }
0xf4: {  	[tilespmem:$0x10DF0] =	vst v1  }
0xf5: {  	[tilespmem:$0x10E00] =	vst v1  }
0xf6: {  	[tilespmem:$0x10E10] =	vst v1  }
0xf7: {  	[tilespmem:$0x10E20] =	vst v1  }
0xf8: {  	[tilespmem:$0x10E30] =	vst v1  }
0xf9: {  	[tilespmem:$0x10E40] =	vst v1  }
0xfa: {  	[tilespmem:$0x10E50] =	vst v1  }
0xfb: {  	[tilespmem:$0x10E60] =	vst v1  }
0xfc: {  	[tilespmem:$0x10E70] =	vst v1  }
0xfd: {  	[tilespmem:$0x10E80] =	vst v1  }
0xfe: {  	[tilespmem:$0x10E90] =	vst v1  }
0xff: {  	[tilespmem:$0x10EA0] =	vst v1  }
0x100: {  	[tilespmem:$0x10EB0] =	vst v1  }
0x101: {  	[tilespmem:$0x10EC0] =	vst v1  }
0x102: {  	[tilespmem:$0x10ED0] =	vst v1  }
0x103: {  	[tilespmem:$0x10EE0] =	vst v1  }
0x104: {  	[tilespmem:$0x10EF0] =	vst v1  }
0x105: {  	[tilespmem:$0x10F00] =	vst v1  }
0x106: {  	[tilespmem:$0x10F10] =	vst v1  }
0x107: {  	[tilespmem:$0x10F20] =	vst v1  }
0x108: {  	[tilespmem:$0x10F30] =	vst v1  }
0x109: {  	[tilespmem:$0x10F40] =	vst v1  }
0x10a: {  	[tilespmem:$0x10F50] =	vst v1  }
0x10b: {  	[tilespmem:$0x10F60] =	vst v1  }
0x10c: {  	[tilespmem:$0x10F70] =	vst v1  }
0x10d: {  	[tilespmem:$0x10F80] =	vst v1  }
0x10e: {  	[tilespmem:$0x10F90] =	vst v1  }
0x10f: {  	[tilespmem:$0x10FA0] =	vst v1  }
0x110: {  	[tilespmem:$0x10FB0] =	vst v1  }
0x111: {  	[tilespmem:$0x10FC0] =	vst v1  }
0x112: {  	[tilespmem:$0x10FD0] =	vst v1  }
0x113: {  	[tilespmem:$0x10FE0] =	vst v1  }
0x114: {  	[tilespmem:$0x10FF0] =	vst v1;
	s1 =	rddreg [dreg:$0x4];
	s25 =	simm.s32 $0x0  }
0x115: {  	[tilespmem:s2], [sflag:$0x1] =	stream.linear.gather [hbm4b:s1+s2], $0x8000, $0x38;
	[tilespmem:$0x13100] =	vst v63  }
0x116: {  	s8 =	rddreg [dreg:$0x5];
	s3 =	simm.s32 $0x8000;
	s4 =	sand.u32 $0x8, s25  }
0x117: {  	[tilespmem:s3], [sflag:$0x2] =	stream.linear.gather [hbm4b:s8+s2], $0x8000, $0x38;
	[tilespmem:$0x13100] =	vst v63  }
0x118: {  	s7 =	sshll.u32 s4, $0x7;
	s3 =	sand.u32 $0x7800, s2;
	_ =	swait.ge [sflag:s26], $0x8000  }
0x119: {  	s6 =	sand.u32 $0x380, s2;
	s1 =	sor.u32 s7, s3;
	[sflag:s26] =	ssyncset.done $0x0  }
0x11a: {  	s1 =	sor.u32 s6, s1;
	[sflag:s26] =	ssyncadd.s32 $0xFFFF8000  }
0x11b: {  	v3 =	vld [tilespmem:s1+$0x60];
	_ =	sdelay $0x4  }
0x11c: {  	v3 =	vsub.f32 $0.0e+00, v3  }
0x11d: {  	v4 =	vld [tilespmem:s1+$0x0]  }
0x11e: {  	v5 =	vld [tilespmem:s1+$0x70];
	v3 =	vmul.f32 $1.442695020e+00, v3;
	_ =	sdelay $0x1  }
0x11f: {  	v6 =	vld [tilespmem:s1+$0x10];
	(erf) = vpow2.f32 v3  }
0x120: {  	v3 =	vld [tilespmem:s1+$0x20];
	_ =	sdelay $0x1  }
0x121: {  	v7 =	vld [tilespmem:s1+$0x40];
	v4 =	vsub.f32 $0.0e+00, v4;
	v5 =	vsub.f32 $0.0e+00, v5;
	_ =	sdelay $0x1  }
0x122: {  	v6 =	vsub.f32 $0.0e+00, v6;
	v4 =	vmul.f32 $1.442695020e+00, v4;
	v5 =	vmul.f32 $1.442695020e+00, v5  }
0x123: {  	v3 =	vsub.f32 $0.0e+00, v3  }
0x124: {  	v6 =	vmul.f32 $1.442695020e+00, v6;
	(erf) = vpow2.f32 v4  }
0x125: {  	v7 =	vsub.f32 $0.0e+00, v7;
	(erf) = vpow2.f32 v5;
	v3 =	vmul.f32 $1.442695020e+00, v3  }
0x126: {  	(erf) = vpow2.f32 v6;
	v5 =	vpop (erf)  }
0x127: {  	v4 =	vmul.f32 $1.442695020e+00, v7;
	(erf) = vpow2.f32 v3;
	v3 =	vadd.f32 $1.000000000e+00, v5;
	v5 =	vld [tilespmem:s1+$0x30];
	_ =	sdelay $0x1  }
0x128: {  	(erf) = vpow2.f32 v4  }
0x129: {  	(erf) = vrcp.f32 v3;
	_ =	sdelay $0x1  }
0x12a: {  	v3 =	vld [tilespmem:s1+$0x50];
	v4 =	vsub.f32 $0.0e+00, v5;
	_ =	sdelay $0x1  }
0x12b: {  	v5 =	vpop (erf);
	v4 =	vmul.f32 $1.442695020e+00, v4  }
0x12c: {  	v6 =	vpop (erf)  }
0x12d: {  	v7 =	vpop (erf)  }
0x12e: {  	v3 =	vsub.f32 $0.0e+00, v3;
	v8 =	vpop (erf)  }
0x12f: {  	v5 =	vadd.f32 $1.000000000e+00, v5;
	(erf) = vpow2.f32 v4;
	v4 =	vpop (erf)  }
0x130: {  	v3 =	vmul.f32 $1.442695020e+00, v3;
	v9 =	vpop (erf)  }
0x131: {  	(erf) = vrcp.f32 v5;
	v5 =	vmul.f32 $8.000000000e+00, v9;
	_ =	sdelay $0x1  }
0x132: {  	(erf) = vpow2.f32 v3;
	v3 =	vadd.f32 $5.000000000e-01, v5  }
0x133: {  	s25 =	simm.s32 $0x8;
	v6 =	vadd.f32 $1.000000000e+00, v6;
	v4 =	vadd.f32 $1.000000000e+00, v4  }
0x134: {  	s31 =	simm.s32 $0x80;
	s1 =	sand.u32 $0x8, s25;
	v7 =	vadd.f32 $1.000000000e+00, v7;
	v3 =	vtrunc.f32 v3  }
0x135: {  	s3 =	simm.s32 $0x40;
	s6 =	sand.u32 $0x7800, s31;
	s7 =	sshll.u32 s1, $0x7;
	(erf) = vrcp.f32 v6;
	v3 =	vcvt.f32.s32 v3  }
0x136: {  	s8 =	sand.u32 $0x380, s3;
	s6 =	sor.u32 s7, s6;
	v6 =	vadd.f32 $1.000000000e+00, v8;
	(erf) = vrcp.f32 v7  }
0x137: {  	s6 =	sor.u32 s8, s6;
	(erf) = vrcp.f32 v4;
	v4 =	vpop (erf);
	v7 =	vcvt.s32.f32 v3  }
0x138: {  	v17 =	vld [tilespmem:s6+$0x10];
	v4 =	vadd.f32 $1.000000000e+00, v4  }
0x139: {  	v25 =	vld [tilespmem:s6+$0x20];
	(erf) = vrcp.f32 v6;
	v5 =	vsub.f32 v7, v5  }
0x13a: {  	v6 =	vpop (erf);
	(erf) = vrcp.f32 v4  }
0x13b: {  	v12 =	vmul.f32 $8.000000000e+00, v6;
	v6 =	vld [tilespmem:s6+$0x60];
	v5 =	vmul.f32 $1.250000000e+02, v5;
	_ =	sdelay $0x1  }
0x13c: {  	v17 =	vsub.f32 $0.0e+00, v17;
	v7 =	vpop (erf);
	v5 =	vmul.f32 $1.442695020e+00, v5  }
0x13d: {  	v25 =	vsub.f32 $0.0e+00, v25;
	v4 =	vpop (erf);
	v7 =	vadd.f32 $1.000000000e+00, v7  }
0x13e: {  	v17 =	vmul.f32 $1.442695020e+00, v17;
	v16 =	vadd.f32 $5.000000000e-01, v12;
	v8 =	vpop (erf);
	v4 =	vmul.f32 $8.000000000e+00, v4  }
0x13f: {  	v6 =	vsub.f32 $0.0e+00, v6;
	v8 =	vmul.f32 $8.000000000e+00, v8;
	(erf) = vrcp.f32 v7  }
0x140: {  	v21 =	vld [tilespmem:s6+$0x40];
	v25 =	vmul.f32 $1.442695020e+00, v25;
	(erf) = vpow2.f32 v5;
	v9 =	vadd.f32 $5.000000000e-01, v4;
	v5 =	vpop (erf)  }
0x141: {  	s4 =	smul.u32 $0xA0, s4;
	v16 =	vtrunc.f32 v16;
	v6 =	vmul.f32 $1.442695020e+00, v6;
	v7 =	vadd.f32 $5.000000000e-01, v8;
	v10 =	vpop (erf)  }
0x142: {  	v13 =	vld [tilespmem:s6+$0x70];
	v9 =	vtrunc.f32 v9;
	v5 =	vmul.f32 $8.000000000e+00, v5;
	v11 =	vpop (erf)  }
0x143: {  	s8 =	sadd.s32 $0x3C0, s4;
	v7 =	vtrunc.f32 v7;
	v11 =	vmul.f32 $8.000000000e+00, v11  }
0x144: {  	v15 =	vld [tilespmem:s6+$0x0];
	v14 =	vadd.s32 s8, v3;
	v9 =	vcvt.f32.s32 v9;
	v7 =	vcvt.f32.s32 v7  }
0x145: {  	(erf) = vpow2.f32 v6;
	v6 =	vsub.f32 $0.0e+00, v21;
	v20 =	vadd.f32 $5.000000000e-01, v11  }
0x146: {  	v3 =	vadd.f32 $5.000000000e-01, v5;
	v18 =	vcvt.s32.f32 v9;
	v19 =	vcvt.s32.f32 v7  }
0x147: {  	v13 =	vsub.f32 $0.0e+00, v13;
	v16 =	vcvt.f32.s32 v16;
	v27 =	vmul.f32 $1.442695020e+00, v6  }
0x148: {  	v3 =	vtrunc.f32 v3;
	v18 =	vsub.f32 v18, v4;
	v22 =	vpop (erf);
	v4 =	vsub.f32 v19, v8  }
0x149: {  	v15 =	vsub.f32 $0.0e+00, v15;
	v3 =	vcvt.f32.s32 v3;
	v8 =	vld [tilespmem:s6+$0x30];
	v19 =	vtrunc.f32 v20;
	v20 =	vpop (erf)  }
0x14a: {  	v26 =	vld [tilespmem:s6+$0x50];
	s8 =	sadd.s32 $0x460, s4;
	v22 =	vmul.f32 $8.000000000e+00, v22;
	v24 =	vmul.f32 $1.250000000e+02, v4;
	v23 =	vadd.f32 $1.000000000e+00, v20  }
0x14b: {  	v4 =	vadd.s32 s8, v9;
	v9 =	vmul.f32 $1.442695020e+00, v13;
	v13 =	vmul.f32 $1.442695020e+00, v15  }
0x14c: {  	v21 =	vcvt.s32.f32 v3;
	s8 =	sadd.s32 $0x280, s4;
	v15 =	vadd.f32 $5.000000000e-01, v22;
	(erf) = vrcp.f32 v23  }
0x14d: {  	v19 =	vcvt.f32.s32 v19;
	v6 =	vadd.s32 s8, v3;
	(erf) = vpow2.f32 v13  }
0x14e: {  	v63 =	vmul.f32 $1.442695020e+00, v24;
	v8 =	vsub.f32 $0.0e+00, v8;
	v15 =	vtrunc.f32 v15  }
0x14f: {  	v23 =	vsub.f32 $0.0e+00, v26;
	v13 =	vcvt.f32.s32 v15;
	(erf) = vpow2.f32 v9  }
0x150: {  	v26 =	vadd.s32 v0, v14;
	v9 =	vcvt.s32.f32 v19;
	(erf) = vpow2.f32 v17  }
0x151: {  	v15 =	vpop (erf);
	v17 =	vadd.s32 v2, v14;
	v14 =	vcvt.s32.f32 v13;
	(erf) = vpow2.f32 v25  }
0x152: {  	s7 =	sadd.s32 $0x1E0, s4;
	v9 =	vsub.f32 v9, v11;
	v11 =	vadd.f32 $1.000000000e+00, v15;
	v15 =	vmul.f32 $1.250000000e+02, v18  }
0x153: {  	v3 =	vadd.s32 s7, v19;
	v8 =	vmul.f32 $1.442695020e+00, v8;
	(erf) = vpow2.f32 v27  }
0x154: {  	s7 =	sadd.s32 $0x320, s4;
	v14 =	vsub.f32 v14, v22;
	(erf) = vrcp.f32 v11;
	v15 =	vmul.f32 $1.442695020e+00, v15  }
0x155: {  	v19 =	vmul.f32 $8.000000000e+00, v10;
	v10 =	vadd.s32 s7, v13;
	v9 =	vmul.f32 $1.250000000e+02, v9;
	v25 =	vpop (erf)  }
0x156: {  	v11 =	vadd.s32 s4, v16;
	v16 =	vcvt.s32.f32 v16;
	v14 =	vmul.f32 $1.250000000e+02, v14;
	v18 =	vpop (erf)  }
0x157: {  	v9 =	vmul.f32 $1.442695020e+00, v9;
	(erf) = vpow2.f32 v15;
	v13 =	vadd.f32 $1.000000000e+00, v18  }
0x158: {  	(erf) = vpow2.f32 v8;
	v8 =	vmul.f32 $1.442695020e+00, v23;
	v15 =	vpop (erf)  }
0x159: {  	v12 =	vsub.f32 v16, v12;
	v18 =	vpop (erf);
	v15 =	vadd.f32 $1.000000000e+00, v15;
	(erf) = vrcp.f32 v13  }
0x15a: {  	v14 =	vmul.f32 $1.442695020e+00, v14;
	v16 =	vadd.f32 $1.000000000e+00, v18;
	(erf) = vpow2.f32 v8  }
0x15b: {  	v5 =	vsub.f32 v21, v5;
	v20 =	vmul.f32 v25, v20;
	v13 =	vpop (erf);
	(erf) = vrcp.f32 v15  }
0x15c: {  	v8 =	vmul.f32 $1.250000000e+02, v12;
	v15 =	vadd.f32 $5.000000000e-01, v19;
	v18 =	vpop (erf);
	(erf) = vrcp.f32 v16  }
0x15d: {  	v16 =	vmul.f32 $1.250000000e+02, v5;
	v12 =	vadd.f32 $1.000000000e+00, v18;
	v18 =	vpop (erf);
	(erf) = vpow2.f32 v14  }
0x15e: {  	s8 =	sor.u32 $0xA0, s4;
	v13 =	vadd.f32 $1.000000000e+00, v13;
	v22 =	vmul.f32 $8.000000000e+00, v18;
	(erf) = vpow2.f32 v9  }
0x15f: {  	v7 =	vadd.s32 s8, v7;
	(erf) = vrcp.f32 v12;
	v12 =	vtrunc.f32 v15  }
0x160: {  	v8 =	vmul.f32 $1.442695020e+00, v8;
	v5 =	vadd.s32 v0, v7;
	v12 =	vcvt.f32.s32 v12  }
0x161: {  	v18 =	vpop (erf);
	v15 =	vmul.f32 $1.442695020e+00, v16;
	v14 =	vadd.f32 $5.000000000e-01, v22;
	(erf) = vrcp.f32 v13  }
0x162: {  	s4 =	sadd.s32 $0x140, s4;
	v16 =	vadd.f32 $1.000000000e+00, v18;
	v13 =	vpop (erf);
	(erf) = vpow2.f32 v8;
	v21 =	vcvt.s32.f32 v12  }
0x163: {  	v8 =	vadd.f32 $1.000000000e+00, v13;
	v13 =	vtrunc.f32 v14;
	v27 =	vpop (erf);
	v14 =	vadd.s32 s4, v12  }
0x164: {  	s1 =	smul.u32 $0xA0, s1;
	(erf) = vrcp.f32 v16;
	v13 =	vcvt.f32.s32 v13;
	v28 =	vpop (erf);
	v12 =	vsub.f32 v21, v19  }
0x165: {  	v7 =	vadd.s32 v2, v7;
	v9 =	vadd.s32 v0, v6;
	(erf) = vrcp.f32 v8;
	v23 =	vpop (erf)  }
0x166: {  	s8 =	sadd.s32 $0x3C0, s1;
	(erf) = vpow2.f32 v15;
	v15 =	vadd.f32 $1.000000000e+00, v28;
	v29 =	vcvt.s32.f32 v13;
	v19 =	vpop (erf)  }
0x167: {  	v8 =	vadd.s32 s8, v13;
	v13 =	vmul.f32 $8.000000000e+00, v27;
	v27 =	vmul.f32 $1.250000000e+02, v12;
	v16 =	vpop (erf)  }
0x168: {  	v21 =	vadd.s32 v2, v4;
	v19 =	vmul.f32 $8.000000000e+00, v19;
	v62 =	vsub.f32 v29, v22;
	v12 =	vpop (erf)  }
0x169: {  	[tilespmem:v17+s28+$0x0] =	vst.idx.add.f32.msk $0xffff, v25;
	(erf) = vrcp.f32 v15;
	v17 =	vadd.f32 $5.000000000e-01, v13;
	v25 =	vmul.f32 $1.442695020e+00, v27;
	v22 =	vpop (erf)  }
0x16a: {  	[tilespmem:v26+s28+$0x0] =	vst.idx.add.f32.msk $0xffff, v20;
	v20 =	vadd.f32 $1.000000000e+00, v16;
	(erf) = vpow2.f32 v63;
	v24 =	vmul.f32 $1.250000000e+02, v62;
	v15 =	vpop (erf)  }
.LBB2_2:
0x16b: {  	s25 =	sadd.s32 $0x8, s25;
	v26 =	vadd.f32 $5.000000000e-01, v19;
	v22 =	vmul.f32 $8.000000000e+00, v22;
	v27 =	vpop (erf);
	(erf) = vpow2.f32 v25  }
0x16c: {  	v23 =	vmul.f32 $8.000000000e+00, v23;
	s31 =	sadd.s32 $0x80, s31;
	v25 =	vadd.f32 $1.000000000e+00, v12;
	s4 =	sand.u32 $0x8, s25;
	p0 =	slt.u32 s25, $0x7F8;
	v24 =	vmul.f32 $1.442695020e+00, v24  }
0x16d: {  	s3 =	sadd.s32 $0x40, s3;
	s6 =	sand.u32 $0x7800, s31;
	v29 =	vadd.f32 $1.000000000e+00, v27;
	s7 =	sshll.u32 s4, $0x7;
	v28 =	vadd.f32 $5.000000000e-01, v22;
	(erf) = vrcp.f32 v20;
	v20 =	vpop (erf)  }
0x16e: {  	s8 =	sand.u32 $0x380, s3;
	v30 =	vadd.f32 $5.000000000e-01, v23;
	s6 =	sor.u32 s7, s6;
	v31 =	vpop (erf);
	(erf) = vpow2.f32 v24;
	v18 =	vmul.f32 v20, v18;
	[tilespmem:v21+s28+$0x0] =	vst.idx.add.f32.msk $0xffff, v20  }
0x16f: {  	v4 =	vadd.s32 v0, v4;
	s6 =	sor.u32 s8, s6;
	v20 =	vtrunc.f32 v28;
	(erf) = vrcp.f32 v25;
	v21 =	vpop (erf)  }
0x170: {  	v11 =	vadd.s32 v0, v11;
	v25 =	vtrunc.f32 v30;
	v24 =	vld [tilespmem:s6+$0x60];
	v28 =	vadd.f32 $1.000000000e+00, v21  }
0x171: {  	v6 =	vadd.s32 v2, v6;
	v25 =	vcvt.f32.s32 v25;
	v30 =	vld [tilespmem:s6+$0x0];
	(erf) = vrcp.f32 v29  }
0x172: {  	v33 =	vadd.s32 v2, v10;
	v26 =	vtrunc.f32 v26;
	v29 =	vld [tilespmem:s6+$0x70];
	v32 =	vpop (erf);
	(erf) = vrcp.f32 v28  }
0x173: {  	v34 =	vadd.s32 v0, v3;
	v26 =	vcvt.f32.s32 v26;
	v31 =	vmul.f32 $8.000000000e+00, v31;
	v28 =	vld [tilespmem:s6+$0x30];
	v35 =	vpop (erf)  }
0x174: {  	v10 =	vadd.s32 v0, v10;
	v37 =	vcvt.s32.f32 v25;
	v36 =	vld [tilespmem:s6+$0x10];
	v43 =	vadd.f32 $1.000000000e+00, v35;
	v39 =	vpop (erf)  }
0x175: {  	v40 =	vcvt.s32.f32 v26;
	v41 =	vadd.f32 $5.000000000e-01, v31;
	v42 =	vadd.f32 $1.000000000e+00, v39;
	[tilespmem:v4+s28+$0x0] =	vst.idx.add.f32.msk $0xffff, v18  }
0x176: {  	v23 =	vsub.f32 v37, v23;
	v18 =	vcvt.f32.s32 v20;
	(erf) = vrcp.f32 v43;
	v4 =	vpop (erf)  }
0x177: {  	v44 =	vsub.f32 v40, v19;
	v40 =	vadd.s32 $0x1, v11;
	v37 =	vtrunc.f32 v41;
	v38 =	vpop (erf);
	[tilespmem:v33+s28+$0x0] =	vst.idx.add.f32.msk $0xffff, v4  }
0x178: {  	v20 =	vsub.f32 $0.0e+00, v24;
	v24 =	vsub.f32 $0.0e+00, v29;
	v16 =	vmul.f32 v4, v16;
	v33 =	vld [tilespmem:s6+$0x40];
	v29 =	vpop (erf)  }
0x179: {  	s7 =	sadd.s32 $0x460, s1;
	v32 =	vmul.f32 $8.000000000e+00, v32;
	v41 =	vadd.f32 $1.000000000e+00, v38;
	(erf) = vrcp.f32 v42  }
0x17a: {  	v43 =	vmul.f32 $1.442695020e+00, v20;
	v20 =	vmul.f32 $1.250000000e+02, v44;
	v4 =	vadd.s32 s7, v25;
	v42 =	vld [tilespmem:s6+$0x50];
	v19 =	vpop (erf)  }
0x17b: {  	v44 =	vadd.s32 v2, v3;
	v24 =	vmul.f32 $1.442695020e+00, v24;
	v25 =	vld [tilespmem:s6+$0x20];
	v27 =	vmul.f32 v19, v27;
	v3 =	vpop (erf)  }
0x17c: {  	v45 =	vadd.s32 v0, v14;
	v30 =	vsub.f32 $0.0e+00, v30;
	v21 =	vmul.f32 v3, v21;
	[tilespmem:v6+s28+$0x0] =	vst.idx.add.f32.msk $0xffff, v3  }
0x17d: {  	v14 =	vadd.s32 v2, v14;
	v36 =	vsub.f32 $0.0e+00, v36;
	(erf) = vpow2.f32 v43;
	[tilespmem:v40+s28+$0x0] =	vst.idx.add.f32.msk $0xffff, v19  }
0x17e: {  	v19 =	vmul.f32 $1.442695020e+00, v30;
	v6 =	vsub.f32 $0.0e+00, v33;
	v30 =	vadd.f32 $5.000000000e-01, v32;
	[tilespmem:v11+s28+$0x0] =	vst.idx.add.f32.msk $0xffff, v27  }
0x17f: {  	v33 =	vcvt.s32.f32 v18;
	v11 =	vmul.f32 $1.442695020e+00, v36;
	v27 =	vsub.f32 $0.0e+00, v42;
	[tilespmem:v9+s28+$0x0] =	vst.idx.add.f32.msk $0xffff, v21;
	v3 =	vpop (erf)  }
0x180: {  	v9 =	vsub.f32 $0.0e+00, v28;
	v21 =	vmul.f32 $1.442695020e+00, v6;
	v28 =	vmul.f32 v3, v35;
	[tilespmem:v7+s28+$0x0] =	vst.idx.add.f32.msk $0xffff, v3  }
0x181: {  	s6 =	sadd.s32 $0x280, s1;
	v3 =	vsub.f32 $0.0e+00, v25;
	v7 =	vcvt.f32.s32 v37;
	(erf) = vrcp.f32 v41;
	[tilespmem:v10+s28+$0x0] =	vst.idx.add.f32.msk $0xffff, v16  }
0x182: {  	s7 =	sadd.s32 $0x1E0, s1;
	v6 =	vadd.s32 s6, v18;
	v9 =	vmul.f32 $1.442695020e+00, v9;
	v10 =	vtrunc.f32 v30;
	v16 =	vpop (erf)  }
0x183: {  	v12 =	vmul.f32 v29, v12;
	s6 =	sor.u32 $0xA0, s1;
	v18 =	vmul.f32 $1.442695020e+00, v3;
	v3 =	vadd.s32 s7, v7;
	[tilespmem:v44+s28+$0x0] =	vst.idx.add.f32.msk $0xffff, v29  }
0x184: {  	v25 =	vmul.f32 v16, v39;
	(erf) = vpow2.f32 v19;
	v19 =	vadd.s32 s6, v26;
	[tilespmem:v14+s28+$0x0] =	vst.idx.add.f32.msk $0xffff, v16  }
0x185: {  	v7 =	vcvt.s32.f32 v7;
	(erf) = vpow2.f32 v24;
	[tilespmem:v5+s28+$0x0] =	vst.idx.add.f32.msk $0xffff, v28  }
0x186: {  	v10 =	vcvt.f32.s32 v10;
	v14 =	vadd.s32 v2, v8;
	(erf) = vpow2.f32 v11;
	v5 =	vpop (erf);
	[tilespmem:v45+s28+$0x0] =	vst.idx.add.f32.msk $0xffff, v25  }
0x187: {  	v7 =	vsub.f32 v7, v31;
	v11 =	vtrunc.f32 v17;
	(erf) = vpow2.f32 v18;
	[tilespmem:v34+s28+$0x0] =	vst.idx.add.f32.msk $0xffff, v12  }
0x188: {  	v5 =	vadd.f32 $1.000000000e+00, v5;
	v12 =	vmul.f32 $1.250000000e+02, v23;
	(erf) = vpow2.f32 v21  }
0x189: {  	v8 =	vadd.s32 v0, v8;
	v7 =	vmul.f32 $1.250000000e+02, v7;
	v16 =	vcvt.f32.s32 v11  }
0x18a: {  	v17 =	vcvt.s32.f32 v10;
	(erf) = vrcp.f32 v5;
	v5 =	vsub.f32 v33, v22;
	v18 =	vpop (erf)  }
0x18b: {  	v15 =	vmul.f32 $8.000000000e+00, v15;
	v11 =	vadd.s32 s1, v16;
	v12 =	vmul.f32 $1.442695020e+00, v12;
	[tilespmem:v14+s28+$0x0] =	vst.idx.add.f32.msk $0xffff, v18  }
0x18c: {  	s6 =	sadd.s32 $0x320, s1;
	v14 =	vmul.f32 $1.442695020e+00, v7;
	v7 =	vsub.f32 v17, v32;
	v21 =	vmul.f32 v18, v38  }
0x18d: {  	v10 =	vadd.s32 s6, v10;
	v16 =	vcvt.s32.f32 v16;
	v18 =	vpop (erf);
	(erf) = vpow2.f32 v12  }
0x18e: {  	v7 =	vmul.f32 $1.250000000e+02, v7;
	v18 =	vadd.f32 $1.000000000e+00, v18;
	(erf) = vpow2.f32 v9;
	v9 =	vpop (erf);
	[tilespmem:v8+s28+$0x0] =	vst.idx.add.f32.msk $0xffff, v21  }
0x18f: {  	v13 =	vsub.f32 v16, v13;
	v8 =	vmul.f32 $1.442695020e+00, v27;
	v9 =	vadd.f32 $1.000000000e+00, v9;
	v17 =	vpop (erf)  }
0x190: {  	v7 =	vmul.f32 $1.442695020e+00, v7;
	v21 =	vadd.f32 $1.000000000e+00, v17;
	(erf) = vrcp.f32 v18;
	v12 =	vpop (erf)  }
0x191: {  	v17 =	vpop (erf);
	(erf) = vpow2.f32 v8;
	v8 =	vmul.f32 $1.250000000e+02, v13  }
0x192: {  	v13 =	vadd.f32 $1.000000000e+00, v17;
	(erf) = vrcp.f32 v9;
	v9 =	vadd.f32 $5.000000000e-01, v15  }
0x193: {  	v12 =	vadd.f32 $1.000000000e+00, v12;
	v17 =	vmul.f32 $1.250000000e+02, v5;
	(erf) = vrcp.f32 v21;
	v16 =	vpop (erf)  }
0x194: {  	v5 =	vadd.s32 v0, v19;
	v8 =	vmul.f32 $1.442695020e+00, v8;
	(erf) = vpow2.f32 v7  }
0x195: {  	v22 =	vmul.f32 $8.000000000e+00, v16;
	v7 =	vadd.s32 v2, v19;
	(erf) = vpow2.f32 v14  }
0x196: {  	(erf) = vrcp.f32 v13;
	v13 =	vtrunc.f32 v9;
	v9 =	vadd.s32 v0, v6;
	v18 =	vpop (erf)  }
0x197: {  	v14 =	vadd.f32 $5.000000000e-01, v22;
	(erf) = vrcp.f32 v12;
	v12 =	vpop (erf);
	v13 =	vcvt.f32.s32 v13  }
0x198: {  	v16 =	vmul.f32 $1.442695020e+00, v17;
	v17 =	vadd.f32 $1.000000000e+00, v18;
	(erf) = vpow2.f32 v8  }
0x199: {  	s6 =	sadd.s32 $0x140, s1;
	s1 =	smul.u32 $0xA0, s4;
	v8 =	vadd.f32 $1.000000000e+00, v12;
	v12 =	vtrunc.f32 v14;
	v19 =	vpop (erf);
	v21 =	vcvt.s32.f32 v13  }
0x19a: {  	v12 =	vcvt.f32.s32 v12;
	v14 =	vadd.s32 s6, v13;
	v24 =	vpop (erf);
	(erf) = vrcp.f32 v17  }
0x19b: {  	s4 =	sadd.s32 $0x3C0, s1;
	(erf) = vrcp.f32 v8;
	v23 =	vpop (erf);
	v15 =	vsub.f32 v21, v15;
	v21 =	vadd.s32 v2, v4  }
.Ltmp0:
0x19c: {  	v8 =	vadd.s32 s4, v12;
	v25 =	vcvt.s32.f32 v12;
	v17 =	vpop (erf);
	(erf) = vpow2.f32 v16;
	(pc) =	sbr.rel @p0 .LBB2_2-.Ltmp0, $4  }
0x19d: {  	v13 =	vmul.f32 $8.000000000e+00, v19;
	v24 =	vadd.f32 $1.000000000e+00, v24;
	v28 =	vmul.f32 $1.250000000e+02, v15;
	v16 =	vpop (erf)  }
0x19e: {  	v27 =	vmul.f32 $1.442695020e+00, v20;
	v19 =	vmul.f32 $8.000000000e+00, v17;
	v26 =	vsub.f32 v25, v22;
	v12 =	vpop (erf)  }
0x19f: {  	v17 =	vadd.f32 $5.000000000e-01, v13;
	v22 =	vpop (erf);
	(erf) = vrcp.f32 v24;
	v25 =	vmul.f32 $1.442695020e+00, v28  }
0x1a0: {  	v20 =	vadd.f32 $1.000000000e+00, v16;
	v24 =	vmul.f32 $1.250000000e+02, v26;
	v15 =	vpop (erf);
	(erf) = vpow2.f32 v27  }
0x1a1: {  	_ = 	snop  }
0x1a2: {  	(erf) = vpow2.f32 v25;
	v24 =	vmul.f32 $1.442695020e+00, v24  }
0x1a3: {  	(erf) = vrcp.f32 v20;
	v20 =	vmul.f32 $8.000000000e+00, v23;
	_ =	sdelay $0x1  }
0x1a4: {  	(erf) = vpow2.f32 v24;
	v24 =	vadd.f32 $1.000000000e+00, v12;
	v26 =	vadd.f32 $5.000000000e-01, v20  }
0x1a5: {  	v22 =	vmul.f32 $8.000000000e+00, v22;
	v17 =	vtrunc.f32 v17;
	v23 =	vpop (erf)  }
0x1a6: {  	v37 =	vadd.f32 $5.000000000e-01, v19;
	v15 =	vmul.f32 $8.000000000e+00, v15;
	v25 =	vpop (erf);
	v26 =	vtrunc.f32 v26  }
0x1a7: {  	v17 =	vcvt.f32.s32 v17;
	v28 =	vpop (erf);
	v26 =	vcvt.f32.s32 v26  }
0x1a8: {  	v29 =	vadd.f32 $1.000000000e+00, v23;
	v50 =	vtrunc.f32 v37;
	(erf) = vrcp.f32 v24;
	v24 =	vpop (erf)  }
0x1a9: {  	v52 =	vcvt.s32.f32 v17;
	v30 =	vpop (erf);
	v32 =	vcvt.s32.f32 v26  }
0x1aa: {  	v28 =	vmul.f32 $8.000000000e+00, v28;
	v31 =	vadd.f32 $1.000000000e+00, v24;
	(erf) = vrcp.f32 v29;
	v63 =	vpop (erf)  }
0x1ab: {  	v30 =	vmul.f32 $8.000000000e+00, v30;
	v33 =	vadd.f32 $1.000000000e+00, v63;
	v34 =	vpop (erf);
	v32 =	vsub.f32 v32, v20  }
0x1ac: {  	v35 =	vadd.f32 $5.000000000e-01, v28;
	(erf) = vrcp.f32 v31;
	v45 =	vadd.f32 $1.000000000e+00, v34;
	v36 =	vpop (erf)  }
0x1ad: {  	v48 =	vadd.f32 $5.000000000e-01, v30;
	(erf) = vrcp.f32 v33;
	v46 =	vpop (erf);
	v32 =	vmul.f32 $1.250000000e+02, v32  }
0x1ae: {  	v20 =	vtrunc.f32 v35;
	v47 =	vadd.f32 $1.000000000e+00, v46;
	(erf) = vrcp.f32 v45  }
0x1af: {  	v31 =	vtrunc.f32 v48;
	v32 =	vmul.f32 $1.442695020e+00, v32  }
0x1b0: {  	v27 =	vadd.f32 $5.000000000e-01, v22;
	v31 =	vcvt.f32.s32 v31;
	(erf) = vrcp.f32 v47  }
0x1b1: {  	v20 =	vcvt.f32.s32 v20;
	(erf) = vpow2.f32 v32  }
0x1b2: {  	v27 =	vtrunc.f32 v27;
	v51 =	vcvt.s32.f32 v31  }
0x1b3: {  	v27 =	vcvt.f32.s32 v27;
	v13 =	vsub.f32 v52, v13;
	v49 =	vcvt.s32.f32 v20  }
0x1b4: {  	v42 =	vadd.f32 $5.000000000e-01, v15;
	v18 =	vmul.f32 v25, v18;
	v38 =	vpop (erf);
	v30 =	vsub.f32 v51, v30  }
0x1b5: {  	v39 =	vcvt.s32.f32 v27;
	v13 =	vmul.f32 $1.250000000e+02, v13;
	v28 =	vsub.f32 v49, v28;
	v53 =	vpop (erf)  }
0x1b6: {  	v56 =	vtrunc.f32 v42;
	v54 =	vpop (erf);
	v30 =	vmul.f32 $1.250000000e+02, v30  }
0x1b7: {  	v22 =	vsub.f32 v39, v22;
	v13 =	vmul.f32 $1.442695020e+00, v13;
	v28 =	vmul.f32 $1.250000000e+02, v28;
	v41 =	vpop (erf)  }
0x1b8: {  	v4 =	vadd.s32 v0, v4;
	v32 =	vcvt.f32.s32 v50;
	v55 =	vpop (erf);
	v30 =	vmul.f32 $1.442695020e+00, v30  }
0x1b9: {  	v22 =	vmul.f32 $1.250000000e+02, v22;
	v28 =	vmul.f32 $1.442695020e+00, v28;
	v43 =	vpop (erf)  }
0x1ba: {  	v40 =	vcvt.s32.f32 v32;
	(erf) = vpow2.f32 v30;
	v57 =	vpop (erf)  }
0x1bb: {  	v58 =	vcvt.f32.s32 v56;
	(erf) = vpow2.f32 v28;
	v59 =	vadd.f32 $1.000000000e+00, v57  }
0x1bc: {  	[tilespmem:v21+s28+$0x0] =	vst.idx.add.f32.msk $0xffff, v25;
	v19 =	vsub.f32 v40, v19;
	(erf) = vpow2.f32 v13;
	v13 =	vmul.f32 $1.442695020e+00, v22  }
0x1bd: {  	[tilespmem:v4+s28+$0x0] =	vst.idx.add.f32.msk $0xffff, v18;
	v18 =	vadd.s32 v2, v3;
	v22 =	vcvt.s32.f32 v58;
	(erf) = vrcp.f32 v59  }
0x1be: {  	v19 =	vmul.f32 $1.250000000e+02, v19;
	(erf) = vpow2.f32 v13;
	v13 =	vadd.s32 v2, v10  }
0x1bf: {  	v11 =	vadd.s32 v0, v11;
	v6 =	vadd.s32 v2, v6;
	v15 =	vsub.f32 v22, v15  }
0x1c0: {  	v19 =	vmul.f32 $1.442695020e+00, v19;
	v22 =	vadd.s32 $0x1, v11  }
0x1c1: {  	v15 =	vmul.f32 $1.250000000e+02, v15  }
0x1c2: {  	[tilespmem:v18+s28+$0x0] =	vst.idx.add.f32.msk $0xffff, v38;
	(erf) = vpow2.f32 v19  }
0x1c3: {  	v3 =	vadd.s32 v0, v3;
	[tilespmem:v13+s28+$0x0] =	vst.idx.add.f32.msk $0xffff, v36;
	v13 =	vmul.f32 $1.442695020e+00, v15;
	v15 =	vmul.f32 v53, v23  }
0x1c4: {  	v4 =	vadd.s32 v0, v10;
	[tilespmem:v6+s28+$0x0] =	vst.idx.add.f32.msk $0xffff, v54;
	v19 =	vmul.f32 v54, v24;
	v10 =	vpop (erf)  }
0x1c5: {  	[tilespmem:v22+s28+$0x0] =	vst.idx.add.f32.msk $0xffff, v53;
	v6 =	vpop (erf);
	v21 =	vadd.f32 $1.000000000e+00, v10;
	(erf) = vpow2.f32 v13  }
0x1c6: {  	v12 =	vmul.f32 v38, v12;
	v22 =	vpop (erf);
	v13 =	vadd.s32 v2, v14;
	[tilespmem:v11+s28+$0x0] =	vst.idx.add.f32.msk $0xffff, v15;
	v11 =	vadd.f32 $1.000000000e+00, v6  }
0x1c7: {  	v16 =	vmul.f32 v36, v16;
	[tilespmem:v9+s28+$0x0] =	vst.idx.add.f32.msk $0xffff, v19;
	v9 =	vadd.f32 $1.000000000e+00, v22;
	(erf) = vrcp.f32 v21;
	v15 =	vpop (erf)  }
0x1c8: {  	[tilespmem:v3+s28+$0x0] =	vst.idx.add.f32.msk $0xffff, v12;
	v3 =	vmul.f32 v43, v46;
	v14 =	vadd.s32 v0, v14;
	(erf) = vrcp.f32 v11;
	v19 =	vpop (erf)  }
0x1c9: {  	[tilespmem:v7+s28+$0x0] =	vst.idx.add.f32.msk $0xffff, v41;
	(erf) = vrcp.f32 v9;
	v9 =	vadd.s32 v2, v8;
	v7 =	vadd.f32 $1.000000000e+00, v19  }
0x1ca: {  	s3 =	sadd.s32 $0x460, s1;
	[tilespmem:v4+s28+$0x0] =	vst.idx.add.f32.msk $0xffff, v16;
	v4 =	vmul.f32 v41, v63;
	v8 =	vadd.s32 v0, v8  }
0x1cb: {  	v16 =	vmul.f32 v55, v34;
	v11 =	vadd.s32 s3, v26;
	[tilespmem:v13+s28+$0x0] =	vst.idx.add.f32.msk $0xffff, v55;
	v13 =	vpop (erf);
	(erf) = vrcp.f32 v7  }
0x1cc: {  	s25 =	sadd.s32 $0x280, s1;
	s4 =	sadd.s32 $0x320, s1;
	[tilespmem:v5+s28+$0x0] =	vst.idx.add.f32.msk $0xffff, v4;
	v4 =	vadd.s32 v2, v11;
	v11 =	vadd.s32 v0, v11;
	v5 =	vadd.f32 $1.000000000e+00, v13  }
0x1cd: {  	v7 =	vadd.s32 s25, v27;
	[tilespmem:v14+s28+$0x0] =	vst.idx.add.f32.msk $0xffff, v16;
	v14 =	vadd.s32 s1, v17;
	v16 =	vadd.s32 s4, v31  }
0x1ce: {  	v12 =	vadd.s32 v2, v16;
	(erf) = vrcp.f32 v5;
	[tilespmem:v9+s28+$0x0] =	vst.idx.add.f32.msk $0xffff, v43;
	v5 =	vadd.s32 v0, v14;
	v17 =	vpop (erf)  }
0x1cf: {  	[tilespmem:v8+s28+$0x0] =	vst.idx.add.f32.msk $0xffff, v3;
	v3 =	vmul.f32 v15, v57;
	v18 =	vadd.s32 $0x1, v5;
	v14 =	vadd.f32 $1.000000000e+00, v17  }
0x1d0: {  	v9 =	vadd.s32 v2, v7  }
0x1d1: {  	[tilespmem:v4+s28+$0x0] =	vst.idx.add.f32.msk $0xffff, v15;
	v8 =	vpop (erf);
	(erf) = vrcp.f32 v14  }
0x1d2: {  	s6 =	sor.u32 $0xA0, s1;
	v16 =	vadd.s32 v0, v16;
	v4 =	vpop (erf);
	[tilespmem:v11+s28+$0x0] =	vst.idx.add.f32.msk $0xffff, v3  }
0x1d3: {  	s7 =	sadd.s32 $0x1E0, s1;
	v7 =	vadd.s32 v0, v7;
	v14 =	vadd.s32 s6, v32;
	[tilespmem:v12+s28+$0x0] =	vst.idx.add.f32.msk $0xffff, v8;
	v3 =	vpop (erf)  }
0x1d4: {  	v15 =	vadd.s32 s7, v20;
	v11 =	vadd.s32 v2, v14;
	v20 =	vmul.f32 v3, v22;
	[tilespmem:v18+s28+$0x0] =	vst.idx.add.f32.msk $0xffff, v3;
	v12 =	vpop (erf)  }
0x1d5: {  	s8 =	sadd.s32 $0x140, s1;
	v21 =	vadd.s32 v2, v15;
	v8 =	vmul.f32 v8, v10;
	[tilespmem:v9+s28+$0x0] =	vst.idx.add.f32.msk $0xffff, v12  }
0x1d6: {  	v9 =	vadd.s32 s8, v58;
	v12 =	vmul.f32 v12, v19;
	[tilespmem:v5+s28+$0x0] =	vst.idx.add.f32.msk $0xffff, v20;
	v5 =	vadd.s32 v0, v14  }
0x1d7: {  	[tilespmem:v16+s28+$0x0] =	vst.idx.add.f32.msk $0xffff, v8;
	v3 =	vadd.s32 v2, v9  }
0x1d8: {  	v9 =	vadd.s32 v0, v9;
	[tilespmem:v7+s28+$0x0] =	vst.idx.add.f32.msk $0xffff, v12;
	v7 =	vpop (erf)  }
0x1d9: {  	v10 =	vadd.s32 v0, v15;
	[tilespmem:v11+s28+$0x0] =	vst.idx.add.f32.msk $0xffff, v7;
	v7 =	vmul.f32 v7, v13  }
0x1da: {  	[tilespmem:v21+s28+$0x0] =	vst.idx.add.f32.msk $0xffff, v4;
	v8 =	vpop (erf)  }
0x1db: {  	[tilespmem:v5+s28+$0x0] =	vst.idx.add.f32.msk $0xffff, v7;
	v11 =	vmul.f32 v8, v17  }
0x1dc: {  	[tilespmem:v3+s28+$0x0] =	vst.idx.add.f32.msk $0xffff, v8;
	v3 =	vmul.f32 v4, v6  }
0x1dd: {  	[tilespmem:v9+s28+$0x0] =	vst.idx.add.f32.msk $0xffff, v11  }
0x1de: {  	[tilespmem:v10+s28+$0x0] =	vst.idx.add.f32.msk $0xffff, v3  }
0x1df: {  	s25 =	simm.s32 $0x0;
	s6 =	simm.s32 $0x0;
	s4 =	rddreg [dreg:$0x6]  }
0x1e0: {  	[tilespmem:s25], [sflag:$0x1] =	stream.linear.gather [hbm4b:s4+s25], $0x8000, $0x38;
	[tilespmem:$0x13100] =	vst v63  }
0x1e1: {  	s4 =	sand.u32 $0x8, s6  }
0x1e2: {  	s7 =	sand.u32 $0x7800, s25;
	_ =	swait.ge [sflag:s29], $0x8000;
	s6 =	sshll.u32 s4, $0x7  }
0x1e3: {  	s1 =	sand.u32 $0x380, s25;
	[sflag:s29] =	ssyncset.done $0x0;
	s3 =	sor.u32 s6, s7  }
0x1e4: {  	[sflag:s29] =	ssyncadd.s32 $0xFFFF8000;
	s1 =	sor.u32 s1, s3  }
0x1e5: {  	v3 =	vld [tilespmem:s1+$0x8060];
	_ =	sdelay $0x4  }
0x1e6: {  	v3 =	vsub.f32 $0.0e+00, v3  }
0x1e7: {  	v4 =	vld [tilespmem:s1+$0x8000]  }
0x1e8: {  	v5 =	vld [tilespmem:s1+$0x8070];
	v3 =	vmul.f32 $1.442695020e+00, v3;
	_ =	sdelay $0x1  }
0x1e9: {  	v6 =	vld [tilespmem:s1+$0x8010];
	(erf) = vpow2.f32 v3  }
0x1ea: {  	v3 =	vld [tilespmem:s1+$0x8020];
	_ =	sdelay $0x1  }
0x1eb: {  	v7 =	vld [tilespmem:s1+$0x8040];
	v4 =	vsub.f32 $0.0e+00, v4;
	v5 =	vsub.f32 $0.0e+00, v5;
	_ =	sdelay $0x1  }
0x1ec: {  	v6 =	vsub.f32 $0.0e+00, v6;
	v4 =	vmul.f32 $1.442695020e+00, v4;
	v5 =	vmul.f32 $1.442695020e+00, v5  }
0x1ed: {  	v3 =	vsub.f32 $0.0e+00, v3  }
0x1ee: {  	v6 =	vmul.f32 $1.442695020e+00, v6;
	(erf) = vpow2.f32 v4  }
0x1ef: {  	v7 =	vsub.f32 $0.0e+00, v7;
	(erf) = vpow2.f32 v5;
	v3 =	vmul.f32 $1.442695020e+00, v3  }
0x1f0: {  	(erf) = vpow2.f32 v6;
	v5 =	vpop (erf)  }
0x1f1: {  	v4 =	vmul.f32 $1.442695020e+00, v7;
	(erf) = vpow2.f32 v3;
	v3 =	vadd.f32 $1.000000000e+00, v5;
	v5 =	vld [tilespmem:s1+$0x8030];
	_ =	sdelay $0x1  }
0x1f2: {  	(erf) = vpow2.f32 v4  }
0x1f3: {  	(erf) = vrcp.f32 v3;
	_ =	sdelay $0x1  }
0x1f4: {  	v3 =	vld [tilespmem:s1+$0x8050];
	v4 =	vsub.f32 $0.0e+00, v5;
	_ =	sdelay $0x1  }
0x1f5: {  	v5 =	vpop (erf);
	v4 =	vmul.f32 $1.442695020e+00, v4  }
0x1f6: {  	v6 =	vpop (erf)  }
0x1f7: {  	v7 =	vpop (erf)  }
0x1f8: {  	v3 =	vsub.f32 $0.0e+00, v3;
	v8 =	vpop (erf)  }
0x1f9: {  	v5 =	vadd.f32 $1.000000000e+00, v5;
	(erf) = vpow2.f32 v4;
	v4 =	vpop (erf)  }
0x1fa: {  	v3 =	vmul.f32 $1.442695020e+00, v3;
	v9 =	vpop (erf)  }
0x1fb: {  	(erf) = vrcp.f32 v5;
	v5 =	vmul.f32 $8.000000000e+00, v9;
	_ =	sdelay $0x1  }
0x1fc: {  	(erf) = vpow2.f32 v3;
	v3 =	vadd.f32 $5.000000000e-01, v5  }
0x1fd: {  	s25 =	simm.s32 $0x8;
	v6 =	vadd.f32 $1.000000000e+00, v6;
	v4 =	vadd.f32 $1.000000000e+00, v4  }
0x1fe: {  	s31 =	simm.s32 $0x80;
	s1 =	sand.u32 $0x8, s25;
	v7 =	vadd.f32 $1.000000000e+00, v7;
	v3 =	vtrunc.f32 v3  }
0x1ff: {  	s6 =	sand.u32 $0x7800, s31;
	s3 =	simm.s32 $0x40;
	s7 =	sshll.u32 s1, $0x7;
	(erf) = vrcp.f32 v6;
	v3 =	vcvt.f32.s32 v3  }
0x200: {  	s8 =	sand.u32 $0x380, s3;
	s6 =	sor.u32 s7, s6;
	v6 =	vadd.f32 $1.000000000e+00, v8;
	(erf) = vrcp.f32 v7  }
0x201: {  	s6 =	sor.u32 s8, s6;
	(erf) = vrcp.f32 v4;
	v4 =	vpop (erf);
	v7 =	vcvt.s32.f32 v3  }
0x202: {  	v17 =	vld [tilespmem:s6+$0x8010];
	v4 =	vadd.f32 $1.000000000e+00, v4  }
0x203: {  	v25 =	vld [tilespmem:s6+$0x8020];
	(erf) = vrcp.f32 v6;
	v5 =	vsub.f32 v7, v5  }
0x204: {  	v6 =	vpop (erf);
	(erf) = vrcp.f32 v4  }
0x205: {  	v12 =	vmul.f32 $8.000000000e+00, v6;
	v6 =	vld [tilespmem:s6+$0x8060];
	v5 =	vmul.f32 $1.250000000e+02, v5;
	_ =	sdelay $0x1  }
0x206: {  	v17 =	vsub.f32 $0.0e+00, v17;
	v7 =	vpop (erf);
	v5 =	vmul.f32 $1.442695020e+00, v5  }
0x207: {  	v25 =	vsub.f32 $0.0e+00, v25;
	v4 =	vpop (erf);
	v7 =	vadd.f32 $1.000000000e+00, v7  }
0x208: {  	v17 =	vmul.f32 $1.442695020e+00, v17;
	v16 =	vadd.f32 $5.000000000e-01, v12;
	v8 =	vpop (erf);
	v4 =	vmul.f32 $8.000000000e+00, v4  }
0x209: {  	v6 =	vsub.f32 $0.0e+00, v6;
	v8 =	vmul.f32 $8.000000000e+00, v8;
	(erf) = vrcp.f32 v7  }
0x20a: {  	v21 =	vld [tilespmem:s6+$0x8040];
	v25 =	vmul.f32 $1.442695020e+00, v25;
	(erf) = vpow2.f32 v5;
	v9 =	vadd.f32 $5.000000000e-01, v4;
	v5 =	vpop (erf)  }
0x20b: {  	s4 =	smul.u32 $0xA0, s4;
	v16 =	vtrunc.f32 v16;
	v6 =	vmul.f32 $1.442695020e+00, v6;
	v7 =	vadd.f32 $5.000000000e-01, v8;
	v10 =	vpop (erf)  }
0x20c: {  	v13 =	vld [tilespmem:s6+$0x8070];
	v9 =	vtrunc.f32 v9;
	v5 =	vmul.f32 $8.000000000e+00, v5;
	v11 =	vpop (erf)  }
0x20d: {  	s8 =	sadd.s32 $0x3C0, s4;
	v7 =	vtrunc.f32 v7;
	v11 =	vmul.f32 $8.000000000e+00, v11  }
0x20e: {  	v15 =	vld [tilespmem:s6+$0x8000];
	v14 =	vadd.s32 s8, v3;
	v9 =	vcvt.f32.s32 v9;
	v7 =	vcvt.f32.s32 v7  }
0x20f: {  	(erf) = vpow2.f32 v6;
	v6 =	vsub.f32 $0.0e+00, v21;
	v20 =	vadd.f32 $5.000000000e-01, v11  }
0x210: {  	v3 =	vadd.f32 $5.000000000e-01, v5;
	v18 =	vcvt.s32.f32 v9;
	v19 =	vcvt.s32.f32 v7  }
0x211: {  	v13 =	vsub.f32 $0.0e+00, v13;
	v16 =	vcvt.f32.s32 v16;
	v27 =	vmul.f32 $1.442695020e+00, v6  }
0x212: {  	v3 =	vtrunc.f32 v3;
	v18 =	vsub.f32 v18, v4;
	v22 =	vpop (erf);
	v4 =	vsub.f32 v19, v8  }
0x213: {  	v15 =	vsub.f32 $0.0e+00, v15;
	v3 =	vcvt.f32.s32 v3;
	v8 =	vld [tilespmem:s6+$0x8030];
	v19 =	vtrunc.f32 v20;
	v20 =	vpop (erf)  }
0x214: {  	v26 =	vld [tilespmem:s6+$0x8050];
	s8 =	sadd.s32 $0x460, s4;
	v22 =	vmul.f32 $8.000000000e+00, v22;
	v24 =	vmul.f32 $1.250000000e+02, v4;
	v23 =	vadd.f32 $1.000000000e+00, v20  }
0x215: {  	v4 =	vadd.s32 s8, v9;
	v9 =	vmul.f32 $1.442695020e+00, v13;
	v13 =	vmul.f32 $1.442695020e+00, v15  }
0x216: {  	v21 =	vcvt.s32.f32 v3;
	s8 =	sadd.s32 $0x280, s4;
	v15 =	vadd.f32 $5.000000000e-01, v22;
	(erf) = vrcp.f32 v23  }
0x217: {  	v19 =	vcvt.f32.s32 v19;
	v6 =	vadd.s32 s8, v3;
	(erf) = vpow2.f32 v13  }
0x218: {  	v63 =	vmul.f32 $1.442695020e+00, v24;
	v8 =	vsub.f32 $0.0e+00, v8;
	v15 =	vtrunc.f32 v15  }
0x219: {  	v23 =	vsub.f32 $0.0e+00, v26;
	v13 =	vcvt.f32.s32 v15;
	(erf) = vpow2.f32 v9  }
0x21a: {  	v26 =	vadd.s32 v0, v14;
	v9 =	vcvt.s32.f32 v19;
	(erf) = vpow2.f32 v17  }
0x21b: {  	v15 =	vpop (erf);
	v17 =	vadd.s32 v2, v14;
	v14 =	vcvt.s32.f32 v13;
	(erf) = vpow2.f32 v25  }
0x21c: {  	s7 =	sadd.s32 $0x1E0, s4;
	v9 =	vsub.f32 v9, v11;
	v11 =	vadd.f32 $1.000000000e+00, v15;
	v15 =	vmul.f32 $1.250000000e+02, v18  }
0x21d: {  	v3 =	vadd.s32 s7, v19;
	v8 =	vmul.f32 $1.442695020e+00, v8;
	(erf) = vpow2.f32 v27  }
0x21e: {  	s7 =	sadd.s32 $0x320, s4;
	v14 =	vsub.f32 v14, v22;
	(erf) = vrcp.f32 v11;
	v15 =	vmul.f32 $1.442695020e+00, v15  }
0x21f: {  	v19 =	vmul.f32 $8.000000000e+00, v10;
	v10 =	vadd.s32 s7, v13;
	v9 =	vmul.f32 $1.250000000e+02, v9;
	v25 =	vpop (erf)  }
0x220: {  	v11 =	vadd.s32 s4, v16;
	v16 =	vcvt.s32.f32 v16;
	v14 =	vmul.f32 $1.250000000e+02, v14;
	v18 =	vpop (erf)  }
0x221: {  	v9 =	vmul.f32 $1.442695020e+00, v9;
	(erf) = vpow2.f32 v15;
	v13 =	vadd.f32 $1.000000000e+00, v18  }
0x222: {  	(erf) = vpow2.f32 v8;
	v8 =	vmul.f32 $1.442695020e+00, v23;
	v15 =	vpop (erf)  }
0x223: {  	v12 =	vsub.f32 v16, v12;
	v18 =	vpop (erf);
	v15 =	vadd.f32 $1.000000000e+00, v15;
	(erf) = vrcp.f32 v13  }
0x224: {  	v14 =	vmul.f32 $1.442695020e+00, v14;
	v16 =	vadd.f32 $1.000000000e+00, v18;
	(erf) = vpow2.f32 v8  }
0x225: {  	v5 =	vsub.f32 v21, v5;
	v20 =	vmul.f32 v25, v20;
	v13 =	vpop (erf);
	(erf) = vrcp.f32 v15  }
0x226: {  	v8 =	vmul.f32 $1.250000000e+02, v12;
	v15 =	vadd.f32 $5.000000000e-01, v19;
	v18 =	vpop (erf);
	(erf) = vrcp.f32 v16  }
0x227: {  	v16 =	vmul.f32 $1.250000000e+02, v5;
	v12 =	vadd.f32 $1.000000000e+00, v18;
	v18 =	vpop (erf);
	(erf) = vpow2.f32 v14  }
0x228: {  	s8 =	sor.u32 $0xA0, s4;
	v13 =	vadd.f32 $1.000000000e+00, v13;
	v22 =	vmul.f32 $8.000000000e+00, v18;
	(erf) = vpow2.f32 v9  }
0x229: {  	v7 =	vadd.s32 s8, v7;
	(erf) = vrcp.f32 v12;
	v12 =	vtrunc.f32 v15  }
0x22a: {  	v8 =	vmul.f32 $1.442695020e+00, v8;
	v5 =	vadd.s32 v0, v7;
	v12 =	vcvt.f32.s32 v12  }
0x22b: {  	v18 =	vpop (erf);
	v15 =	vmul.f32 $1.442695020e+00, v16;
	v14 =	vadd.f32 $5.000000000e-01, v22;
	(erf) = vrcp.f32 v13  }
0x22c: {  	s4 =	sadd.s32 $0x140, s4;
	v16 =	vadd.f32 $1.000000000e+00, v18;
	v13 =	vpop (erf);
	(erf) = vpow2.f32 v8;
	v21 =	vcvt.s32.f32 v12  }
0x22d: {  	v8 =	vadd.f32 $1.000000000e+00, v13;
	v13 =	vtrunc.f32 v14;
	v27 =	vpop (erf);
	v14 =	vadd.s32 s4, v12  }
0x22e: {  	s1 =	smul.u32 $0xA0, s1;
	(erf) = vrcp.f32 v16;
	v13 =	vcvt.f32.s32 v13;
	v60 =	vpop (erf);
	v12 =	vsub.f32 v21, v19  }
0x22f: {  	v7 =	vadd.s32 v2, v7;
	v9 =	vadd.s32 v0, v6;
	(erf) = vrcp.f32 v8;
	v23 =	vpop (erf)  }
0x230: {  	s8 =	sadd.s32 $0x3C0, s1;
	(erf) = vpow2.f32 v15;
	v15 =	vadd.f32 $1.000000000e+00, v60;
	v61 =	vcvt.s32.f32 v13;
	v19 =	vpop (erf)  }
0x231: {  	v8 =	vadd.s32 s8, v13;
	v13 =	vmul.f32 $8.000000000e+00, v27;
	v27 =	vmul.f32 $1.250000000e+02, v12;
	v16 =	vpop (erf)  }
0x232: {  	v21 =	vadd.s32 v2, v4;
	v19 =	vmul.f32 $8.000000000e+00, v19;
	v62 =	vsub.f32 v61, v22;
	v12 =	vpop (erf)  }
0x233: {  	[tilespmem:v17+s28+$0x0] =	vst.idx.add.f32.msk $0xffff, v25;
	(erf) = vrcp.f32 v15;
	v17 =	vadd.f32 $5.000000000e-01, v13;
	v25 =	vmul.f32 $1.442695020e+00, v27;
	v22 =	vpop (erf)  }
0x234: {  	[tilespmem:v26+s28+$0x0] =	vst.idx.add.f32.msk $0xffff, v20;
	v20 =	vadd.f32 $1.000000000e+00, v16;
	(erf) = vpow2.f32 v63;
	v24 =	vmul.f32 $1.250000000e+02, v62;
	v15 =	vpop (erf)  }
.LBB2_4:
0x235: {  	s25 =	sadd.s32 $0x8, s25;
	v26 =	vadd.f32 $5.000000000e-01, v19;
	v22 =	vmul.f32 $8.000000000e+00, v22;
	v27 =	vpop (erf);
	(erf) = vpow2.f32 v25  }
0x236: {  	v23 =	vmul.f32 $8.000000000e+00, v23;
	s31 =	sadd.s32 $0x80, s31;
	v25 =	vadd.f32 $1.000000000e+00, v12;
	s4 =	sand.u32 $0x8, s25;
	p0 =	slt.u32 s25, $0x7F8;
	v24 =	vmul.f32 $1.442695020e+00, v24  }
0x237: {  	s3 =	sadd.s32 $0x40, s3;
	s6 =	sand.u32 $0x7800, s31;
	v29 =	vadd.f32 $1.000000000e+00, v27;
	s7 =	sshll.u32 s4, $0x7;
	v28 =	vadd.f32 $5.000000000e-01, v22;
	(erf) = vrcp.f32 v20;
	v20 =	vpop (erf)  }
0x238: {  	s8 =	sand.u32 $0x380, s3;
	v30 =	vadd.f32 $5.000000000e-01, v23;
	s6 =	sor.u32 s7, s6;
	v31 =	vpop (erf);
	(erf) = vpow2.f32 v24;
	v18 =	vmul.f32 v20, v18;
	[tilespmem:v21+s28+$0x0] =	vst.idx.add.f32.msk $0xffff, v20  }
0x239: {  	v4 =	vadd.s32 v0, v4;
	s6 =	sor.u32 s8, s6;
	v20 =	vtrunc.f32 v28;
	(erf) = vrcp.f32 v25;
	v21 =	vpop (erf)  }
0x23a: {  	v11 =	vadd.s32 v0, v11;
	v25 =	vtrunc.f32 v30;
	v24 =	vld [tilespmem:s6+$0x8060];
	v28 =	vadd.f32 $1.000000000e+00, v21  }
0x23b: {  	v6 =	vadd.s32 v2, v6;
	v25 =	vcvt.f32.s32 v25;
	v30 =	vld [tilespmem:s6+$0x8000];
	(erf) = vrcp.f32 v29  }
0x23c: {  	v33 =	vadd.s32 v2, v10;
	v26 =	vtrunc.f32 v26;
	v29 =	vld [tilespmem:s6+$0x8070];
	v32 =	vpop (erf);
	(erf) = vrcp.f32 v28  }
0x23d: {  	v34 =	vadd.s32 v0, v3;
	v26 =	vcvt.f32.s32 v26;
	v31 =	vmul.f32 $8.000000000e+00, v31;
	v28 =	vld [tilespmem:s6+$0x8030];
	v35 =	vpop (erf)  }
0x23e: {  	v10 =	vadd.s32 v0, v10;
	v37 =	vcvt.s32.f32 v25;
	v36 =	vld [tilespmem:s6+$0x8010];
	v43 =	vadd.f32 $1.000000000e+00, v35;
	v39 =	vpop (erf)  }
0x23f: {  	v40 =	vcvt.s32.f32 v26;
	v41 =	vadd.f32 $5.000000000e-01, v31;
	v42 =	vadd.f32 $1.000000000e+00, v39;
	[tilespmem:v4+s28+$0x0] =	vst.idx.add.f32.msk $0xffff, v18  }
0x240: {  	v23 =	vsub.f32 v37, v23;
	v18 =	vcvt.f32.s32 v20;
	(erf) = vrcp.f32 v43;
	v4 =	vpop (erf)  }
0x241: {  	v44 =	vsub.f32 v40, v19;
	v40 =	vadd.s32 $0x1, v11;
	v37 =	vtrunc.f32 v41;
	v38 =	vpop (erf);
	[tilespmem:v33+s28+$0x0] =	vst.idx.add.f32.msk $0xffff, v4  }
0x242: {  	v20 =	vsub.f32 $0.0e+00, v24;
	v24 =	vsub.f32 $0.0e+00, v29;
	v16 =	vmul.f32 v4, v16;
	v33 =	vld [tilespmem:s6+$0x8040];
	v29 =	vpop (erf)  }
0x243: {  	s7 =	sadd.s32 $0x460, s1;
	v32 =	vmul.f32 $8.000000000e+00, v32;
	v41 =	vadd.f32 $1.000000000e+00, v38;
	(erf) = vrcp.f32 v42  }
0x244: {  	v43 =	vmul.f32 $1.442695020e+00, v20;
	v20 =	vmul.f32 $1.250000000e+02, v44;
	v4 =	vadd.s32 s7, v25;
	v42 =	vld [tilespmem:s6+$0x8050];
	v19 =	vpop (erf)  }
0x245: {  	v44 =	vadd.s32 v2, v3;
	v24 =	vmul.f32 $1.442695020e+00, v24;
	v25 =	vld [tilespmem:s6+$0x8020];
	v27 =	vmul.f32 v19, v27;
	v3 =	vpop (erf)  }
0x246: {  	v45 =	vadd.s32 v0, v14;
	v30 =	vsub.f32 $0.0e+00, v30;
	v21 =	vmul.f32 v3, v21;
	[tilespmem:v6+s28+$0x0] =	vst.idx.add.f32.msk $0xffff, v3  }
0x247: {  	v14 =	vadd.s32 v2, v14;
	v36 =	vsub.f32 $0.0e+00, v36;
	(erf) = vpow2.f32 v43;
	[tilespmem:v40+s28+$0x0] =	vst.idx.add.f32.msk $0xffff, v19  }
0x248: {  	v19 =	vmul.f32 $1.442695020e+00, v30;
	v6 =	vsub.f32 $0.0e+00, v33;
	v30 =	vadd.f32 $5.000000000e-01, v32;
	[tilespmem:v11+s28+$0x0] =	vst.idx.add.f32.msk $0xffff, v27  }
0x249: {  	v33 =	vcvt.s32.f32 v18;
	v11 =	vmul.f32 $1.442695020e+00, v36;
	v27 =	vsub.f32 $0.0e+00, v42;
	[tilespmem:v9+s28+$0x0] =	vst.idx.add.f32.msk $0xffff, v21;
	v3 =	vpop (erf)  }
0x24a: {  	v9 =	vsub.f32 $0.0e+00, v28;
	v21 =	vmul.f32 $1.442695020e+00, v6;
	v28 =	vmul.f32 v3, v35;
	[tilespmem:v7+s28+$0x0] =	vst.idx.add.f32.msk $0xffff, v3  }
0x24b: {  	s6 =	sadd.s32 $0x280, s1;
	v3 =	vsub.f32 $0.0e+00, v25;
	v7 =	vcvt.f32.s32 v37;
	(erf) = vrcp.f32 v41;
	[tilespmem:v10+s28+$0x0] =	vst.idx.add.f32.msk $0xffff, v16  }
0x24c: {  	s7 =	sadd.s32 $0x1E0, s1;
	v6 =	vadd.s32 s6, v18;
	v9 =	vmul.f32 $1.442695020e+00, v9;
	v10 =	vtrunc.f32 v30;
	v16 =	vpop (erf)  }
0x24d: {  	v12 =	vmul.f32 v29, v12;
	s6 =	sor.u32 $0xA0, s1;
	v18 =	vmul.f32 $1.442695020e+00, v3;
	v3 =	vadd.s32 s7, v7;
	[tilespmem:v44+s28+$0x0] =	vst.idx.add.f32.msk $0xffff, v29  }
0x24e: {  	v25 =	vmul.f32 v16, v39;
	(erf) = vpow2.f32 v19;
	v19 =	vadd.s32 s6, v26;
	[tilespmem:v14+s28+$0x0] =	vst.idx.add.f32.msk $0xffff, v16  }
0x24f: {  	v7 =	vcvt.s32.f32 v7;
	(erf) = vpow2.f32 v24;
	[tilespmem:v5+s28+$0x0] =	vst.idx.add.f32.msk $0xffff, v28  }
0x250: {  	v10 =	vcvt.f32.s32 v10;
	v14 =	vadd.s32 v2, v8;
	(erf) = vpow2.f32 v11;
	v5 =	vpop (erf);
	[tilespmem:v45+s28+$0x0] =	vst.idx.add.f32.msk $0xffff, v25  }
0x251: {  	v7 =	vsub.f32 v7, v31;
	v11 =	vtrunc.f32 v17;
	(erf) = vpow2.f32 v18;
	[tilespmem:v34+s28+$0x0] =	vst.idx.add.f32.msk $0xffff, v12  }
0x252: {  	v5 =	vadd.f32 $1.000000000e+00, v5;
	v12 =	vmul.f32 $1.250000000e+02, v23;
	(erf) = vpow2.f32 v21  }
0x253: {  	v8 =	vadd.s32 v0, v8;
	v7 =	vmul.f32 $1.250000000e+02, v7;
	v16 =	vcvt.f32.s32 v11  }
0x254: {  	v17 =	vcvt.s32.f32 v10;
	(erf) = vrcp.f32 v5;
	v5 =	vsub.f32 v33, v22;
	v18 =	vpop (erf)  }
0x255: {  	v15 =	vmul.f32 $8.000000000e+00, v15;
	v11 =	vadd.s32 s1, v16;
	v12 =	vmul.f32 $1.442695020e+00, v12;
	[tilespmem:v14+s28+$0x0] =	vst.idx.add.f32.msk $0xffff, v18  }
0x256: {  	s6 =	sadd.s32 $0x320, s1;
	v14 =	vmul.f32 $1.442695020e+00, v7;
	v7 =	vsub.f32 v17, v32;
	v21 =	vmul.f32 v18, v38  }
0x257: {  	v10 =	vadd.s32 s6, v10;
	v16 =	vcvt.s32.f32 v16;
	v18 =	vpop (erf);
	(erf) = vpow2.f32 v12  }
0x258: {  	v7 =	vmul.f32 $1.250000000e+02, v7;
	v18 =	vadd.f32 $1.000000000e+00, v18;
	(erf) = vpow2.f32 v9;
	v9 =	vpop (erf);
	[tilespmem:v8+s28+$0x0] =	vst.idx.add.f32.msk $0xffff, v21  }
0x259: {  	v13 =	vsub.f32 v16, v13;
	v8 =	vmul.f32 $1.442695020e+00, v27;
	v9 =	vadd.f32 $1.000000000e+00, v9;
	v17 =	vpop (erf)  }
0x25a: {  	v7 =	vmul.f32 $1.442695020e+00, v7;
	v21 =	vadd.f32 $1.000000000e+00, v17;
	(erf) = vrcp.f32 v18;
	v12 =	vpop (erf)  }
0x25b: {  	v17 =	vpop (erf);
	(erf) = vpow2.f32 v8;
	v8 =	vmul.f32 $1.250000000e+02, v13  }
0x25c: {  	v13 =	vadd.f32 $1.000000000e+00, v17;
	(erf) = vrcp.f32 v9;
	v9 =	vadd.f32 $5.000000000e-01, v15  }
0x25d: {  	v12 =	vadd.f32 $1.000000000e+00, v12;
	v17 =	vmul.f32 $1.250000000e+02, v5;
	(erf) = vrcp.f32 v21;
	v16 =	vpop (erf)  }
0x25e: {  	v5 =	vadd.s32 v0, v19;
	v8 =	vmul.f32 $1.442695020e+00, v8;
	(erf) = vpow2.f32 v7  }
0x25f: {  	v22 =	vmul.f32 $8.000000000e+00, v16;
	v7 =	vadd.s32 v2, v19;
	(erf) = vpow2.f32 v14  }
0x260: {  	(erf) = vrcp.f32 v13;
	v13 =	vtrunc.f32 v9;
	v9 =	vadd.s32 v0, v6;
	v18 =	vpop (erf)  }
0x261: {  	v14 =	vadd.f32 $5.000000000e-01, v22;
	(erf) = vrcp.f32 v12;
	v12 =	vpop (erf);
	v13 =	vcvt.f32.s32 v13  }
0x262: {  	v16 =	vmul.f32 $1.442695020e+00, v17;
	v17 =	vadd.f32 $1.000000000e+00, v18;
	(erf) = vpow2.f32 v8  }
0x263: {  	s6 =	sadd.s32 $0x140, s1;
	s1 =	smul.u32 $0xA0, s4;
	v8 =	vadd.f32 $1.000000000e+00, v12;
	v12 =	vtrunc.f32 v14;
	v19 =	vpop (erf);
	v21 =	vcvt.s32.f32 v13  }
0x264: {  	v12 =	vcvt.f32.s32 v12;
	v14 =	vadd.s32 s6, v13;
	v24 =	vpop (erf);
	(erf) = vrcp.f32 v17  }
0x265: {  	s4 =	sadd.s32 $0x3C0, s1;
	(erf) = vrcp.f32 v8;
	v23 =	vpop (erf);
	v15 =	vsub.f32 v21, v15;
	v21 =	vadd.s32 v2, v4  }
.Ltmp1:
0x266: {  	v8 =	vadd.s32 s4, v12;
	v25 =	vcvt.s32.f32 v12;
	v17 =	vpop (erf);
	(erf) = vpow2.f32 v16;
	(pc) =	sbr.rel @p0 .LBB2_4-.Ltmp1, $4  }
0x267: {  	v13 =	vmul.f32 $8.000000000e+00, v19;
	v24 =	vadd.f32 $1.000000000e+00, v24;
	v28 =	vmul.f32 $1.250000000e+02, v15;
	v16 =	vpop (erf)  }
0x268: {  	v27 =	vmul.f32 $1.442695020e+00, v20;
	v19 =	vmul.f32 $8.000000000e+00, v17;
	v26 =	vsub.f32 v25, v22;
	v12 =	vpop (erf)  }
0x269: {  	v17 =	vadd.f32 $5.000000000e-01, v13;
	v22 =	vpop (erf);
	(erf) = vrcp.f32 v24;
	v25 =	vmul.f32 $1.442695020e+00, v28  }
0x26a: {  	v20 =	vadd.f32 $1.000000000e+00, v16;
	v24 =	vmul.f32 $1.250000000e+02, v26;
	v15 =	vpop (erf);
	(erf) = vpow2.f32 v27  }
0x26b: {  	_ = 	snop  }
0x26c: {  	(erf) = vpow2.f32 v25;
	v24 =	vmul.f32 $1.442695020e+00, v24  }
0x26d: {  	(erf) = vrcp.f32 v20;
	v20 =	vmul.f32 $8.000000000e+00, v23;
	_ =	sdelay $0x1  }
0x26e: {  	(erf) = vpow2.f32 v24;
	v24 =	vadd.f32 $1.000000000e+00, v12;
	v26 =	vadd.f32 $5.000000000e-01, v20  }
0x26f: {  	v22 =	vmul.f32 $8.000000000e+00, v22;
	v17 =	vtrunc.f32 v17;
	v23 =	vpop (erf)  }
0x270: {  	v37 =	vadd.f32 $5.000000000e-01, v19;
	v15 =	vmul.f32 $8.000000000e+00, v15;
	v25 =	vpop (erf);
	v26 =	vtrunc.f32 v26  }
0x271: {  	v17 =	vcvt.f32.s32 v17;
	v28 =	vpop (erf);
	v26 =	vcvt.f32.s32 v26  }
0x272: {  	v29 =	vadd.f32 $1.000000000e+00, v23;
	v50 =	vtrunc.f32 v37;
	(erf) = vrcp.f32 v24;
	v24 =	vpop (erf)  }
0x273: {  	v52 =	vcvt.s32.f32 v17;
	v30 =	vpop (erf);
	v32 =	vcvt.s32.f32 v26  }
0x274: {  	v28 =	vmul.f32 $8.000000000e+00, v28;
	v31 =	vadd.f32 $1.000000000e+00, v24;
	(erf) = vrcp.f32 v29;
	v63 =	vpop (erf)  }
0x275: {  	v30 =	vmul.f32 $8.000000000e+00, v30;
	v33 =	vadd.f32 $1.000000000e+00, v63;
	v34 =	vpop (erf);
	v32 =	vsub.f32 v32, v20  }
0x276: {  	v35 =	vadd.f32 $5.000000000e-01, v28;
	(erf) = vrcp.f32 v31;
	v45 =	vadd.f32 $1.000000000e+00, v34;
	v36 =	vpop (erf)  }
0x277: {  	v48 =	vadd.f32 $5.000000000e-01, v30;
	(erf) = vrcp.f32 v33;
	v46 =	vpop (erf);
	v32 =	vmul.f32 $1.250000000e+02, v32  }
0x278: {  	v20 =	vtrunc.f32 v35;
	v47 =	vadd.f32 $1.000000000e+00, v46;
	(erf) = vrcp.f32 v45  }
0x279: {  	v31 =	vtrunc.f32 v48;
	v32 =	vmul.f32 $1.442695020e+00, v32  }
0x27a: {  	v27 =	vadd.f32 $5.000000000e-01, v22;
	v31 =	vcvt.f32.s32 v31;
	(erf) = vrcp.f32 v47  }
0x27b: {  	v20 =	vcvt.f32.s32 v20;
	(erf) = vpow2.f32 v32  }
0x27c: {  	v27 =	vtrunc.f32 v27;
	v51 =	vcvt.s32.f32 v31  }
0x27d: {  	v27 =	vcvt.f32.s32 v27;
	v13 =	vsub.f32 v52, v13;
	v49 =	vcvt.s32.f32 v20  }
0x27e: {  	v42 =	vadd.f32 $5.000000000e-01, v15;
	v18 =	vmul.f32 v25, v18;
	v38 =	vpop (erf);
	v30 =	vsub.f32 v51, v30  }
0x27f: {  	v39 =	vcvt.s32.f32 v27;
	v13 =	vmul.f32 $1.250000000e+02, v13;
	v28 =	vsub.f32 v49, v28;
	v53 =	vpop (erf)  }
0x280: {  	v56 =	vtrunc.f32 v42;
	v54 =	vpop (erf);
	v30 =	vmul.f32 $1.250000000e+02, v30  }
0x281: {  	v22 =	vsub.f32 v39, v22;
	v13 =	vmul.f32 $1.442695020e+00, v13;
	v28 =	vmul.f32 $1.250000000e+02, v28;
	v41 =	vpop (erf)  }
0x282: {  	v4 =	vadd.s32 v0, v4;
	v32 =	vcvt.f32.s32 v50;
	v55 =	vpop (erf);
	v30 =	vmul.f32 $1.442695020e+00, v30  }
0x283: {  	v22 =	vmul.f32 $1.250000000e+02, v22;
	v28 =	vmul.f32 $1.442695020e+00, v28;
	v43 =	vpop (erf)  }
0x284: {  	v40 =	vcvt.s32.f32 v32;
	(erf) = vpow2.f32 v30;
	v57 =	vpop (erf)  }
0x285: {  	v58 =	vcvt.f32.s32 v56;
	(erf) = vpow2.f32 v28;
	v59 =	vadd.f32 $1.000000000e+00, v57  }
0x286: {  	[tilespmem:v21+s28+$0x0] =	vst.idx.add.f32.msk $0xffff, v25;
	v19 =	vsub.f32 v40, v19;
	(erf) = vpow2.f32 v13;
	v13 =	vmul.f32 $1.442695020e+00, v22  }
0x287: {  	[tilespmem:v4+s28+$0x0] =	vst.idx.add.f32.msk $0xffff, v18;
	v18 =	vadd.s32 v2, v3;
	v22 =	vcvt.s32.f32 v58;
	(erf) = vrcp.f32 v59  }
0x288: {  	v19 =	vmul.f32 $1.250000000e+02, v19;
	(erf) = vpow2.f32 v13;
	v13 =	vadd.s32 v2, v10  }
0x289: {  	v11 =	vadd.s32 v0, v11;
	v6 =	vadd.s32 v2, v6;
	v15 =	vsub.f32 v22, v15  }
0x28a: {  	v19 =	vmul.f32 $1.442695020e+00, v19;
	v22 =	vadd.s32 $0x1, v11  }
0x28b: {  	v15 =	vmul.f32 $1.250000000e+02, v15  }
0x28c: {  	[tilespmem:v18+s28+$0x0] =	vst.idx.add.f32.msk $0xffff, v38;
	(erf) = vpow2.f32 v19  }
0x28d: {  	v3 =	vadd.s32 v0, v3;
	[tilespmem:v13+s28+$0x0] =	vst.idx.add.f32.msk $0xffff, v36;
	v13 =	vmul.f32 $1.442695020e+00, v15;
	v15 =	vmul.f32 v53, v23  }
0x28e: {  	v4 =	vadd.s32 v0, v10;
	[tilespmem:v6+s28+$0x0] =	vst.idx.add.f32.msk $0xffff, v54;
	v19 =	vmul.f32 v54, v24;
	v10 =	vpop (erf)  }
0x28f: {  	[tilespmem:v22+s28+$0x0] =	vst.idx.add.f32.msk $0xffff, v53;
	v6 =	vpop (erf);
	v21 =	vadd.f32 $1.000000000e+00, v10;
	(erf) = vpow2.f32 v13  }
0x290: {  	v12 =	vmul.f32 v38, v12;
	v22 =	vpop (erf);
	v13 =	vadd.s32 v2, v14;
	[tilespmem:v11+s28+$0x0] =	vst.idx.add.f32.msk $0xffff, v15;
	v11 =	vadd.f32 $1.000000000e+00, v6  }
0x291: {  	v16 =	vmul.f32 v36, v16;
	[tilespmem:v9+s28+$0x0] =	vst.idx.add.f32.msk $0xffff, v19;
	v9 =	vadd.f32 $1.000000000e+00, v22;
	(erf) = vrcp.f32 v21;
	v15 =	vpop (erf)  }
0x292: {  	[tilespmem:v3+s28+$0x0] =	vst.idx.add.f32.msk $0xffff, v12;
	v3 =	vmul.f32 v43, v46;
	v14 =	vadd.s32 v0, v14;
	(erf) = vrcp.f32 v11;
	v19 =	vpop (erf)  }
0x293: {  	[tilespmem:v7+s28+$0x0] =	vst.idx.add.f32.msk $0xffff, v41;
	(erf) = vrcp.f32 v9;
	v9 =	vadd.s32 v2, v8;
	v7 =	vadd.f32 $1.000000000e+00, v19  }
0x294: {  	s3 =	sadd.s32 $0x460, s1;
	[tilespmem:v4+s28+$0x0] =	vst.idx.add.f32.msk $0xffff, v16;
	v4 =	vmul.f32 v41, v63;
	v8 =	vadd.s32 v0, v8  }
0x295: {  	v16 =	vmul.f32 v55, v34;
	v11 =	vadd.s32 s3, v26;
	[tilespmem:v13+s28+$0x0] =	vst.idx.add.f32.msk $0xffff, v55;
	v13 =	vpop (erf);
	(erf) = vrcp.f32 v7  }
0x296: {  	s8 =	sadd.s32 $0x280, s1;
	s25 =	sadd.s32 $0x320, s1;
	[tilespmem:v5+s28+$0x0] =	vst.idx.add.f32.msk $0xffff, v4;
	v4 =	vadd.s32 v2, v11;
	v11 =	vadd.s32 v0, v11;
	v5 =	vadd.f32 $1.000000000e+00, v13  }
0x297: {  	v7 =	vadd.s32 s8, v27;
	[tilespmem:v14+s28+$0x0] =	vst.idx.add.f32.msk $0xffff, v16;
	v14 =	vadd.s32 s1, v17;
	v16 =	vadd.s32 s25, v31  }
0x298: {  	v12 =	vadd.s32 v2, v16;
	(erf) = vrcp.f32 v5;
	[tilespmem:v9+s28+$0x0] =	vst.idx.add.f32.msk $0xffff, v43;
	v5 =	vadd.s32 v0, v14;
	v17 =	vpop (erf)  }
0x299: {  	[tilespmem:v8+s28+$0x0] =	vst.idx.add.f32.msk $0xffff, v3;
	v3 =	vmul.f32 v15, v57;
	v18 =	vadd.s32 $0x1, v5;
	v14 =	vadd.f32 $1.000000000e+00, v17  }
0x29a: {  	v9 =	vadd.s32 v2, v7  }
0x29b: {  	[tilespmem:v4+s28+$0x0] =	vst.idx.add.f32.msk $0xffff, v15;
	v8 =	vpop (erf);
	(erf) = vrcp.f32 v14  }
0x29c: {  	s4 =	sor.u32 $0xA0, s1;
	v16 =	vadd.s32 v0, v16;
	v4 =	vpop (erf);
	[tilespmem:v11+s28+$0x0] =	vst.idx.add.f32.msk $0xffff, v3  }
0x29d: {  	s6 =	sadd.s32 $0x1E0, s1;
	v7 =	vadd.s32 v0, v7;
	v14 =	vadd.s32 s4, v32;
	[tilespmem:v12+s28+$0x0] =	vst.idx.add.f32.msk $0xffff, v8;
	v3 =	vpop (erf)  }
0x29e: {  	v15 =	vadd.s32 s6, v20;
	v11 =	vadd.s32 v2, v14;
	v20 =	vmul.f32 v3, v22;
	[tilespmem:v18+s28+$0x0] =	vst.idx.add.f32.msk $0xffff, v3;
	v12 =	vpop (erf)  }
0x29f: {  	s7 =	sadd.s32 $0x140, s1;
	v21 =	vadd.s32 v2, v15;
	v8 =	vmul.f32 v8, v10;
	[tilespmem:v9+s28+$0x0] =	vst.idx.add.f32.msk $0xffff, v12  }
0x2a0: {  	v9 =	vadd.s32 s7, v58;
	v12 =	vmul.f32 v12, v19;
	[tilespmem:v5+s28+$0x0] =	vst.idx.add.f32.msk $0xffff, v20;
	v5 =	vadd.s32 v0, v14  }
0x2a1: {  	[tilespmem:v16+s28+$0x0] =	vst.idx.add.f32.msk $0xffff, v8;
	v3 =	vadd.s32 v2, v9  }
0x2a2: {  	v9 =	vadd.s32 v0, v9;
	[tilespmem:v7+s28+$0x0] =	vst.idx.add.f32.msk $0xffff, v12;
	v7 =	vpop (erf)  }
0x2a3: {  	v10 =	vadd.s32 v0, v15;
	[tilespmem:v11+s28+$0x0] =	vst.idx.add.f32.msk $0xffff, v7;
	v7 =	vmul.f32 v7, v13  }
0x2a4: {  	[tilespmem:v21+s28+$0x0] =	vst.idx.add.f32.msk $0xffff, v4;
	v8 =	vpop (erf)  }
0x2a5: {  	[tilespmem:v5+s28+$0x0] =	vst.idx.add.f32.msk $0xffff, v7;
	v11 =	vmul.f32 v8, v17  }
0x2a6: {  	[tilespmem:v3+s28+$0x0] =	vst.idx.add.f32.msk $0xffff, v8;
	v3 =	vmul.f32 v4, v6  }
0x2a7: {  	s8 =	simm.s32 $0x0;
	[tilespmem:v9+s28+$0x0] =	vst.idx.add.f32.msk $0xffff, v11  }
0x2a8: {  	s25 =	simm.s32 $0x0;
	s4 =	sand.u32 $0x8, s8;
	[tilespmem:v10+s28+$0x0] =	vst.idx.add.f32.msk $0xffff, v3  }
0x2a9: {  	s6 =	sshll.u32 s4, $0x7;
	s7 =	sand.u32 $0x7800, s25;
	_ =	swait.ge [sflag:s26], $0x8000  }
0x2aa: {  	s3 =	sand.u32 $0x380, s25;
	s1 =	sor.u32 s6, s7;
	[sflag:s26] =	ssyncset.done $0x0  }
0x2ab: {  	s1 =	sor.u32 s3, s1;
	[sflag:s26] =	ssyncadd.s32 $0xFFFF8000  }
0x2ac: {  	v3 =	vld [tilespmem:s1+$0x60];
	_ =	sdelay $0x4  }
0x2ad: {  	v3 =	vsub.f32 $0.0e+00, v3  }
0x2ae: {  	v4 =	vld [tilespmem:s1+$0x0]  }
0x2af: {  	v5 =	vld [tilespmem:s1+$0x70];
	v3 =	vmul.f32 $1.442695020e+00, v3;
	_ =	sdelay $0x1  }
0x2b0: {  	v6 =	vld [tilespmem:s1+$0x10];
	(erf) = vpow2.f32 v3  }
0x2b1: {  	v3 =	vld [tilespmem:s1+$0x20];
	_ =	sdelay $0x1  }
0x2b2: {  	v7 =	vld [tilespmem:s1+$0x40];
	v4 =	vsub.f32 $0.0e+00, v4;
	v5 =	vsub.f32 $0.0e+00, v5;
	_ =	sdelay $0x1  }
0x2b3: {  	v6 =	vsub.f32 $0.0e+00, v6;
	v4 =	vmul.f32 $1.442695020e+00, v4;
	v5 =	vmul.f32 $1.442695020e+00, v5  }
0x2b4: {  	v3 =	vsub.f32 $0.0e+00, v3  }
0x2b5: {  	v6 =	vmul.f32 $1.442695020e+00, v6;
	(erf) = vpow2.f32 v4  }
0x2b6: {  	v7 =	vsub.f32 $0.0e+00, v7;
	(erf) = vpow2.f32 v5;
	v3 =	vmul.f32 $1.442695020e+00, v3  }
0x2b7: {  	(erf) = vpow2.f32 v6;
	v5 =	vpop (erf)  }
0x2b8: {  	v4 =	vmul.f32 $1.442695020e+00, v7;
	(erf) = vpow2.f32 v3;
	v3 =	vadd.f32 $1.000000000e+00, v5;
	v5 =	vld [tilespmem:s1+$0x30];
	_ =	sdelay $0x1  }
0x2b9: {  	(erf) = vpow2.f32 v4  }
0x2ba: {  	(erf) = vrcp.f32 v3;
	_ =	sdelay $0x1  }
0x2bb: {  	v3 =	vld [tilespmem:s1+$0x50];
	v4 =	vsub.f32 $0.0e+00, v5;
	_ =	sdelay $0x1  }
0x2bc: {  	v5 =	vpop (erf);
	v4 =	vmul.f32 $1.442695020e+00, v4  }
0x2bd: {  	v6 =	vpop (erf)  }
0x2be: {  	v7 =	vpop (erf)  }
0x2bf: {  	v3 =	vsub.f32 $0.0e+00, v3;
	v8 =	vpop (erf)  }
0x2c0: {  	v5 =	vadd.f32 $1.000000000e+00, v5;
	(erf) = vpow2.f32 v4;
	v4 =	vpop (erf)  }
0x2c1: {  	v3 =	vmul.f32 $1.442695020e+00, v3;
	v9 =	vpop (erf)  }
0x2c2: {  	(erf) = vrcp.f32 v5;
	v5 =	vmul.f32 $8.000000000e+00, v9  }
0x2c3: {  	s25 =	simm.s32 $0x8  }
0x2c4: {  	s31 =	simm.s32 $0x80;
	s1 =	sand.u32 $0x8, s25;
	v6 =	vadd.f32 $1.000000000e+00, v6;
	(erf) = vpow2.f32 v3;
	v3 =	vadd.f32 $5.000000000e-01, v5  }
0x2c5: {  	s6 =	sand.u32 $0x7800, s31;
	s3 =	simm.s32 $0x40;
	s7 =	sshll.u32 s1, $0x7;
	v7 =	vadd.f32 $1.000000000e+00, v7;
	v4 =	vadd.f32 $1.000000000e+00, v4  }
0x2c6: {  	s8 =	sand.u32 $0x380, s3;
	s6 =	sor.u32 s7, s6;
	(erf) = vrcp.f32 v6;
	v3 =	vtrunc.f32 v3  }
0x2c7: {  	s6 =	sor.u32 s8, s6;
	v6 =	vadd.f32 $1.000000000e+00, v8;
	(erf) = vrcp.f32 v7;
	v3 =	vcvt.f32.s32 v3  }
0x2c8: {  	v17 =	vld [tilespmem:s6+$0x10]  }
0x2c9: {  	(erf) = vrcp.f32 v4;
	v4 =	vpop (erf);
	v7 =	vcvt.s32.f32 v3  }
0x2ca: {  	v25 =	vld [tilespmem:s6+$0x20];
	v4 =	vadd.f32 $1.000000000e+00, v4  }
0x2cb: {  	(erf) = vrcp.f32 v6;
	v6 =	vpop (erf);
	v5 =	vsub.f32 v7, v5  }
0x2cc: {  	v12 =	vmul.f32 $8.000000000e+00, v6;
	v6 =	vld [tilespmem:s6+$0x60];
	(erf) = vrcp.f32 v4  }
0x2cd: {  	v17 =	vsub.f32 $0.0e+00, v17;
	v5 =	vmul.f32 $1.250000000e+02, v5  }
0x2ce: {  	v7 =	vpop (erf)  }
0x2cf: {  	v25 =	vsub.f32 $0.0e+00, v25;
	v17 =	vmul.f32 $1.442695020e+00, v17;
	v4 =	vpop (erf);
	v5 =	vmul.f32 $1.442695020e+00, v5  }
0x2d0: {  	v16 =	vadd.f32 $5.000000000e-01, v12;
	v7 =	vadd.f32 $1.000000000e+00, v7;
	v8 =	vpop (erf);
	v4 =	vmul.f32 $8.000000000e+00, v4  }
0x2d1: {  	v25 =	vmul.f32 $1.442695020e+00, v25;
	v6 =	vsub.f32 $0.0e+00, v6;
	v8 =	vmul.f32 $8.000000000e+00, v8  }
0x2d2: {  	v21 =	vld [tilespmem:s6+$0x40];
	v16 =	vtrunc.f32 v16;
	(erf) = vrcp.f32 v7;
	v9 =	vadd.f32 $5.000000000e-01, v4  }
0x2d3: {  	s4 =	smul.u32 $0xA0, s4;
	v6 =	vmul.f32 $1.442695020e+00, v6;
	(erf) = vpow2.f32 v5;
	v7 =	vadd.f32 $5.000000000e-01, v8;
	v5 =	vpop (erf)  }
0x2d4: {  	v9 =	vtrunc.f32 v9;
	v5 =	vmul.f32 $8.000000000e+00, v5;
	v10 =	vpop (erf)  }
0x2d5: {  	s8 =	sadd.s32 $0x3C0, s4;
	v7 =	vtrunc.f32 v7;
	v9 =	vcvt.f32.s32 v9;
	v11 =	vpop (erf)  }
0x2d6: {  	v13 =	vld [tilespmem:s6+$0x70];
	v14 =	vadd.s32 s8, v3;
	v7 =	vcvt.f32.s32 v7;
	v11 =	vmul.f32 $8.000000000e+00, v11  }
0x2d7: {  	v15 =	vld [tilespmem:s6+$0x0];
	(erf) = vpow2.f32 v6;
	v6 =	vsub.f32 $0.0e+00, v21;
	v3 =	vadd.f32 $5.000000000e-01, v5  }
0x2d8: {  	v18 =	vcvt.s32.f32 v9;
	v19 =	vcvt.s32.f32 v7;
	v20 =	vadd.f32 $5.000000000e-01, v11  }
0x2d9: {  	v16 =	vcvt.f32.s32 v16;
	v27 =	vmul.f32 $1.442695020e+00, v6  }
0x2da: {  	v3 =	vtrunc.f32 v3;
	v18 =	vsub.f32 v18, v4;
	v4 =	vsub.f32 v19, v8;
	v8 =	vld [tilespmem:s6+$0x30]  }
0x2db: {  	v13 =	vsub.f32 $0.0e+00, v13;
	v22 =	vpop (erf);
	v3 =	vcvt.f32.s32 v3;
	v19 =	vtrunc.f32 v20  }
0x2dc: {  	v15 =	vsub.f32 $0.0e+00, v15;
	s8 =	sadd.s32 $0x460, s4;
	v22 =	vmul.f32 $8.000000000e+00, v22;
	v24 =	vmul.f32 $1.250000000e+02, v4;
	v20 =	vpop (erf)  }
0x2dd: {  	v4 =	vadd.s32 s8, v9;
	v9 =	vmul.f32 $1.442695020e+00, v13;
	v23 =	vadd.f32 $1.000000000e+00, v20  }
0x2de: {  	v13 =	vmul.f32 $1.442695020e+00, v15;
	v21 =	vcvt.s32.f32 v3;
	v15 =	vadd.f32 $5.000000000e-01, v22  }
0x2df: {  	v19 =	vcvt.f32.s32 v19;
	v8 =	vsub.f32 $0.0e+00, v8;
	(erf) = vrcp.f32 v23  }
0x2e0: {  	v15 =	vtrunc.f32 v15;
	(erf) = vpow2.f32 v13  }
0x2e1: {  	s8 =	sadd.s32 $0x280, s4;
	v63 =	vmul.f32 $1.442695020e+00, v24;
	v8 =	vmul.f32 $1.442695020e+00, v8  }
0x2e2: {  	v26 =	vld [tilespmem:s6+$0x50];
	v6 =	vadd.s32 s8, v3;
	(erf) = vpow2.f32 v9;
	v9 =	vcvt.s32.f32 v19  }
0x2e3: {  	v13 =	vcvt.f32.s32 v15;
	v15 =	vpop (erf);
	(erf) = vpow2.f32 v17;
	v17 =	vadd.s32 v2, v14  }
0x2e4: {  	(erf) = vpow2.f32 v25;
	v9 =	vsub.f32 v9, v11;
	v11 =	vadd.f32 $1.000000000e+00, v15  }
0x2e5: {  	s7 =	sadd.s32 $0x1E0, s4;
	v15 =	vmul.f32 $1.250000000e+02, v18;
	v25 =	vadd.s32 v0, v14;
	v14 =	vcvt.s32.f32 v13  }
0x2e6: {  	v3 =	vadd.s32 s7, v19;
	(erf) = vpow2.f32 v27;
	v9 =	vmul.f32 $1.250000000e+02, v9  }
0x2e7: {  	s7 =	sadd.s32 $0x320, s4;
	v23 =	vsub.f32 $0.0e+00, v26;
	(erf) = vrcp.f32 v11;
	v15 =	vmul.f32 $1.442695020e+00, v15  }
0x2e8: {  	v19 =	vmul.f32 $8.000000000e+00, v10;
	v10 =	vadd.s32 s7, v13;
	v14 =	vsub.f32 v14, v22;
	v26 =	vpop (erf)  }
0x2e9: {  	v11 =	vadd.s32 s4, v16;
	v16 =	vcvt.s32.f32 v16;
	v9 =	vmul.f32 $1.442695020e+00, v9;
	v18 =	vpop (erf)  }
0x2ea: {  	(erf) = vpow2.f32 v15;
	v14 =	vmul.f32 $1.250000000e+02, v14;
	v13 =	vadd.f32 $1.000000000e+00, v18  }
0x2eb: {  	(erf) = vpow2.f32 v8;
	v8 =	vmul.f32 $1.442695020e+00, v23;
	v15 =	vpop (erf)  }
0x2ec: {  	v12 =	vsub.f32 v16, v12;
	v18 =	vpop (erf);
	v15 =	vadd.f32 $1.000000000e+00, v15;
	(erf) = vrcp.f32 v13  }
0x2ed: {  	v22 =	vmul.f32 v26, v20;
	v16 =	vadd.f32 $1.000000000e+00, v18;
	(erf) = vpow2.f32 v8  }
0x2ee: {  	v5 =	vsub.f32 v21, v5;
	v14 =	vmul.f32 $1.442695020e+00, v14;
	v13 =	vpop (erf);
	(erf) = vrcp.f32 v15  }
0x2ef: {  	v8 =	vmul.f32 $1.250000000e+02, v12;
	v15 =	vadd.f32 $5.000000000e-01, v19;
	v18 =	vpop (erf);
	(erf) = vrcp.f32 v16  }
0x2f0: {  	v16 =	vmul.f32 $1.250000000e+02, v5;
	v12 =	vadd.f32 $1.000000000e+00, v18;
	v18 =	vpop (erf);
	(erf) = vpow2.f32 v14  }
0x2f1: {  	s8 =	sor.u32 $0xA0, s4;
	v13 =	vadd.f32 $1.000000000e+00, v13;
	v20 =	vmul.f32 $8.000000000e+00, v18;
	(erf) = vpow2.f32 v9  }
0x2f2: {  	v7 =	vadd.s32 s8, v7;
	(erf) = vrcp.f32 v12;
	v12 =	vtrunc.f32 v15  }
0x2f3: {  	v8 =	vmul.f32 $1.442695020e+00, v8;
	v5 =	vadd.s32 v0, v7;
	v12 =	vcvt.f32.s32 v12  }
0x2f4: {  	v18 =	vpop (erf);
	v15 =	vmul.f32 $1.442695020e+00, v16;
	v14 =	vadd.f32 $5.000000000e-01, v20;
	(erf) = vrcp.f32 v13  }
0x2f5: {  	s4 =	sadd.s32 $0x140, s4;
	v16 =	vadd.f32 $1.000000000e+00, v18;
	v13 =	vpop (erf);
	(erf) = vpow2.f32 v8;
	v21 =	vcvt.s32.f32 v12  }
0x2f6: {  	v8 =	vadd.f32 $1.000000000e+00, v13;
	v13 =	vtrunc.f32 v14;
	v27 =	vpop (erf);
	v14 =	vadd.s32 s4, v12  }
0x2f7: {  	s1 =	smul.u32 $0xA0, s1;
	(erf) = vrcp.f32 v16;
	v13 =	vcvt.f32.s32 v13;
	v60 =	vpop (erf);
	v12 =	vsub.f32 v21, v19  }
0x2f8: {  	v7 =	vadd.s32 v2, v7;
	v9 =	vadd.s32 v0, v6;
	(erf) = vrcp.f32 v8;
	v23 =	vpop (erf)  }
0x2f9: {  	s8 =	sadd.s32 $0x3C0, s1;
	(erf) = vpow2.f32 v15;
	v15 =	vadd.f32 $1.000000000e+00, v60;
	v61 =	vcvt.s32.f32 v13;
	v19 =	vpop (erf)  }
0x2fa: {  	v8 =	vadd.s32 s8, v13;
	v13 =	vmul.f32 $8.000000000e+00, v27;
	v27 =	vmul.f32 $1.250000000e+02, v12;
	v16 =	vpop (erf)  }
0x2fb: {  	v21 =	vadd.s32 v2, v4;
	v19 =	vmul.f32 $8.000000000e+00, v19;
	v62 =	vsub.f32 v61, v20;
	v12 =	vpop (erf)  }
0x2fc: {  	[tilespmem:v17+s28+$0x0] =	vst.idx.add.f32.msk $0xffff, v26;
	(erf) = vrcp.f32 v15;
	v17 =	vadd.f32 $5.000000000e-01, v13;
	v26 =	vmul.f32 $1.442695020e+00, v27;
	v20 =	vpop (erf)  }
0x2fd: {  	[tilespmem:v25+s28+$0x0] =	vst.idx.add.f32.msk $0xffff, v22;
	v24 =	vadd.f32 $1.000000000e+00, v16;
	(erf) = vpow2.f32 v63;
	v25 =	vmul.f32 $1.250000000e+02, v62;
	v15 =	vpop (erf)  }
.LBB2_6:
0x2fe: {  	s25 =	sadd.s32 $0x8, s25;
	v27 =	vadd.f32 $5.000000000e-01, v19;
	v22 =	vmul.f32 $8.000000000e+00, v20;
	v28 =	vpop (erf);
	(erf) = vpow2.f32 v26  }
0x2ff: {  	v23 =	vmul.f32 $8.000000000e+00, v23;
	s31 =	sadd.s32 $0x80, s31;
	s4 =	sand.u32 $0x8, s25;
	p0 =	slt.u32 s25, $0x7F8;
	v20 =	vmul.f32 $1.442695020e+00, v25;
	v25 =	vadd.f32 $1.000000000e+00, v12  }
0x300: {  	s3 =	sadd.s32 $0x40, s3;
	s6 =	sand.u32 $0x7800, s31;
	v29 =	vadd.f32 $1.000000000e+00, v28;
	s7 =	sshll.u32 s4, $0x7;
	v26 =	vadd.f32 $5.000000000e-01, v22;
	(erf) = vrcp.f32 v24;
	v24 =	vpop (erf)  }
0x301: {  	s8 =	sand.u32 $0x380, s3;
	v30 =	vadd.f32 $5.000000000e-01, v23;
	s6 =	sor.u32 s7, s6;
	v31 =	vpop (erf);
	(erf) = vpow2.f32 v20;
	v18 =	vmul.f32 v24, v18;
	[tilespmem:v21+s28+$0x0] =	vst.idx.add.f32.msk $0xffff, v24  }
0x302: {  	v4 =	vadd.s32 v0, v4;
	s6 =	sor.u32 s8, s6;
	v20 =	vtrunc.f32 v26;
	(erf) = vrcp.f32 v25;
	v21 =	vpop (erf)  }
0x303: {  	v11 =	vadd.s32 v0, v11;
	v25 =	vtrunc.f32 v30;
	v24 =	vld [tilespmem:s6+$0x60];
	v26 =	vadd.f32 $1.000000000e+00, v21  }
0x304: {  	v6 =	vadd.s32 v2, v6;
	v25 =	vcvt.f32.s32 v25;
	v30 =	vld [tilespmem:s6+$0x0];
	(erf) = vrcp.f32 v29  }
0x305: {  	v33 =	vadd.s32 v2, v10;
	v27 =	vtrunc.f32 v27;
	v29 =	vld [tilespmem:s6+$0x70];
	v32 =	vpop (erf);
	(erf) = vrcp.f32 v26  }
0x306: {  	v34 =	vadd.s32 v0, v3;
	v27 =	vcvt.f32.s32 v27;
	v31 =	vmul.f32 $8.000000000e+00, v31;
	v26 =	vld [tilespmem:s6+$0x30];
	v35 =	vpop (erf)  }
0x307: {  	v10 =	vadd.s32 v0, v10;
	v37 =	vcvt.s32.f32 v25;
	v36 =	vld [tilespmem:s6+$0x10];
	v43 =	vadd.f32 $1.000000000e+00, v35;
	v39 =	vpop (erf)  }
0x308: {  	v40 =	vcvt.s32.f32 v27;
	v41 =	vadd.f32 $5.000000000e-01, v31;
	v42 =	vadd.f32 $1.000000000e+00, v39;
	[tilespmem:v4+s28+$0x0] =	vst.idx.add.f32.msk $0xffff, v18  }
0x309: {  	v23 =	vsub.f32 v37, v23;
	v18 =	vcvt.f32.s32 v20;
	(erf) = vrcp.f32 v43;
	v4 =	vpop (erf)  }
0x30a: {  	v44 =	vsub.f32 v40, v19;
	v40 =	vadd.s32 $0x1, v11;
	v37 =	vtrunc.f32 v41;
	v38 =	vpop (erf);
	[tilespmem:v33+s28+$0x0] =	vst.idx.add.f32.msk $0xffff, v4  }
0x30b: {  	v20 =	vsub.f32 $0.0e+00, v24;
	v24 =	vsub.f32 $0.0e+00, v29;
	v16 =	vmul.f32 v4, v16;
	v33 =	vld [tilespmem:s6+$0x40];
	v29 =	vpop (erf)  }
0x30c: {  	s7 =	sadd.s32 $0x460, s1;
	v32 =	vmul.f32 $8.000000000e+00, v32;
	v41 =	vadd.f32 $1.000000000e+00, v38;
	(erf) = vrcp.f32 v42  }
0x30d: {  	v43 =	vmul.f32 $1.442695020e+00, v20;
	v20 =	vmul.f32 $1.250000000e+02, v44;
	v4 =	vadd.s32 s7, v25;
	v42 =	vld [tilespmem:s6+$0x50];
	v19 =	vpop (erf)  }
0x30e: {  	v44 =	vadd.s32 v2, v3;
	v24 =	vmul.f32 $1.442695020e+00, v24;
	v25 =	vld [tilespmem:s6+$0x20];
	v28 =	vmul.f32 v19, v28;
	v3 =	vpop (erf)  }
0x30f: {  	v45 =	vadd.s32 v0, v14;
	v30 =	vsub.f32 $0.0e+00, v30;
	v21 =	vmul.f32 v3, v21;
	[tilespmem:v6+s28+$0x0] =	vst.idx.add.f32.msk $0xffff, v3  }
0x310: {  	v14 =	vadd.s32 v2, v14;
	v36 =	vsub.f32 $0.0e+00, v36;
	(erf) = vpow2.f32 v43;
	[tilespmem:v40+s28+$0x0] =	vst.idx.add.f32.msk $0xffff, v19  }
0x311: {  	v19 =	vmul.f32 $1.442695020e+00, v30;
	v6 =	vsub.f32 $0.0e+00, v33;
	v30 =	vadd.f32 $5.000000000e-01, v32;
	[tilespmem:v11+s28+$0x0] =	vst.idx.add.f32.msk $0xffff, v28  }
0x312: {  	v33 =	vcvt.s32.f32 v18;
	v11 =	vmul.f32 $1.442695020e+00, v36;
	v28 =	vsub.f32 $0.0e+00, v42;
	[tilespmem:v9+s28+$0x0] =	vst.idx.add.f32.msk $0xffff, v21;
	v3 =	vpop (erf)  }
0x313: {  	v9 =	vsub.f32 $0.0e+00, v26;
	v21 =	vmul.f32 $1.442695020e+00, v6;
	v26 =	vmul.f32 v3, v35;
	[tilespmem:v7+s28+$0x0] =	vst.idx.add.f32.msk $0xffff, v3  }
0x314: {  	s6 =	sadd.s32 $0x280, s1;
	v3 =	vsub.f32 $0.0e+00, v25;
	v7 =	vcvt.f32.s32 v37;
	(erf) = vrcp.f32 v41;
	[tilespmem:v10+s28+$0x0] =	vst.idx.add.f32.msk $0xffff, v16  }
0x315: {  	s7 =	sadd.s32 $0x1E0, s1;
	v6 =	vadd.s32 s6, v18;
	v9 =	vmul.f32 $1.442695020e+00, v9;
	v10 =	vtrunc.f32 v30;
	v16 =	vpop (erf)  }
0x316: {  	v12 =	vmul.f32 v29, v12;
	s6 =	sor.u32 $0xA0, s1;
	v18 =	vmul.f32 $1.442695020e+00, v3;
	v3 =	vadd.s32 s7, v7;
	[tilespmem:v44+s28+$0x0] =	vst.idx.add.f32.msk $0xffff, v29  }
0x317: {  	v25 =	vmul.f32 v16, v39;
	(erf) = vpow2.f32 v19;
	v19 =	vadd.s32 s6, v27;
	[tilespmem:v14+s28+$0x0] =	vst.idx.add.f32.msk $0xffff, v16  }
0x318: {  	v7 =	vcvt.s32.f32 v7;
	(erf) = vpow2.f32 v24;
	[tilespmem:v5+s28+$0x0] =	vst.idx.add.f32.msk $0xffff, v26  }
0x319: {  	v10 =	vcvt.f32.s32 v10;
	v14 =	vadd.s32 v2, v8;
	(erf) = vpow2.f32 v11;
	v5 =	vpop (erf);
	[tilespmem:v45+s28+$0x0] =	vst.idx.add.f32.msk $0xffff, v25  }
0x31a: {  	v7 =	vsub.f32 v7, v31;
	v11 =	vtrunc.f32 v17;
	(erf) = vpow2.f32 v18;
	[tilespmem:v34+s28+$0x0] =	vst.idx.add.f32.msk $0xffff, v12  }
0x31b: {  	v5 =	vadd.f32 $1.000000000e+00, v5;
	v12 =	vmul.f32 $1.250000000e+02, v23;
	(erf) = vpow2.f32 v21  }
0x31c: {  	v8 =	vadd.s32 v0, v8;
	v7 =	vmul.f32 $1.250000000e+02, v7;
	v16 =	vcvt.f32.s32 v11  }
0x31d: {  	v17 =	vcvt.s32.f32 v10;
	(erf) = vrcp.f32 v5;
	v5 =	vsub.f32 v33, v22;
	v18 =	vpop (erf)  }
0x31e: {  	v15 =	vmul.f32 $8.000000000e+00, v15;
	v11 =	vadd.s32 s1, v16;
	v12 =	vmul.f32 $1.442695020e+00, v12;
	[tilespmem:v14+s28+$0x0] =	vst.idx.add.f32.msk $0xffff, v18  }
0x31f: {  	s6 =	sadd.s32 $0x320, s1;
	v14 =	vmul.f32 $1.442695020e+00, v7;
	v7 =	vsub.f32 v17, v32;
	v21 =	vmul.f32 v18, v38  }
0x320: {  	v10 =	vadd.s32 s6, v10;
	v16 =	vcvt.s32.f32 v16;
	v18 =	vpop (erf);
	(erf) = vpow2.f32 v12  }
0x321: {  	v7 =	vmul.f32 $1.250000000e+02, v7;
	v18 =	vadd.f32 $1.000000000e+00, v18;
	(erf) = vpow2.f32 v9;
	v9 =	vpop (erf);
	[tilespmem:v8+s28+$0x0] =	vst.idx.add.f32.msk $0xffff, v21  }
0x322: {  	v13 =	vsub.f32 v16, v13;
	v8 =	vmul.f32 $1.442695020e+00, v28;
	v9 =	vadd.f32 $1.000000000e+00, v9;
	v17 =	vpop (erf)  }
0x323: {  	v7 =	vmul.f32 $1.442695020e+00, v7;
	v21 =	vadd.f32 $1.000000000e+00, v17;
	(erf) = vrcp.f32 v18;
	v12 =	vpop (erf)  }
0x324: {  	v17 =	vpop (erf);
	(erf) = vpow2.f32 v8;
	v8 =	vmul.f32 $1.250000000e+02, v13  }
0x325: {  	v13 =	vadd.f32 $1.000000000e+00, v17;
	(erf) = vrcp.f32 v9;
	v9 =	vadd.f32 $5.000000000e-01, v15  }
0x326: {  	v12 =	vadd.f32 $1.000000000e+00, v12;
	v17 =	vmul.f32 $1.250000000e+02, v5;
	(erf) = vrcp.f32 v21;
	v16 =	vpop (erf)  }
0x327: {  	v5 =	vadd.s32 v0, v19;
	v8 =	vmul.f32 $1.442695020e+00, v8;
	(erf) = vpow2.f32 v7  }
0x328: {  	v22 =	vmul.f32 $8.000000000e+00, v16;
	v7 =	vadd.s32 v2, v19;
	(erf) = vpow2.f32 v14  }
0x329: {  	(erf) = vrcp.f32 v13;
	v13 =	vtrunc.f32 v9;
	v9 =	vadd.s32 v0, v6;
	v18 =	vpop (erf)  }
0x32a: {  	v14 =	vadd.f32 $5.000000000e-01, v22;
	(erf) = vrcp.f32 v12;
	v12 =	vpop (erf);
	v13 =	vcvt.f32.s32 v13  }
0x32b: {  	v16 =	vmul.f32 $1.442695020e+00, v17;
	v17 =	vadd.f32 $1.000000000e+00, v18;
	(erf) = vpow2.f32 v8  }
0x32c: {  	s6 =	sadd.s32 $0x140, s1;
	s1 =	smul.u32 $0xA0, s4;
	v8 =	vadd.f32 $1.000000000e+00, v12;
	v12 =	vtrunc.f32 v14;
	v19 =	vpop (erf);
	v21 =	vcvt.s32.f32 v13  }
0x32d: {  	v12 =	vcvt.f32.s32 v12;
	v14 =	vadd.s32 s6, v13;
	v24 =	vpop (erf);
	(erf) = vrcp.f32 v17  }
0x32e: {  	s4 =	sadd.s32 $0x3C0, s1;
	(erf) = vrcp.f32 v8;
	v23 =	vpop (erf);
	v15 =	vsub.f32 v21, v15;
	v21 =	vadd.s32 v2, v4  }
.Ltmp2:
0x32f: {  	v8 =	vadd.s32 s4, v12;
	v25 =	vcvt.s32.f32 v12;
	v17 =	vpop (erf);
	(erf) = vpow2.f32 v16;
	(pc) =	sbr.rel @p0 .LBB2_6-.Ltmp2, $4  }
0x330: {  	v13 =	vmul.f32 $8.000000000e+00, v19;
	v24 =	vadd.f32 $1.000000000e+00, v24;
	v28 =	vmul.f32 $1.250000000e+02, v15;
	v16 =	vpop (erf)  }
0x331: {  	v27 =	vmul.f32 $1.442695020e+00, v20;
	v19 =	vmul.f32 $8.000000000e+00, v17;
	v22 =	vsub.f32 v25, v22;
	v12 =	vpop (erf)  }
0x332: {  	v17 =	vadd.f32 $5.000000000e-01, v13;
	v20 =	vpop (erf);
	(erf) = vrcp.f32 v24;
	v26 =	vmul.f32 $1.442695020e+00, v28  }
0x333: {  	v25 =	vmul.f32 $1.250000000e+02, v22;
	v24 =	vadd.f32 $1.000000000e+00, v16;
	v15 =	vpop (erf);
	(erf) = vpow2.f32 v27  }
0x334: {  	_ = 	snop  }
0x335: {  	v22 =	vmul.f32 $1.442695020e+00, v25  }
0x336: {  	v23 =	vmul.f32 $8.000000000e+00, v23  }
0x337: {  	(erf) = vpow2.f32 v26  }
0x338: {  	(erf) = vrcp.f32 v24;
	v49 =	vadd.f32 $5.000000000e-01, v23  }
0x339: {  	(erf) = vpow2.f32 v22;
	v22 =	vpop (erf)  }
0x33a: {  	v47 =	vmul.f32 $8.000000000e+00, v20;
	v50 =	vtrunc.f32 v49;
	v25 =	vpop (erf)  }
0x33b: {  	v57 =	vadd.f32 $5.000000000e-01, v19;
	v17 =	vtrunc.f32 v17;
	v26 =	vcvt.f32.s32 v50;
	v28 =	vpop (erf)  }
0x33c: {  	v15 =	vmul.f32 $8.000000000e+00, v15;
	v17 =	vcvt.f32.s32 v17;
	v29 =	vadd.f32 $1.000000000e+00, v22;
	v30 =	vpop (erf)  }
0x33d: {  	v48 =	vadd.f32 $1.000000000e+00, v12;
	v58 =	vtrunc.f32 v57;
	v32 =	vcvt.s32.f32 v26;
	v51 =	vpop (erf)  }
0x33e: {  	v28 =	vmul.f32 $8.000000000e+00, v28;
	v37 =	vmul.f32 $8.000000000e+00, v51  }
0x33f: {  	(erf) = vrcp.f32 v48;
	v31 =	vadd.f32 $1.000000000e+00, v30;
	v23 =	vsub.f32 v32, v23  }
0x340: {  	(erf) = vrcp.f32 v29;
	v29 =	vpop (erf);
	v35 =	vadd.f32 $5.000000000e-01, v28;
	v55 =	vadd.f32 $5.000000000e-01, v37  }
0x341: {  	v33 =	vadd.f32 $1.000000000e+00, v29;
	v34 =	vpop (erf);
	(erf) = vrcp.f32 v31;
	v23 =	vmul.f32 $1.250000000e+02, v23  }
0x342: {  	v36 =	vpop (erf);
	v53 =	vtrunc.f32 v35;
	v31 =	vtrunc.f32 v55  }
0x343: {  	v52 =	vadd.f32 $1.000000000e+00, v34;
	(erf) = vrcp.f32 v33;
	v32 =	vpop (erf);
	v31 =	vcvt.f32.s32 v31  }
0x344: {  	v20 =	vcvt.f32.s32 v53;
	v23 =	vmul.f32 $1.442695020e+00, v23;
	v54 =	vadd.f32 $1.000000000e+00, v32  }
0x345: {  	v27 =	vadd.f32 $5.000000000e-01, v47;
	(erf) = vrcp.f32 v52;
	v59 =	vcvt.s32.f32 v31  }
0x346: {  	v42 =	vadd.f32 $5.000000000e-01, v15;
	v56 =	vcvt.s32.f32 v20;
	(erf) = vrcp.f32 v54  }
0x347: {  	v27 =	vtrunc.f32 v27;
	(erf) = vpow2.f32 v23;
	v35 =	vsub.f32 v59, v37  }
0x348: {  	v60 =	vcvt.s32.f32 v17;
	v27 =	vcvt.f32.s32 v27;
	v28 =	vsub.f32 v56, v28  }
0x349: {  	v63 =	vtrunc.f32 v42;
	v35 =	vmul.f32 $1.250000000e+02, v35  }
0x34a: {  	v13 =	vsub.f32 v60, v13;
	v39 =	vcvt.s32.f32 v27;
	v38 =	vpop (erf);
	v28 =	vmul.f32 $1.250000000e+02, v28  }
0x34b: {  	v23 =	vcvt.f32.s32 v58;
	v61 =	vpop (erf);
	v35 =	vmul.f32 $1.442695020e+00, v35  }
0x34c: {  	v4 =	vadd.s32 v0, v4;
	v13 =	vmul.f32 $1.250000000e+02, v13;
	v62 =	vpop (erf);
	v28 =	vmul.f32 $1.442695020e+00, v28  }
0x34d: {  	v11 =	vadd.s32 v0, v11;
	v40 =	vcvt.s32.f32 v23;
	v41 =	vpop (erf);
	(erf) = vpow2.f32 v35  }
0x34e: {  	v24 =	vsub.f32 v39, v47;
	v39 =	vpop (erf);
	(erf) = vpow2.f32 v28;
	v28 =	vcvt.f32.s32 v63  }
0x34f: {  	v50 =	vmul.f32 v25, v18;
	v13 =	vmul.f32 $1.442695020e+00, v13;
	v47 =	vsub.f32 v40, v19;
	v43 =	vpop (erf)  }
0x350: {  	v49 =	vadd.s32 v2, v10;
	v24 =	vmul.f32 $1.250000000e+02, v24;
	v45 =	vpop (erf);
	v48 =	vcvt.s32.f32 v28  }
0x351: {  	v51 =	vadd.s32 $0x1, v11;
	v19 =	vmul.f32 $1.250000000e+02, v47;
	v46 =	vadd.f32 $1.000000000e+00, v45  }
0x352: {  	v24 =	vmul.f32 $1.442695020e+00, v24;
	(erf) = vpow2.f32 v13;
	v13 =	vsub.f32 v48, v15  }
0x353: {  	v52 =	vadd.s32 v0, v10;
	v19 =	vmul.f32 $1.442695020e+00, v19;
	(erf) = vrcp.f32 v46  }
0x354: {  	[tilespmem:v21+s28+$0x0] =	vst.idx.add.f32.msk $0xffff, v25;
	(erf) = vpow2.f32 v24;
	v13 =	vmul.f32 $1.250000000e+02, v13  }
0x355: {  	v6 =	vadd.s32 v2, v6;
	[tilespmem:v4+s28+$0x0] =	vst.idx.add.f32.msk $0xffff, v50;
	v16 =	vmul.f32 v36, v16  }
0x356: {  	[tilespmem:v49+s28+$0x0] =	vst.idx.add.f32.msk $0xffff, v36;
	v54 =	vadd.s32 v2, v3;
	(erf) = vpow2.f32 v19;
	v13 =	vmul.f32 $1.442695020e+00, v13  }
0x357: {  	v53 =	vmul.f32 v61, v22;
	[tilespmem:v51+s28+$0x0] =	vst.idx.add.f32.msk $0xffff, v61  }
0x358: {  	[tilespmem:v52+s28+$0x0] =	vst.idx.add.f32.msk $0xffff, v16;
	v10 =	vpop (erf);
	(erf) = vpow2.f32 v13  }
0x359: {  	s31 =	sadd.s32 $0x1E0, s1;
	v3 =	vadd.s32 v0, v3;
	v58 =	vadd.s32 v2, v14;
	[tilespmem:v11+s28+$0x0] =	vst.idx.add.f32.msk $0xffff, v53;
	v56 =	vadd.f32 $1.000000000e+00, v10  }
0x35a: {  	v51 =	vadd.s32 s31, v20;
	[tilespmem:v6+s28+$0x0] =	vst.idx.add.f32.msk $0xffff, v62;
	v55 =	vmul.f32 v62, v30;
	v30 =	vadd.s32 v0, v8;
	v6 =	vpop (erf)  }
0x35b: {  	[tilespmem:v54+s28+$0x0] =	vst.idx.add.f32.msk $0xffff, v38;
	v25 =	vmul.f32 v41, v29;
	v57 =	vpop (erf);
	v59 =	vadd.f32 $1.000000000e+00, v6;
	(erf) = vrcp.f32 v56  }
0x35c: {  	s3 =	sadd.s32 $0x460, s1;
	[tilespmem:v9+s28+$0x0] =	vst.idx.add.f32.msk $0xffff, v55;
	v29 =	vmul.f32 v39, v34;
	v63 =	vadd.s32 v0, v14;
	v61 =	vadd.f32 $1.000000000e+00, v57;
	v60 =	vpop (erf)  }
0x35d: {  	[tilespmem:v7+s28+$0x0] =	vst.idx.add.f32.msk $0xffff, v41;
	v24 =	vadd.s32 s3, v26;
	v26 =	vadd.s32 v2, v8;
	(erf) = vrcp.f32 v59;
	v62 =	vpop (erf)  }
0x35e: {  	s8 =	sadd.s32 $0x320, s1;
	[tilespmem:v58+s28+$0x0] =	vst.idx.add.f32.msk $0xffff, v39;
	v34 =	vmul.f32 v38, v12;
	(erf) = vrcp.f32 v61;
	v21 =	vadd.f32 $1.000000000e+00, v62  }
0x35f: {  	v54 =	vadd.s32 v2, v51;
	v38 =	vadd.s32 s8, v31;
	[tilespmem:v5+s28+$0x0] =	vst.idx.add.f32.msk $0xffff, v25;
	v35 =	vadd.s32 v2, v24;
	v33 =	vpop (erf)  }
0x360: {  	[tilespmem:v3+s28+$0x0] =	vst.idx.add.f32.msk $0xffff, v34;
	v11 =	vadd.s32 v0, v24;
	v36 =	vadd.f32 $1.000000000e+00, v33;
	(erf) = vrcp.f32 v21  }
0x361: {  	v37 =	vadd.s32 s1, v17;
	v39 =	vadd.s32 v2, v38;
	v3 =	vmul.f32 v43, v32;
	[tilespmem:v63+s28+$0x0] =	vst.idx.add.f32.msk $0xffff, v29;
	v40 =	vpop (erf)  }
0x362: {  	v41 =	vadd.s32 v0, v37;
	[tilespmem:v26+s28+$0x0] =	vst.idx.add.f32.msk $0xffff, v43;
	(erf) = vrcp.f32 v36;
	v44 =	vadd.f32 $1.000000000e+00, v40  }
0x363: {  	v46 =	vadd.s32 $0x1, v41;
	[tilespmem:v30+s28+$0x0] =	vst.idx.add.f32.msk $0xffff, v3;
	v3 =	vmul.f32 v60, v45  }
0x364: {  	s7 =	sadd.s32 $0x280, s1;
	v16 =	vadd.s32 v0, v38;
	[tilespmem:v35+s28+$0x0] =	vst.idx.add.f32.msk $0xffff, v60;
	v45 =	vpop (erf);
	(erf) = vrcp.f32 v44  }
0x365: {  	v27 =	vadd.s32 s7, v27;
	[tilespmem:v11+s28+$0x0] =	vst.idx.add.f32.msk $0xffff, v3  }
0x366: {  	s25 =	sor.u32 $0xA0, s1;
	v43 =	vadd.s32 v2, v27;
	v47 =	vpop (erf);
	[tilespmem:v39+s28+$0x0] =	vst.idx.add.f32.msk $0xffff, v45  }
0x367: {  	v7 =	vadd.s32 v0, v27;
	v48 =	vadd.s32 s25, v23;
	v8 =	vmul.f32 v45, v10;
	v3 =	vpop (erf);
	[tilespmem:v54+s28+$0x0] =	vst.idx.add.f32.msk $0xffff, v47  }
0x368: {  	s4 =	sadd.s32 $0x140, s1;
	v49 =	vadd.s32 v2, v48;
	v52 =	vmul.f32 v3, v57;
	[tilespmem:v46+s28+$0x0] =	vst.idx.add.f32.msk $0xffff, v3  }
0x369: {  	v53 =	vadd.s32 s4, v28;
	v55 =	vadd.s32 v0, v48;
	[tilespmem:v16+s28+$0x0] =	vst.idx.add.f32.msk $0xffff, v8;
	v50 =	vpop (erf)  }
0x36a: {  	v3 =	vadd.s32 v2, v53;
	[tilespmem:v41+s28+$0x0] =	vst.idx.add.f32.msk $0xffff, v52;
	v12 =	vmul.f32 v50, v62  }
0x36b: {  	v9 =	vadd.s32 v0, v53;
	[tilespmem:v43+s28+$0x0] =	vst.idx.add.f32.msk $0xffff, v50;
	v56 =	vpop (erf)  }
0x36c: {  	v57 =	vadd.s32 v0, v51;
	[tilespmem:v7+s28+$0x0] =	vst.idx.add.f32.msk $0xffff, v12;
	v7 =	vmul.f32 v56, v33  }
0x36d: {  	[tilespmem:v49+s28+$0x0] =	vst.idx.add.f32.msk $0xffff, v56;
	v58 =	vpop (erf)  }
0x36e: {  	[tilespmem:v55+s28+$0x0] =	vst.idx.add.f32.msk $0xffff, v7;
	v59 =	vmul.f32 v58, v40  }
0x36f: {  	[tilespmem:v3+s28+$0x0] =	vst.idx.add.f32.msk $0xffff, v58;
	v3 =	vmul.f32 v47, v6  }
0x370: {  	[tilespmem:v9+s28+$0x0] =	vst.idx.add.f32.msk $0xffff, v59  }
0x371: {  	[tilespmem:v57+s28+$0x0] =	vst.idx.add.f32.msk $0xffff, v3  }
0x372: {  	s6 =	rddreg [dreg:$0x7]  }
0x373: {  	[spmem:s6] =	stream.linear.scatter [tilespmem:s28], [sflag:$0x3], $0x1000, $0x38;
	[tilespmem:$0x13100] =	vst v63  }
0x374: {  	_ =	swait.ge [sflag:s30], $0x1000  }
0x375: {  	[sflag:s30] =	ssyncset.done $0x0  }
0x376: {  	[sflag:s30] =	ssyncadd.s32 $0xFFFFF000  }
0x377: {  	s7 =	simm.s32 $0x12000;
	[bflag:$0x0] =	sbarrier.arrive $0xFFFF  }
0x378: {  	[tilespmem:s7], [sflag:$0x3] =	stream.linear.gather [spmem:s5], $0x100, $0x38;
	[tilespmem:$0x13100] =	vst v63  }
0x379: {  	_ =	swait.ge [sflag:s30], $0x100  }
0x37a: {  	[sflag:s30] =	ssyncset.done $0x0  }
0x37b: {  	s25 =	simm.s32 $0x12100;
	s8 =	rddreg [dreg:$0x8];
	[sflag:s30] =	ssyncadd.s32 $0xFFFFFF00  }
0x37c: {  	[tilespmem:s25], [sflag:$0x3] =	stream.linear.gather [spmem:s8], $0x100, $0x38;
	[tilespmem:$0x13100] =	vst v63  }
0x37d: {  	_ =	swait.ge [sflag:s30], $0x100  }
0x37e: {  	[sflag:s30] =	ssyncset.done $0x0  }
0x37f: {  	s31 =	simm.s32 $0x12200;
	[sflag:s30] =	ssyncadd.s32 $0xFFFFFF00  }
0x380: {  	[tilespmem:s31], [sflag:$0x3] =	stream.linear.gather [spmem:s9], $0x100, $0x38;
	[tilespmem:$0x13100] =	vst v63  }
0x381: {  	_ =	swait.ge [sflag:s30], $0x100  }
0x382: {  	[sflag:s30] =	ssyncset.done $0x0  }
0x383: {  	s3 =	simm.s32 $0x12300;
	[sflag:s30] =	ssyncadd.s32 $0xFFFFFF00  }
0x384: {  	[tilespmem:s3], [sflag:$0x3] =	stream.linear.gather [spmem:s10], $0x100, $0x38;
	[tilespmem:$0x13100] =	vst v63  }
0x385: {  	_ =	swait.ge [sflag:s30], $0x100  }
0x386: {  	[sflag:s30] =	ssyncset.done $0x0  }
0x387: {  	s4 =	simm.s32 $0x12400;
	[sflag:s30] =	ssyncadd.s32 $0xFFFFFF00  }
0x388: {  	[tilespmem:s4], [sflag:$0x3] =	stream.linear.gather [spmem:s11], $0x100, $0x38;
	[tilespmem:$0x13100] =	vst v63  }
0x389: {  	_ =	swait.ge [sflag:s30], $0x100  }
0x38a: {  	[sflag:s30] =	ssyncset.done $0x0  }
0x38b: {  	s6 =	simm.s32 $0x12500;
	[sflag:s30] =	ssyncadd.s32 $0xFFFFFF00  }
0x38c: {  	[tilespmem:s6], [sflag:$0x3] =	stream.linear.gather [spmem:s12], $0x100, $0x38;
	[tilespmem:$0x13100] =	vst v63  }
0x38d: {  	_ =	swait.ge [sflag:s30], $0x100  }
0x38e: {  	[sflag:s30] =	ssyncset.done $0x0  }
0x38f: {  	s7 =	simm.s32 $0x12600;
	[sflag:s30] =	ssyncadd.s32 $0xFFFFFF00  }
0x390: {  	[tilespmem:s7], [sflag:$0x3] =	stream.linear.gather [spmem:s13], $0x100, $0x38;
	[tilespmem:$0x13100] =	vst v63  }
0x391: {  	_ =	swait.ge [sflag:s30], $0x100  }
0x392: {  	[sflag:s30] =	ssyncset.done $0x0  }
0x393: {  	s8 =	simm.s32 $0x12700;
	[sflag:s30] =	ssyncadd.s32 $0xFFFFFF00  }
0x394: {  	[tilespmem:s8], [sflag:$0x3] =	stream.linear.gather [spmem:s14], $0x100, $0x38;
	[tilespmem:$0x13100] =	vst v63  }
0x395: {  	_ =	swait.ge [sflag:s30], $0x100  }
0x396: {  	[sflag:s30] =	ssyncset.done $0x0  }
0x397: {  	s25 =	simm.s32 $0x12800;
	[sflag:s30] =	ssyncadd.s32 $0xFFFFFF00  }
0x398: {  	[tilespmem:s25], [sflag:$0x3] =	stream.linear.gather [spmem:s15], $0x100, $0x38;
	[tilespmem:$0x13100] =	vst v63  }
0x399: {  	_ =	swait.ge [sflag:s30], $0x100  }
0x39a: {  	[sflag:s30] =	ssyncset.done $0x0  }
0x39b: {  	s31 =	simm.s32 $0x12900;
	[sflag:s30] =	ssyncadd.s32 $0xFFFFFF00  }
0x39c: {  	[tilespmem:s31], [sflag:$0x3] =	stream.linear.gather [spmem:s16], $0x100, $0x38;
	[tilespmem:$0x13100] =	vst v63  }
0x39d: {  	_ =	swait.ge [sflag:s30], $0x100  }
0x39e: {  	[sflag:s30] =	ssyncset.done $0x0  }
0x39f: {  	s3 =	simm.s32 $0x12A00;
	[sflag:s30] =	ssyncadd.s32 $0xFFFFFF00  }
0x3a0: {  	[tilespmem:s3], [sflag:$0x3] =	stream.linear.gather [spmem:s17], $0x100, $0x38;
	[tilespmem:$0x13100] =	vst v63  }
0x3a1: {  	_ =	swait.ge [sflag:s30], $0x100  }
0x3a2: {  	[sflag:s30] =	ssyncset.done $0x0  }
0x3a3: {  	s4 =	simm.s32 $0x12B00;
	[sflag:s30] =	ssyncadd.s32 $0xFFFFFF00  }
0x3a4: {  	[tilespmem:s4], [sflag:$0x3] =	stream.linear.gather [spmem:s18], $0x100, $0x38;
	[tilespmem:$0x13100] =	vst v63  }
0x3a5: {  	_ =	swait.ge [sflag:s30], $0x100  }
0x3a6: {  	[sflag:s30] =	ssyncset.done $0x0  }
0x3a7: {  	s6 =	simm.s32 $0x12C00;
	[sflag:s30] =	ssyncadd.s32 $0xFFFFFF00  }
0x3a8: {  	[tilespmem:s6], [sflag:$0x3] =	stream.linear.gather [spmem:s19], $0x100, $0x38;
	[tilespmem:$0x13100] =	vst v63  }
0x3a9: {  	_ =	swait.ge [sflag:s30], $0x100  }
0x3aa: {  	[sflag:s30] =	ssyncset.done $0x0  }
0x3ab: {  	s7 =	simm.s32 $0x12D00;
	[sflag:s30] =	ssyncadd.s32 $0xFFFFFF00  }
0x3ac: {  	[tilespmem:s7], [sflag:$0x3] =	stream.linear.gather [spmem:s20], $0x100, $0x38;
	[tilespmem:$0x13100] =	vst v63  }
0x3ad: {  	_ =	swait.ge [sflag:s30], $0x100  }
0x3ae: {  	[sflag:s30] =	ssyncset.done $0x0  }
0x3af: {  	s8 =	simm.s32 $0x12E00;
	[sflag:s30] =	ssyncadd.s32 $0xFFFFFF00  }
0x3b0: {  	[tilespmem:s8], [sflag:$0x3] =	stream.linear.gather [spmem:s21], $0x100, $0x38;
	[tilespmem:$0x13100] =	vst v63  }
0x3b1: {  	_ =	swait.ge [sflag:s30], $0x100  }
0x3b2: {  	[sflag:s30] =	ssyncset.done $0x0  }
0x3b3: {  	s25 =	simm.s32 $0x12F00;
	[sflag:s30] =	ssyncadd.s32 $0xFFFFFF00  }
0x3b4: {  	[tilespmem:s25], [sflag:$0x3] =	stream.linear.gather [spmem:s22], $0x100, $0x38;
	[tilespmem:$0x13100] =	vst v63  }
0x3b5: {  	_ =	swait.ge [sflag:s30], $0x100  }
0x3b6: {  	[sflag:s30] =	ssyncset.done $0x0  }
0x3b7: {  	[sflag:s30] =	ssyncadd.s32 $0xFFFFFF00  }
0x3b8: {  	v32 =	vld [tilespmem:$0x12000]  }
0x3b9: {  	v31 =	vld [tilespmem:$0x12100]  }
0x3ba: {  	v35 =	vld [tilespmem:$0x12200]  }
0x3bb: {  	v40 =	vld [tilespmem:$0x12300]  }
0x3bc: {  	v49 =	vld [tilespmem:$0x12400]  }
0x3bd: {  	v55 =	vld [tilespmem:$0x12500]  }
0x3be: {  	v3 =	vld [tilespmem:$0x12600]  }
0x3bf: {  	v17 =	vld [tilespmem:$0x12010]  }
0x3c0: {  	v14 =	vld [tilespmem:$0x12110]  }
0x3c1: {  	v19 =	vld [tilespmem:$0x12210]  }
0x3c2: {  	v23 =	vld [tilespmem:$0x12310]  }
0x3c3: {  	v27 =	vld [tilespmem:$0x12410]  }
0x3c4: {  	v43 =	vld [tilespmem:$0x12510]  }
0x3c5: {  	v47 =	vld [tilespmem:$0x12610]  }
0x3c6: {  	v58 =	vld [tilespmem:$0x12710]  }
0x3c7: {  	v57 =	vld [tilespmem:$0x12810]  }
0x3c8: {  	v8 =	vld [tilespmem:$0x12020]  }
0x3c9: {  	v7 =	vld [tilespmem:$0x12120]  }
0x3ca: {  	v10 =	vld [tilespmem:$0x12220]  }
0x3cb: {  	v12 =	vld [tilespmem:$0x12320]  }
0x3cc: {  	v18 =	vld [tilespmem:$0x12420]  }
0x3cd: {  	v22 =	vld [tilespmem:$0x12520]  }
0x3ce: {  	v26 =	vld [tilespmem:$0x12620]  }
0x3cf: {  	v34 =	vld [tilespmem:$0x12720]  }
0x3d0: {  	v39 =	vld [tilespmem:$0x12820]  }
0x3d1: {  	v46 =	vld [tilespmem:$0x12920]  }
0x3d2: {  	v54 =	vld [tilespmem:$0x12A20]  }
0x3d3: {  	v63 =	vld [tilespmem:$0x12B20]  }
0x3d4: {  	v4 =	vld [tilespmem:$0x12030]  }
0x3d5: {  	v5 =	vld [tilespmem:$0x12230]  }
0x3d6: {  	v6 =	vld [tilespmem:$0x12330]  }
0x3d7: {  	v9 =	vld [tilespmem:$0x12430]  }
0x3d8: {  	v11 =	vld [tilespmem:$0x12530]  }
0x3d9: {  	v13 =	vld [tilespmem:$0x12630]  }
0x3da: {  	v20 =	vld [tilespmem:$0x12730]  }
0x3db: {  	v24 =	vld [tilespmem:$0x12830]  }
0x3dc: {  	v29 =	vld [tilespmem:$0x12930]  }
0x3dd: {  	v37 =	vld [tilespmem:$0x12A30]  }
0x3de: {  	v42 =	vld [tilespmem:$0x12B30]  }
0x3df: {  	v51 =	vld [tilespmem:$0x12C30]  }
0x3e0: {  	v59 =	vld [tilespmem:$0x12D30]  }
0x3e1: {  	v60 =	vld [tilespmem:$0x12E30]  }
0x3e2: {  	v61 =	vld [tilespmem:$0x12F30]  }
0x3e3: {  	v62 =	vld [tilespmem:$0x12040]  }
0x3e4: {  	v21 =	vld [tilespmem:$0x12140]  }
0x3e5: {  	v25 =	vld [tilespmem:$0x12240]  }
0x3e6: {  	v28 =	vld [tilespmem:$0x12340]  }
0x3e7: {  	[tilespmem:$0x1FA60] =	vst v3;
	v3 =	vld [tilespmem:$0x12700]  }
0x3e8: {  	[tilespmem:$0x1FBC0] =	vst v62;
	v62 =	vld [tilespmem:$0x12550]  }
0x3e9: {  	v30 =	vld [tilespmem:$0x12440]  }
0x3ea: {  	v33 =	vld [tilespmem:$0x12540]  }
0x3eb: {  	v36 =	vld [tilespmem:$0x12640]  }
0x3ec: {  	[tilespmem:$0x1FA70] =	vst v3;
	v3 =	vld [tilespmem:$0x12800]  }
0x3ed: {  	[tilespmem:$0x1FC40] =	vst v62;
	v62 =	vld [tilespmem:$0x12860]  }
0x3ee: {  	v38 =	vld [tilespmem:$0x12740]  }
0x3ef: {  	v41 =	vld [tilespmem:$0x12840]  }
0x3f0: {  	v44 =	vld [tilespmem:$0x12940]  }
0x3f1: {  	[tilespmem:$0x1FA80] =	vst v3;
	v3 =	vld [tilespmem:$0x12900]  }
0x3f2: {  	[tilespmem:$0x1FCE0] =	vst v62;
	v62 =	vld [tilespmem:$0x12970]  }
0x3f3: {  	v45 =	vld [tilespmem:$0x12A40]  }
0x3f4: {  	v48 =	vld [tilespmem:$0x12B40]  }
0x3f5: {  	v50 =	vld [tilespmem:$0x12C40]  }
0x3f6: {  	[tilespmem:$0x1FA90] =	vst v3;
	v3 =	vld [tilespmem:$0x12A00]  }
0x3f7: {  	[tilespmem:$0x1FD30] =	vst v62;
	v62 =	vld [tilespmem:$0x12A70]  }
0x3f8: {  	v52 =	vld [tilespmem:$0x12D40]  }
0x3f9: {  	v53 =	vld [tilespmem:$0x12E40]  }
0x3fa: {  	v56 =	vld [tilespmem:$0x12F40]  }
0x3fb: {  	[tilespmem:$0x1FAB0] =	vst v3;
	v3 =	vld [tilespmem:$0x12B00]  }
0x3fc: {  	[tilespmem:$0x1FD70] =	vst v62;
	v62 =	vld [tilespmem:$0x12B70]  }
0x3fd: {  	v16 =	vld [tilespmem:$0x12070]  }
0x3fe: {  	v15 =	vld [tilespmem:$0x12170]  }
0x3ff: {  	[tilespmem:$0x1FD40] =	vst v48;
	v48 =	vld [tilespmem:$0x12050]  }
0x400: {  	[tilespmem:$0x1FAD0] =	vst v3;
	v3 =	vld [tilespmem:$0x12C00]  }
0x401: {  	[tilespmem:$0x1FDB0] =	vst v62;
	v62 =	vld [tilespmem:$0x12C70]  }
0x402: {  	[tilespmem:$0x1FD00] =	vst v45;
	v45 =	vld [tilespmem:$0x12150]  }
0x403: {  	[tilespmem:$0x1FDC0] =	vst v52;
	v52 =	vld [tilespmem:$0x12250]  }
0x404: {  	[tilespmem:$0x1FBE0] =	vst v61;
	v61 =	vld [tilespmem:$0x12350]  }
0x405: {  	[tilespmem:$0x1FAF0] =	vst v3;
	v3 =	vld [tilespmem:$0x12D00]  }
0x406: {  	[tilespmem:$0x1FDF0] =	vst v62;
	v62 =	vld [tilespmem:$0x12D70]  }
0x407: {  	[tilespmem:$0x1FBA0] =	vst v60;
	v60 =	vld [tilespmem:$0x12450]  }
0x408: {  	[tilespmem:$0x1FBD0] =	vst v21;
	v21 =	vld [tilespmem:$0x12650]  }
0x409: {  	[tilespmem:$0x1FBF0] =	vst v25;
	v25 =	vld [tilespmem:$0x12750]  }
0x40a: {  	[tilespmem:$0x1FB10] =	vst v3;
	v3 =	vld [tilespmem:$0x12E00]  }
0x40b: {  	[tilespmem:$0x1FE30] =	vst v62;
	v62 =	vld [tilespmem:$0x12E70]  }
0x40c: {  	[tilespmem:$0x1FC00] =	vst v28;
	v28 =	vld [tilespmem:$0x12850]  }
0x40d: {  	[tilespmem:$0x1FC10] =	vst v30;
	v30 =	vld [tilespmem:$0x12950]  }
0x40e: {  	[tilespmem:$0x1FC30] =	vst v33;
	v33 =	vld [tilespmem:$0x12A50]  }
0x40f: {  	[tilespmem:$0x1FB40] =	vst v3;
	v3 =	vld [tilespmem:$0x12F00]  }
0x410: {  	[tilespmem:$0x1FE70] =	vst v62;
	v62 =	vld [tilespmem:$0x12F70]  }
0x411: {  	[tilespmem:$0x1FC50] =	vst v36;
	v36 =	vld [tilespmem:$0x12B50]  }
0x412: {  	[tilespmem:$0x1FC70] =	vst v38;
	v38 =	vld [tilespmem:$0x12C50]  }
0x413: {  	[tilespmem:$0x1FCA0] =	vst v41;
	v41 =	vld [tilespmem:$0x12D50]  }
0x414: {  	[tilespmem:$0x1FB70] =	vst v3;
	v3 =	vld [tilespmem:$0x12910]  }
0x415: {  	[tilespmem:$0x1FEB0] =	vst v62;
	v62 =	vld [tilespmem:$0x12080]  }
0x416: {  	[tilespmem:$0x1FCD0] =	vst v44;
	v44 =	vld [tilespmem:$0x12E50]  }
0x417: {  	[tilespmem:$0x1FD80] =	vst v50;
	v50 =	vld [tilespmem:$0x12F50]  }
0x418: {  	[tilespmem:$0x1FE40] =	vst v56;
	v56 =	vld [tilespmem:$0x12560]  }
0x419: {  	[tilespmem:$0x1FAA0] =	vst v3;
	v3 =	vld [tilespmem:$0x12A10]  }
0x41a: {  	[tilespmem:$0x1FE90] =	vst v62;
	v62 =	vld [tilespmem:$0x12180]  }
0x41b: {  	[tilespmem:$0x1FE00] =	vst v53;
	v53 =	vld [tilespmem:$0x12660]  }
0x41c: {  	v31 =	vadd.f32 v31, v32;
	v32 =	vld [tilespmem:$0x12C80]  }
0x41d: {  	v7 =	vadd.f32 v7, v8;
	v8 =	vld [tilespmem:$0x12190]  }
0x41e: {  	[tilespmem:$0x1FAC0] =	vst v3;
	v3 =	vld [tilespmem:$0x12B10]  }
0x41f: {  	v14 =	vadd.f32 v14, v17;
	[tilespmem:$0x1FEA0] =	vst v62;
	v62 =	vld [tilespmem:$0x12280]  }
0x420: {  	v35 =	vadd.f32 v35, v31;
	v7 =	vadd.f32 v10, v7;
	v10 =	vld [tilespmem:$0x12090]  }
0x421: {  	v31 =	vadd.f32 v19, v14;
	v19 =	vld [tilespmem:$0x1FA60]  }
0x422: {  	v35 =	vadd.f32 v40, v35;
	v40 =	vld [tilespmem:$0x12F80]  }
0x423: {  	[tilespmem:$0x1FAE0] =	vst v3;
	v3 =	vld [tilespmem:$0x12C10]  }
0x424: {  	[tilespmem:$0x1FEC0] =	vst v62;
	v62 =	vld [tilespmem:$0x12380]  }
0x425: {  	v14 =	vadd.f32 v23, v31;
	v31 =	vld [tilespmem:$0x12590]  }
0x426: {  	[tilespmem:$0x1FCF0] =	vst v30;
	v30 =	vld [tilespmem:$0x12060]  }
0x427: {  	[tilespmem:$0x1FCC0] =	vst v28;
	v28 =	vld [tilespmem:$0x12160]  }
0x428: {  	[tilespmem:$0x1FB00] =	vst v3;
	v3 =	vld [tilespmem:$0x12D10]  }
0x429: {  	[tilespmem:$0x1FED0] =	vst v62;
	v62 =	vld [tilespmem:$0x12480]  }
0x42a: {  	[tilespmem:$0x1FD60] =	vst v36;
	v36 =	vld [tilespmem:$0x12260]  }
0x42b: {  	[tilespmem:$0x1FDE0] =	vst v41;
	v41 =	vld [tilespmem:$0x12360]  }
0x42c: {  	[tilespmem:$0x1FE60] =	vst v50;
	v50 =	vld [tilespmem:$0x12460]  }
0x42d: {  	[tilespmem:$0x1FB30] =	vst v3;
	v3 =	vld [tilespmem:$0x12E10]  }
0x42e: {  	[tilespmem:$0x1FEE0] =	vst v62;
	v62 =	vld [tilespmem:$0x12580]  }
0x42f: {  	[tilespmem:$0x1FC20] =	vst v60;
	v60 =	vld [tilespmem:$0x12760]  }
0x430: {  	[tilespmem:$0x1FC60] =	vst v21;
	v21 =	vld [tilespmem:$0x12960]  }
0x431: {  	[tilespmem:$0x1FC90] =	vst v25;
	v25 =	vld [tilespmem:$0x12A60]  }
0x432: {  	[tilespmem:$0x1FB60] =	vst v3;
	v3 =	vld [tilespmem:$0x12F10]  }
0x433: {  	[tilespmem:$0x1FEF0] =	vst v62;
	v62 =	vld [tilespmem:$0x12680]  }
0x434: {  	[tilespmem:$0x1FD20] =	vst v33;
	v33 =	vld [tilespmem:$0x12B60]  }
0x435: {  	[tilespmem:$0x1FDA0] =	vst v38;
	v38 =	vld [tilespmem:$0x12C60]  }
0x436: {  	[tilespmem:$0x1FE20] =	vst v44;
	v44 =	vld [tilespmem:$0x12D60]  }
0x437: {  	[tilespmem:$0x1FB90] =	vst v3;
	v3 =	vld [tilespmem:$0x12C20]  }
0x438: {  	[tilespmem:$0x1FF00] =	vst v62;
	v62 =	vld [tilespmem:$0x12780]  }
0x439: {  	[tilespmem:$0x1FC80] =	vst v53;
	v53 =	vld [tilespmem:$0x12E60]  }
0x43a: {  	[tilespmem:$0x1FF80] =	vst v32;
	v32 =	vld [tilespmem:$0x12E80]  }
0x43b: {  	v23 =	vld [tilespmem:$0x1FA70]  }
0x43c: {  	[tilespmem:$0x1FB20] =	vst v3;
	v3 =	vld [tilespmem:$0x12D20]  }
0x43d: {  	[tilespmem:$0x1FF10] =	vst v62;
	v62 =	vld [tilespmem:$0x12880]  }
0x43e: {  	v17 =	vadd.f32 v27, v14;
	v14 =	vld [tilespmem:$0x12F90]  }
0x43f: {  	v8 =	vadd.f32 v8, v10;
	v10 =	vld [tilespmem:$0x12AC0]  }
0x440: {  	[tilespmem:$0x1FCB0] =	vst v60;
	v60 =	vld [tilespmem:$0x12F60]  }
0x441: {  	[tilespmem:$0x1FB50] =	vst v3;
	v3 =	vld [tilespmem:$0x12E20]  }
0x442: {  	[tilespmem:$0x1FF20] =	vst v62;
	v62 =	vld [tilespmem:$0x12980]  }
0x443: {  	[tilespmem:$0x1FD10] =	vst v21;
	v21 =	vld [tilespmem:$0x12270]  }
0x444: {  	[tilespmem:$0x1FD50] =	vst v25;
	v25 =	vld [tilespmem:$0x12370]  }
0x445: {  	[tilespmem:$0x1FD90] =	vst v33;
	v33 =	vld [tilespmem:$0x12470]  }
0x446: {  	[tilespmem:$0x1FB80] =	vst v3;
	v3 =	vld [tilespmem:$0x12F20]  }
0x447: {  	[tilespmem:$0x1FF30] =	vst v62;
	v62 =	vld [tilespmem:$0x12A80]  }
0x448: {  	[tilespmem:$0x1FDD0] =	vst v38;
	v38 =	vld [tilespmem:$0x12570]  }
0x449: {  	[tilespmem:$0x1FE10] =	vst v44;
	v44 =	vld [tilespmem:$0x12670]  }
0x44a: {  	[tilespmem:$0x1FE50] =	vst v53;
	v53 =	vld [tilespmem:$0x12770]  }
0x44b: {  	[tilespmem:$0x1FBB0] =	vst v3;
	v3 =	vld [tilespmem:$0x12130]  }
0x44c: {  	[tilespmem:$0x1FF50] =	vst v62;
	v62 =	vld [tilespmem:$0x12B80]  }
0x44d: {  	[tilespmem:$0x1FFC0] =	vst v32;
	v32 =	vld [tilespmem:$0x12790]  }
0x44e: {  	v27 =	vld [tilespmem:$0x1FA80]  }
0x44f: {  	[tilespmem:$0x1FE80] =	vst v60;
	v60 =	vld [tilespmem:$0x12870]  }
0x450: {  	[tilespmem:$0x1FFE0] =	vst v40;
	v40 =	vld [tilespmem:$0x1FAA0]  }
0x451: {  	[tilespmem:$0x1FF60] =	vst v62;
	v62 =	vld [tilespmem:$0x12D80];
	v3 =	vadd.f32 v3, v4  }
0x452: {  	v4 =	vadd.f32 v49, v35;
	v35 =	vld [tilespmem:$0x1FA90]  }
0x453: {  	v49 =	vld [tilespmem:$0x12C90];
	v3 =	vadd.f32 v5, v3  }
0x454: {  	v4 =	vadd.f32 v55, v4;
	v55 =	vld [tilespmem:$0x1FAB0]  }
0x455: {  	v3 =	vadd.f32 v6, v3;
	v6 =	vld [tilespmem:$0x12390]  }
0x456: {  	v4 =	vadd.f32 v19, v4;
	v19 =	vld [tilespmem:$0x1FB00]  }
0x457: {  	[tilespmem:$0x1FFA0] =	vst v62;
	v62 =	vadd.f32 v12, v7;
	v7 =	vld [tilespmem:$0x12290]  }
0x458: {  	v12 =	vadd.f32 v43, v17;
	v43 =	vld [tilespmem:$0x12490]  }
0x459: {  	v17 =	vld [tilespmem:$0x1FAE0]  }
0x45a: {  	[tilespmem:$0x1FF90] =	vst v49;
	v49 =	vld [tilespmem:$0x1FBA0]  }
0x45b: {  	v4 =	vadd.f32 v23, v4;
	v23 =	vld [tilespmem:$0x12A90]  }
0x45c: {  	v3 =	vadd.f32 v9, v3;
	v5 =	vadd.f32 v18, v62;
	v62 =	vld [tilespmem:$0x1FAC0]  }
0x45d: {  	v18 =	vld [tilespmem:$0x1FAF0]  }
0x45e: {  	v3 =	vadd.f32 v11, v3;
	v11 =	vld [tilespmem:$0x120A0]  }
0x45f: {  	v4 =	vadd.f32 v27, v4;
	v27 =	vld [tilespmem:$0x1FB50]  }
0x460: {  	v5 =	vadd.f32 v22, v5;
	v22 =	vadd.f32 v47, v12;
	v47 =	vld [tilespmem:$0x12690]  }
0x461: {  	v12 =	vld [tilespmem:$0x12E90]  }
0x462: {  	v3 =	vadd.f32 v13, v3;
	v13 =	vld [tilespmem:$0x1FAD0]  }
0x463: {  	v4 =	vadd.f32 v35, v4;
	v35 =	vld [tilespmem:$0x122A0]  }
0x464: {  	v9 =	vadd.f32 v58, v22;
	v58 =	vld [tilespmem:$0x12890]  }
0x465: {  	v22 =	vld [tilespmem:$0x1FB20]  }
0x466: {  	v5 =	vadd.f32 v26, v5;
	v26 =	vld [tilespmem:$0x1FB40]  }
0x467: {  	v3 =	vadd.f32 v20, v3;
	v20 =	vld [tilespmem:$0x1FB10]  }
0x468: {  	v4 =	vadd.f32 v55, v4;
	v55 =	vld [tilespmem:$0x1FBD0]  }
0x469: {  	v5 =	vadd.f32 v34, v5;
	v34 =	vld [tilespmem:$0x12990]  }
0x46a: {  	v9 =	vadd.f32 v57, v9;
	v57 =	vld [tilespmem:$0x12D90]  }
0x46b: {  	[tilespmem:$0x1FFD0] =	vst v12;
	v12 =	vld [tilespmem:$0x121A0]  }
0x46c: {  	v3 =	vadd.f32 v24, v3;
	v24 =	vld [tilespmem:$0x1FB30]  }
0x46d: {  	v5 =	vadd.f32 v39, v5;
	v39 =	vld [tilespmem:$0x12B90]  }
0x46e: {  	v9 =	vadd.f32 v40, v9;
	v40 =	vld [tilespmem:$0x1FB80]  }
0x46f: {  	v4 =	vadd.f32 v13, v4;
	v13 =	vld [tilespmem:$0x12FA0]  }
0x470: {  	v3 =	vadd.f32 v29, v3;
	v29 =	vld [tilespmem:$0x1FB60]  }
0x471: {  	v5 =	vadd.f32 v46, v5;
	v46 =	vld [tilespmem:$0x1FB90]  }
0x472: {  	v4 =	vadd.f32 v18, v4;
	v18 =	vld [tilespmem:$0x1FC00]  }
0x473: {  	v9 =	vadd.f32 v62, v9;
	v62 =	vadd.f32 v28, v30;
	v28 =	vld [tilespmem:$0x1FC20]  }
0x474: {  	v30 =	vld [tilespmem:$0x1FC30]  }
0x475: {  	v3 =	vadd.f32 v37, v3;
	v37 =	vld [tilespmem:$0x123A0]  }
0x476: {  	[tilespmem:$0x1FF40] =	vst v34;
	v34 =	vld [tilespmem:$0x1FB70]  }
0x477: {  	[tilespmem:$0x1FFB0] =	vst v57;
	v57 =	vld [tilespmem:$0x1FBE0]  }
0x478: {  	v5 =	vadd.f32 v54, v5;
	v54 =	vld [tilespmem:$0x1FBC0]  }
0x479: {  	v9 =	vadd.f32 v17, v9;
	v17 =	vld [tilespmem:$0x12BA0]  }
0x47a: {  	v11 =	vadd.f32 v12, v11;
	v12 =	vld [tilespmem:$0x12BC0]  }
0x47b: {  	v4 =	vadd.f32 v20, v4;
	[tilespmem:$0x1FF70] =	vst v39;
	v39 =	vld [tilespmem:$0x124A0]  }
0x47c: {  	v3 =	vadd.f32 v42, v3;
	v42 =	vld [tilespmem:$0x126A0]  }
0x47d: {  	v4 =	vadd.f32 v26, v4;
	v26 =	vld [tilespmem:$0x125A0]  }
0x47e: {  	v5 =	vadd.f32 v63, v5;
	v63 =	vadd.f32 v15, v16;
	v16 =	vld [tilespmem:$0x12CA0]  }
0x47f: {  	v9 =	vadd.f32 v19, v9;
	v15 =	vld [tilespmem:$0x12EA0]  }
0x480: {  	v3 =	vadd.f32 v51, v3;
	v51 =	vld [tilespmem:$0x1FBB0]  }
0x481: {  	v9 =	vadd.f32 v24, v9;
	v24 =	vadd.f32 v34, v4;
	v34 =	vld [tilespmem:$0x128A0]  }
0x482: {  	v5 =	vadd.f32 v22, v5;
	v22 =	vld [tilespmem:$0x12AA0]  }
0x483: {  	v3 =	vadd.f32 v59, v3;
	v59 =	vld [tilespmem:$0x1FBF0]  }
0x484: {  	v5 =	vadd.f32 v27, v5;
	v27 =	vld [tilespmem:$0x127A0]  }
0x485: {  	v9 =	vadd.f32 v29, v9;
	v3 =	vadd.f32 v49, v3;
	v49 =	vld [tilespmem:$0x1FC90]  }
0x486: {  	v4 =	vadd.f32 v40, v5;
	v40 =	vld [tilespmem:$0x129A0]  }
0x487: {  	v19 =	vadd.f32 v46, v9;
	v9 =	vadd.f32 v21, v63;
	v21 =	vld [tilespmem:$0x1FC10]  }
0x488: {  	v5 =	vadd.f32 v36, v62;
	v36 =	vld [tilespmem:$0x1FC40]  }
0x489: {  	v46 =	vld [tilespmem:$0x1FC70]  }
0x48a: {  	v62 =	vld [tilespmem:$0x1FD50]  }
0x48b: {  	v63 =	vld [tilespmem:$0x1FD60]  }
0x48c: {  	v20 =	vadd.f32 v57, v3;
	v3 =	vadd.f32 v45, v48;
	v45 =	vld [tilespmem:$0x1FC60]  }
0x48d: {  	v48 =	vld [tilespmem:$0x1FC80]  }
0x48e: {  	v57 =	vld [tilespmem:$0x1FD10]  }
0x48f: {  	v9 =	vadd.f32 v25, v9;
	v25 =	vld [tilespmem:$0x121B0]  }
0x490: {  	v5 =	vadd.f32 v41, v5;
	v41 =	vld [tilespmem:$0x1FC50]  }
0x491: {  	v29 =	vadd.f32 v51, v4;
	v51 =	vld [tilespmem:$0x1FCB0]  }
0x492: {  	v4 =	vadd.f32 v55, v54;
	v54 =	vld [tilespmem:$0x1FCE0]  }
0x493: {  	v55 =	vld [tilespmem:$0x1FCF0]  }
0x494: {  	v3 =	vadd.f32 v52, v3;
	v52 =	vld [tilespmem:$0x1FCC0]  }
0x495: {  	v9 =	vadd.f32 v33, v9;
	v33 =	vld [tilespmem:$0x124B0]  }
0x496: {  	v5 =	vadd.f32 v50, v5;
	v50 =	vld [tilespmem:$0x1FCA0]  }
0x497: {  	v4 =	vadd.f32 v59, v4;
	v59 =	vld [tilespmem:$0x1FD20]  }
0x498: {  	v3 =	vadd.f32 v61, v3;
	v61 =	vld [tilespmem:$0x1FD40]  }
0x499: {  	v4 =	vadd.f32 v18, v4;
	v18 =	vld [tilespmem:$0x12DA0]  }
0x49a: {  	v9 =	vadd.f32 v38, v9;
	v38 =	vld [tilespmem:$0x126B0]  }
0x49b: {  	v5 =	vadd.f32 v56, v5;
	v56 =	vld [tilespmem:$0x1FD00]  }
0x49c: {  	v3 =	vadd.f32 v28, v3;
	v28 =	vld [tilespmem:$0x122B0]  }
0x49d: {  	v4 =	vadd.f32 v21, v4;
	v21 =	vld [tilespmem:$0x120B0]  }
0x49e: {  	v9 =	vadd.f32 v44, v9;
	v44 =	vld [tilespmem:$0x128B0]  }
0x49f: {  	v5 =	vadd.f32 v48, v5;
	v48 =	vld [tilespmem:$0x12BB0]  }
0x4a0: {  	v3 =	vadd.f32 v36, v3;
	v36 =	vld [tilespmem:$0x125B0]  }
0x4a1: {  	v4 =	vadd.f32 v30, v4;
	v30 =	vld [tilespmem:$0x123B0]  }
0x4a2: {  	v9 =	vadd.f32 v53, v9;
	v53 =	vld [tilespmem:$0x1FCD0]  }
0x4a3: {  	v5 =	vadd.f32 v51, v5;
	v51 =	vld [tilespmem:$0x1FD70]  }
0x4a4: {  	v3 =	vadd.f32 v45, v3;
	v45 =	vld [tilespmem:$0x129B0]  }
0x4a5: {  	v4 =	vadd.f32 v41, v4;
	v41 =	vld [tilespmem:$0x127B0]  }
0x4a6: {  	v9 =	vadd.f32 v60, v9;
	v60 =	vld [tilespmem:$0x1FD30]  }
0x4a7: {  	v5 =	vadd.f32 v54, v5;
	v54 =	vld [tilespmem:$0x1FDA0]  }
0x4a8: {  	v3 =	vadd.f32 v49, v3;
	v49 =	vld [tilespmem:$0x12CB0]  }
0x4a9: {  	v7 =	vadd.f32 v7, v8;
	v8 =	vadd.f32 v25, v21;
	v25 =	vld [tilespmem:$0x1FED0]  }
0x4aa: {  	v4 =	vadd.f32 v46, v4;
	v46 =	vld [tilespmem:$0x12AB0]  }
0x4ab: {  	v5 =	vadd.f32 v57, v5;
	v57 =	vld [tilespmem:$0x1FDD0]  }
0x4ac: {  	v3 =	vadd.f32 v52, v3;
	v52 =	vld [tilespmem:$0x1FD80]  }
0x4ad: {  	v6 =	vadd.f32 v6, v7;
	v7 =	vadd.f32 v28, v8;
	v8 =	vld [tilespmem:$0x12DC0]  }
0x4ae: {  	v4 =	vadd.f32 v50, v4;
	v50 =	vld [tilespmem:$0x12DB0]  }
0x4af: {  	v5 =	vadd.f32 v62, v5;
	v62 =	vld [tilespmem:$0x1FE10]  }
0x4b0: {  	v3 =	vadd.f32 v55, v3;
	v55 =	vld [tilespmem:$0x1FDB0]  }
0x4b1: {  	v9 =	vadd.f32 v60, v9;
	v60 =	vld [tilespmem:$0x1FDF0]  }
0x4b2: {  	v30 =	vadd.f32 v30, v7;
	v7 =	vld [tilespmem:$0x12FC0]  }
0x4b3: {  	v4 =	vadd.f32 v53, v4;
	v53 =	vld [tilespmem:$0x1FD90]  }
0x4b4: {  	v9 =	vadd.f32 v51, v9;
	v51 =	vld [tilespmem:$0x12EB0]  }
0x4b5: {  	v3 =	vadd.f32 v59, v3;
	v59 =	vld [tilespmem:$0x1FDE0]  }
0x4b6: {  	v30 =	vadd.f32 v33, v30;
	v33 =	vld [tilespmem:$0x122D0]  }
0x4b7: {  	v4 =	vadd.f32 v56, v4;
	v56 =	vld [tilespmem:$0x1FDC0]  }
0x4b8: {  	v3 =	vadd.f32 v63, v3;
	v63 =	vld [tilespmem:$0x1FE20]  }
0x4b9: {  	v30 =	vadd.f32 v36, v30;
	v36 =	vld [tilespmem:$0x126D0]  }
0x4ba: {  	v4 =	vadd.f32 v61, v4;
	v9 =	vadd.f32 v55, v9;
	v55 =	vld [tilespmem:$0x122C0]  }
0x4bb: {  	v61 =	vld [tilespmem:$0x1FE00]  }
0x4bc: {  	v5 =	vadd.f32 v53, v5;
	v53 =	vld [tilespmem:$0x120C0];
	v4 =	vadd.f32 v52, v4  }
0x4bd: {  	v3 =	vadd.f32 v54, v3;
	v54 =	vld [tilespmem:$0x121C0]  }
0x4be: {  	v30 =	vadd.f32 v38, v30;
	v38 =	vld [tilespmem:$0x129D0];
	v4 =	vadd.f32 v56, v4  }
0x4bf: {  	v3 =	vadd.f32 v59, v3;
	v59 =	vld [tilespmem:$0x1FE40]  }
0x4c0: {  	v4 =	vadd.f32 v61, v4;
	v61 =	vld [tilespmem:$0x1FE60]  }
0x4c1: {  	v52 =	vld [tilespmem:$0x12FB0]  }
0x4c2: {  	v9 =	vadd.f32 v60, v9;
	v60 =	vld [tilespmem:$0x1FE50];
	v5 =	vadd.f32 v57, v5  }
0x4c3: {  	v57 =	vld [tilespmem:$0x1FE30];
	v3 =	vadd.f32 v63, v3  }
0x4c4: {  	[tilespmem:$0x1FFF0] =	vst v14;
	v14 =	vadd.f32 v62, v5;
	v62 =	vld [tilespmem:$0x1FE80]  }
0x4c5: {  	v5 =	vadd.f32 v59, v4;
	v4 =	vadd.f32 v61, v3;
	v3 =	vld [tilespmem:$0x1FE70]  }
0x4c6: {  	v30 =	vadd.f32 v41, v30;
	v41 =	vld [tilespmem:$0x120E0]  }
0x4c7: {  	v56 =	vld [tilespmem:$0x123C0]  }
0x4c8: {  	v63 =	vld [tilespmem:$0x1FEC0];
	v14 =	vadd.f32 v60, v14;
	v9 =	vadd.f32 v57, v9  }
0x4c9: {  	v61 =	vld [tilespmem:$0x1FEA0]  }
0x4ca: {  	v3 =	vadd.f32 v3, v9;
	v9 =	vadd.f32 v62, v14;
	v14 =	vld [tilespmem:$0x1FE90]  }
0x4cb: {  	v30 =	vadd.f32 v44, v30;
	v44 =	vld [tilespmem:$0x1FF80]  }
0x4cc: {  	v62 =	vld [tilespmem:$0x1FEB0]  }
0x4cd: {  	v60 =	vld [tilespmem:$0x126C0]  }
0x4ce: {  	v57 =	vld [tilespmem:$0x124C0]  }
0x4cf: {  	v59 =	vld [tilespmem:$0x125C0];
	v14 =	vadd.f32 v61, v14  }
0x4d0: {  	v61 =	vld [tilespmem:$0x127C0]  }
0x4d1: {  	v3 =	vadd.f32 v62, v3;
	v62 =	vld [tilespmem:$0x128C0];
	v63 =	vadd.f32 v63, v14  }
0x4d2: {  	v14 =	vld [tilespmem:$0x129C0]  }
0x4d3: {  	v21 =	vadd.f32 v25, v63;
	v63 =	vadd.f32 v35, v11;
	v11 =	vld [tilespmem:$0x12CC0]  }
0x4d4: {  	v35 =	vld [tilespmem:$0x1FEE0]  }
0x4d5: {  	v25 =	vadd.f32 v37, v63;
	v63 =	vadd.f32 v43, v6;
	v6 =	vld [tilespmem:$0x12EC0]  }
0x4d6: {  	v37 =	vld [tilespmem:$0x1FF00]  }
0x4d7: {  	v43 =	vld [tilespmem:$0x1FF30]  }
0x4d8: {  	v28 =	vadd.f32 v31, v63;
	v31 =	vld [tilespmem:$0x120D0]  }
0x4d9: {  	v25 =	vadd.f32 v39, v25;
	v39 =	vld [tilespmem:$0x1FF10]  }
0x4da: {  	v63 =	vadd.f32 v45, v30;
	v30 =	vld [tilespmem:$0x12AD0]  }
0x4db: {  	v45 =	vld [tilespmem:$0x1FF90]  }
0x4dc: {  	v21 =	vadd.f32 v35, v21;
	v35 =	vld [tilespmem:$0x1FEF0]  }
0x4dd: {  	v25 =	vadd.f32 v26, v25;
	v26 =	vld [tilespmem:$0x121D0];
	v28 =	vadd.f32 v47, v28  }
0x4de: {  	v47 =	vld [tilespmem:$0x1FF40]  }
0x4df: {  	v28 =	vadd.f32 v32, v28;
	v32 =	vld [tilespmem:$0x124D0]  }
0x4e0: {  	v25 =	vadd.f32 v42, v25;
	v42 =	vld [tilespmem:$0x1FF20]  }
0x4e1: {  	v21 =	vadd.f32 v35, v21;
	v35 =	vld [tilespmem:$0x123D0]  }
0x4e2: {  	v25 =	vadd.f32 v27, v25;
	v27 =	vld [tilespmem:$0x125D0]  }
0x4e3: {  	v28 =	vadd.f32 v58, v28;
	v58 =	vld [tilespmem:$0x1FF50]  }
0x4e4: {  	v25 =	vadd.f32 v34, v25;
	v34 =	vld [tilespmem:$0x127D0]  }
0x4e5: {  	v21 =	vadd.f32 v37, v21;
	v37 =	vld [tilespmem:$0x128D0]  }
0x4e6: {  	v28 =	vadd.f32 v47, v28;
	v47 =	vld [tilespmem:$0x1FFB0]  }
0x4e7: {  	v21 =	vadd.f32 v39, v21;
	v39 =	vld [tilespmem:$0x12CD0]  }
0x4e8: {  	v25 =	vadd.f32 v40, v25;
	v40 =	vld [tilespmem:$0x12ED0]  }
0x4e9: {  	v23 =	vadd.f32 v23, v28;
	v28 =	vadd.f32 v46, v63;
	v46 =	vld [tilespmem:$0x1FFA0]  }
0x4ea: {  	v63 =	vld [tilespmem:$0x122E0];
	v21 =	vadd.f32 v42, v21  }
0x4eb: {  	v26 =	vadd.f32 v26, v31;
	v42 =	vld [tilespmem:$0x1FF60]  }
0x4ec: {  	v21 =	vadd.f32 v43, v21;
	v43 =	vld [tilespmem:$0x1FF70]  }
0x4ed: {  	v26 =	vadd.f32 v33, v26;
	v22 =	vadd.f32 v22, v25;
	v25 =	vld [tilespmem:$0x12BD0]  }
0x4ee: {  	v28 =	vadd.f32 v48, v28;
	v48 =	vld [tilespmem:$0x1FFC0];
	v21 =	vadd.f32 v58, v21  }
0x4ef: {  	v26 =	vadd.f32 v35, v26;
	v17 =	vadd.f32 v17, v22;
	v22 =	vld [tilespmem:$0x12DD0]  }
0x4f0: {  	v28 =	vadd.f32 v49, v28;
	v49 =	vld [tilespmem:$0x1FFD0];
	v21 =	vadd.f32 v42, v21  }
0x4f1: {  	v16 =	vadd.f32 v16, v17;
	v17 =	vld [tilespmem:$0x12FD0];
	v23 =	vadd.f32 v43, v23  }
0x4f2: {  	v28 =	vadd.f32 v50, v28;
	v50 =	vld [tilespmem:$0x1FFE0];
	v21 =	vadd.f32 v44, v21  }
0x4f3: {  	v16 =	vadd.f32 v18, v16;
	v18 =	vld [tilespmem:$0x121E0];
	v23 =	vadd.f32 v45, v23  }
0x4f4: {  	v26 =	vadd.f32 v32, v26;
	v42 =	vld [tilespmem:$0x120F0];
	v21 =	vadd.f32 v46, v21  }
0x4f5: {  	v15 =	vadd.f32 v15, v16;
	v16 =	vld [tilespmem:$0x121F0];
	v23 =	vadd.f32 v47, v23  }
0x4f6: {  	v58 =	vld [tilespmem:$0x1FFF0];
	v28 =	vadd.f32 v51, v28;
	v21 =	vadd.f32 v48, v21  }
0x4f7: {  	v48 =	vadd.f32 v54, v53;
	v23 =	vadd.f32 v49, v23;
	v49 =	vld [tilespmem:$0x122F0]  }
0x4f8: {  	v13 =	vadd.f32 v13, v15;
	v21 =	vadd.f32 v50, v21;
	v50 =	vld [tilespmem:$0x123E0]  }
0x4f9: {  	v51 =	vld [tilespmem:$0x123F0];
	v18 =	vadd.f32 v18, v41;
	v15 =	vadd.f32 v55, v48  }
0x4fa: {  	v28 =	vadd.f32 v52, v28;
	v52 =	vld [tilespmem:$0x124E0];
	v16 =	vadd.f32 v16, v42  }
0x4fb: {  	v53 =	vld [tilespmem:$0x124F0];
	v18 =	vadd.f32 v63, v18;
	v15 =	vadd.f32 v56, v15  }
0x4fc: {  	v26 =	vadd.f32 v27, v26;
	v54 =	vld [tilespmem:$0x125E0];
	v16 =	vadd.f32 v49, v16  }
0x4fd: {  	v55 =	vld [tilespmem:$0x125F0];
	v15 =	vadd.f32 v57, v15;
	v18 =	vadd.f32 v50, v18  }
0x4fe: {  	v26 =	vadd.f32 v36, v26;
	v56 =	vld [tilespmem:$0x126E0];
	v16 =	vadd.f32 v51, v16  }
0x4ff: {  	v57 =	vld [tilespmem:$0x126F0];
	v15 =	vadd.f32 v59, v15;
	v18 =	vadd.f32 v52, v18  }
0x500: {  	v23 =	vadd.f32 v58, v23;
	v58 =	vld [tilespmem:$0x127E0];
	v16 =	vadd.f32 v53, v16  }
0x501: {  	v59 =	vld [tilespmem:$0x127F0];
	v15 =	vadd.f32 v60, v15;
	v18 =	vadd.f32 v54, v18  }
0x502: {  	v26 =	vadd.f32 v34, v26;
	v60 =	vld [tilespmem:$0x128E0];
	v16 =	vadd.f32 v55, v16  }
0x503: {  	v15 =	vadd.f32 v61, v15;
	v61 =	vld [tilespmem:$0x128F0];
	v18 =	vadd.f32 v56, v18  }
0x504: {  	v63 =	vld [tilespmem:$0x129E0];
	v16 =	vadd.f32 v57, v16  }
0x505: {  	v36 =	vld [tilespmem:$0x129F0];
	v26 =	vadd.f32 v37, v26;
	v18 =	vadd.f32 v58, v18  }
0x506: {  	v41 =	vld [tilespmem:$0x12AE0];
	v15 =	vadd.f32 v62, v15;
	v16 =	vadd.f32 v59, v16  }
0x507: {  	v43 =	vld [tilespmem:$0x12AF0];
	v26 =	vadd.f32 v38, v26;
	v42 =	vadd.f32 v60, v18  }
0x508: {  	v44 =	vld [tilespmem:$0x12BE0];
	v14 =	vadd.f32 v14, v15;
	v16 =	vadd.f32 v61, v16  }
0x509: {  	[tilespmem:$0x13000] =	vst v24;
	v46 =	vld [tilespmem:$0x12BF0];
	v47 =	vadd.f32 v30, v26;
	v45 =	vadd.f32 v63, v42  }
0x50a: {  	[tilespmem:$0x13010] =	vst v19;
	v48 =	vld [tilespmem:$0x12CE0];
	v10 =	vadd.f32 v10, v14;
	v16 =	vadd.f32 v36, v16  }
0x50b: {  	[tilespmem:$0x13030] =	vst v20;
	v19 =	vadd.f32 v25, v47;
	v50 =	vld [tilespmem:$0x12CF0];
	v49 =	vadd.f32 v41, v45  }
0x50c: {  	[tilespmem:$0x13020] =	vst v29;
	v51 =	vld [tilespmem:$0x12DE0];
	v10 =	vadd.f32 v12, v10;
	v16 =	vadd.f32 v43, v16  }
0x50d: {  	[tilespmem:$0x13040] =	vst v5;
	v54 =	vld [tilespmem:$0x12DF0];
	v55 =	vadd.f32 v39, v19;
	v53 =	vadd.f32 v44, v49  }
0x50e: {  	[tilespmem:$0x13050] =	vst v4;
	v56 =	vld [tilespmem:$0x12EE0];
	v52 =	vadd.f32 v11, v10;
	v15 =	vadd.f32 v46, v16  }
0x50f: {  	[tilespmem:$0x13070] =	vst v3;
	v3 =	vadd.f32 v22, v55;
	v58 =	vld [tilespmem:$0x12EF0];
	v57 =	vadd.f32 v48, v53  }
0x510: {  	[tilespmem:$0x13060] =	vst v9;
	v59 =	vld [tilespmem:$0x12FE0];
	v5 =	vadd.f32 v8, v52;
	v60 =	vadd.f32 v50, v15  }
0x511: {  	[tilespmem:$0x130B0] =	vst v28;
	v62 =	vld [tilespmem:$0x12FF0];
	v3 =	vadd.f32 v40, v3;
	v61 =	vadd.f32 v51, v57  }
0x512: {  	[tilespmem:$0x130A0] =	vst v13;
	v5 =	vadd.f32 v6, v5;
	v10 =	vadd.f32 v54, v60  }
0x513: {  	[tilespmem:$0x13080] =	vst v21;
	v3 =	vadd.f32 v17, v3;
	v6 =	vadd.f32 v56, v61  }
0x514: {  	[tilespmem:$0x13090] =	vst v23;
	v5 =	vadd.f32 v7, v5;
	v63 =	vadd.f32 v58, v10  }
0x515: {  	[tilespmem:$0x130D0] =	vst v3;
	v4 =	vadd.f32 v59, v6  }
0x516: {  	s0 =	sadd.s32 $0x1, s0;
	[tilespmem:$0x130C0] =	vst v5;
	v3 =	vadd.f32 v62, v63  }
0x517: {  	p0 =	sne.s32 s0, s24;
	[tilespmem:$0x130E0] =	vst v4  }
.Ltmp3:
0x518: {  	s31 =	simm.s32 $0x13000;
	[tilespmem:$0x130F0] =	vst v3;
	(pc) =	sbr.rel @p0 .LBB2_1-.Ltmp3, $4  }
0x519: {  	[hbm4b:s23+s2] =	stream.linear.scatter [tilespmem:s31], [sflag:$0x3], $0x100, $0x38;
	[tilespmem:$0x13100] =	vst v63  }
0x51a: {  	_ =	swait.ge [sflag:s30], $0x100  }
0x51b: {  	[sflag:s30] =	ssyncset.done $0x0  }
0x51c: {  	[sflag:s30] =	ssyncadd.s32 $0xFFFFFF00  }
0x51d: {  	_ =	sfence.sel $0x180000  }
0x51e: {  	[bflag:$0x0] =	sbarrier.arrive $0xFFFF  }
0x51f: {  	_ =	strace $0x90000047  }
0x520: {  	s0 =	stileid.u32;
	[bflag:$0x2] =	sbarrier.arrive $0xFFFF  }
0x521: {  	p0 =	sne.s32 s0, $0x0;
	s0 =	rddreg [dreg:$0x3]  }
0x522: {  	s0 =	sadd.s32 @!p0 $0x100000, s0  }
0x523: {  	[sflag:s0] =	ssyncadd.tile.s32 @!p0 $0x1;
	_ =	shalt  }
.Lfunc_end2:
_tile_overlayer_lowered:
.L_overlay_start_2:
0x524: {  	(tag) =	ssettag $0x2  }
0x525: {  	s0 =	rddreg [dreg:$0x0];
	s2 =	stileid.u32  }
0x526: {  	s1 =	rddreg [dreg:$0x1];
	p0 =	sne.s32 s2, $0x0  }
0x527: {  	s3 =	rddreg [dreg:$0x2];
	[bflag:$0x3] =	sbarrier.arrive $0xFFFF;
	s2 =	simm.s32 @!p0 $0x1C03  }
0x528: {  	[timem:s3], [sflag:s2] =	dma.local @!p0 [hbm:s0], s1  }
0x529: {  	s0 =	simm.s32 @!p0 $0x3  }
0x52a: {  	_ =	swait.ge @!p0 [sflag:s0], s1  }
0x52b: {  	s1 =	ssub.s32 @!p0 $0x0, s1;
	[sflag:s0] =	ssyncset.done @!p0 $0x0  }
0x52c: {  	[sflag:s0] =	ssyncadd.s32 @!p0 s1  }
0x52d: {  	[bflag:$0x3] =	sbarrier.arrive $0xFFFF  }
0x52e: {  	_ =	shalt  }

</sc_bundles>
